<compile_context>
chip_gen: v7x
topology: tpu7x:2x2x1
jax: 0.10.2.dev20260603
libtpu: 0.0.44.dev20260713+nightly
codegen_flags: <defaults>
</compile_context>

<pallas_src>
import functools

import jax
import jax.numpy as jnp
from jax import lax
from jax.experimental import pallas as pl
from jax.experimental.pallas import tpu as pltpu
from jax.experimental.pallas import tpu_sc as plsc

E_ = 64
HID = 1024
FFN_ = 512
TOKS = 2048
K_ = 2
P_ = TOKS * K_
BLK = 128
NBLK = P_ // BLK + E_
NROWS = NBLK * BLK

NW = 32
CG = 64
NCH_G = P_ // NW // CG
CT = 32
NCH_C = TOKS // NW // CT


def _meta_body(idx_ref, w_ref, dest_ref, p0_ref, p1_ref, be_ref, nreal_ref,
               wb_ref):
    idx = idx_ref[...]
    iota_e = lax.broadcasted_iota(jnp.int32, (1, E_), 1)
    oh0 = (idx[:, 0:1] == iota_e).astype(jnp.int32)
    oh1 = (idx[:, 1:2] == iota_e).astype(jnp.int32)
    s = oh0 + oh1
    csum = s
    k = 1
    while k < TOKS:
        csum = csum + jnp.concatenate(
            [jnp.zeros((k, E_), jnp.int32), csum[:TOKS - k]], axis=0)
        k *= 2
    cexc = csum - s
    rank0 = jnp.sum(cexc * oh0, axis=1, keepdims=True)
    rank1 = (jnp.sum(cexc * oh1, axis=1, keepdims=True)
             + jnp.sum(oh0 * oh1, axis=1, keepdims=True))
    counts = csum[TOKS - 1:TOKS, :]
    nblk_e = (counts + BLK - 1) // BLK
    tri = (lax.broadcasted_iota(jnp.int32, (E_, E_), 0)
           <= lax.broadcasted_iota(jnp.int32, (E_, E_), 1)).astype(jnp.float32)
    blk_cum = jnp.dot(nblk_e.astype(jnp.float32), tri,
                      preferred_element_type=jnp.float32).astype(jnp.int32)
    blk_start = blk_cum - nblk_e
    sel0 = jnp.sum(blk_start * oh0, axis=1, keepdims=True)
    sel1 = jnp.sum(blk_start * oh1, axis=1, keepdims=True)
    d0 = sel0 * BLK + rank0
    d1 = sel1 * BLK + rank1
    dest_ref[...] = jnp.concatenate([d0, d1], axis=1)
    p0_ref[...] = d0
    p1_ref[...] = d1
    b_iota = lax.broadcasted_iota(jnp.int32, (NBLK, 1), 0)
    be = jnp.sum((blk_cum <= b_iota).astype(jnp.int32), axis=1, keepdims=True)
    be_ref[...] = jnp.minimum(be, E_ - 1)
    nreal_ref[...] = blk_cum[:, E_ - 1:E_]
    w = w_ref[...]
    wb_ref[...] = jnp.concatenate(
        [jnp.broadcast_to(w[:, 0:1], (TOKS, 16)),
         jnp.broadcast_to(w[:, 1:2], (TOKS, 16))], axis=1)


def _meta(top_k_index, top_k_weights):
    return pl.pallas_call(
        _meta_body,
        out_shape=[
            jax.ShapeDtypeStruct((TOKS, K_), jnp.int32),
            jax.ShapeDtypeStruct((TOKS, 1), jnp.int32),
            jax.ShapeDtypeStruct((TOKS, 1), jnp.int32),
            jax.ShapeDtypeStruct((NBLK, 1), jnp.int32),
            jax.ShapeDtypeStruct((1, 1), jnp.int32),
            jax.ShapeDtypeStruct((TOKS, 2 * 16), jnp.float32),
        ],
    )(top_k_index.astype(jnp.int32), top_k_weights)


def _sc_gather(hidden_states, tok, dest):
    mesh = plsc.VectorSubcoreMesh(core_axis_name="c", subcore_axis_name="s")

    @functools.partial(
        pl.kernel,
        out_type=jax.ShapeDtypeStruct((NROWS, HID), jnp.float32),
        mesh=mesh,
        scratch_types=[
            pltpu.VMEM((CG,), jnp.int32),
            pltpu.VMEM((CG,), jnp.int32),
            pltpu.VMEM((CG, HID), jnp.float32),
            pltpu.SemaphoreType.DMA,
        ],
    )
    def k(hid_hbm, tok_hbm, dest_hbm, xs_hbm, tok_v, dest_v, buf, sem):
        wid = lax.axis_index("s") * 2 + lax.axis_index("c")
        for c in range(NCH_G):
            base = (wid * NCH_G + c) * CG
            pltpu.sync_copy(tok_hbm.at[pl.ds(base, CG)], tok_v)
            pltpu.sync_copy(dest_hbm.at[pl.ds(base, CG)], dest_v)
            pltpu.async_copy(hid_hbm.at[tok_v], buf, sem).wait()
            pltpu.async_copy(buf, xs_hbm.at[dest_v], sem).wait()

    return k(hidden_states, tok, dest)


def _sc_combine(ys, p0, p1, wb):
    mesh = plsc.VectorSubcoreMesh(core_axis_name="c", subcore_axis_name="s")

    @functools.partial(
        pl.kernel,
        out_type=jax.ShapeDtypeStruct((TOKS, HID), jnp.float32),
        mesh=mesh,
        scratch_types=[
            pltpu.VMEM((CT,), jnp.int32),
            pltpu.VMEM((CT,), jnp.int32),
            pltpu.VMEM((CT, 2 * 16), jnp.float32),
            pltpu.VMEM((CT, HID), jnp.float32),
            pltpu.VMEM((CT, HID), jnp.float32),
            pltpu.SemaphoreType.DMA,
        ],
    )
    def k(ys_hbm, p0_hbm, p1_hbm, wb_hbm, out_hbm, i0, i1, wv, bufa, bufb,
          sem):
        wid = lax.axis_index("s") * 2 + lax.axis_index("c")
        for c in range(NCH_C):
            tb = (wid * NCH_C + c) * CT
            pltpu.sync_copy(p0_hbm.at[pl.ds(tb, CT)], i0)
            pltpu.sync_copy(p1_hbm.at[pl.ds(tb, CT)], i1)
            pltpu.sync_copy(wb_hbm.at[pl.ds(tb, CT)], wv)
            pltpu.async_copy(ys_hbm.at[i0], bufa, sem).wait()
            pltpu.async_copy(ys_hbm.at[i1], bufb, sem).wait()

            def add_row(i, carry):
                w0 = wv[i, pl.ds(0, 16)]
                w1 = wv[i, pl.ds(16, 16)]
                for j in range(HID // 16):
                    sl = pl.ds(16 * j, 16)
                    bufa[i, sl] = bufa[i, sl] * w0 + bufb[i, sl] * w1
                return carry

            lax.fori_loop(0, CT, add_row, 0)
            pltpu.sync_copy(bufa, out_hbm.at[pl.ds(tb, CT)])

    return k(ys, p0, p1, wb)


def _ffn_body(be_ref, nreal_ref, xs_ref, gu_ref, dn_ref, ys_ref):
    @pl.when(pl.program_id(0) < nreal_ref[0, 0])
    def _():
        x = xs_ref[...]
        w1 = gu_ref[0]
        gu = lax.dot_general(x, w1, (((1,), (1,)), ((), ())),
                             preferred_element_type=jnp.float32)
        gate = gu[:, :FFN_]
        up = gu[:, FFN_:]
        h = gate * jax.nn.sigmoid(gate) * up
        w2 = dn_ref[0]
        y = lax.dot_general(h, w2, (((1,), (1,)), ((), ())),
                            preferred_element_type=jnp.float32)
        ys_ref[...] = y


def _grouped_ffn(xs, gate_up_proj, down_proj, be, nreal):
    grid_spec = pltpu.PrefetchScalarGridSpec(
        num_scalar_prefetch=2,
        grid=(NBLK,),
        in_specs=[
            pl.BlockSpec((BLK, HID),
                         lambda b, be_r, nr: (jnp.where(b < nr[0, 0], b, 0), 0)),
            pl.BlockSpec((1, 2 * FFN_, HID),
                         lambda b, be_r, nr: (be_r[b, 0], 0, 0)),
            pl.BlockSpec((1, HID, FFN_),
                         lambda b, be_r, nr: (be_r[b, 0], 0, 0)),
        ],
        out_specs=pl.BlockSpec((BLK, HID), lambda b, be_r, nr: (b, 0)),
    )
    return pl.pallas_call(
        _ffn_body,
        grid_spec=grid_spec,
        out_shape=jax.ShapeDtypeStruct((NROWS, HID), jnp.float32),
    )(be, nreal, xs, gate_up_proj, down_proj)


def kernel(hidden_states, top_k_index, top_k_weights, gate_up_proj, down_proj):
    dest2, p0, p1, be, nreal, wb = _meta(top_k_index, top_k_weights)
    dest = dest2.reshape(P_)

    tok = jnp.arange(P_, dtype=jnp.int32) // K_
    xs = _sc_gather(hidden_states, tok, dest)

    ys = _grouped_ffn(xs, gate_up_proj, down_proj, be, nreal)

    return _sc_combine(ys, p0.reshape(TOKS), p1.reshape(TOKS), wb)

# --- scband reference (transcript-rebuilt; emitter-appended) ---
"""Pipeline reference for scband-fake-fused-experts-56014963474857 (READ-ONLY COPY).

The authoritative reference and input builder live on the scoring server;
editing this copy changes nothing except your own understanding.
"""

import jax, jax.numpy as jnp
import numpy as np

E = 64
HIDDEN = 1024
FFN = 512
TOKENS = 2048
TOP_K = 2


def setup_inputs(seed: int = 0) -> dict:
    key = jax.random.key(seed)
    k1, k2, k3, k4, k5 = jax.random.split(key, 5)
    hidden_states = jax.random.normal(k1, (TOKENS, HIDDEN), dtype=jnp.float32)
    top_k_index = jax.random.randint(k2, (TOKENS, TOP_K), 0, E)
    top_k_weights = jax.random.uniform(k3, (TOKENS, TOP_K), dtype=jnp.float32)
    gate_up_proj = jax.random.normal(k4, (E, 2 * FFN, HIDDEN), dtype=jnp.float32)
    down_proj = jax.random.normal(k5, (E, HIDDEN, FFN), dtype=jnp.float32)
    return {
        "hidden_states": hidden_states,
        "top_k_index": top_k_index,
        "top_k_weights": top_k_weights,
        "gate_up_proj": gate_up_proj,
        "down_proj": down_proj,
    }


def _silu(x):
    return x * jax.nn.sigmoid(x)


def reference(hidden_states, top_k_index, top_k_weights, gate_up_proj, down_proj):
    # Faithful to the torch loop: for each expert, gather routed tokens,
    # run SwiGLU FFN, scale by router weight, scatter-add back.
    # Implemented with static shapes: mask-weighted dense per-expert compute;
    # a token routed to expert e in slot k contributes out * top_k_weights[t, k],
    # and tokens not routed contribute weight 0 (identical math to index_add).
    num_experts = gate_up_proj.shape[0]
    final = jnp.zeros_like(hidden_states)
    for expert_idx in range(num_experts):
        mask = (top_k_index == expert_idx).astype(hidden_states.dtype)  # (T, K)
        combine_w = jnp.sum(mask * top_k_weights, axis=1)  # (T,)
        gu = hidden_states @ gate_up_proj[expert_idx].T  # (T, 2*FFN)
        gate, up = jnp.split(gu, 2, axis=-1)
        out = _silu(gate) * up
        out = out @ down_proj[expert_idx].T  # (T, HIDDEN)
        final = final + out * combine_w[:, None]
    return final

if __name__ == "__main__":
    import jax
    _d = setup_inputs()
    print(jax.jit(kernel)(*tuple(_d.values())))

</pallas_src>

<mosaic_0001>
#map = affine_map<(d0, d1) -> (0, 0)>
#map1 = affine_map<(d0, d1) -> (0)>
module attributes {stable_mosaic.version = 14 : i64} {
  func.func @k(%arg0: i32, %arg1: i32, %arg2: memref<12288x1024xf32, #tpu.memory_space<hbm>>, %arg3: memref<2048xi32, #tpu.memory_space<hbm>>, %arg4: memref<2048xi32, #tpu.memory_space<hbm>>, %arg5: memref<2048x32xf32, #tpu.memory_space<hbm>>, %arg6: memref<2048x1024xf32, #tpu.memory_space<hbm>>, %arg7: memref<32xi32, #tpu.memory_space<vmem>>, %arg8: memref<32xi32, #tpu.memory_space<vmem>>, %arg9: memref<32x32xf32, #tpu.memory_space<vmem>>, %arg10: memref<32x1024xf32, #tpu.memory_space<vmem>>, %arg11: memref<32x1024xf32, #tpu.memory_space<vmem>>, %arg12: memref<!tpu.dma_semaphore, #tpu.memory_space<semaphore_mem>>) attributes {dimension_semantics = [#tpu.dimension_semantics<core_parallel>, #tpu.dimension_semantics<subcore_parallel>], iteration_bounds = array<i64: 2, 16>, scalar_prefetch = 0 : i64, scratch_operands = 6 : i64, tpu.core_type = #tpu.core_type<sc_vector_subcore>, window_params = [{transform_indices = #map}, {transform_indices = #map1}, {transform_indices = #map1}, {transform_indices = #map}, {transform_indices = #map}]} {
    %mul3A = arith.constant 2 : i32
    %mul3A_0 = arith.muli %arg1, %mul3A : i32
    %add3A = arith.addi %mul3A_0, %arg0 : i32
    %mul3A_1 = arith.constant 2 : i32
    %mul3A_2 = arith.muli %add3A, %mul3A_1 : i32
    %add3A_3 = arith.constant 0 : i32
    %add3A_4 = arith.addi %mul3A_2, %add3A_3 : i32
    %mul3A_5 = arith.constant 32 : i32
    %mul3A_6 = arith.muli %add3A_4, %mul3A_5 : i32
    "tpu.region"() ({
      %run_scoped3A = tpu.sem_alloc : memref<!tpu.dma_semaphore, #tpu.memory_space<semaphore_mem>>
      %dma_start3A_46 = tpu.memref_slice %arg3[%mul3A_6] : memref<2048xi32, #tpu.memory_space<hbm>> -> memref<32xi32, #tpu.memory_space<hbm>>
      %dma_start3A_47 = tpu.memref_slice %arg3[%mul3A_6] : memref<2048xi32, #tpu.memory_space<hbm>> -> memref<32xi32, #tpu.memory_space<hbm>>
      tpu.enqueue_dma source(%dma_start3A_47 : memref<32xi32, #tpu.memory_space<hbm>>) target(%arg7 : memref<32xi32, #tpu.memory_space<vmem>>) target_semaphore(%run_scoped3A : memref<!tpu.dma_semaphore, #tpu.memory_space<semaphore_mem>>)
      %dma_wait3A_48 = tpu.memref_slice %arg3[%mul3A_6] : memref<2048xi32, #tpu.memory_space<hbm>> -> memref<32xi32, #tpu.memory_space<hbm>>
      %dma_wait3A_49 = tpu.memref_slice %arg3[%mul3A_6] : memref<2048xi32, #tpu.memory_space<hbm>> -> memref<32xi32, #tpu.memory_space<hbm>>
      tpu.wait_dma2 semaphore(%run_scoped3A : memref<!tpu.dma_semaphore, #tpu.memory_space<semaphore_mem>>) src(%dma_wait3A_49 : memref<32xi32, #tpu.memory_space<hbm>>) dst(%arg7 : memref<32xi32, #tpu.memory_space<vmem>>)
      tpu.yield
    }) : () -> ()
    "tpu.region"() ({
      %run_scoped3A = tpu.sem_alloc : memref<!tpu.dma_semaphore, #tpu.memory_space<semaphore_mem>>
      %dma_start3A_46 = tpu.memref_slice %arg4[%mul3A_6] : memref<2048xi32, #tpu.memory_space<hbm>> -> memref<32xi32, #tpu.memory_space<hbm>>
      %dma_start3A_47 = tpu.memref_slice %arg4[%mul3A_6] : memref<2048xi32, #tpu.memory_space<hbm>> -> memref<32xi32, #tpu.memory_space<hbm>>
      tpu.enqueue_dma source(%dma_start3A_47 : memref<32xi32, #tpu.memory_space<hbm>>) target(%arg8 : memref<32xi32, #tpu.memory_space<vmem>>) target_semaphore(%run_scoped3A : memref<!tpu.dma_semaphore, #tpu.memory_space<semaphore_mem>>)
      %dma_wait3A_48 = tpu.memref_slice %arg4[%mul3A_6] : memref<2048xi32, #tpu.memory_space<hbm>> -> memref<32xi32, #tpu.memory_space<hbm>>
      %dma_wait3A_49 = tpu.memref_slice %arg4[%mul3A_6] : memref<2048xi32, #tpu.memory_space<hbm>> -> memref<32xi32, #tpu.memory_space<hbm>>
      tpu.wait_dma2 semaphore(%run_scoped3A : memref<!tpu.dma_semaphore, #tpu.memory_space<semaphore_mem>>) src(%dma_wait3A_49 : memref<32xi32, #tpu.memory_space<hbm>>) dst(%arg8 : memref<32xi32, #tpu.memory_space<vmem>>)
      tpu.yield
    }) : () -> ()
    "tpu.region"() ({
      %run_scoped3A = tpu.sem_alloc : memref<!tpu.dma_semaphore, #tpu.memory_space<semaphore_mem>>
      %dma_start3A_46 = arith.constant 0 : i32
      %dma_start3A_47 = tpu.memref_slice %arg5[%mul3A_6, %dma_start3A_46] : memref<2048x32xf32, #tpu.memory_space<hbm>> -> memref<32x32xf32, #tpu.memory_space<hbm>>
      %dma_start3A_48 = arith.constant 0 : i32
      %dma_start3A_49 = tpu.memref_slice %arg5[%mul3A_6, %dma_start3A_48] : memref<2048x32xf32, #tpu.memory_space<hbm>> -> memref<32x32xf32, #tpu.memory_space<hbm>>
      tpu.enqueue_dma source(%dma_start3A_49 : memref<32x32xf32, #tpu.memory_space<hbm>>) target(%arg9 : memref<32x32xf32, #tpu.memory_space<vmem>>) target_semaphore(%run_scoped3A : memref<!tpu.dma_semaphore, #tpu.memory_space<semaphore_mem>>)
      %dma_wait3A_50 = arith.constant 0 : i32
      %dma_wait3A_51 = tpu.memref_slice %arg5[%mul3A_6, %dma_wait3A_50] : memref<2048x32xf32, #tpu.memory_space<hbm>> -> memref<32x32xf32, #tpu.memory_space<hbm>>
      %dma_wait3A_52 = arith.constant 0 : i32
      %dma_wait3A_53 = tpu.memref_slice %arg5[%mul3A_6, %dma_wait3A_52] : memref<2048x32xf32, #tpu.memory_space<hbm>> -> memref<32x32xf32, #tpu.memory_space<hbm>>
      tpu.wait_dma2 semaphore(%run_scoped3A : memref<!tpu.dma_semaphore, #tpu.memory_space<semaphore_mem>>) src(%dma_wait3A_53 : memref<32x32xf32, #tpu.memory_space<hbm>>) dst(%arg9 : memref<32x32xf32, #tpu.memory_space<vmem>>)
      tpu.yield
    }) : () -> ()
    %dma_start3A = arith.constant 0 : i32
    %dma_start3A_7 = arith.constant 0 : i32
    %dma_start3A_8 = tpu.memref_slice %arg2[%dma_start3A, %dma_start3A_7] : memref<12288x1024xf32, #tpu.memory_space<hbm>> -> memref<12288x1024xf32, #tpu.memory_space<hbm>>
    tpu.enqueue_indirect_dma source(%dma_start3A_8 : memref<12288x1024xf32, #tpu.memory_space<hbm>>) target(%arg10 : memref<32x1024xf32, #tpu.memory_space<vmem>>) offsets(%arg7 : memref<32xi32, #tpu.memory_space<vmem>>) semaphore(%arg12 : memref<!tpu.dma_semaphore, #tpu.memory_space<semaphore_mem>>)
    %dma_wait3A = arith.constant 0 : i32
    %dma_wait3A_9 = arith.constant 0 : i32
    %dma_wait3A_10 = tpu.memref_slice %arg2[%dma_wait3A, %dma_wait3A_9] : memref<12288x1024xf32, #tpu.memory_space<hbm>> -> memref<12288x1024xf32, #tpu.memory_space<hbm>>
    tpu.wait_indirect_dma semaphore(%arg12 : memref<!tpu.dma_semaphore, #tpu.memory_space<semaphore_mem>>) src(%dma_wait3A_10 : memref<12288x1024xf32, #tpu.memory_space<hbm>>) dst(%arg10 : memref<32x1024xf32, #tpu.memory_space<vmem>>)
    %dma_start3A_11 = arith.constant 0 : i32
    %dma_start3A_12 = arith.constant 0 : i32
    %dma_start3A_13 = tpu.memref_slice %arg2[%dma_start3A_11, %dma_start3A_12] : memref<12288x1024xf32, #tpu.memory_space<hbm>> -> memref<12288x1024xf32, #tpu.memory_space<hbm>>
    tpu.enqueue_indirect_dma source(%dma_start3A_13 : memref<12288x1024xf32, #tpu.memory_space<hbm>>) target(%arg11 : memref<32x1024xf32, #tpu.memory_space<vmem>>) offsets(%arg8 : memref<32xi32, #tpu.memory_space<vmem>>) semaphore(%arg12 : memref<!tpu.dma_semaphore, #tpu.memory_space<semaphore_mem>>)
    %dma_wait3A_14 = arith.constant 0 : i32
    %dma_wait3A_15 = arith.constant 0 : i32
    %dma_wait3A_16 = tpu.memref_slice %arg2[%dma_wait3A_14, %dma_wait3A_15] : memref<12288x1024xf32, #tpu.memory_space<hbm>> -> memref<12288x1024xf32, #tpu.memory_space<hbm>>
    tpu.wait_indirect_dma semaphore(%arg12 : memref<!tpu.dma_semaphore, #tpu.memory_space<semaphore_mem>>) src(%dma_wait3A_16 : memref<12288x1024xf32, #tpu.memory_space<hbm>>) dst(%arg11 : memref<32x1024xf32, #tpu.memory_space<vmem>>)
    %scan3A = arith.constant 0 : i32
    %scan3A_17 = arith.constant 0 : i32
    %scan3A_18 = arith.constant 32 : i32
    %scan3A_19 = arith.addi %scan3A_17, %scan3A_18 : i32
    %scan3A_20 = arith.constant 1 : i32
    scf.for %scan3A_46 = %scan3A_17 to %scan3A_19 step %scan3A_20  : i32 {
      %get3A = arith.index_cast %scan3A_46 : i32 to index
      %get3A_47 = arith.constant 0 : index
      %get3A_48 = tpu.vector_load %arg9[%get3A, %get3A_47] {strides = array<i32>} : memref<32x32xf32, #tpu.memory_space<vmem>>, vector<1x16xf32>,
      %get3A_49 = vector.shape_cast %get3A_48 : vector<1x16xf32> to vector<16xf32>
      %get3A_50 = arith.index_cast %scan3A_46 : i32 to index
      %get3A_51 = arith.constant 16 : index
      %get3A_52 = tpu.vector_load %arg9[%get3A_50, %get3A_51] {strides = array<i32>} : memref<32x32xf32, #tpu.memory_space<vmem>>, vector<1x16xf32>,
      %get3A_53 = vector.shape_cast %get3A_52 : vector<1x16xf32> to vector<16xf32>
      %get3A_54 = arith.index_cast %scan3A_46 : i32 to index
      %get3A_55 = arith.constant 0 : index
      %get3A_56 = tpu.vector_load %arg10[%get3A_54, %get3A_55] {strides = array<i32>} : memref<32x1024xf32, #tpu.memory_space<vmem>>, vector<1x16xf32>,
      %get3A_57 = vector.shape_cast %get3A_56 : vector<1x16xf32> to vector<16xf32>
      %mul3A_58 = arith.mulf %get3A_57, %get3A_49 : vector<16xf32>
      %get3A_59 = arith.index_cast %scan3A_46 : i32 to index
      %get3A_60 = arith.constant 0 : index
      %get3A_61 = tpu.vector_load %arg11[%get3A_59, %get3A_60] {strides = array<i32>} : memref<32x1024xf32, #tpu.memory_space<vmem>>, vector<1x16xf32>,
      %get3A_62 = vector.shape_cast %get3A_61 : vector<1x16xf32> to vector<16xf32>
      %mul3A_63 = arith.mulf %get3A_62, %get3A_53 : vector<16xf32>
      %add3A_64 = arith.addf %mul3A_58, %mul3A_63 : vector<16xf32>
      %swap3A = arith.index_cast %scan3A_46 : i32 to index
      %swap3A_65 = arith.constant 0 : index
      %swap3A_66 = tpu.vector_load %arg10[%swap3A, %swap3A_65] {strides = array<i32>} : memref<32x1024xf32, #tpu.memory_space<vmem>>, vector<1x16xf32>,
      %swap3A_67 = vector.shape_cast %swap3A_66 : vector<1x16xf32> to vector<16xf32>
      %swap3A_68 = vector.shape_cast %add3A_64 : vector<16xf32> to vector<1x16xf32>
      tpu.vector_store %arg10[%swap3A, %swap3A_65], %swap3A_68 {strides = array<i32>} : memref<32x1024xf32, #tpu.memory_space<vmem>>, vector<1x16xf32>,
      %get3A_69 = arith.index_cast %scan3A_46 : i32 to index
      %get3A_70 = arith.constant 16 : index
      %get3A_71 = tpu.vector_load %arg10[%get3A_69, %get3A_70] {strides = array<i32>} : memref<32x1024xf32, #tpu.memory_space<vmem>>, vector<1x16xf32>,
      %get3A_72 = vector.shape_cast %get3A_71 : vector<1x16xf32> to vector<16xf32>
      %mul3A_73 = arith.mulf %get3A_72, %get3A_49 : vector<16xf32>
      %get3A_74 = arith.index_cast %scan3A_46 : i32 to index
      %get3A_75 = arith.constant 16 : index
      %get3A_76 = tpu.vector_load %arg11[%get3A_74, %get3A_75] {strides = array<i32>} : memref<32x1024xf32, #tpu.memory_space<vmem>>, vector<1x16xf32>,
      %get3A_77 = vector.shape_cast %get3A_76 : vector<1x16xf32> to vector<16xf32>
      %mul3A_78 = arith.mulf %get3A_77, %get3A_53 : vector<16xf32>
      %add3A_79 = arith.addf %mul3A_73, %mul3A_78 : vector<16xf32>
      %swap3A_80 = arith.index_cast %scan3A_46 : i32 to index
      %swap3A_81 = arith.constant 16 : index
      %swap3A_82 = tpu.vector_load %arg10[%swap3A_80, %swap3A_81] {strides = array<i32>} : memref<32x1024xf32, #tpu.memory_space<vmem>>, vector<1x16xf32>,
      %swap3A_83 = vector.shape_cast %swap3A_82 : vector<1x16xf32> to vector<16xf32>
      %swap3A_84 = vector.shape_cast %add3A_79 : vector<16xf32> to vector<1x16xf32>
      tpu.vector_store %arg10[%swap3A_80, %swap3A_81], %swap3A_84 {strides = array<i32>} : memref<32x1024xf32, #tpu.memory_space<vmem>>, vector<1x16xf32>,
      %get3A_85 = arith.index_cast %scan3A_46 : i32 to index
      %get3A_86 = arith.constant 32 : index
      %get3A_87 = tpu.vector_load %arg10[%get3A_85, %get3A_86] {strides = array<i32>} : memref<32x1024xf32, #tpu.memory_space<vmem>>, vector<1x16xf32>,
      %get3A_88 = vector.shape_cast %get3A_87 : vector<1x16xf32> to vector<16xf32>
      %mul3A_89 = arith.mulf %get3A_88, %get3A_49 : vector<16xf32>
      %get3A_90 = arith.index_cast %scan3A_46 : i32 to index
      %get3A_91 = arith.constant 32 : index
      %get3A_92 = tpu.vector_load %arg11[%get3A_90, %get3A_91] {strides = array<i32>} : memref<32x1024xf32, #tpu.memory_space<vmem>>, vector<1x16xf32>,
      %get3A_93 = vector.shape_cast %get3A_92 : vector<1x16xf32> to vector<16xf32>
      %mul3A_94 = arith.mulf %get3A_93, %get3A_53 : vector<16xf32>
      %add3A_95 = arith.addf %mul3A_89, %mul3A_94 : vector<16xf32>
      %swap3A_96 = arith.index_cast %scan3A_46 : i32 to index
      %swap3A_97 = arith.constant 32 : index
      %swap3A_98 = tpu.vector_load %arg10[%swap3A_96, %swap3A_97] {strides = array<i32>} : memref<32x1024xf32, #tpu.memory_space<vmem>>, vector<1x16xf32>,
      %swap3A_99 = vector.shape_cast %swap3A_98 : vector<1x16xf32> to vector<16xf32>
      %swap3A_100 = vector.shape_cast %add3A_95 : vector<16xf32> to vector<1x16xf32>
      tpu.vector_store %arg10[%swap3A_96, %swap3A_97], %swap3A_100 {strides = array<i32>} : memref<32x1024xf32, #tpu.memory_space<vmem>>, vector<1x16xf32>,
      %get3A_101 = arith.index_cast %scan3A_46 : i32 to index
      %get3A_102 = arith.constant 48 : index
      %get3A_103 = tpu.vector_load %arg10[%get3A_101, %get3A_102] {strides = array<i32>} : memref<32x1024xf32, #tpu.memory_space<vmem>>, vector<1x16xf32>,
      %get3A_104 = vector.shape_cast %get3A_103 : vector<1x16xf32> to vector<16xf32>
      %mul3A_105 = arith.mulf %get3A_104, %get3A_49 : vector<16xf32>
      %get3A_106 = arith.index_cast %scan3A_46 : i32 to index
      %get3A_107 = arith.constant 48 : index
      %get3A_108 = tpu.vector_load %arg11[%get3A_106, %get3A_107] {strides = array<i32>} : memref<32x1024xf32, #tpu.memory_space<vmem>>, vector<1x16xf32>,
      %get3A_109 = vector.shape_cast %get3A_108 : vector<1x16xf32> to vector<16xf32>
      %mul3A_110 = arith.mulf %get3A_109, %get3A_53 : vector<16xf32>
      %add3A_111 = arith.addf %mul3A_105, %mul3A_110 : vector<16xf32>
      %swap3A_112 = arith.index_cast %scan3A_46 : i32 to index
      %swap3A_113 = arith.constant 48 : index
      %swap3A_114 = tpu.vector_load %arg10[%swap3A_112, %swap3A_113] {strides = array<i32>} : memref<32x1024xf32, #tpu.memory_space<vmem>>, vector<1x16xf32>,
      %swap3A_115 = vector.shape_cast %swap3A_114 : vector<1x16xf32> to vector<16xf32>
      %swap3A_116 = vector.shape_cast %add3A_111 : vector<16xf32> to vector<1x16xf32>
      tpu.vector_store %arg10[%swap3A_112, %swap3A_113], %swap3A_116 {strides = array<i32>} : memref<32x1024xf32, #tpu.memory_space<vmem>>, vector<1x16xf32>,
      %get3A_117 = arith.index_cast %scan3A_46 : i32 to index
      %get3A_118 = arith.constant 64 : index
      %get3A_119 = tpu.vector_load %arg10[%get3A_117, %get3A_118] {strides = array<i32>} : memref<32x1024xf32, #tpu.memory_space<vmem>>, vector<1x16xf32>,
      %get3A_120 = vector.shape_cast %get3A_119 : vector<1x16xf32> to vector<16xf32>
      %mul3A_121 = arith.mulf %get3A_120, %get3A_49 : vector<16xf32>
      %get3A_122 = arith.index_cast %scan3A_46 : i32 to index
      %get3A_123 = arith.constant 64 : index
      %get3A_124 = tpu.vector_load %arg11[%get3A_122, %get3A_123] {strides = array<i32>} : memref<32x1024xf32, #tpu.memory_space<vmem>>, vector<1x16xf32>,
      %get3A_125 = vector.shape_cast %get3A_124 : vector<1x16xf32> to vector<16xf32>
      %mul3A_126 = arith.mulf %get3A_125, %get3A_53 : vector<16xf32>
      %add3A_127 = arith.addf %mul3A_121, %mul3A_126 : vector<16xf32>
      %swap3A_128 = arith.index_cast %scan3A_46 : i32 to index
      %swap3A_129 = arith.constant 64 : index
      %swap3A_130 = tpu.vector_load %arg10[%swap3A_128, %swap3A_129] {strides = array<i32>} : memref<32x1024xf32, #tpu.memory_space<vmem>>, vector<1x16xf32>,
      %swap3A_131 = vector.shape_cast %swap3A_130 : vector<1x16xf32> to vector<16xf32>
      %swap3A_132 = vector.shape_cast %add3A_127 : vector<16xf32> to vector<1x16xf32>
      tpu.vector_store %arg10[%swap3A_128, %swap3A_129], %swap3A_132 {strides = array<i32>} : memref<32x1024xf32, #tpu.memory_space<vmem>>, vector<1x16xf32>,
      %get3A_133 = arith.index_cast %scan3A_46 : i32 to index
      %get3A_134 = arith.constant 80 : index
      %get3A_135 = tpu.vector_load %arg10[%get3A_133, %get3A_134] {strides = array<i32>} : memref<32x1024xf32, #tpu.memory_space<vmem>>, vector<1x16xf32>,
      %get3A_136 = vector.shape_cast %get3A_135 : vector<1x16xf32> to vector<16xf32>
      %mul3A_137 = arith.mulf %get3A_136, %get3A_49 : vector<16xf32>
      %get3A_138 = arith.index_cast %scan3A_46 : i32 to index
      %get3A_139 = arith.constant 80 : index
      %get3A_140 = tpu.vector_load %arg11[%get3A_138, %get3A_139] {strides = array<i32>} : memref<32x1024xf32, #tpu.memory_space<vmem>>, vector<1x16xf32>,
      %get3A_141 = vector.shape_cast %get3A_140 : vector<1x16xf32> to vector<16xf32>
      %mul3A_142 = arith.mulf %get3A_141, %get3A_53 : vector<16xf32>
      %add3A_143 = arith.addf %mul3A_137, %mul3A_142 : vector<16xf32>
      %swap3A_144 = arith.index_cast %scan3A_46 : i32 to index
      %swap3A_145 = arith.constant 80 : index
      %swap3A_146 = tpu.vector_load %arg10[%swap3A_144, %swap3A_145] {strides = array<i32>} : memref<32x1024xf32, #tpu.memory_space<vmem>>, vector<1x16xf32>,
      %swap3A_147 = vector.shape_cast %swap3A_146 : vector<1x16xf32> to vector<16xf32>
      %swap3A_148 = vector.shape_cast %add3A_143 : vector<16xf32> to vector<1x16xf32>
      tpu.vector_store %arg10[%swap3A_144, %swap3A_145], %swap3A_148 {strides = array<i32>} : memref<32x1024xf32, #tpu.memory_space<vmem>>, vector<1x16xf32>,
      %get3A_149 = arith.index_cast %scan3A_46 : i32 to index
      %get3A_150 = arith.constant 96 : index
      %get3A_151 = tpu.vector_load %arg10[%get3A_149, %get3A_150] {strides = array<i32>} : memref<32x1024xf32, #tpu.memory_space<vmem>>, vector<1x16xf32>,
      %get3A_152 = vector.shape_cast %get3A_151 : vector<1x16xf32> to vector<16xf32>
      %mul3A_153 = arith.mulf %get3A_152, %get3A_49 : vector<16xf32>
      %get3A_154 = arith.index_cast %scan3A_46 : i32 to index
      %get3A_155 = arith.constant 96 : index
      %get3A_156 = tpu.vector_load %arg11[%get3A_154, %get3A_155] {strides = array<i32>} : memref<32x1024xf32, #tpu.memory_space<vmem>>, vector<1x16xf32>,
      %get3A_157 = vector.shape_cast %get3A_156 : vector<1x16xf32> to vector<16xf32>
      %mul3A_158 = arith.mulf %get3A_157, %get3A_53 : vector<16xf32>
      %add3A_159 = arith.addf %mul3A_153, %mul3A_158 : vector<16xf32>
      %swap3A_160 = arith.index_cast %scan3A_46 : i32 to index
      %swap3A_161 = arith.constant 96 : index
      %swap3A_162 = tpu.vector_load %arg10[%swap3A_160, %swap3A_161] {strides = array<i32>} : memref<32x1024xf32, #tpu.memory_space<vmem>>, vector<1x16xf32>,
      %swap3A_163 = vector.shape_cast %swap3A_162 : vector<1x16xf32> to vector<16xf32>
      %swap3A_164 = vector.shape_cast %add3A_159 : vector<16xf32> to vector<1x16xf32>
      tpu.vector_store %arg10[%swap3A_160, %swap3A_161], %swap3A_164 {strides = array<i32>} : memref<32x1024xf32, #tpu.memory_space<vmem>>, vector<1x16xf32>,
      %get3A_165 = arith.index_cast %scan3A_46 : i32 to index
      %get3A_166 = arith.constant 112 : index
      %get3A_167 = tpu.vector_load %arg10[%get3A_165, %get3A_166] {strides = array<i32>} : memref<32x1024xf32, #tpu.memory_space<vmem>>, vector<1x16xf32>,
      %get3A_168 = vector.shape_cast %get3A_167 : vector<1x16xf32> to vector<16xf32>
      %mul3A_169 = arith.mulf %get3A_168, %get3A_49 : vector<16xf32>
      %get3A_170 = arith.index_cast %scan3A_46 : i32 to index
      %get3A_171 = arith.constant 112 : index
      %get3A_172 = tpu.vector_load %arg11[%get3A_170, %get3A_171] {strides = array<i32>} : memref<32x1024xf32, #tpu.memory_space<vmem>>, vector<1x16xf32>,
      %get3A_173 = vector.shape_cast %get3A_172 : vector<1x16xf32> to vector<16xf32>
      %mul3A_174 = arith.mulf %get3A_173, %get3A_53 : vector<16xf32>
      %add3A_175 = arith.addf %mul3A_169, %mul3A_174 : vector<16xf32>
      %swap3A_176 = arith.index_cast %scan3A_46 : i32 to index
      %swap3A_177 = arith.constant 112 : index
      %swap3A_178 = tpu.vector_load %arg10[%swap3A_176, %swap3A_177] {strides = array<i32>} : memref<32x1024xf32, #tpu.memory_space<vmem>>, vector<1x16xf32>,
      %swap3A_179 = vector.shape_cast %swap3A_178 : vector<1x16xf32> to vector<16xf32>
      %swap3A_180 = vector.shape_cast %add3A_175 : vector<16xf32> to vector<1x16xf32>
      tpu.vector_store %arg10[%swap3A_176, %swap3A_177], %swap3A_180 {strides = array<i32>} : memref<32x1024xf32, #tpu.memory_space<vmem>>, vector<1x16xf32>,
      %get3A_181 = arith.index_cast %scan3A_46 : i32 to index
      %get3A_182 = arith.constant 128 : index
      %get3A_183 = tpu.vector_load %arg10[%get3A_181, %get3A_182] {strides = array<i32>} : memref<32x1024xf32, #tpu.memory_space<vmem>>, vector<1x16xf32>,
      %get3A_184 = vector.shape_cast %get3A_183 : vector<1x16xf32> to vector<16xf32>
      %mul3A_185 = arith.mulf %get3A_184, %get3A_49 : vector<16xf32>
      %get3A_186 = arith.index_cast %scan3A_46 : i32 to index
      %get3A_187 = arith.constant 128 : index
      %get3A_188 = tpu.vector_load %arg11[%get3A_186, %get3A_187] {strides = array<i32>} : memref<32x1024xf32, #tpu.memory_space<vmem>>, vector<1x16xf32>,
      %get3A_189 = vector.shape_cast %get3A_188 : vector<1x16xf32> to vector<16xf32>
      %mul3A_190 = arith.mulf %get3A_189, %get3A_53 : vector<16xf32>
      %add3A_191 = arith.addf %mul3A_185, %mul3A_190 : vector<16xf32>
      %swap3A_192 = arith.index_cast %scan3A_46 : i32 to index
      %swap3A_193 = arith.constant 128 : index
      %swap3A_194 = tpu.vector_load %arg10[%swap3A_192, %swap3A_193] {strides = array<i32>} : memref<32x1024xf32, #tpu.memory_space<vmem>>, vector<1x16xf32>,
      %swap3A_195 = vector.shape_cast %swap3A_194 : vector<1x16xf32> to vector<16xf32>
      %swap3A_196 = vector.shape_cast %add3A_191 : vector<16xf32> to vector<1x16xf32>
      tpu.vector_store %arg10[%swap3A_192, %swap3A_193], %swap3A_196 {strides = array<i32>} : memref<32x1024xf32, #tpu.memory_space<vmem>>, vector<1x16xf32>,
      %get3A_197 = arith.index_cast %scan3A_46 : i32 to index
      %get3A_198 = arith.constant 144 : index
      %get3A_199 = tpu.vector_load %arg10[%get3A_197, %get3A_198] {strides = array<i32>} : memref<32x1024xf32, #tpu.memory_space<vmem>>, vector<1x16xf32>,
      %get3A_200 = vector.shape_cast %get3A_199 : vector<1x16xf32> to vector<16xf32>
      %mul3A_201 = arith.mulf %get3A_200, %get3A_49 : vector<16xf32>
      %get3A_202 = arith.index_cast %scan3A_46 : i32 to index
      %get3A_203 = arith.constant 144 : index
      %get3A_204 = tpu.vector_load %arg11[%get3A_202, %get3A_203] {strides = array<i32>} : memref<32x1024xf32, #tpu.memory_space<vmem>>, vector<1x16xf32>,
      %get3A_205 = vector.shape_cast %get3A_204 : vector<1x16xf32> to vector<16xf32>
      %mul3A_206 = arith.mulf %get3A_205, %get3A_53 : vector<16xf32>
      %add3A_207 = arith.addf %mul3A_201, %mul3A_206 : vector<16xf32>
      %swap3A_208 = arith.index_cast %scan3A_46 : i32 to index
      %swap3A_209 = arith.constant 144 : index
      %swap3A_210 = tpu.vector_load %arg10[%swap3A_208, %swap3A_209] {strides = array<i32>} : memref<32x1024xf32, #tpu.memory_space<vmem>>, vector<1x16xf32>,
      %swap3A_211 = vector.shape_cast %swap3A_210 : vector<1x16xf32> to vector<16xf32>
      %swap3A_212 = vector.shape_cast %add3A_207 : vector<16xf32> to vector<1x16xf32>
      tpu.vector_store %arg10[%swap3A_208, %swap3A_209], %swap3A_212 {strides = array<i32>} : memref<32x1024xf32, #tpu.memory_space<vmem>>, vector<1x16xf32>,
      %get3A_213 = arith.index_cast %scan3A_46 : i32 to index
      %get3A_214 = arith.constant 160 : index
      %get3A_215 = tpu.vector_load %arg10[%get3A_213, %get3A_214] {strides = array<i32>} : memref<32x1024xf32, #tpu.memory_space<vmem>>, vector<1x16xf32>,
      %get3A_216 = vector.shape_cast %get3A_215 : vector<1x16xf32> to vector<16xf32>
      %mul3A_217 = arith.mulf %get3A_216, %get3A_49 : vector<16xf32>
      %get3A_218 = arith.index_cast %scan3A_46 : i32 to index
      %get3A_219 = arith.constant 160 : index
      %get3A_220 = tpu.vector_load %arg11[%get3A_218, %get3A_219] {strides = array<i32>} : memref<32x1024xf32, #tpu.memory_space<vmem>>, vector<1x16xf32>,
      %get3A_221 = vector.shape_cast %get3A_220 : vector<1x16xf32> to vector<16xf32>
      %mul3A_222 = arith.mulf %get3A_221, %get3A_53 : vector<16xf32>
      %add3A_223 = arith.addf %mul3A_217, %mul3A_222 : vector<16xf32>
      %swap3A_224 = arith.index_cast %scan3A_46 : i32 to index
      %swap3A_225 = arith.constant 160 : index
      %swap3A_226 = tpu.vector_load %arg10[%swap3A_224, %swap3A_225] {strides = array<i32>} : memref<32x1024xf32, #tpu.memory_space<vmem>>, vector<1x16xf32>,
      %swap3A_227 = vector.shape_cast %swap3A_226 : vector<1x16xf32> to vector<16xf32>
      %swap3A_228 = vector.shape_cast %add3A_223 : vector<16xf32> to vector<1x16xf32>
      tpu.vector_store %arg10[%swap3A_224, %swap3A_225], %swap3A_228 {strides = array<i32>} : memref<32x1024xf32, #tpu.memory_space<vmem>>, vector<1x16xf32>,
      %get3A_229 = arith.index_cast %scan3A_46 : i32 to index
      %get3A_230 = arith.constant 176 : index
      %get3A_231 = tpu.vector_load %arg10[%get3A_229, %get3A_230] {strides = array<i32>} : memref<32x1024xf32, #tpu.memory_space<vmem>>, vector<1x16xf32>,
      %get3A_232 = vector.shape_cast %get3A_231 : vector<1x16xf32> to vector<16xf32>
      %mul3A_233 = arith.mulf %get3A_232, %get3A_49 : vector<16xf32>
      %get3A_234 = arith.index_cast %scan3A_46 : i32 to index
      %get3A_235 = arith.constant 176 : index
      %get3A_236 = tpu.vector_load %arg11[%get3A_234, %get3A_235] {strides = array<i32>} : memref<32x1024xf32, #tpu.memory_space<vmem>>, vector<1x16xf32>,
      %get3A_237 = vector.shape_cast %get3A_236 : vector<1x16xf32> to vector<16xf32>
      %mul3A_238 = arith.mulf %get3A_237, %get3A_53 : vector<16xf32>
      %add3A_239 = arith.addf %mul3A_233, %mul3A_238 : vector<16xf32>
      %swap3A_240 = arith.index_cast %scan3A_46 : i32 to index
      %swap3A_241 = arith.constant 176 : index
      %swap3A_242 = tpu.vector_load %arg10[%swap3A_240, %swap3A_241] {strides = array<i32>} : memref<32x1024xf32, #tpu.memory_space<vmem>>, vector<1x16xf32>,
      %swap3A_243 = vector.shape_cast %swap3A_242 : vector<1x16xf32> to vector<16xf32>
      %swap3A_244 = vector.shape_cast %add3A_239 : vector<16xf32> to vector<1x16xf32>
      tpu.vector_store %arg10[%swap3A_240, %swap3A_241], %swap3A_244 {strides = array<i32>} : memref<32x1024xf32, #tpu.memory_space<vmem>>, vector<1x16xf32>,
      %get3A_245 = arith.index_cast %scan3A_46 : i32 to index
      %get3A_246 = arith.constant 192 : index
      %get3A_247 = tpu.vector_load %arg10[%get3A_245, %get3A_246] {strides = array<i32>} : memref<32x1024xf32, #tpu.memory_space<vmem>>, vector<1x16xf32>,
      %get3A_248 = vector.shape_cast %get3A_247 : vector<1x16xf32> to vector<16xf32>
      %mul3A_249 = arith.mulf %get3A_248, %get3A_49 : vector<16xf32>
      %get3A_250 = arith.index_cast %scan3A_46 : i32 to index
      %get3A_251 = arith.constant 192 : index
      %get3A_252 = tpu.vector_load %arg11[%get3A_250, %get3A_251] {strides = array<i32>} : memref<32x1024xf32, #tpu.memory_space<vmem>>, vector<1x16xf32>,
      %get3A_253 = vector.shape_cast %get3A_252 : vector<1x16xf32> to vector<16xf32>
      %mul3A_254 = arith.mulf %get3A_253, %get3A_53 : vector<16xf32>
      %add3A_255 = arith.addf %mul3A_249, %mul3A_254 : vector<16xf32>
      %swap3A_256 = arith.index_cast %scan3A_46 : i32 to index
      %swap3A_257 = arith.constant 192 : index
      %swap3A_258 = tpu.vector_load %arg10[%swap3A_256, %swap3A_257] {strides = array<i32>} : memref<32x1024xf32, #tpu.memory_space<vmem>>, vector<1x16xf32>,
      %swap3A_259 = vector.shape_cast %swap3A_258 : vector<1x16xf32> to vector<16xf32>
      %swap3A_260 = vector.shape_cast %add3A_255 : vector<16xf32> to vector<1x16xf32>
      tpu.vector_store %arg10[%swap3A_256, %swap3A_257], %swap3A_260 {strides = array<i32>} : memref<32x1024xf32, #tpu.memory_space<vmem>>, vector<1x16xf32>,
      %get3A_261 = arith.index_cast %scan3A_46 : i32 to index
      %get3A_262 = arith.constant 208 : index
      %get3A_263 = tpu.vector_load %arg10[%get3A_261, %get3A_262] {strides = array<i32>} : memref<32x1024xf32, #tpu.memory_space<vmem>>, vector<1x16xf32>,
      %get3A_264 = vector.shape_cast %get3A_263 : vector<1x16xf32> to vector<16xf32>
      %mul3A_265 = arith.mulf %get3A_264, %get3A_49 : vector<16xf32>
      %get3A_266 = arith.index_cast %scan3A_46 : i32 to index
      %get3A_267 = arith.constant 208 : index
      %get3A_268 = tpu.vector_load %arg11[%get3A_266, %get3A_267] {strides = array<i32>} : memref<32x1024xf32, #tpu.memory_space<vmem>>, vector<1x16xf32>,
      %get3A_269 = vector.shape_cast %get3A_268 : vector<1x16xf32> to vector<16xf32>
      %mul3A_270 = arith.mulf %get3A_269, %get3A_53 : vector<16xf32>
      %add3A_271 = arith.addf %mul3A_265, %mul3A_270 : vector<16xf32>
      %swap3A_272 = arith.index_cast %scan3A_46 : i32 to index
      %swap3A_273 = arith.constant 208 : index
      %swap3A_274 = tpu.vector_load %arg10[%swap3A_272, %swap3A_273] {strides = array<i32>} : memref<32x1024xf32, #tpu.memory_space<vmem>>, vector<1x16xf32>,
      %swap3A_275 = vector.shape_cast %swap3A_274 : vector<1x16xf32> to vector<16xf32>
      %swap3A_276 = vector.shape_cast %add3A_271 : vector<16xf32> to vector<1x16xf32>
      tpu.vector_store %arg10[%swap3A_272, %swap3A_273], %swap3A_276 {strides = array<i32>} : memref<32x1024xf32, #tpu.memory_space<vmem>>, vector<1x16xf32>,
      %get3A_277 = arith.index_cast %scan3A_46 : i32 to index
      %get3A_278 = arith.constant 224 : index
      %get3A_279 = tpu.vector_load %arg10[%get3A_277, %get3A_278] {strides = array<i32>} : memref<32x1024xf32, #tpu.memory_space<vmem>>, vector<1x16xf32>,
      %get3A_280 = vector.shape_cast %get3A_279 : vector<1x16xf32> to vector<16xf32>
      %mul3A_281 = arith.mulf %get3A_280, %get3A_49 : vector<16xf32>
      %get3A_282 = arith.index_cast %scan3A_46 : i32 to index
      %get3A_283 = arith.constant 224 : index
      %get3A_284 = tpu.vector_load %arg11[%get3A_282, %get3A_283] {strides = array<i32>} : memref<32x1024xf32, #tpu.memory_space<vmem>>, vector<1x16xf32>,
      %get3A_285 = vector.shape_cast %get3A_284 : vector<1x16xf32> to vector<16xf32>
      %mul3A_286 = arith.mulf %get3A_285, %get3A_53 : vector<16xf32>
      %add3A_287 = arith.addf %mul3A_281, %mul3A_286 : vector<16xf32>
      %swap3A_288 = arith.index_cast %scan3A_46 : i32 to index
      %swap3A_289 = arith.constant 224 : index
      %swap3A_290 = tpu.vector_load %arg10[%swap3A_288, %swap3A_289] {strides = array<i32>} : memref<32x1024xf32, #tpu.memory_space<vmem>>, vector<1x16xf32>,
      %swap3A_291 = vector.shape_cast %swap3A_290 : vector<1x16xf32> to vector<16xf32>
      %swap3A_292 = vector.shape_cast %add3A_287 : vector<16xf32> to vector<1x16xf32>
      tpu.vector_store %arg10[%swap3A_288, %swap3A_289], %swap3A_292 {strides = array<i32>} : memref<32x1024xf32, #tpu.memory_space<vmem>>, vector<1x16xf32>,
      %get3A_293 = arith.index_cast %scan3A_46 : i32 to index
      %get3A_294 = arith.constant 240 : index
      %get3A_295 = tpu.vector_load %arg10[%get3A_293, %get3A_294] {strides = array<i32>} : memref<32x1024xf32, #tpu.memory_space<vmem>>, vector<1x16xf32>,
      %get3A_296 = vector.shape_cast %get3A_295 : vector<1x16xf32> to vector<16xf32>
      %mul3A_297 = arith.mulf %get3A_296, %get3A_49 : vector<16xf32>
      %get3A_298 = arith.index_cast %scan3A_46 : i32 to index
      %get3A_299 = arith.constant 240 : index
      %get3A_300 = tpu.vector_load %arg11[%get3A_298, %get3A_299] {strides = array<i32>} : memref<32x1024xf32, #tpu.memory_space<vmem>>, vector<1x16xf32>,
      %get3A_301 = vector.shape_cast %get3A_300 : vector<1x16xf32> to vector<16xf32>
      %mul3A_302 = arith.mulf %get3A_301, %get3A_53 : vector<16xf32>
      %add3A_303 = arith.addf %mul3A_297, %mul3A_302 : vector<16xf32>
      %swap3A_304 = arith.index_cast %scan3A_46 : i32 to index
      %swap3A_305 = arith.constant 240 : index
      %swap3A_306 = tpu.vector_load %arg10[%swap3A_304, %swap3A_305] {strides = array<i32>} : memref<32x1024xf32, #tpu.memory_space<vmem>>, vector<1x16xf32>,
      %swap3A_307 = vector.shape_cast %swap3A_306 : vector<1x16xf32> to vector<16xf32>
      %swap3A_308 = vector.shape_cast %add3A_303 : vector<16xf32> to vector<1x16xf32>
      tpu.vector_store %arg10[%swap3A_304, %swap3A_305], %swap3A_308 {strides = array<i32>} : memref<32x1024xf32, #tpu.memory_space<vmem>>, vector<1x16xf32>,
      %get3A_309 = arith.index_cast %scan3A_46 : i32 to index
      %get3A_310 = arith.constant 256 : index
      %get3A_311 = tpu.vector_load %arg10[%get3A_309, %get3A_310] {strides = array<i32>} : memref<32x1024xf32, #tpu.memory_space<vmem>>, vector<1x16xf32>,
      %get3A_312 = vector.shape_cast %get3A_311 : vector<1x16xf32> to vector<16xf32>
      %mul3A_313 = arith.mulf %get3A_312, %get3A_49 : vector<16xf32>
      %get3A_314 = arith.index_cast %scan3A_46 : i32 to index
      %get3A_315 = arith.constant 256 : index
      %get3A_316 = tpu.vector_load %arg11[%get3A_314, %get3A_315] {strides = array<i32>} : memref<32x1024xf32, #tpu.memory_space<vmem>>, vector<1x16xf32>,
      %get3A_317 = vector.shape_cast %get3A_316 : vector<1x16xf32> to vector<16xf32>
      %mul3A_318 = arith.mulf %get3A_317, %get3A_53 : vector<16xf32>
      %add3A_319 = arith.addf %mul3A_313, %mul3A_318 : vector<16xf32>
      %swap3A_320 = arith.index_cast %scan3A_46 : i32 to index
      %swap3A_321 = arith.constant 256 : index
      %swap3A_322 = tpu.vector_load %arg10[%swap3A_320, %swap3A_321] {strides = array<i32>} : memref<32x1024xf32, #tpu.memory_space<vmem>>, vector<1x16xf32>,
      %swap3A_323 = vector.shape_cast %swap3A_322 : vector<1x16xf32> to vector<16xf32>
      %swap3A_324 = vector.shape_cast %add3A_319 : vector<16xf32> to vector<1x16xf32>
      tpu.vector_store %arg10[%swap3A_320, %swap3A_321], %swap3A_324 {strides = array<i32>} : memref<32x1024xf32, #tpu.memory_space<vmem>>, vector<1x16xf32>,
      %get3A_325 = arith.index_cast %scan3A_46 : i32 to index
      %get3A_326 = arith.constant 272 : index
      %get3A_327 = tpu.vector_load %arg10[%get3A_325, %get3A_326] {strides = array<i32>} : memref<32x1024xf32, #tpu.memory_space<vmem>>, vector<1x16xf32>,
      %get3A_328 = vector.shape_cast %get3A_327 : vector<1x16xf32> to vector<16xf32>
      %mul3A_329 = arith.mulf %get3A_328, %get3A_49 : vector<16xf32>
      %get3A_330 = arith.index_cast %scan3A_46 : i32 to index
      %get3A_331 = arith.constant 272 : index
      %get3A_332 = tpu.vector_load %arg11[%get3A_330, %get3A_331] {strides = array<i32>} : memref<32x1024xf32, #tpu.memory_space<vmem>>, vector<1x16xf32>,
      %get3A_333 = vector.shape_cast %get3A_332 : vector<1x16xf32> to vector<16xf32>
      %mul3A_334 = arith.mulf %get3A_333, %get3A_53 : vector<16xf32>
      %add3A_335 = arith.addf %mul3A_329, %mul3A_334 : vector<16xf32>
      %swap3A_336 = arith.index_cast %scan3A_46 : i32 to index
      %swap3A_337 = arith.constant 272 : index
      %swap3A_338 = tpu.vector_load %arg10[%swap3A_336, %swap3A_337] {strides = array<i32>} : memref<32x1024xf32, #tpu.memory_space<vmem>>, vector<1x16xf32>,
      %swap3A_339 = vector.shape_cast %swap3A_338 : vector<1x16xf32> to vector<16xf32>
      %swap3A_340 = vector.shape_cast %add3A_335 : vector<16xf32> to vector<1x16xf32>
      tpu.vector_store %arg10[%swap3A_336, %swap3A_337], %swap3A_340 {strides = array<i32>} : memref<32x1024xf32, #tpu.memory_space<vmem>>, vector<1x16xf32>,
      %get3A_341 = arith.index_cast %scan3A_46 : i32 to index
      %get3A_342 = arith.constant 288 : index
      %get3A_343 = tpu.vector_load %arg10[%get3A_341, %get3A_342] {strides = array<i32>} : memref<32x1024xf32, #tpu.memory_space<vmem>>, vector<1x16xf32>,
      %get3A_344 = vector.shape_cast %get3A_343 : vector<1x16xf32> to vector<16xf32>
      %mul3A_345 = arith.mulf %get3A_344, %get3A_49 : vector<16xf32>
      %get3A_346 = arith.index_cast %scan3A_46 : i32 to index
      %get3A_347 = arith.constant 288 : index
      %get3A_348 = tpu.vector_load %arg11[%get3A_346, %get3A_347] {strides = array<i32>} : memref<32x1024xf32, #tpu.memory_space<vmem>>, vector<1x16xf32>,
      %get3A_349 = vector.shape_cast %get3A_348 : vector<1x16xf32> to vector<16xf32>
      %mul3A_350 = arith.mulf %get3A_349, %get3A_53 : vector<16xf32>
      %add3A_351 = arith.addf %mul3A_345, %mul3A_350 : vector<16xf32>
      %swap3A_352 = arith.index_cast %scan3A_46 : i32 to index
      %swap3A_353 = arith.constant 288 : index
      %swap3A_354 = tpu.vector_load %arg10[%swap3A_352, %swap3A_353] {strides = array<i32>} : memref<32x1024xf32, #tpu.memory_space<vmem>>, vector<1x16xf32>,
      %swap3A_355 = vector.shape_cast %swap3A_354 : vector<1x16xf32> to vector<16xf32>
      %swap3A_356 = vector.shape_cast %add3A_351 : vector<16xf32> to vector<1x16xf32>
      tpu.vector_store %arg10[%swap3A_352, %swap3A_353], %swap3A_356 {strides = array<i32>} : memref<32x1024xf32, #tpu.memory_space<vmem>>, vector<1x16xf32>,
      %get3A_357 = arith.index_cast %scan3A_46 : i32 to index
      %get3A_358 = arith.constant 304 : index
      %get3A_359 = tpu.vector_load %arg10[%get3A_357, %get3A_358] {strides = array<i32>} : memref<32x1024xf32, #tpu.memory_space<vmem>>, vector<1x16xf32>,
      %get3A_360 = vector.shape_cast %get3A_359 : vector<1x16xf32> to vector<16xf32>
      %mul3A_361 = arith.mulf %get3A_360, %get3A_49 : vector<16xf32>
      %get3A_362 = arith.index_cast %scan3A_46 : i32 to index
      %get3A_363 = arith.constant 304 : index
      %get3A_364 = tpu.vector_load %arg11[%get3A_362, %get3A_363] {strides = array<i32>} : memref<32x1024xf32, #tpu.memory_space<vmem>>, vector<1x16xf32>,
      %get3A_365 = vector.shape_cast %get3A_364 : vector<1x16xf32> to vector<16xf32>
      %mul3A_366 = arith.mulf %get3A_365, %get3A_53 : vector<16xf32>
      %add3A_367 = arith.addf %mul3A_361, %mul3A_366 : vector<16xf32>
      %swap3A_368 = arith.index_cast %scan3A_46 : i32 to index
      %swap3A_369 = arith.constant 304 : index
      %swap3A_370 = tpu.vector_load %arg10[%swap3A_368, %swap3A_369] {strides = array<i32>} : memref<32x1024xf32, #tpu.memory_space<vmem>>, vector<1x16xf32>,
      %swap3A_371 = vector.shape_cast %swap3A_370 : vector<1x16xf32> to vector<16xf32>
      %swap3A_372 = vector.shape_cast %add3A_367 : vector<16xf32> to vector<1x16xf32>
      tpu.vector_store %arg10[%swap3A_368, %swap3A_369], %swap3A_372 {strides = array<i32>} : memref<32x1024xf32, #tpu.memory_space<vmem>>, vector<1x16xf32>,
      %get3A_373 = arith.index_cast %scan3A_46 : i32 to index
      %get3A_374 = arith.constant 320 : index
      %get3A_375 = tpu.vector_load %arg10[%get3A_373, %get3A_374] {strides = array<i32>} : memref<32x1024xf32, #tpu.memory_space<vmem>>, vector<1x16xf32>,
      %get3A_376 = vector.shape_cast %get3A_375 : vector<1x16xf32> to vector<16xf32>
      %mul3A_377 = arith.mulf %get3A_376, %get3A_49 : vector<16xf32>
      %get3A_378 = arith.index_cast %scan3A_46 : i32 to index
      %get3A_379 = arith.constant 320 : index
      %get3A_380 = tpu.vector_load %arg11[%get3A_378, %get3A_379] {strides = array<i32>} : memref<32x1024xf32, #tpu.memory_space<vmem>>, vector<1x16xf32>,
      %get3A_381 = vector.shape_cast %get3A_380 : vector<1x16xf32> to vector<16xf32>
      %mul3A_382 = arith.mulf %get3A_381, %get3A_53 : vector<16xf32>
      %add3A_383 = arith.addf %mul3A_377, %mul3A_382 : vector<16xf32>
      %swap3A_384 = arith.index_cast %scan3A_46 : i32 to index
      %swap3A_385 = arith.constant 320 : index
      %swap3A_386 = tpu.vector_load %arg10[%swap3A_384, %swap3A_385] {strides = array<i32>} : memref<32x1024xf32, #tpu.memory_space<vmem>>, vector<1x16xf32>,
      %swap3A_387 = vector.shape_cast %swap3A_386 : vector<1x16xf32> to vector<16xf32>
      %swap3A_388 = vector.shape_cast %add3A_383 : vector<16xf32> to vector<1x16xf32>
      tpu.vector_store %arg10[%swap3A_384, %swap3A_385], %swap3A_388 {strides = array<i32>} : memref<32x1024xf32, #tpu.memory_space<vmem>>, vector<1x16xf32>,
      %get3A_389 = arith.index_cast %scan3A_46 : i32 to index
      %get3A_390 = arith.constant 336 : index
      %get3A_391 = tpu.vector_load %arg10[%get3A_389, %get3A_390] {strides = array<i32>} : memref<32x1024xf32, #tpu.memory_space<vmem>>, vector<1x16xf32>,
      %get3A_392 = vector.shape_cast %get3A_391 : vector<1x16xf32> to vector<16xf32>
      %mul3A_393 = arith.mulf %get3A_392, %get3A_49 : vector<16xf32>
      %get3A_394 = arith.index_cast %scan3A_46 : i32 to index
      %get3A_395 = arith.constant 336 : index
      %get3A_396 = tpu.vector_load %arg11[%get3A_394, %get3A_395] {strides = array<i32>} : memref<32x1024xf32, #tpu.memory_space<vmem>>, vector<1x16xf32>,
      %get3A_397 = vector.shape_cast %get3A_396 : vector<1x16xf32> to vector<16xf32>
      %mul3A_398 = arith.mulf %get3A_397, %get3A_53 : vector<16xf32>
      %add3A_399 = arith.addf %mul3A_393, %mul3A_398 : vector<16xf32>
      %swap3A_400 = arith.index_cast %scan3A_46 : i32 to index
      %swap3A_401 = arith.constant 336 : index
      %swap3A_402 = tpu.vector_load %arg10[%swap3A_400, %swap3A_401] {strides = array<i32>} : memref<32x1024xf32, #tpu.memory_space<vmem>>, vector<1x16xf32>,
      %swap3A_403 = vector.shape_cast %swap3A_402 : vector<1x16xf32> to vector<16xf32>
      %swap3A_404 = vector.shape_cast %add3A_399 : vector<16xf32> to vector<1x16xf32>
      tpu.vector_store %arg10[%swap3A_400, %swap3A_401], %swap3A_404 {strides = array<i32>} : memref<32x1024xf32, #tpu.memory_space<vmem>>, vector<1x16xf32>,
      %get3A_405 = arith.index_cast %scan3A_46 : i32 to index
      %get3A_406 = arith.constant 352 : index
      %get3A_407 = tpu.vector_load %arg10[%get3A_405, %get3A_406] {strides = array<i32>} : memref<32x1024xf32, #tpu.memory_space<vmem>>, vector<1x16xf32>,
      %get3A_408 = vector.shape_cast %get3A_407 : vector<1x16xf32> to vector<16xf32>
      %mul3A_409 = arith.mulf %get3A_408, %get3A_49 : vector<16xf32>
      %get3A_410 = arith.index_cast %scan3A_46 : i32 to index
      %get3A_411 = arith.constant 352 : index
      %get3A_412 = tpu.vector_load %arg11[%get3A_410, %get3A_411] {strides = array<i32>} : memref<32x1024xf32, #tpu.memory_space<vmem>>, vector<1x16xf32>,
      %get3A_413 = vector.shape_cast %get3A_412 : vector<1x16xf32> to vector<16xf32>
      %mul3A_414 = arith.mulf %get3A_413, %get3A_53 : vector<16xf32>
      %add3A_415 = arith.addf %mul3A_409, %mul3A_414 : vector<16xf32>
      %swap3A_416 = arith.index_cast %scan3A_46 : i32 to index
      %swap3A_417 = arith.constant 352 : index
      %swap3A_418 = tpu.vector_load %arg10[%swap3A_416, %swap3A_417] {strides = array<i32>} : memref<32x1024xf32, #tpu.memory_space<vmem>>, vector<1x16xf32>,
      %swap3A_419 = vector.shape_cast %swap3A_418 : vector<1x16xf32> to vector<16xf32>
      %swap3A_420 = vector.shape_cast %add3A_415 : vector<16xf32> to vector<1x16xf32>
      tpu.vector_store %arg10[%swap3A_416, %swap3A_417], %swap3A_420 {strides = array<i32>} : memref<32x1024xf32, #tpu.memory_space<vmem>>, vector<1x16xf32>,
      %get3A_421 = arith.index_cast %scan3A_46 : i32 to index
      %get3A_422 = arith.constant 368 : index
      %get3A_423 = tpu.vector_load %arg10[%get3A_421, %get3A_422] {strides = array<i32>} : memref<32x1024xf32, #tpu.memory_space<vmem>>, vector<1x16xf32>,
      %get3A_424 = vector.shape_cast %get3A_423 : vector<1x16xf32> to vector<16xf32>
      %mul3A_425 = arith.mulf %get3A_424, %get3A_49 : vector<16xf32>
      %get3A_426 = arith.index_cast %scan3A_46 : i32 to index
      %get3A_427 = arith.constant 368 : index
      %get3A_428 = tpu.vector_load %arg11[%get3A_426, %get3A_427] {strides = array<i32>} : memref<32x1024xf32, #tpu.memory_space<vmem>>, vector<1x16xf32>,
      %get3A_429 = vector.shape_cast %get3A_428 : vector<1x16xf32> to vector<16xf32>
      %mul3A_430 = arith.mulf %get3A_429, %get3A_53 : vector<16xf32>
      %add3A_431 = arith.addf %mul3A_425, %mul3A_430 : vector<16xf32>
      %swap3A_432 = arith.index_cast %scan3A_46 : i32 to index
      %swap3A_433 = arith.constant 368 : index
      %swap3A_434 = tpu.vector_load %arg10[%swap3A_432, %swap3A_433] {strides = array<i32>} : memref<32x1024xf32, #tpu.memory_space<vmem>>, vector<1x16xf32>,
      %swap3A_435 = vector.shape_cast %swap3A_434 : vector<1x16xf32> to vector<16xf32>
      %swap3A_436 = vector.shape_cast %add3A_431 : vector<16xf32> to vector<1x16xf32>
      tpu.vector_store %arg10[%swap3A_432, %swap3A_433], %swap3A_436 {strides = array<i32>} : memref<32x1024xf32, #tpu.memory_space<vmem>>, vector<1x16xf32>,
      %get3A_437 = arith.index_cast %scan3A_46 : i32 to index
      %get3A_438 = arith.constant 384 : index
      %get3A_439 = tpu.vector_load %arg10[%get3A_437, %get3A_438] {strides = array<i32>} : memref<32x1024xf32, #tpu.memory_space<vmem>>, vector<1x16xf32>,
      %get3A_440 = vector.shape_cast %get3A_439 : vector<1x16xf32> to vector<16xf32>
      %mul3A_441 = arith.mulf %get3A_440, %get3A_49 : vector<16xf32>
      %get3A_442 = arith.index_cast %scan3A_46 : i32 to index
      %get3A_443 = arith.constant 384 : index
      %get3A_444 = tpu.vector_load %arg11[%get3A_442, %get3A_443] {strides = array<i32>} : memref<32x1024xf32, #tpu.memory_space<vmem>>, vector<1x16xf32>,
      %get3A_445 = vector.shape_cast %get3A_444 : vector<1x16xf32> to vector<16xf32>
      %mul3A_446 = arith.mulf %get3A_445, %get3A_53 : vector<16xf32>
      %add3A_447 = arith.addf %mul3A_441, %mul3A_446 : vector<16xf32>
      %swap3A_448 = arith.index_cast %scan3A_46 : i32 to index
      %swap3A_449 = arith.constant 384 : index
      %swap3A_450 = tpu.vector_load %arg10[%swap3A_448, %swap3A_449] {strides = array<i32>} : memref<32x1024xf32, #tpu.memory_space<vmem>>, vector<1x16xf32>,
      %swap3A_451 = vector.shape_cast %swap3A_450 : vector<1x16xf32> to vector<16xf32>
      %swap3A_452 = vector.shape_cast %add3A_447 : vector<16xf32> to vector<1x16xf32>
      tpu.vector_store %arg10[%swap3A_448, %swap3A_449], %swap3A_452 {strides = array<i32>} : memref<32x1024xf32, #tpu.memory_space<vmem>>, vector<1x16xf32>,
      %get3A_453 = arith.index_cast %scan3A_46 : i32 to index
      %get3A_454 = arith.constant 400 : index
      %get3A_455 = tpu.vector_load %arg10[%get3A_453, %get3A_454] {strides = array<i32>} : memref<32x1024xf32, #tpu.memory_space<vmem>>, vector<1x16xf32>,
      %get3A_456 = vector.shape_cast %get3A_455 : vector<1x16xf32> to vector<16xf32>
      %mul3A_457 = arith.mulf %get3A_456, %get3A_49 : vector<16xf32>
      %get3A_458 = arith.index_cast %scan3A_46 : i32 to index
      %get3A_459 = arith.constant 400 : index
      %get3A_460 = tpu.vector_load %arg11[%get3A_458, %get3A_459] {strides = array<i32>} : memref<32x1024xf32, #tpu.memory_space<vmem>>, vector<1x16xf32>,
      %get3A_461 = vector.shape_cast %get3A_460 : vector<1x16xf32> to vector<16xf32>
      %mul3A_462 = arith.mulf %get3A_461, %get3A_53 : vector<16xf32>
      %add3A_463 = arith.addf %mul3A_457, %mul3A_462 : vector<16xf32>
      %swap3A_464 = arith.index_cast %scan3A_46 : i32 to index
      %swap3A_465 = arith.constant 400 : index
      %swap3A_466 = tpu.vector_load %arg10[%swap3A_464, %swap3A_465] {strides = array<i32>} : memref<32x1024xf32, #tpu.memory_space<vmem>>, vector<1x16xf32>,
      %swap3A_467 = vector.shape_cast %swap3A_466 : vector<1x16xf32> to vector<16xf32>
      %swap3A_468 = vector.shape_cast %add3A_463 : vector<16xf32> to vector<1x16xf32>
      tpu.vector_store %arg10[%swap3A_464, %swap3A_465], %swap3A_468 {strides = array<i32>} : memref<32x1024xf32, #tpu.memory_space<vmem>>, vector<1x16xf32>,
      %get3A_469 = arith.index_cast %scan3A_46 : i32 to index
      %get3A_470 = arith.constant 416 : index
      %get3A_471 = tpu.vector_load %arg10[%get3A_469, %get3A_470] {strides = array<i32>} : memref<32x1024xf32, #tpu.memory_space<vmem>>, vector<1x16xf32>,
      %get3A_472 = vector.shape_cast %get3A_471 : vector<1x16xf32> to vector<16xf32>
      %mul3A_473 = arith.mulf %get3A_472, %get3A_49 : vector<16xf32>
      %get3A_474 = arith.index_cast %scan3A_46 : i32 to index
      %get3A_475 = arith.constant 416 : index
      %get3A_476 = tpu.vector_load %arg11[%get3A_474, %get3A_475] {strides = array<i32>} : memref<32x1024xf32, #tpu.memory_space<vmem>>, vector<1x16xf32>,
      %get3A_477 = vector.shape_cast %get3A_476 : vector<1x16xf32> to vector<16xf32>
      %mul3A_478 = arith.mulf %get3A_477, %get3A_53 : vector<16xf32>
      %add3A_479 = arith.addf %mul3A_473, %mul3A_478 : vector<16xf32>
      %swap3A_480 = arith.index_cast %scan3A_46 : i32 to index
      %swap3A_481 = arith.constant 416 : index
      %swap3A_482 = tpu.vector_load %arg10[%swap3A_480, %swap3A_481] {strides = array<i32>} : memref<32x1024xf32, #tpu.memory_space<vmem>>, vector<1x16xf32>,
      %swap3A_483 = vector.shape_cast %swap3A_482 : vector<1x16xf32> to vector<16xf32>
      %swap3A_484 = vector.shape_cast %add3A_479 : vector<16xf32> to vector<1x16xf32>
      tpu.vector_store %arg10[%swap3A_480, %swap3A_481], %swap3A_484 {strides = array<i32>} : memref<32x1024xf32, #tpu.memory_space<vmem>>, vector<1x16xf32>,
      %get3A_485 = arith.index_cast %scan3A_46 : i32 to index
      %get3A_486 = arith.constant 432 : index
      %get3A_487 = tpu.vector_load %arg10[%get3A_485, %get3A_486] {strides = array<i32>} : memref<32x1024xf32, #tpu.memory_space<vmem>>, vector<1x16xf32>,
      %get3A_488 = vector.shape_cast %get3A_487 : vector<1x16xf32> to vector<16xf32>
      %mul3A_489 = arith.mulf %get3A_488, %get3A_49 : vector<16xf32>
      %get3A_490 = arith.index_cast %scan3A_46 : i32 to index
      %get3A_491 = arith.constant 432 : index
      %get3A_492 = tpu.vector_load %arg11[%get3A_490, %get3A_491] {strides = array<i32>} : memref<32x1024xf32, #tpu.memory_space<vmem>>, vector<1x16xf32>,
      %get3A_493 = vector.shape_cast %get3A_492 : vector<1x16xf32> to vector<16xf32>
      %mul3A_494 = arith.mulf %get3A_493, %get3A_53 : vector<16xf32>
      %add3A_495 = arith.addf %mul3A_489, %mul3A_494 : vector<16xf32>
      %swap3A_496 = arith.index_cast %scan3A_46 : i32 to index
      %swap3A_497 = arith.constant 432 : index
      %swap3A_498 = tpu.vector_load %arg10[%swap3A_496, %swap3A_497] {strides = array<i32>} : memref<32x1024xf32, #tpu.memory_space<vmem>>, vector<1x16xf32>,
      %swap3A_499 = vector.shape_cast %swap3A_498 : vector<1x16xf32> to vector<16xf32>
      %swap3A_500 = vector.shape_cast %add3A_495 : vector<16xf32> to vector<1x16xf32>
      tpu.vector_store %arg10[%swap3A_496, %swap3A_497], %swap3A_500 {strides = array<i32>} : memref<32x1024xf32, #tpu.memory_space<vmem>>, vector<1x16xf32>,
      %get3A_501 = arith.index_cast %scan3A_46 : i32 to index
      %get3A_502 = arith.constant 448 : index
      %get3A_503 = tpu.vector_load %arg10[%get3A_501, %get3A_502] {strides = array<i32>} : memref<32x1024xf32, #tpu.memory_space<vmem>>, vector<1x16xf32>,
      %get3A_504 = vector.shape_cast %get3A_503 : vector<1x16xf32> to vector<16xf32>
      %mul3A_505 = arith.mulf %get3A_504, %get3A_49 : vector<16xf32>
      %get3A_506 = arith.index_cast %scan3A_46 : i32 to index
      %get3A_507 = arith.constant 448 : index
      %get3A_508 = tpu.vector_load %arg11[%get3A_506, %get3A_507] {strides = array<i32>} : memref<32x1024xf32, #tpu.memory_space<vmem>>, vector<1x16xf32>,
      %get3A_509 = vector.shape_cast %get3A_508 : vector<1x16xf32> to vector<16xf32>
      %mul3A_510 = arith.mulf %get3A_509, %get3A_53 : vector<16xf32>
      %add3A_511 = arith.addf %mul3A_505, %mul3A_510 : vector<16xf32>
      %swap3A_512 = arith.index_cast %scan3A_46 : i32 to index
      %swap3A_513 = arith.constant 448 : index
      %swap3A_514 = tpu.vector_load %arg10[%swap3A_512, %swap3A_513] {strides = array<i32>} : memref<32x1024xf32, #tpu.memory_space<vmem>>, vector<1x16xf32>,
      %swap3A_515 = vector.shape_cast %swap3A_514 : vector<1x16xf32> to vector<16xf32>
      %swap3A_516 = vector.shape_cast %add3A_511 : vector<16xf32> to vector<1x16xf32>
      tpu.vector_store %arg10[%swap3A_512, %swap3A_513], %swap3A_516 {strides = array<i32>} : memref<32x1024xf32, #tpu.memory_space<vmem>>, vector<1x16xf32>,
      %get3A_517 = arith.index_cast %scan3A_46 : i32 to index
      %get3A_518 = arith.constant 464 : index
      %get3A_519 = tpu.vector_load %arg10[%get3A_517, %get3A_518] {strides = array<i32>} : memref<32x1024xf32, #tpu.memory_space<vmem>>, vector<1x16xf32>,
      %get3A_520 = vector.shape_cast %get3A_519 : vector<1x16xf32> to vector<16xf32>
      %mul3A_521 = arith.mulf %get3A_520, %get3A_49 : vector<16xf32>
      %get3A_522 = arith.index_cast %scan3A_46 : i32 to index
      %get3A_523 = arith.constant 464 : index
      %get3A_524 = tpu.vector_load %arg11[%get3A_522, %get3A_523] {strides = array<i32>} : memref<32x1024xf32, #tpu.memory_space<vmem>>, vector<1x16xf32>,
      %get3A_525 = vector.shape_cast %get3A_524 : vector<1x16xf32> to vector<16xf32>
      %mul3A_526 = arith.mulf %get3A_525, %get3A_53 : vector<16xf32>
      %add3A_527 = arith.addf %mul3A_521, %mul3A_526 : vector<16xf32>
      %swap3A_528 = arith.index_cast %scan3A_46 : i32 to index
      %swap3A_529 = arith.constant 464 : index
      %swap3A_530 = tpu.vector_load %arg10[%swap3A_528, %swap3A_529] {strides = array<i32>} : memref<32x1024xf32, #tpu.memory_space<vmem>>, vector<1x16xf32>,
      %swap3A_531 = vector.shape_cast %swap3A_530 : vector<1x16xf32> to vector<16xf32>
      %swap3A_532 = vector.shape_cast %add3A_527 : vector<16xf32> to vector<1x16xf32>
      tpu.vector_store %arg10[%swap3A_528, %swap3A_529], %swap3A_532 {strides = array<i32>} : memref<32x1024xf32, #tpu.memory_space<vmem>>, vector<1x16xf32>,
      %get3A_533 = arith.index_cast %scan3A_46 : i32 to index
      %get3A_534 = arith.constant 480 : index
      %get3A_535 = tpu.vector_load %arg10[%get3A_533, %get3A_534] {strides = array<i32>} : memref<32x1024xf32, #tpu.memory_space<vmem>>, vector<1x16xf32>,
      %get3A_536 = vector.shape_cast %get3A_535 : vector<1x16xf32> to vector<16xf32>
      %mul3A_537 = arith.mulf %get3A_536, %get3A_49 : vector<16xf32>
      %get3A_538 = arith.index_cast %scan3A_46 : i32 to index
      %get3A_539 = arith.constant 480 : index
      %get3A_540 = tpu.vector_load %arg11[%get3A_538, %get3A_539] {strides = array<i32>} : memref<32x1024xf32, #tpu.memory_space<vmem>>, vector<1x16xf32>,
      %get3A_541 = vector.shape_cast %get3A_540 : vector<1x16xf32> to vector<16xf32>
      %mul3A_542 = arith.mulf %get3A_541, %get3A_53 : vector<16xf32>
      %add3A_543 = arith.addf %mul3A_537, %mul3A_542 : vector<16xf32>
      %swap3A_544 = arith.index_cast %scan3A_46 : i32 to index
      %swap3A_545 = arith.constant 480 : index
      %swap3A_546 = tpu.vector_load %arg10[%swap3A_544, %swap3A_545] {strides = array<i32>} : memref<32x1024xf32, #tpu.memory_space<vmem>>, vector<1x16xf32>,
      %swap3A_547 = vector.shape_cast %swap3A_546 : vector<1x16xf32> to vector<16xf32>
      %swap3A_548 = vector.shape_cast %add3A_543 : vector<16xf32> to vector<1x16xf32>
      tpu.vector_store %arg10[%swap3A_544, %swap3A_545], %swap3A_548 {strides = array<i32>} : memref<32x1024xf32, #tpu.memory_space<vmem>>, vector<1x16xf32>,
      %get3A_549 = arith.index_cast %scan3A_46 : i32 to index
      %get3A_550 = arith.constant 496 : index
      %get3A_551 = tpu.vector_load %arg10[%get3A_549, %get3A_550] {strides = array<i32>} : memref<32x1024xf32, #tpu.memory_space<vmem>>, vector<1x16xf32>,
      %get3A_552 = vector.shape_cast %get3A_551 : vector<1x16xf32> to vector<16xf32>
      %mul3A_553 = arith.mulf %get3A_552, %get3A_49 : vector<16xf32>
      %get3A_554 = arith.index_cast %scan3A_46 : i32 to index
      %get3A_555 = arith.constant 496 : index
      %get3A_556 = tpu.vector_load %arg11[%get3A_554, %get3A_555] {strides = array<i32>} : memref<32x1024xf32, #tpu.memory_space<vmem>>, vector<1x16xf32>,
      %get3A_557 = vector.shape_cast %get3A_556 : vector<1x16xf32> to vector<16xf32>
      %mul3A_558 = arith.mulf %get3A_557, %get3A_53 : vector<16xf32>
      %add3A_559 = arith.addf %mul3A_553, %mul3A_558 : vector<16xf32>
      %swap3A_560 = arith.index_cast %scan3A_46 : i32 to index
      %swap3A_561 = arith.constant 496 : index
      %swap3A_562 = tpu.vector_load %arg10[%swap3A_560, %swap3A_561] {strides = array<i32>} : memref<32x1024xf32, #tpu.memory_space<vmem>>, vector<1x16xf32>,
      %swap3A_563 = vector.shape_cast %swap3A_562 : vector<1x16xf32> to vector<16xf32>
      %swap3A_564 = vector.shape_cast %add3A_559 : vector<16xf32> to vector<1x16xf32>
      tpu.vector_store %arg10[%swap3A_560, %swap3A_561], %swap3A_564 {strides = array<i32>} : memref<32x1024xf32, #tpu.memory_space<vmem>>, vector<1x16xf32>,
      %get3A_565 = arith.index_cast %scan3A_46 : i32 to index
      %get3A_566 = arith.constant 512 : index
      %get3A_567 = tpu.vector_load %arg10[%get3A_565, %get3A_566] {strides = array<i32>} : memref<32x1024xf32, #tpu.memory_space<vmem>>, vector<1x16xf32>,
      %get3A_568 = vector.shape_cast %get3A_567 : vector<1x16xf32> to vector<16xf32>
      %mul3A_569 = arith.mulf %get3A_568, %get3A_49 : vector<16xf32>
      %get3A_570 = arith.index_cast %scan3A_46 : i32 to index
      %get3A_571 = arith.constant 512 : index
      %get3A_572 = tpu.vector_load %arg11[%get3A_570, %get3A_571] {strides = array<i32>} : memref<32x1024xf32, #tpu.memory_space<vmem>>, vector<1x16xf32>,
      %get3A_573 = vector.shape_cast %get3A_572 : vector<1x16xf32> to vector<16xf32>
      %mul3A_574 = arith.mulf %get3A_573, %get3A_53 : vector<16xf32>
      %add3A_575 = arith.addf %mul3A_569, %mul3A_574 : vector<16xf32>
      %swap3A_576 = arith.index_cast %scan3A_46 : i32 to index
      %swap3A_577 = arith.constant 512 : index
      %swap3A_578 = tpu.vector_load %arg10[%swap3A_576, %swap3A_577] {strides = array<i32>} : memref<32x1024xf32, #tpu.memory_space<vmem>>, vector<1x16xf32>,
      %swap3A_579 = vector.shape_cast %swap3A_578 : vector<1x16xf32> to vector<16xf32>
      %swap3A_580 = vector.shape_cast %add3A_575 : vector<16xf32> to vector<1x16xf32>
      tpu.vector_store %arg10[%swap3A_576, %swap3A_577], %swap3A_580 {strides = array<i32>} : memref<32x1024xf32, #tpu.memory_space<vmem>>, vector<1x16xf32>,
      %get3A_581 = arith.index_cast %scan3A_46 : i32 to index
      %get3A_582 = arith.constant 528 : index
      %get3A_583 = tpu.vector_load %arg10[%get3A_581, %get3A_582] {strides = array<i32>} : memref<32x1024xf32, #tpu.memory_space<vmem>>, vector<1x16xf32>,
      %get3A_584 = vector.shape_cast %get3A_583 : vector<1x16xf32> to vector<16xf32>
      %mul3A_585 = arith.mulf %get3A_584, %get3A_49 : vector<16xf32>
      %get3A_586 = arith.index_cast %scan3A_46 : i32 to index
      %get3A_587 = arith.constant 528 : index
      %get3A_588 = tpu.vector_load %arg11[%get3A_586, %get3A_587] {strides = array<i32>} : memref<32x1024xf32, #tpu.memory_space<vmem>>, vector<1x16xf32>,
      %get3A_589 = vector.shape_cast %get3A_588 : vector<1x16xf32> to vector<16xf32>
      %mul3A_590 = arith.mulf %get3A_589, %get3A_53 : vector<16xf32>
      %add3A_591 = arith.addf %mul3A_585, %mul3A_590 : vector<16xf32>
      %swap3A_592 = arith.index_cast %scan3A_46 : i32 to index
      %swap3A_593 = arith.constant 528 : index
      %swap3A_594 = tpu.vector_load %arg10[%swap3A_592, %swap3A_593] {strides = array<i32>} : memref<32x1024xf32, #tpu.memory_space<vmem>>, vector<1x16xf32>,
      %swap3A_595 = vector.shape_cast %swap3A_594 : vector<1x16xf32> to vector<16xf32>
      %swap3A_596 = vector.shape_cast %add3A_591 : vector<16xf32> to vector<1x16xf32>
      tpu.vector_store %arg10[%swap3A_592, %swap3A_593], %swap3A_596 {strides = array<i32>} : memref<32x1024xf32, #tpu.memory_space<vmem>>, vector<1x16xf32>,
      %get3A_597 = arith.index_cast %scan3A_46 : i32 to index
      %get3A_598 = arith.constant 544 : index
      %get3A_599 = tpu.vector_load %arg10[%get3A_597, %get3A_598] {strides = array<i32>} : memref<32x1024xf32, #tpu.memory_space<vmem>>, vector<1x16xf32>,
      %get3A_600 = vector.shape_cast %get3A_599 : vector<1x16xf32> to vector<16xf32>
      %mul3A_601 = arith.mulf %get3A_600, %get3A_49 : vector<16xf32>
      %get3A_602 = arith.index_cast %scan3A_46 : i32 to index
      %get3A_603 = arith.constant 544 : index
      %get3A_604 = tpu.vector_load %arg11[%get3A_602, %get3A_603] {strides = array<i32>} : memref<32x1024xf32, #tpu.memory_space<vmem>>, vector<1x16xf32>,
      %get3A_605 = vector.shape_cast %get3A_604 : vector<1x16xf32> to vector<16xf32>
      %mul3A_606 = arith.mulf %get3A_605, %get3A_53 : vector<16xf32>
      %add3A_607 = arith.addf %mul3A_601, %mul3A_606 : vector<16xf32>
      %swap3A_608 = arith.index_cast %scan3A_46 : i32 to index
      %swap3A_609 = arith.constant 544 : index
      %swap3A_610 = tpu.vector_load %arg10[%swap3A_608, %swap3A_609] {strides = array<i32>} : memref<32x1024xf32, #tpu.memory_space<vmem>>, vector<1x16xf32>,
      %swap3A_611 = vector.shape_cast %swap3A_610 : vector<1x16xf32> to vector<16xf32>
      %swap3A_612 = vector.shape_cast %add3A_607 : vector<16xf32> to vector<1x16xf32>
      tpu.vector_store %arg10[%swap3A_608, %swap3A_609], %swap3A_612 {strides = array<i32>} : memref<32x1024xf32, #tpu.memory_space<vmem>>, vector<1x16xf32>,
      %get3A_613 = arith.index_cast %scan3A_46 : i32 to index
      %get3A_614 = arith.constant 560 : index
      %get3A_615 = tpu.vector_load %arg10[%get3A_613, %get3A_614] {strides = array<i32>} : memref<32x1024xf32, #tpu.memory_space<vmem>>, vector<1x16xf32>,
      %get3A_616 = vector.shape_cast %get3A_615 : vector<1x16xf32> to vector<16xf32>
      %mul3A_617 = arith.mulf %get3A_616, %get3A_49 : vector<16xf32>
      %get3A_618 = arith.index_cast %scan3A_46 : i32 to index
      %get3A_619 = arith.constant 560 : index
      %get3A_620 = tpu.vector_load %arg11[%get3A_618, %get3A_619] {strides = array<i32>} : memref<32x1024xf32, #tpu.memory_space<vmem>>, vector<1x16xf32>,
      %get3A_621 = vector.shape_cast %get3A_620 : vector<1x16xf32> to vector<16xf32>
      %mul3A_622 = arith.mulf %get3A_621, %get3A_53 : vector<16xf32>
      %add3A_623 = arith.addf %mul3A_617, %mul3A_622 : vector<16xf32>
      %swap3A_624 = arith.index_cast %scan3A_46 : i32 to index
      %swap3A_625 = arith.constant 560 : index
      %swap3A_626 = tpu.vector_load %arg10[%swap3A_624, %swap3A_625] {strides = array<i32>} : memref<32x1024xf32, #tpu.memory_space<vmem>>, vector<1x16xf32>,
      %swap3A_627 = vector.shape_cast %swap3A_626 : vector<1x16xf32> to vector<16xf32>
      %swap3A_628 = vector.shape_cast %add3A_623 : vector<16xf32> to vector<1x16xf32>
      tpu.vector_store %arg10[%swap3A_624, %swap3A_625], %swap3A_628 {strides = array<i32>} : memref<32x1024xf32, #tpu.memory_space<vmem>>, vector<1x16xf32>,
      %get3A_629 = arith.index_cast %scan3A_46 : i32 to index
      %get3A_630 = arith.constant 576 : index
      %get3A_631 = tpu.vector_load %arg10[%get3A_629, %get3A_630] {strides = array<i32>} : memref<32x1024xf32, #tpu.memory_space<vmem>>, vector<1x16xf32>,
      %get3A_632 = vector.shape_cast %get3A_631 : vector<1x16xf32> to vector<16xf32>
      %mul3A_633 = arith.mulf %get3A_632, %get3A_49 : vector<16xf32>
      %get3A_634 = arith.index_cast %scan3A_46 : i32 to index
      %get3A_635 = arith.constant 576 : index
      %get3A_636 = tpu.vector_load %arg11[%get3A_634, %get3A_635] {strides = array<i32>} : memref<32x1024xf32, #tpu.memory_space<vmem>>, vector<1x16xf32>,
      %get3A_637 = vector.shape_cast %get3A_636 : vector<1x16xf32> to vector<16xf32>
      %mul3A_638 = arith.mulf %get3A_637, %get3A_53 : vector<16xf32>
      %add3A_639 = arith.addf %mul3A_633, %mul3A_638 : vector<16xf32>
      %swap3A_640 = arith.index_cast %scan3A_46 : i32 to index
      %swap3A_641 = arith.constant 576 : index
      %swap3A_642 = tpu.vector_load %arg10[%swap3A_640, %swap3A_641] {strides = array<i32>} : memref<32x1024xf32, #tpu.memory_space<vmem>>, vector<1x16xf32>,
      %swap3A_643 = vector.shape_cast %swap3A_642 : vector<1x16xf32> to vector<16xf32>
      %swap3A_644 = vector.shape_cast %add3A_639 : vector<16xf32> to vector<1x16xf32>
      tpu.vector_store %arg10[%swap3A_640, %swap3A_641], %swap3A_644 {strides = array<i32>} : memref<32x1024xf32, #tpu.memory_space<vmem>>, vector<1x16xf32>,
      %get3A_645 = arith.index_cast %scan3A_46 : i32 to index
      %get3A_646 = arith.constant 592 : index
      %get3A_647 = tpu.vector_load %arg10[%get3A_645, %get3A_646] {strides = array<i32>} : memref<32x1024xf32, #tpu.memory_space<vmem>>, vector<1x16xf32>,
      %get3A_648 = vector.shape_cast %get3A_647 : vector<1x16xf32> to vector<16xf32>
      %mul3A_649 = arith.mulf %get3A_648, %get3A_49 : vector<16xf32>
      %get3A_650 = arith.index_cast %scan3A_46 : i32 to index
      %get3A_651 = arith.constant 592 : index
      %get3A_652 = tpu.vector_load %arg11[%get3A_650, %get3A_651] {strides = array<i32>} : memref<32x1024xf32, #tpu.memory_space<vmem>>, vector<1x16xf32>,
      %get3A_653 = vector.shape_cast %get3A_652 : vector<1x16xf32> to vector<16xf32>
      %mul3A_654 = arith.mulf %get3A_653, %get3A_53 : vector<16xf32>
      %add3A_655 = arith.addf %mul3A_649, %mul3A_654 : vector<16xf32>
      %swap3A_656 = arith.index_cast %scan3A_46 : i32 to index
      %swap3A_657 = arith.constant 592 : index
      %swap3A_658 = tpu.vector_load %arg10[%swap3A_656, %swap3A_657] {strides = array<i32>} : memref<32x1024xf32, #tpu.memory_space<vmem>>, vector<1x16xf32>,
      %swap3A_659 = vector.shape_cast %swap3A_658 : vector<1x16xf32> to vector<16xf32>
      %swap3A_660 = vector.shape_cast %add3A_655 : vector<16xf32> to vector<1x16xf32>
      tpu.vector_store %arg10[%swap3A_656, %swap3A_657], %swap3A_660 {strides = array<i32>} : memref<32x1024xf32, #tpu.memory_space<vmem>>, vector<1x16xf32>,
      %get3A_661 = arith.index_cast %scan3A_46 : i32 to index
      %get3A_662 = arith.constant 608 : index
      %get3A_663 = tpu.vector_load %arg10[%get3A_661, %get3A_662] {strides = array<i32>} : memref<32x1024xf32, #tpu.memory_space<vmem>>, vector<1x16xf32>,
      %get3A_664 = vector.shape_cast %get3A_663 : vector<1x16xf32> to vector<16xf32>
      %mul3A_665 = arith.mulf %get3A_664, %get3A_49 : vector<16xf32>
      %get3A_666 = arith.index_cast %scan3A_46 : i32 to index
      %get3A_667 = arith.constant 608 : index
      %get3A_668 = tpu.vector_load %arg11[%get3A_666, %get3A_667] {strides = array<i32>} : memref<32x1024xf32, #tpu.memory_space<vmem>>, vector<1x16xf32>,
      %get3A_669 = vector.shape_cast %get3A_668 : vector<1x16xf32> to vector<16xf32>
      %mul3A_670 = arith.mulf %get3A_669, %get3A_53 : vector<16xf32>
      %add3A_671 = arith.addf %mul3A_665, %mul3A_670 : vector<16xf32>
      %swap3A_672 = arith.index_cast %scan3A_46 : i32 to index
      %swap3A_673 = arith.constant 608 : index
      %swap3A_674 = tpu.vector_load %arg10[%swap3A_672, %swap3A_673] {strides = array<i32>} : memref<32x1024xf32, #tpu.memory_space<vmem>>, vector<1x16xf32>,
      %swap3A_675 = vector.shape_cast %swap3A_674 : vector<1x16xf32> to vector<16xf32>
      %swap3A_676 = vector.shape_cast %add3A_671 : vector<16xf32> to vector<1x16xf32>
      tpu.vector_store %arg10[%swap3A_672, %swap3A_673], %swap3A_676 {strides = array<i32>} : memref<32x1024xf32, #tpu.memory_space<vmem>>, vector<1x16xf32>,
      %get3A_677 = arith.index_cast %scan3A_46 : i32 to index
      %get3A_678 = arith.constant 624 : index
      %get3A_679 = tpu.vector_load %arg10[%get3A_677, %get3A_678] {strides = array<i32>} : memref<32x1024xf32, #tpu.memory_space<vmem>>, vector<1x16xf32>,
      %get3A_680 = vector.shape_cast %get3A_679 : vector<1x16xf32> to vector<16xf32>
      %mul3A_681 = arith.mulf %get3A_680, %get3A_49 : vector<16xf32>
      %get3A_682 = arith.index_cast %scan3A_46 : i32 to index
      %get3A_683 = arith.constant 624 : index
      %get3A_684 = tpu.vector_load %arg11[%get3A_682, %get3A_683] {strides = array<i32>} : memref<32x1024xf32, #tpu.memory_space<vmem>>, vector<1x16xf32>,
      %get3A_685 = vector.shape_cast %get3A_684 : vector<1x16xf32> to vector<16xf32>
      %mul3A_686 = arith.mulf %get3A_685, %get3A_53 : vector<16xf32>
      %add3A_687 = arith.addf %mul3A_681, %mul3A_686 : vector<16xf32>
      %swap3A_688 = arith.index_cast %scan3A_46 : i32 to index
      %swap3A_689 = arith.constant 624 : index
      %swap3A_690 = tpu.vector_load %arg10[%swap3A_688, %swap3A_689] {strides = array<i32>} : memref<32x1024xf32, #tpu.memory_space<vmem>>, vector<1x16xf32>,
      %swap3A_691 = vector.shape_cast %swap3A_690 : vector<1x16xf32> to vector<16xf32>
      %swap3A_692 = vector.shape_cast %add3A_687 : vector<16xf32> to vector<1x16xf32>
      tpu.vector_store %arg10[%swap3A_688, %swap3A_689], %swap3A_692 {strides = array<i32>} : memref<32x1024xf32, #tpu.memory_space<vmem>>, vector<1x16xf32>,
      %get3A_693 = arith.index_cast %scan3A_46 : i32 to index
      %get3A_694 = arith.constant 640 : index
      %get3A_695 = tpu.vector_load %arg10[%get3A_693, %get3A_694] {strides = array<i32>} : memref<32x1024xf32, #tpu.memory_space<vmem>>, vector<1x16xf32>,
      %get3A_696 = vector.shape_cast %get3A_695 : vector<1x16xf32> to vector<16xf32>
      %mul3A_697 = arith.mulf %get3A_696, %get3A_49 : vector<16xf32>
      %get3A_698 = arith.index_cast %scan3A_46 : i32 to index
      %get3A_699 = arith.constant 640 : index
      %get3A_700 = tpu.vector_load %arg11[%get3A_698, %get3A_699] {strides = array<i32>} : memref<32x1024xf32, #tpu.memory_space<vmem>>, vector<1x16xf32>,
      %get3A_701 = vector.shape_cast %get3A_700 : vector<1x16xf32> to vector<16xf32>
      %mul3A_702 = arith.mulf %get3A_701, %get3A_53 : vector<16xf32>
      %add3A_703 = arith.addf %mul3A_697, %mul3A_702 : vector<16xf32>
      %swap3A_704 = arith.index_cast %scan3A_46 : i32 to index
      %swap3A_705 = arith.constant 640 : index
      %swap3A_706 = tpu.vector_load %arg10[%swap3A_704, %swap3A_705] {strides = array<i32>} : memref<32x1024xf32, #tpu.memory_space<vmem>>, vector<1x16xf32>,
      %swap3A_707 = vector.shape_cast %swap3A_706 : vector<1x16xf32> to vector<16xf32>
      %swap3A_708 = vector.shape_cast %add3A_703 : vector<16xf32> to vector<1x16xf32>
      tpu.vector_store %arg10[%swap3A_704, %swap3A_705], %swap3A_708 {strides = array<i32>} : memref<32x1024xf32, #tpu.memory_space<vmem>>, vector<1x16xf32>,
      %get3A_709 = arith.index_cast %scan3A_46 : i32 to index
      %get3A_710 = arith.constant 656 : index
      %get3A_711 = tpu.vector_load %arg10[%get3A_709, %get3A_710] {strides = array<i32>} : memref<32x1024xf32, #tpu.memory_space<vmem>>, vector<1x16xf32>,
      %get3A_712 = vector.shape_cast %get3A_711 : vector<1x16xf32> to vector<16xf32>
      %mul3A_713 = arith.mulf %get3A_712, %get3A_49 : vector<16xf32>
      %get3A_714 = arith.index_cast %scan3A_46 : i32 to index
      %get3A_715 = arith.constant 656 : index
      %get3A_716 = tpu.vector_load %arg11[%get3A_714, %get3A_715] {strides = array<i32>} : memref<32x1024xf32, #tpu.memory_space<vmem>>, vector<1x16xf32>,
      %get3A_717 = vector.shape_cast %get3A_716 : vector<1x16xf32> to vector<16xf32>
      %mul3A_718 = arith.mulf %get3A_717, %get3A_53 : vector<16xf32>
      %add3A_719 = arith.addf %mul3A_713, %mul3A_718 : vector<16xf32>
      %swap3A_720 = arith.index_cast %scan3A_46 : i32 to index
      %swap3A_721 = arith.constant 656 : index
      %swap3A_722 = tpu.vector_load %arg10[%swap3A_720, %swap3A_721] {strides = array<i32>} : memref<32x1024xf32, #tpu.memory_space<vmem>>, vector<1x16xf32>,
      %swap3A_723 = vector.shape_cast %swap3A_722 : vector<1x16xf32> to vector<16xf32>
      %swap3A_724 = vector.shape_cast %add3A_719 : vector<16xf32> to vector<1x16xf32>
      tpu.vector_store %arg10[%swap3A_720, %swap3A_721], %swap3A_724 {strides = array<i32>} : memref<32x1024xf32, #tpu.memory_space<vmem>>, vector<1x16xf32>,
      %get3A_725 = arith.index_cast %scan3A_46 : i32 to index
      %get3A_726 = arith.constant 672 : index
      %get3A_727 = tpu.vector_load %arg10[%get3A_725, %get3A_726] {strides = array<i32>} : memref<32x1024xf32, #tpu.memory_space<vmem>>, vector<1x16xf32>,
      %get3A_728 = vector.shape_cast %get3A_727 : vector<1x16xf32> to vector<16xf32>
      %mul3A_729 = arith.mulf %get3A_728, %get3A_49 : vector<16xf32>
      %get3A_730 = arith.index_cast %scan3A_46 : i32 to index
      %get3A_731 = arith.constant 672 : index
      %get3A_732 = tpu.vector_load %arg11[%get3A_730, %get3A_731] {strides = array<i32>} : memref<32x1024xf32, #tpu.memory_space<vmem>>, vector<1x16xf32>,
      %get3A_733 = vector.shape_cast %get3A_732 : vector<1x16xf32> to vector<16xf32>
      %mul3A_734 = arith.mulf %get3A_733, %get3A_53 : vector<16xf32>
      %add3A_735 = arith.addf %mul3A_729, %mul3A_734 : vector<16xf32>
      %swap3A_736 = arith.index_cast %scan3A_46 : i32 to index
      %swap3A_737 = arith.constant 672 : index
      %swap3A_738 = tpu.vector_load %arg10[%swap3A_736, %swap3A_737] {strides = array<i32>} : memref<32x1024xf32, #tpu.memory_space<vmem>>, vector<1x16xf32>,
      %swap3A_739 = vector.shape_cast %swap3A_738 : vector<1x16xf32> to vector<16xf32>
      %swap3A_740 = vector.shape_cast %add3A_735 : vector<16xf32> to vector<1x16xf32>
      tpu.vector_store %arg10[%swap3A_736, %swap3A_737], %swap3A_740 {strides = array<i32>} : memref<32x1024xf32, #tpu.memory_space<vmem>>, vector<1x16xf32>,
      %get3A_741 = arith.index_cast %scan3A_46 : i32 to index
      %get3A_742 = arith.constant 688 : index
      %get3A_743 = tpu.vector_load %arg10[%get3A_741, %get3A_742] {strides = array<i32>} : memref<32x1024xf32, #tpu.memory_space<vmem>>, vector<1x16xf32>,
      %get3A_744 = vector.shape_cast %get3A_743 : vector<1x16xf32> to vector<16xf32>
      %mul3A_745 = arith.mulf %get3A_744, %get3A_49 : vector<16xf32>
      %get3A_746 = arith.index_cast %scan3A_46 : i32 to index
      %get3A_747 = arith.constant 688 : index
      %get3A_748 = tpu.vector_load %arg11[%get3A_746, %get3A_747] {strides = array<i32>} : memref<32x1024xf32, #tpu.memory_space<vmem>>, vector<1x16xf32>,
      %get3A_749 = vector.shape_cast %get3A_748 : vector<1x16xf32> to vector<16xf32>
      %mul3A_750 = arith.mulf %get3A_749, %get3A_53 : vector<16xf32>
      %add3A_751 = arith.addf %mul3A_745, %mul3A_750 : vector<16xf32>
      %swap3A_752 = arith.index_cast %scan3A_46 : i32 to index
      %swap3A_753 = arith.constant 688 : index
      %swap3A_754 = tpu.vector_load %arg10[%swap3A_752, %swap3A_753] {strides = array<i32>} : memref<32x1024xf32, #tpu.memory_space<vmem>>, vector<1x16xf32>,
      %swap3A_755 = vector.shape_cast %swap3A_754 : vector<1x16xf32> to vector<16xf32>
      %swap3A_756 = vector.shape_cast %add3A_751 : vector<16xf32> to vector<1x16xf32>
      tpu.vector_store %arg10[%swap3A_752, %swap3A_753], %swap3A_756 {strides = array<i32>} : memref<32x1024xf32, #tpu.memory_space<vmem>>, vector<1x16xf32>,
      %get3A_757 = arith.index_cast %scan3A_46 : i32 to index
      %get3A_758 = arith.constant 704 : index
      %get3A_759 = tpu.vector_load %arg10[%get3A_757, %get3A_758] {strides = array<i32>} : memref<32x1024xf32, #tpu.memory_space<vmem>>, vector<1x16xf32>,
      %get3A_760 = vector.shape_cast %get3A_759 : vector<1x16xf32> to vector<16xf32>
      %mul3A_761 = arith.mulf %get3A_760, %get3A_49 : vector<16xf32>
      %get3A_762 = arith.index_cast %scan3A_46 : i32 to index
      %get3A_763 = arith.constant 704 : index
      %get3A_764 = tpu.vector_load %arg11[%get3A_762, %get3A_763] {strides = array<i32>} : memref<32x1024xf32, #tpu.memory_space<vmem>>, vector<1x16xf32>,
      %get3A_765 = vector.shape_cast %get3A_764 : vector<1x16xf32> to vector<16xf32>
      %mul3A_766 = arith.mulf %get3A_765, %get3A_53 : vector<16xf32>
      %add3A_767 = arith.addf %mul3A_761, %mul3A_766 : vector<16xf32>
      %swap3A_768 = arith.index_cast %scan3A_46 : i32 to index
      %swap3A_769 = arith.constant 704 : index
      %swap3A_770 = tpu.vector_load %arg10[%swap3A_768, %swap3A_769] {strides = array<i32>} : memref<32x1024xf32, #tpu.memory_space<vmem>>, vector<1x16xf32>,
      %swap3A_771 = vector.shape_cast %swap3A_770 : vector<1x16xf32> to vector<16xf32>
      %swap3A_772 = vector.shape_cast %add3A_767 : vector<16xf32> to vector<1x16xf32>
      tpu.vector_store %arg10[%swap3A_768, %swap3A_769], %swap3A_772 {strides = array<i32>} : memref<32x1024xf32, #tpu.memory_space<vmem>>, vector<1x16xf32>,
      %get3A_773 = arith.index_cast %scan3A_46 : i32 to index
      %get3A_774 = arith.constant 720 : index
      %get3A_775 = tpu.vector_load %arg10[%get3A_773, %get3A_774] {strides = array<i32>} : memref<32x1024xf32, #tpu.memory_space<vmem>>, vector<1x16xf32>,
      %get3A_776 = vector.shape_cast %get3A_775 : vector<1x16xf32> to vector<16xf32>
      %mul3A_777 = arith.mulf %get3A_776, %get3A_49 : vector<16xf32>
      %get3A_778 = arith.index_cast %scan3A_46 : i32 to index
      %get3A_779 = arith.constant 720 : index
      %get3A_780 = tpu.vector_load %arg11[%get3A_778, %get3A_779] {strides = array<i32>} : memref<32x1024xf32, #tpu.memory_space<vmem>>, vector<1x16xf32>,
      %get3A_781 = vector.shape_cast %get3A_780 : vector<1x16xf32> to vector<16xf32>
      %mul3A_782 = arith.mulf %get3A_781, %get3A_53 : vector<16xf32>
      %add3A_783 = arith.addf %mul3A_777, %mul3A_782 : vector<16xf32>
      %swap3A_784 = arith.index_cast %scan3A_46 : i32 to index
      %swap3A_785 = arith.constant 720 : index
      %swap3A_786 = tpu.vector_load %arg10[%swap3A_784, %swap3A_785] {strides = array<i32>} : memref<32x1024xf32, #tpu.memory_space<vmem>>, vector<1x16xf32>,
      %swap3A_787 = vector.shape_cast %swap3A_786 : vector<1x16xf32> to vector<16xf32>
      %swap3A_788 = vector.shape_cast %add3A_783 : vector<16xf32> to vector<1x16xf32>
      tpu.vector_store %arg10[%swap3A_784, %swap3A_785], %swap3A_788 {strides = array<i32>} : memref<32x1024xf32, #tpu.memory_space<vmem>>, vector<1x16xf32>,
      %get3A_789 = arith.index_cast %scan3A_46 : i32 to index
      %get3A_790 = arith.constant 736 : index
      %get3A_791 = tpu.vector_load %arg10[%get3A_789, %get3A_790] {strides = array<i32>} : memref<32x1024xf32, #tpu.memory_space<vmem>>, vector<1x16xf32>,
      %get3A_792 = vector.shape_cast %get3A_791 : vector<1x16xf32> to vector<16xf32>
      %mul3A_793 = arith.mulf %get3A_792, %get3A_49 : vector<16xf32>
      %get3A_794 = arith.index_cast %scan3A_46 : i32 to index
      %get3A_795 = arith.constant 736 : index
      %get3A_796 = tpu.vector_load %arg11[%get3A_794, %get3A_795] {strides = array<i32>} : memref<32x1024xf32, #tpu.memory_space<vmem>>, vector<1x16xf32>,
      %get3A_797 = vector.shape_cast %get3A_796 : vector<1x16xf32> to vector<16xf32>
      %mul3A_798 = arith.mulf %get3A_797, %get3A_53 : vector<16xf32>
      %add3A_799 = arith.addf %mul3A_793, %mul3A_798 : vector<16xf32>
      %swap3A_800 = arith.index_cast %scan3A_46 : i32 to index
      %swap3A_801 = arith.constant 736 : index
      %swap3A_802 = tpu.vector_load %arg10[%swap3A_800, %swap3A_801] {strides = array<i32>} : memref<32x1024xf32, #tpu.memory_space<vmem>>, vector<1x16xf32>,
      %swap3A_803 = vector.shape_cast %swap3A_802 : vector<1x16xf32> to vector<16xf32>
      %swap3A_804 = vector.shape_cast %add3A_799 : vector<16xf32> to vector<1x16xf32>
      tpu.vector_store %arg10[%swap3A_800, %swap3A_801], %swap3A_804 {strides = array<i32>} : memref<32x1024xf32, #tpu.memory_space<vmem>>, vector<1x16xf32>,
      %get3A_805 = arith.index_cast %scan3A_46 : i32 to index
      %get3A_806 = arith.constant 752 : index
      %get3A_807 = tpu.vector_load %arg10[%get3A_805, %get3A_806] {strides = array<i32>} : memref<32x1024xf32, #tpu.memory_space<vmem>>, vector<1x16xf32>,
      %get3A_808 = vector.shape_cast %get3A_807 : vector<1x16xf32> to vector<16xf32>
      %mul3A_809 = arith.mulf %get3A_808, %get3A_49 : vector<16xf32>
      %get3A_810 = arith.index_cast %scan3A_46 : i32 to index
      %get3A_811 = arith.constant 752 : index
      %get3A_812 = tpu.vector_load %arg11[%get3A_810, %get3A_811] {strides = array<i32>} : memref<32x1024xf32, #tpu.memory_space<vmem>>, vector<1x16xf32>,
      %get3A_813 = vector.shape_cast %get3A_812 : vector<1x16xf32> to vector<16xf32>
      %mul3A_814 = arith.mulf %get3A_813, %get3A_53 : vector<16xf32>
      %add3A_815 = arith.addf %mul3A_809, %mul3A_814 : vector<16xf32>
      %swap3A_816 = arith.index_cast %scan3A_46 : i32 to index
      %swap3A_817 = arith.constant 752 : index
      %swap3A_818 = tpu.vector_load %arg10[%swap3A_816, %swap3A_817] {strides = array<i32>} : memref<32x1024xf32, #tpu.memory_space<vmem>>, vector<1x16xf32>,
      %swap3A_819 = vector.shape_cast %swap3A_818 : vector<1x16xf32> to vector<16xf32>
      %swap3A_820 = vector.shape_cast %add3A_815 : vector<16xf32> to vector<1x16xf32>
      tpu.vector_store %arg10[%swap3A_816, %swap3A_817], %swap3A_820 {strides = array<i32>} : memref<32x1024xf32, #tpu.memory_space<vmem>>, vector<1x16xf32>,
      %get3A_821 = arith.index_cast %scan3A_46 : i32 to index
      %get3A_822 = arith.constant 768 : index
      %get3A_823 = tpu.vector_load %arg10[%get3A_821, %get3A_822] {strides = array<i32>} : memref<32x1024xf32, #tpu.memory_space<vmem>>, vector<1x16xf32>,
      %get3A_824 = vector.shape_cast %get3A_823 : vector<1x16xf32> to vector<16xf32>
      %mul3A_825 = arith.mulf %get3A_824, %get3A_49 : vector<16xf32>
      %get3A_826 = arith.index_cast %scan3A_46 : i32 to index
      %get3A_827 = arith.constant 768 : index
      %get3A_828 = tpu.vector_load %arg11[%get3A_826, %get3A_827] {strides = array<i32>} : memref<32x1024xf32, #tpu.memory_space<vmem>>, vector<1x16xf32>,
      %get3A_829 = vector.shape_cast %get3A_828 : vector<1x16xf32> to vector<16xf32>
      %mul3A_830 = arith.mulf %get3A_829, %get3A_53 : vector<16xf32>
      %add3A_831 = arith.addf %mul3A_825, %mul3A_830 : vector<16xf32>
      %swap3A_832 = arith.index_cast %scan3A_46 : i32 to index
      %swap3A_833 = arith.constant 768 : index
      %swap3A_834 = tpu.vector_load %arg10[%swap3A_832, %swap3A_833] {strides = array<i32>} : memref<32x1024xf32, #tpu.memory_space<vmem>>, vector<1x16xf32>,
      %swap3A_835 = vector.shape_cast %swap3A_834 : vector<1x16xf32> to vector<16xf32>
      %swap3A_836 = vector.shape_cast %add3A_831 : vector<16xf32> to vector<1x16xf32>
      tpu.vector_store %arg10[%swap3A_832, %swap3A_833], %swap3A_836 {strides = array<i32>} : memref<32x1024xf32, #tpu.memory_space<vmem>>, vector<1x16xf32>,
      %get3A_837 = arith.index_cast %scan3A_46 : i32 to index
      %get3A_838 = arith.constant 784 : index
      %get3A_839 = tpu.vector_load %arg10[%get3A_837, %get3A_838] {strides = array<i32>} : memref<32x1024xf32, #tpu.memory_space<vmem>>, vector<1x16xf32>,
      %get3A_840 = vector.shape_cast %get3A_839 : vector<1x16xf32> to vector<16xf32>
      %mul3A_841 = arith.mulf %get3A_840, %get3A_49 : vector<16xf32>
      %get3A_842 = arith.index_cast %scan3A_46 : i32 to index
      %get3A_843 = arith.constant 784 : index
      %get3A_844 = tpu.vector_load %arg11[%get3A_842, %get3A_843] {strides = array<i32>} : memref<32x1024xf32, #tpu.memory_space<vmem>>, vector<1x16xf32>,
      %get3A_845 = vector.shape_cast %get3A_844 : vector<1x16xf32> to vector<16xf32>
      %mul3A_846 = arith.mulf %get3A_845, %get3A_53 : vector<16xf32>
      %add3A_847 = arith.addf %mul3A_841, %mul3A_846 : vector<16xf32>
      %swap3A_848 = arith.index_cast %scan3A_46 : i32 to index
      %swap3A_849 = arith.constant 784 : index
      %swap3A_850 = tpu.vector_load %arg10[%swap3A_848, %swap3A_849] {strides = array<i32>} : memref<32x1024xf32, #tpu.memory_space<vmem>>, vector<1x16xf32>,
      %swap3A_851 = vector.shape_cast %swap3A_850 : vector<1x16xf32> to vector<16xf32>
      %swap3A_852 = vector.shape_cast %add3A_847 : vector<16xf32> to vector<1x16xf32>
      tpu.vector_store %arg10[%swap3A_848, %swap3A_849], %swap3A_852 {strides = array<i32>} : memref<32x1024xf32, #tpu.memory_space<vmem>>, vector<1x16xf32>,
      %get3A_853 = arith.index_cast %scan3A_46 : i32 to index
      %get3A_854 = arith.constant 800 : index
      %get3A_855 = tpu.vector_load %arg10[%get3A_853, %get3A_854] {strides = array<i32>} : memref<32x1024xf32, #tpu.memory_space<vmem>>, vector<1x16xf32>,
      %get3A_856 = vector.shape_cast %get3A_855 : vector<1x16xf32> to vector<16xf32>
      %mul3A_857 = arith.mulf %get3A_856, %get3A_49 : vector<16xf32>
      %get3A_858 = arith.index_cast %scan3A_46 : i32 to index
      %get3A_859 = arith.constant 800 : index
      %get3A_860 = tpu.vector_load %arg11[%get3A_858, %get3A_859] {strides = array<i32>} : memref<32x1024xf32, #tpu.memory_space<vmem>>, vector<1x16xf32>,
      %get3A_861 = vector.shape_cast %get3A_860 : vector<1x16xf32> to vector<16xf32>
      %mul3A_862 = arith.mulf %get3A_861, %get3A_53 : vector<16xf32>
      %add3A_863 = arith.addf %mul3A_857, %mul3A_862 : vector<16xf32>
      %swap3A_864 = arith.index_cast %scan3A_46 : i32 to index
      %swap3A_865 = arith.constant 800 : index
      %swap3A_866 = tpu.vector_load %arg10[%swap3A_864, %swap3A_865] {strides = array<i32>} : memref<32x1024xf32, #tpu.memory_space<vmem>>, vector<1x16xf32>,
      %swap3A_867 = vector.shape_cast %swap3A_866 : vector<1x16xf32> to vector<16xf32>
      %swap3A_868 = vector.shape_cast %add3A_863 : vector<16xf32> to vector<1x16xf32>
      tpu.vector_store %arg10[%swap3A_864, %swap3A_865], %swap3A_868 {strides = array<i32>} : memref<32x1024xf32, #tpu.memory_space<vmem>>, vector<1x16xf32>,
      %get3A_869 = arith.index_cast %scan3A_46 : i32 to index
      %get3A_870 = arith.constant 816 : index
      %get3A_871 = tpu.vector_load %arg10[%get3A_869, %get3A_870] {strides = array<i32>} : memref<32x1024xf32, #tpu.memory_space<vmem>>, vector<1x16xf32>,
      %get3A_872 = vector.shape_cast %get3A_871 : vector<1x16xf32> to vector<16xf32>
      %mul3A_873 = arith.mulf %get3A_872, %get3A_49 : vector<16xf32>
      %get3A_874 = arith.index_cast %scan3A_46 : i32 to index
      %get3A_875 = arith.constant 816 : index
      %get3A_876 = tpu.vector_load %arg11[%get3A_874, %get3A_875] {strides = array<i32>} : memref<32x1024xf32, #tpu.memory_space<vmem>>, vector<1x16xf32>,
      %get3A_877 = vector.shape_cast %get3A_876 : vector<1x16xf32> to vector<16xf32>
      %mul3A_878 = arith.mulf %get3A_877, %get3A_53 : vector<16xf32>
      %add3A_879 = arith.addf %mul3A_873, %mul3A_878 : vector<16xf32>
      %swap3A_880 = arith.index_cast %scan3A_46 : i32 to index
      %swap3A_881 = arith.constant 816 : index
      %swap3A_882 = tpu.vector_load %arg10[%swap3A_880, %swap3A_881] {strides = array<i32>} : memref<32x1024xf32, #tpu.memory_space<vmem>>, vector<1x16xf32>,
      %swap3A_883 = vector.shape_cast %swap3A_882 : vector<1x16xf32> to vector<16xf32>
      %swap3A_884 = vector.shape_cast %add3A_879 : vector<16xf32> to vector<1x16xf32>
      tpu.vector_store %arg10[%swap3A_880, %swap3A_881], %swap3A_884 {strides = array<i32>} : memref<32x1024xf32, #tpu.memory_space<vmem>>, vector<1x16xf32>,
      %get3A_885 = arith.index_cast %scan3A_46 : i32 to index
      %get3A_886 = arith.constant 832 : index
      %get3A_887 = tpu.vector_load %arg10[%get3A_885, %get3A_886] {strides = array<i32>} : memref<32x1024xf32, #tpu.memory_space<vmem>>, vector<1x16xf32>,
      %get3A_888 = vector.shape_cast %get3A_887 : vector<1x16xf32> to vector<16xf32>
      %mul3A_889 = arith.mulf %get3A_888, %get3A_49 : vector<16xf32>
      %get3A_890 = arith.index_cast %scan3A_46 : i32 to index
      %get3A_891 = arith.constant 832 : index
      %get3A_892 = tpu.vector_load %arg11[%get3A_890, %get3A_891] {strides = array<i32>} : memref<32x1024xf32, #tpu.memory_space<vmem>>, vector<1x16xf32>,
      %get3A_893 = vector.shape_cast %get3A_892 : vector<1x16xf32> to vector<16xf32>
      %mul3A_894 = arith.mulf %get3A_893, %get3A_53 : vector<16xf32>
      %add3A_895 = arith.addf %mul3A_889, %mul3A_894 : vector<16xf32>
      %swap3A_896 = arith.index_cast %scan3A_46 : i32 to index
      %swap3A_897 = arith.constant 832 : index
      %swap3A_898 = tpu.vector_load %arg10[%swap3A_896, %swap3A_897] {strides = array<i32>} : memref<32x1024xf32, #tpu.memory_space<vmem>>, vector<1x16xf32>,
      %swap3A_899 = vector.shape_cast %swap3A_898 : vector<1x16xf32> to vector<16xf32>
      %swap3A_900 = vector.shape_cast %add3A_895 : vector<16xf32> to vector<1x16xf32>
      tpu.vector_store %arg10[%swap3A_896, %swap3A_897], %swap3A_900 {strides = array<i32>} : memref<32x1024xf32, #tpu.memory_space<vmem>>, vector<1x16xf32>,
      %get3A_901 = arith.index_cast %scan3A_46 : i32 to index
      %get3A_902 = arith.constant 848 : index
      %get3A_903 = tpu.vector_load %arg10[%get3A_901, %get3A_902] {strides = array<i32>} : memref<32x1024xf32, #tpu.memory_space<vmem>>, vector<1x16xf32>,
      %get3A_904 = vector.shape_cast %get3A_903 : vector<1x16xf32> to vector<16xf32>
      %mul3A_905 = arith.mulf %get3A_904, %get3A_49 : vector<16xf32>
      %get3A_906 = arith.index_cast %scan3A_46 : i32 to index
      %get3A_907 = arith.constant 848 : index
      %get3A_908 = tpu.vector_load %arg11[%get3A_906, %get3A_907] {strides = array<i32>} : memref<32x1024xf32, #tpu.memory_space<vmem>>, vector<1x16xf32>,
      %get3A_909 = vector.shape_cast %get3A_908 : vector<1x16xf32> to vector<16xf32>
      %mul3A_910 = arith.mulf %get3A_909, %get3A_53 : vector<16xf32>
      %add3A_911 = arith.addf %mul3A_905, %mul3A_910 : vector<16xf32>
      %swap3A_912 = arith.index_cast %scan3A_46 : i32 to index
      %swap3A_913 = arith.constant 848 : index
      %swap3A_914 = tpu.vector_load %arg10[%swap3A_912, %swap3A_913] {strides = array<i32>} : memref<32x1024xf32, #tpu.memory_space<vmem>>, vector<1x16xf32>,
      %swap3A_915 = vector.shape_cast %swap3A_914 : vector<1x16xf32> to vector<16xf32>
      %swap3A_916 = vector.shape_cast %add3A_911 : vector<16xf32> to vector<1x16xf32>
      tpu.vector_store %arg10[%swap3A_912, %swap3A_913], %swap3A_916 {strides = array<i32>} : memref<32x1024xf32, #tpu.memory_space<vmem>>, vector<1x16xf32>,
      %get3A_917 = arith.index_cast %scan3A_46 : i32 to index
      %get3A_918 = arith.constant 864 : index
      %get3A_919 = tpu.vector_load %arg10[%get3A_917, %get3A_918] {strides = array<i32>} : memref<32x1024xf32, #tpu.memory_space<vmem>>, vector<1x16xf32>,
      %get3A_920 = vector.shape_cast %get3A_919 : vector<1x16xf32> to vector<16xf32>
      %mul3A_921 = arith.mulf %get3A_920, %get3A_49 : vector<16xf32>
      %get3A_922 = arith.index_cast %scan3A_46 : i32 to index
      %get3A_923 = arith.constant 864 : index
      %get3A_924 = tpu.vector_load %arg11[%get3A_922, %get3A_923] {strides = array<i32>} : memref<32x1024xf32, #tpu.memory_space<vmem>>, vector<1x16xf32>,
      %get3A_925 = vector.shape_cast %get3A_924 : vector<1x16xf32> to vector<16xf32>
      %mul3A_926 = arith.mulf %get3A_925, %get3A_53 : vector<16xf32>
      %add3A_927 = arith.addf %mul3A_921, %mul3A_926 : vector<16xf32>
      %swap3A_928 = arith.index_cast %scan3A_46 : i32 to index
      %swap3A_929 = arith.constant 864 : index
      %swap3A_930 = tpu.vector_load %arg10[%swap3A_928, %swap3A_929] {strides = array<i32>} : memref<32x1024xf32, #tpu.memory_space<vmem>>, vector<1x16xf32>,
      %swap3A_931 = vector.shape_cast %swap3A_930 : vector<1x16xf32> to vector<16xf32>
      %swap3A_932 = vector.shape_cast %add3A_927 : vector<16xf32> to vector<1x16xf32>
      tpu.vector_store %arg10[%swap3A_928, %swap3A_929], %swap3A_932 {strides = array<i32>} : memref<32x1024xf32, #tpu.memory_space<vmem>>, vector<1x16xf32>,
      %get3A_933 = arith.index_cast %scan3A_46 : i32 to index
      %get3A_934 = arith.constant 880 : index
      %get3A_935 = tpu.vector_load %arg10[%get3A_933, %get3A_934] {strides = array<i32>} : memref<32x1024xf32, #tpu.memory_space<vmem>>, vector<1x16xf32>,
      %get3A_936 = vector.shape_cast %get3A_935 : vector<1x16xf32> to vector<16xf32>
      %mul3A_937 = arith.mulf %get3A_936, %get3A_49 : vector<16xf32>
      %get3A_938 = arith.index_cast %scan3A_46 : i32 to index
      %get3A_939 = arith.constant 880 : index
      %get3A_940 = tpu.vector_load %arg11[%get3A_938, %get3A_939] {strides = array<i32>} : memref<32x1024xf32, #tpu.memory_space<vmem>>, vector<1x16xf32>,
      %get3A_941 = vector.shape_cast %get3A_940 : vector<1x16xf32> to vector<16xf32>
      %mul3A_942 = arith.mulf %get3A_941, %get3A_53 : vector<16xf32>
      %add3A_943 = arith.addf %mul3A_937, %mul3A_942 : vector<16xf32>
      %swap3A_944 = arith.index_cast %scan3A_46 : i32 to index
      %swap3A_945 = arith.constant 880 : index
      %swap3A_946 = tpu.vector_load %arg10[%swap3A_944, %swap3A_945] {strides = array<i32>} : memref<32x1024xf32, #tpu.memory_space<vmem>>, vector<1x16xf32>,
      %swap3A_947 = vector.shape_cast %swap3A_946 : vector<1x16xf32> to vector<16xf32>
      %swap3A_948 = vector.shape_cast %add3A_943 : vector<16xf32> to vector<1x16xf32>
      tpu.vector_store %arg10[%swap3A_944, %swap3A_945], %swap3A_948 {strides = array<i32>} : memref<32x1024xf32, #tpu.memory_space<vmem>>, vector<1x16xf32>,
      %get3A_949 = arith.index_cast %scan3A_46 : i32 to index
      %get3A_950 = arith.constant 896 : index
      %get3A_951 = tpu.vector_load %arg10[%get3A_949, %get3A_950] {strides = array<i32>} : memref<32x1024xf32, #tpu.memory_space<vmem>>, vector<1x16xf32>,
      %get3A_952 = vector.shape_cast %get3A_951 : vector<1x16xf32> to vector<16xf32>
      %mul3A_953 = arith.mulf %get3A_952, %get3A_49 : vector<16xf32>
      %get3A_954 = arith.index_cast %scan3A_46 : i32 to index
      %get3A_955 = arith.constant 896 : index
      %get3A_956 = tpu.vector_load %arg11[%get3A_954, %get3A_955] {strides = array<i32>} : memref<32x1024xf32, #tpu.memory_space<vmem>>, vector<1x16xf32>,
      %get3A_957 = vector.shape_cast %get3A_956 : vector<1x16xf32> to vector<16xf32>
      %mul3A_958 = arith.mulf %get3A_957, %get3A_53 : vector<16xf32>
      %add3A_959 = arith.addf %mul3A_953, %mul3A_958 : vector<16xf32>
      %swap3A_960 = arith.index_cast %scan3A_46 : i32 to index
      %swap3A_961 = arith.constant 896 : index
      %swap3A_962 = tpu.vector_load %arg10[%swap3A_960, %swap3A_961] {strides = array<i32>} : memref<32x1024xf32, #tpu.memory_space<vmem>>, vector<1x16xf32>,
      %swap3A_963 = vector.shape_cast %swap3A_962 : vector<1x16xf32> to vector<16xf32>
      %swap3A_964 = vector.shape_cast %add3A_959 : vector<16xf32> to vector<1x16xf32>
      tpu.vector_store %arg10[%swap3A_960, %swap3A_961], %swap3A_964 {strides = array<i32>} : memref<32x1024xf32, #tpu.memory_space<vmem>>, vector<1x16xf32>,
      %get3A_965 = arith.index_cast %scan3A_46 : i32 to index
      %get3A_966 = arith.constant 912 : index
      %get3A_967 = tpu.vector_load %arg10[%get3A_965, %get3A_966] {strides = array<i32>} : memref<32x1024xf32, #tpu.memory_space<vmem>>, vector<1x16xf32>,
      %get3A_968 = vector.shape_cast %get3A_967 : vector<1x16xf32> to vector<16xf32>
      %mul3A_969 = arith.mulf %get3A_968, %get3A_49 : vector<16xf32>
      %get3A_970 = arith.index_cast %scan3A_46 : i32 to index
      %get3A_971 = arith.constant 912 : index
      %get3A_972 = tpu.vector_load %arg11[%get3A_970, %get3A_971] {strides = array<i32>} : memref<32x1024xf32, #tpu.memory_space<vmem>>, vector<1x16xf32>,
      %get3A_973 = vector.shape_cast %get3A_972 : vector<1x16xf32> to vector<16xf32>
      %mul3A_974 = arith.mulf %get3A_973, %get3A_53 : vector<16xf32>
      %add3A_975 = arith.addf %mul3A_969, %mul3A_974 : vector<16xf32>
      %swap3A_976 = arith.index_cast %scan3A_46 : i32 to index
      %swap3A_977 = arith.constant 912 : index
      %swap3A_978 = tpu.vector_load %arg10[%swap3A_976, %swap3A_977] {strides = array<i32>} : memref<32x1024xf32, #tpu.memory_space<vmem>>, vector<1x16xf32>,
      %swap3A_979 = vector.shape_cast %swap3A_978 : vector<1x16xf32> to vector<16xf32>
      %swap3A_980 = vector.shape_cast %add3A_975 : vector<16xf32> to vector<1x16xf32>
      tpu.vector_store %arg10[%swap3A_976, %swap3A_977], %swap3A_980 {strides = array<i32>} : memref<32x1024xf32, #tpu.memory_space<vmem>>, vector<1x16xf32>,
      %get3A_981 = arith.index_cast %scan3A_46 : i32 to index
      %get3A_982 = arith.constant 928 : index
      %get3A_983 = tpu.vector_load %arg10[%get3A_981, %get3A_982] {strides = array<i32>} : memref<32x1024xf32, #tpu.memory_space<vmem>>, vector<1x16xf32>,
      %get3A_984 = vector.shape_cast %get3A_983 : vector<1x16xf32> to vector<16xf32>
      %mul3A_985 = arith.mulf %get3A_984, %get3A_49 : vector<16xf32>
      %get3A_986 = arith.index_cast %scan3A_46 : i32 to index
      %get3A_987 = arith.constant 928 : index
      %get3A_988 = tpu.vector_load %arg11[%get3A_986, %get3A_987] {strides = array<i32>} : memref<32x1024xf32, #tpu.memory_space<vmem>>, vector<1x16xf32>,
      %get3A_989 = vector.shape_cast %get3A_988 : vector<1x16xf32> to vector<16xf32>
      %mul3A_990 = arith.mulf %get3A_989, %get3A_53 : vector<16xf32>
      %add3A_991 = arith.addf %mul3A_985, %mul3A_990 : vector<16xf32>
      %swap3A_992 = arith.index_cast %scan3A_46 : i32 to index
      %swap3A_993 = arith.constant 928 : index
      %swap3A_994 = tpu.vector_load %arg10[%swap3A_992, %swap3A_993] {strides = array<i32>} : memref<32x1024xf32, #tpu.memory_space<vmem>>, vector<1x16xf32>,
      %swap3A_995 = vector.shape_cast %swap3A_994 : vector<1x16xf32> to vector<16xf32>
      %swap3A_996 = vector.shape_cast %add3A_991 : vector<16xf32> to vector<1x16xf32>
      tpu.vector_store %arg10[%swap3A_992, %swap3A_993], %swap3A_996 {strides = array<i32>} : memref<32x1024xf32, #tpu.memory_space<vmem>>, vector<1x16xf32>,
      %get3A_997 = arith.index_cast %scan3A_46 : i32 to index
      %get3A_998 = arith.constant 944 : index
      %get3A_999 = tpu.vector_load %arg10[%get3A_997, %get3A_998] {strides = array<i32>} : memref<32x1024xf32, #tpu.memory_space<vmem>>, vector<1x16xf32>,
      %get3A_1000 = vector.shape_cast %get3A_999 : vector<1x16xf32> to vector<16xf32>
      %mul3A_1001 = arith.mulf %get3A_1000, %get3A_49 : vector<16xf32>
      %get3A_1002 = arith.index_cast %scan3A_46 : i32 to index
      %get3A_1003 = arith.constant 944 : index
      %get3A_1004 = tpu.vector_load %arg11[%get3A_1002, %get3A_1003] {strides = array<i32>} : memref<32x1024xf32, #tpu.memory_space<vmem>>, vector<1x16xf32>,
      %get3A_1005 = vector.shape_cast %get3A_1004 : vector<1x16xf32> to vector<16xf32>
      %mul3A_1006 = arith.mulf %get3A_1005, %get3A_53 : vector<16xf32>
      %add3A_1007 = arith.addf %mul3A_1001, %mul3A_1006 : vector<16xf32>
      %swap3A_1008 = arith.index_cast %scan3A_46 : i32 to index
      %swap3A_1009 = arith.constant 944 : index
      %swap3A_1010 = tpu.vector_load %arg10[%swap3A_1008, %swap3A_1009] {strides = array<i32>} : memref<32x1024xf32, #tpu.memory_space<vmem>>, vector<1x16xf32>,
      %swap3A_1011 = vector.shape_cast %swap3A_1010 : vector<1x16xf32> to vector<16xf32>
      %swap3A_1012 = vector.shape_cast %add3A_1007 : vector<16xf32> to vector<1x16xf32>
      tpu.vector_store %arg10[%swap3A_1008, %swap3A_1009], %swap3A_1012 {strides = array<i32>} : memref<32x1024xf32, #tpu.memory_space<vmem>>, vector<1x16xf32>,
      %get3A_1013 = arith.index_cast %scan3A_46 : i32 to index
      %get3A_1014 = arith.constant 960 : index
      %get3A_1015 = tpu.vector_load %arg10[%get3A_1013, %get3A_1014] {strides = array<i32>} : memref<32x1024xf32, #tpu.memory_space<vmem>>, vector<1x16xf32>,
      %get3A_1016 = vector.shape_cast %get3A_1015 : vector<1x16xf32> to vector<16xf32>
      %mul3A_1017 = arith.mulf %get3A_1016, %get3A_49 : vector<16xf32>
      %get3A_1018 = arith.index_cast %scan3A_46 : i32 to index
      %get3A_1019 = arith.constant 960 : index
      %get3A_1020 = tpu.vector_load %arg11[%get3A_1018, %get3A_1019] {strides = array<i32>} : memref<32x1024xf32, #tpu.memory_space<vmem>>, vector<1x16xf32>,
      %get3A_1021 = vector.shape_cast %get3A_1020 : vector<1x16xf32> to vector<16xf32>
      %mul3A_1022 = arith.mulf %get3A_1021, %get3A_53 : vector<16xf32>
      %add3A_1023 = arith.addf %mul3A_1017, %mul3A_1022 : vector<16xf32>
      %swap3A_1024 = arith.index_cast %scan3A_46 : i32 to index
      %swap3A_1025 = arith.constant 960 : index
      %swap3A_1026 = tpu.vector_load %arg10[%swap3A_1024, %swap3A_1025] {strides = array<i32>} : memref<32x1024xf32, #tpu.memory_space<vmem>>, vector<1x16xf32>,
      %swap3A_1027 = vector.shape_cast %swap3A_1026 : vector<1x16xf32> to vector<16xf32>
      %swap3A_1028 = vector.shape_cast %add3A_1023 : vector<16xf32> to vector<1x16xf32>
      tpu.vector_store %arg10[%swap3A_1024, %swap3A_1025], %swap3A_1028 {strides = array<i32>} : memref<32x1024xf32, #tpu.memory_space<vmem>>, vector<1x16xf32>,
      %get3A_1029 = arith.index_cast %scan3A_46 : i32 to index
      %get3A_1030 = arith.constant 976 : index
      %get3A_1031 = tpu.vector_load %arg10[%get3A_1029, %get3A_1030] {strides = array<i32>} : memref<32x1024xf32, #tpu.memory_space<vmem>>, vector<1x16xf32>,
      %get3A_1032 = vector.shape_cast %get3A_1031 : vector<1x16xf32> to vector<16xf32>
      %mul3A_1033 = arith.mulf %get3A_1032, %get3A_49 : vector<16xf32>
      %get3A_1034 = arith.index_cast %scan3A_46 : i32 to index
      %get3A_1035 = arith.constant 976 : index
      %get3A_1036 = tpu.vector_load %arg11[%get3A_1034, %get3A_1035] {strides = array<i32>} : memref<32x1024xf32, #tpu.memory_space<vmem>>, vector<1x16xf32>,
      %get3A_1037 = vector.shape_cast %get3A_1036 : vector<1x16xf32> to vector<16xf32>
      %mul3A_1038 = arith.mulf %get3A_1037, %get3A_53 : vector<16xf32>
      %add3A_1039 = arith.addf %mul3A_1033, %mul3A_1038 : vector<16xf32>
      %swap3A_1040 = arith.index_cast %scan3A_46 : i32 to index
      %swap3A_1041 = arith.constant 976 : index
      %swap3A_1042 = tpu.vector_load %arg10[%swap3A_1040, %swap3A_1041] {strides = array<i32>} : memref<32x1024xf32, #tpu.memory_space<vmem>>, vector<1x16xf32>,
      %swap3A_1043 = vector.shape_cast %swap3A_1042 : vector<1x16xf32> to vector<16xf32>
      %swap3A_1044 = vector.shape_cast %add3A_1039 : vector<16xf32> to vector<1x16xf32>
      tpu.vector_store %arg10[%swap3A_1040, %swap3A_1041], %swap3A_1044 {strides = array<i32>} : memref<32x1024xf32, #tpu.memory_space<vmem>>, vector<1x16xf32>,
      %get3A_1045 = arith.index_cast %scan3A_46 : i32 to index
      %get3A_1046 = arith.constant 992 : index
      %get3A_1047 = tpu.vector_load %arg10[%get3A_1045, %get3A_1046] {strides = array<i32>} : memref<32x1024xf32, #tpu.memory_space<vmem>>, vector<1x16xf32>,
      %get3A_1048 = vector.shape_cast %get3A_1047 : vector<1x16xf32> to vector<16xf32>
      %mul3A_1049 = arith.mulf %get3A_1048, %get3A_49 : vector<16xf32>
      %get3A_1050 = arith.index_cast %scan3A_46 : i32 to index
      %get3A_1051 = arith.constant 992 : index
      %get3A_1052 = tpu.vector_load %arg11[%get3A_1050, %get3A_1051] {strides = array<i32>} : memref<32x1024xf32, #tpu.memory_space<vmem>>, vector<1x16xf32>,
      %get3A_1053 = vector.shape_cast %get3A_1052 : vector<1x16xf32> to vector<16xf32>
      %mul3A_1054 = arith.mulf %get3A_1053, %get3A_53 : vector<16xf32>
      %add3A_1055 = arith.addf %mul3A_1049, %mul3A_1054 : vector<16xf32>
      %swap3A_1056 = arith.index_cast %scan3A_46 : i32 to index
      %swap3A_1057 = arith.constant 992 : index
      %swap3A_1058 = tpu.vector_load %arg10[%swap3A_1056, %swap3A_1057] {strides = array<i32>} : memref<32x1024xf32, #tpu.memory_space<vmem>>, vector<1x16xf32>,
      %swap3A_1059 = vector.shape_cast %swap3A_1058 : vector<1x16xf32> to vector<16xf32>
      %swap3A_1060 = vector.shape_cast %add3A_1055 : vector<16xf32> to vector<1x16xf32>
      tpu.vector_store %arg10[%swap3A_1056, %swap3A_1057], %swap3A_1060 {strides = array<i32>} : memref<32x1024xf32, #tpu.memory_space<vmem>>, vector<1x16xf32>,
      %get3A_1061 = arith.index_cast %scan3A_46 : i32 to index
      %get3A_1062 = arith.constant 1008 : index
      %get3A_1063 = tpu.vector_load %arg10[%get3A_1061, %get3A_1062] {strides = array<i32>} : memref<32x1024xf32, #tpu.memory_space<vmem>>, vector<1x16xf32>,
      %get3A_1064 = vector.shape_cast %get3A_1063 : vector<1x16xf32> to vector<16xf32>
      %mul3A_1065 = arith.mulf %get3A_1064, %get3A_49 : vector<16xf32>
      %get3A_1066 = arith.index_cast %scan3A_46 : i32 to index
      %get3A_1067 = arith.constant 1008 : index
      %get3A_1068 = tpu.vector_load %arg11[%get3A_1066, %get3A_1067] {strides = array<i32>} : memref<32x1024xf32, #tpu.memory_space<vmem>>, vector<1x16xf32>,
      %get3A_1069 = vector.shape_cast %get3A_1068 : vector<1x16xf32> to vector<16xf32>
      %mul3A_1070 = arith.mulf %get3A_1069, %get3A_53 : vector<16xf32>
      %add3A_1071 = arith.addf %mul3A_1065, %mul3A_1070 : vector<16xf32>
      %swap3A_1072 = arith.index_cast %scan3A_46 : i32 to index
      %swap3A_1073 = arith.constant 1008 : index
      %swap3A_1074 = tpu.vector_load %arg10[%swap3A_1072, %swap3A_1073] {strides = array<i32>} : memref<32x1024xf32, #tpu.memory_space<vmem>>, vector<1x16xf32>,
      %swap3A_1075 = vector.shape_cast %swap3A_1074 : vector<1x16xf32> to vector<16xf32>
      %swap3A_1076 = vector.shape_cast %add3A_1071 : vector<16xf32> to vector<1x16xf32>
      tpu.vector_store %arg10[%swap3A_1072, %swap3A_1073], %swap3A_1076 {strides = array<i32>} : memref<32x1024xf32, #tpu.memory_space<vmem>>, vector<1x16xf32>,
    }
    %scan3A_21 = arith.constant 32 : i32
    "tpu.region"() ({
      %run_scoped3A = tpu.sem_alloc : memref<!tpu.dma_semaphore, #tpu.memory_space<semaphore_mem>>
      %dma_start3A_46 = arith.constant 0 : i32
      %dma_start3A_47 = tpu.memref_slice %arg6[%mul3A_6, %dma_start3A_46] : memref<2048x1024xf32, #tpu.memory_space<hbm>> -> memref<32x1024xf32, #tpu.memory_space<hbm>>
      %dma_start3A_48 = arith.constant 0 : i32
      %dma_start3A_49 = tpu.memref_slice %arg6[%mul3A_6, %dma_start3A_48] : memref<2048x1024xf32, #tpu.memory_space<hbm>> -> memref<32x1024xf32, #tpu.memory_space<hbm>>
      tpu.enqueue_dma source(%arg10 : memref<32x1024xf32, #tpu.memory_space<vmem>>) target(%dma_start3A_49 : memref<32x1024xf32, #tpu.memory_space<hbm>>) target_semaphore(%run_scoped3A : memref<!tpu.dma_semaphore, #tpu.memory_space<semaphore_mem>>)
      %dma_wait3A_50 = arith.constant 0 : i32
      %dma_wait3A_51 = tpu.memref_slice %arg6[%mul3A_6, %dma_wait3A_50] : memref<2048x1024xf32, #tpu.memory_space<hbm>> -> memref<32x1024xf32, #tpu.memory_space<hbm>>
      %dma_wait3A_52 = arith.constant 0 : i32
      %dma_wait3A_53 = tpu.memref_slice %arg6[%mul3A_6, %dma_wait3A_52] : memref<2048x1024xf32, #tpu.memory_space<hbm>> -> memref<32x1024xf32, #tpu.memory_space<hbm>>
      tpu.wait_dma2 semaphore(%run_scoped3A : memref<!tpu.dma_semaphore, #tpu.memory_space<semaphore_mem>>) src(%arg10 : memref<32x1024xf32, #tpu.memory_space<vmem>>) dst(%dma_wait3A_53 : memref<32x1024xf32, #tpu.memory_space<hbm>>)
      tpu.yield
    }) : () -> ()
    %mul3A_22 = arith.constant 2 : i32
    %mul3A_23 = arith.muli %add3A, %mul3A_22 : i32
    %add3A_24 = arith.constant 1 : i32
    %add3A_25 = arith.addi %mul3A_23, %add3A_24 : i32
    %mul3A_26 = arith.constant 32 : i32
    %mul3A_27 = arith.muli %add3A_25, %mul3A_26 : i32
    "tpu.region"() ({
      %run_scoped3A = tpu.sem_alloc : memref<!tpu.dma_semaphore, #tpu.memory_space<semaphore_mem>>
      %dma_start3A_46 = tpu.memref_slice %arg3[%mul3A_27] : memref<2048xi32, #tpu.memory_space<hbm>> -> memref<32xi32, #tpu.memory_space<hbm>>
      %dma_start3A_47 = tpu.memref_slice %arg3[%mul3A_27] : memref<2048xi32, #tpu.memory_space<hbm>> -> memref<32xi32, #tpu.memory_space<hbm>>
      tpu.enqueue_dma source(%dma_start3A_47 : memref<32xi32, #tpu.memory_space<hbm>>) target(%arg7 : memref<32xi32, #tpu.memory_space<vmem>>) target_semaphore(%run_scoped3A : memref<!tpu.dma_semaphore, #tpu.memory_space<semaphore_mem>>)
      %dma_wait3A_48 = tpu.memref_slice %arg3[%mul3A_27] : memref<2048xi32, #tpu.memory_space<hbm>> -> memref<32xi32, #tpu.memory_space<hbm>>
      %dma_wait3A_49 = tpu.memref_slice %arg3[%mul3A_27] : memref<2048xi32, #tpu.memory_space<hbm>> -> memref<32xi32, #tpu.memory_space<hbm>>
      tpu.wait_dma2 semaphore(%run_scoped3A : memref<!tpu.dma_semaphore, #tpu.memory_space<semaphore_mem>>) src(%dma_wait3A_49 : memref<32xi32, #tpu.memory_space<hbm>>) dst(%arg7 : memref<32xi32, #tpu.memory_space<vmem>>)
      tpu.yield
    }) : () -> ()
    "tpu.region"() ({
      %run_scoped3A = tpu.sem_alloc : memref<!tpu.dma_semaphore, #tpu.memory_space<semaphore_mem>>
      %dma_start3A_46 = tpu.memref_slice %arg4[%mul3A_27] : memref<2048xi32, #tpu.memory_space<hbm>> -> memref<32xi32, #tpu.memory_space<hbm>>
      %dma_start3A_47 = tpu.memref_slice %arg4[%mul3A_27] : memref<2048xi32, #tpu.memory_space<hbm>> -> memref<32xi32, #tpu.memory_space<hbm>>
      tpu.enqueue_dma source(%dma_start3A_47 : memref<32xi32, #tpu.memory_space<hbm>>) target(%arg8 : memref<32xi32, #tpu.memory_space<vmem>>) target_semaphore(%run_scoped3A : memref<!tpu.dma_semaphore, #tpu.memory_space<semaphore_mem>>)
      %dma_wait3A_48 = tpu.memref_slice %arg4[%mul3A_27] : memref<2048xi32, #tpu.memory_space<hbm>> -> memref<32xi32, #tpu.memory_space<hbm>>
      %dma_wait3A_49 = tpu.memref_slice %arg4[%mul3A_27] : memref<2048xi32, #tpu.memory_space<hbm>> -> memref<32xi32, #tpu.memory_space<hbm>>
      tpu.wait_dma2 semaphore(%run_scoped3A : memref<!tpu.dma_semaphore, #tpu.memory_space<semaphore_mem>>) src(%dma_wait3A_49 : memref<32xi32, #tpu.memory_space<hbm>>) dst(%arg8 : memref<32xi32, #tpu.memory_space<vmem>>)
      tpu.yield
    }) : () -> ()
    "tpu.region"() ({
      %run_scoped3A = tpu.sem_alloc : memref<!tpu.dma_semaphore, #tpu.memory_space<semaphore_mem>>
      %dma_start3A_46 = arith.constant 0 : i32
      %dma_start3A_47 = tpu.memref_slice %arg5[%mul3A_27, %dma_start3A_46] : memref<2048x32xf32, #tpu.memory_space<hbm>> -> memref<32x32xf32, #tpu.memory_space<hbm>>
      %dma_start3A_48 = arith.constant 0 : i32
      %dma_start3A_49 = tpu.memref_slice %arg5[%mul3A_27, %dma_start3A_48] : memref<2048x32xf32, #tpu.memory_space<hbm>> -> memref<32x32xf32, #tpu.memory_space<hbm>>
      tpu.enqueue_dma source(%dma_start3A_49 : memref<32x32xf32, #tpu.memory_space<hbm>>) target(%arg9 : memref<32x32xf32, #tpu.memory_space<vmem>>) target_semaphore(%run_scoped3A : memref<!tpu.dma_semaphore, #tpu.memory_space<semaphore_mem>>)
      %dma_wait3A_50 = arith.constant 0 : i32
      %dma_wait3A_51 = tpu.memref_slice %arg5[%mul3A_27, %dma_wait3A_50] : memref<2048x32xf32, #tpu.memory_space<hbm>> -> memref<32x32xf32, #tpu.memory_space<hbm>>
      %dma_wait3A_52 = arith.constant 0 : i32
      %dma_wait3A_53 = tpu.memref_slice %arg5[%mul3A_27, %dma_wait3A_52] : memref<2048x32xf32, #tpu.memory_space<hbm>> -> memref<32x32xf32, #tpu.memory_space<hbm>>
      tpu.wait_dma2 semaphore(%run_scoped3A : memref<!tpu.dma_semaphore, #tpu.memory_space<semaphore_mem>>) src(%dma_wait3A_53 : memref<32x32xf32, #tpu.memory_space<hbm>>) dst(%arg9 : memref<32x32xf32, #tpu.memory_space<vmem>>)
      tpu.yield
    }) : () -> ()
    %dma_start3A_28 = arith.constant 0 : i32
    %dma_start3A_29 = arith.constant 0 : i32
    %dma_start3A_30 = tpu.memref_slice %arg2[%dma_start3A_28, %dma_start3A_29] : memref<12288x1024xf32, #tpu.memory_space<hbm>> -> memref<12288x1024xf32, #tpu.memory_space<hbm>>
    tpu.enqueue_indirect_dma source(%dma_start3A_30 : memref<12288x1024xf32, #tpu.memory_space<hbm>>) target(%arg10 : memref<32x1024xf32, #tpu.memory_space<vmem>>) offsets(%arg7 : memref<32xi32, #tpu.memory_space<vmem>>) semaphore(%arg12 : memref<!tpu.dma_semaphore, #tpu.memory_space<semaphore_mem>>)
    %dma_wait3A_31 = arith.constant 0 : i32
    %dma_wait3A_32 = arith.constant 0 : i32
    %dma_wait3A_33 = tpu.memref_slice %arg2[%dma_wait3A_31, %dma_wait3A_32] : memref<12288x1024xf32, #tpu.memory_space<hbm>> -> memref<12288x1024xf32, #tpu.memory_space<hbm>>
    tpu.wait_indirect_dma semaphore(%arg12 : memref<!tpu.dma_semaphore, #tpu.memory_space<semaphore_mem>>) src(%dma_wait3A_33 : memref<12288x1024xf32, #tpu.memory_space<hbm>>) dst(%arg10 : memref<32x1024xf32, #tpu.memory_space<vmem>>)
    %dma_start3A_34 = arith.constant 0 : i32
    %dma_start3A_35 = arith.constant 0 : i32
    %dma_start3A_36 = tpu.memref_slice %arg2[%dma_start3A_34, %dma_start3A_35] : memref<12288x1024xf32, #tpu.memory_space<hbm>> -> memref<12288x1024xf32, #tpu.memory_space<hbm>>
    tpu.enqueue_indirect_dma source(%dma_start3A_36 : memref<12288x1024xf32, #tpu.memory_space<hbm>>) target(%arg11 : memref<32x1024xf32, #tpu.memory_space<vmem>>) offsets(%arg8 : memref<32xi32, #tpu.memory_space<vmem>>) semaphore(%arg12 : memref<!tpu.dma_semaphore, #tpu.memory_space<semaphore_mem>>)
    %dma_wait3A_37 = arith.constant 0 : i32
    %dma_wait3A_38 = arith.constant 0 : i32
    %dma_wait3A_39 = tpu.memref_slice %arg2[%dma_wait3A_37, %dma_wait3A_38] : memref<12288x1024xf32, #tpu.memory_space<hbm>> -> memref<12288x1024xf32, #tpu.memory_space<hbm>>
    tpu.wait_indirect_dma semaphore(%arg12 : memref<!tpu.dma_semaphore, #tpu.memory_space<semaphore_mem>>) src(%dma_wait3A_39 : memref<12288x1024xf32, #tpu.memory_space<hbm>>) dst(%arg11 : memref<32x1024xf32, #tpu.memory_space<vmem>>)
    %scan3A_40 = arith.constant 0 : i32
    %scan3A_41 = arith.constant 0 : i32
    %scan3A_42 = arith.constant 32 : i32
    %scan3A_43 = arith.addi %scan3A_41, %scan3A_42 : i32
    %scan3A_44 = arith.constant 1 : i32
    scf.for %scan3A_46 = %scan3A_41 to %scan3A_43 step %scan3A_44  : i32 {
      %get3A = arith.index_cast %scan3A_46 : i32 to index
      %get3A_47 = arith.constant 0 : index
      %get3A_48 = tpu.vector_load %arg9[%get3A, %get3A_47] {strides = array<i32>} : memref<32x32xf32, #tpu.memory_space<vmem>>, vector<1x16xf32>,
      %get3A_49 = vector.shape_cast %get3A_48 : vector<1x16xf32> to vector<16xf32>
      %get3A_50 = arith.index_cast %scan3A_46 : i32 to index
      %get3A_51 = arith.constant 16 : index
      %get3A_52 = tpu.vector_load %arg9[%get3A_50, %get3A_51] {strides = array<i32>} : memref<32x32xf32, #tpu.memory_space<vmem>>, vector<1x16xf32>,
      %get3A_53 = vector.shape_cast %get3A_52 : vector<1x16xf32> to vector<16xf32>
      %get3A_54 = arith.index_cast %scan3A_46 : i32 to index
      %get3A_55 = arith.constant 0 : index
      %get3A_56 = tpu.vector_load %arg10[%get3A_54, %get3A_55] {strides = array<i32>} : memref<32x1024xf32, #tpu.memory_space<vmem>>, vector<1x16xf32>,
      %get3A_57 = vector.shape_cast %get3A_56 : vector<1x16xf32> to vector<16xf32>
      %mul3A_58 = arith.mulf %get3A_57, %get3A_49 : vector<16xf32>
      %get3A_59 = arith.index_cast %scan3A_46 : i32 to index
      %get3A_60 = arith.constant 0 : index
      %get3A_61 = tpu.vector_load %arg11[%get3A_59, %get3A_60] {strides = array<i32>} : memref<32x1024xf32, #tpu.memory_space<vmem>>, vector<1x16xf32>,
      %get3A_62 = vector.shape_cast %get3A_61 : vector<1x16xf32> to vector<16xf32>
      %mul3A_63 = arith.mulf %get3A_62, %get3A_53 : vector<16xf32>
      %add3A_64 = arith.addf %mul3A_58, %mul3A_63 : vector<16xf32>
      %swap3A = arith.index_cast %scan3A_46 : i32 to index
      %swap3A_65 = arith.constant 0 : index
      %swap3A_66 = tpu.vector_load %arg10[%swap3A, %swap3A_65] {strides = array<i32>} : memref<32x1024xf32, #tpu.memory_space<vmem>>, vector<1x16xf32>,
      %swap3A_67 = vector.shape_cast %swap3A_66 : vector<1x16xf32> to vector<16xf32>
      %swap3A_68 = vector.shape_cast %add3A_64 : vector<16xf32> to vector<1x16xf32>
      tpu.vector_store %arg10[%swap3A, %swap3A_65], %swap3A_68 {strides = array<i32>} : memref<32x1024xf32, #tpu.memory_space<vmem>>, vector<1x16xf32>,
      %get3A_69 = arith.index_cast %scan3A_46 : i32 to index
      %get3A_70 = arith.constant 16 : index
      %get3A_71 = tpu.vector_load %arg10[%get3A_69, %get3A_70] {strides = array<i32>} : memref<32x1024xf32, #tpu.memory_space<vmem>>, vector<1x16xf32>,
      %get3A_72 = vector.shape_cast %get3A_71 : vector<1x16xf32> to vector<16xf32>
      %mul3A_73 = arith.mulf %get3A_72, %get3A_49 : vector<16xf32>
      %get3A_74 = arith.index_cast %scan3A_46 : i32 to index
      %get3A_75 = arith.constant 16 : index
      %get3A_76 = tpu.vector_load %arg11[%get3A_74, %get3A_75] {strides = array<i32>} : memref<32x1024xf32, #tpu.memory_space<vmem>>, vector<1x16xf32>,
      %get3A_77 = vector.shape_cast %get3A_76 : vector<1x16xf32> to vector<16xf32>
      %mul3A_78 = arith.mulf %get3A_77, %get3A_53 : vector<16xf32>
      %add3A_79 = arith.addf %mul3A_73, %mul3A_78 : vector<16xf32>
      %swap3A_80 = arith.index_cast %scan3A_46 : i32 to index
      %swap3A_81 = arith.constant 16 : index
      %swap3A_82 = tpu.vector_load %arg10[%swap3A_80, %swap3A_81] {strides = array<i32>} : memref<32x1024xf32, #tpu.memory_space<vmem>>, vector<1x16xf32>,
      %swap3A_83 = vector.shape_cast %swap3A_82 : vector<1x16xf32> to vector<16xf32>
      %swap3A_84 = vector.shape_cast %add3A_79 : vector<16xf32> to vector<1x16xf32>
      tpu.vector_store %arg10[%swap3A_80, %swap3A_81], %swap3A_84 {strides = array<i32>} : memref<32x1024xf32, #tpu.memory_space<vmem>>, vector<1x16xf32>,
      %get3A_85 = arith.index_cast %scan3A_46 : i32 to index
      %get3A_86 = arith.constant 32 : index
      %get3A_87 = tpu.vector_load %arg10[%get3A_85, %get3A_86] {strides = array<i32>} : memref<32x1024xf32, #tpu.memory_space<vmem>>, vector<1x16xf32>,
      %get3A_88 = vector.shape_cast %get3A_87 : vector<1x16xf32> to vector<16xf32>
      %mul3A_89 = arith.mulf %get3A_88, %get3A_49 : vector<16xf32>
      %get3A_90 = arith.index_cast %scan3A_46 : i32 to index
      %get3A_91 = arith.constant 32 : index
      %get3A_92 = tpu.vector_load %arg11[%get3A_90, %get3A_91] {strides = array<i32>} : memref<32x1024xf32, #tpu.memory_space<vmem>>, vector<1x16xf32>,
      %get3A_93 = vector.shape_cast %get3A_92 : vector<1x16xf32> to vector<16xf32>
      %mul3A_94 = arith.mulf %get3A_93, %get3A_53 : vector<16xf32>
      %add3A_95 = arith.addf %mul3A_89, %mul3A_94 : vector<16xf32>
      %swap3A_96 = arith.index_cast %scan3A_46 : i32 to index
      %swap3A_97 = arith.constant 32 : index
      %swap3A_98 = tpu.vector_load %arg10[%swap3A_96, %swap3A_97] {strides = array<i32>} : memref<32x1024xf32, #tpu.memory_space<vmem>>, vector<1x16xf32>,
      %swap3A_99 = vector.shape_cast %swap3A_98 : vector<1x16xf32> to vector<16xf32>
      %swap3A_100 = vector.shape_cast %add3A_95 : vector<16xf32> to vector<1x16xf32>
      tpu.vector_store %arg10[%swap3A_96, %swap3A_97], %swap3A_100 {strides = array<i32>} : memref<32x1024xf32, #tpu.memory_space<vmem>>, vector<1x16xf32>,
      %get3A_101 = arith.index_cast %scan3A_46 : i32 to index
      %get3A_102 = arith.constant 48 : index
      %get3A_103 = tpu.vector_load %arg10[%get3A_101, %get3A_102] {strides = array<i32>} : memref<32x1024xf32, #tpu.memory_space<vmem>>, vector<1x16xf32>,
      %get3A_104 = vector.shape_cast %get3A_103 : vector<1x16xf32> to vector<16xf32>
      %mul3A_105 = arith.mulf %get3A_104, %get3A_49 : vector<16xf32>
      %get3A_106 = arith.index_cast %scan3A_46 : i32 to index
      %get3A_107 = arith.constant 48 : index
      %get3A_108 = tpu.vector_load %arg11[%get3A_106, %get3A_107] {strides = array<i32>} : memref<32x1024xf32, #tpu.memory_space<vmem>>, vector<1x16xf32>,
      %get3A_109 = vector.shape_cast %get3A_108 : vector<1x16xf32> to vector<16xf32>
      %mul3A_110 = arith.mulf %get3A_109, %get3A_53 : vector<16xf32>
      %add3A_111 = arith.addf %mul3A_105, %mul3A_110 : vector<16xf32>
      %swap3A_112 = arith.index_cast %scan3A_46 : i32 to index
      %swap3A_113 = arith.constant 48 : index
      %swap3A_114 = tpu.vector_load %arg10[%swap3A_112, %swap3A_113] {strides = array<i32>} : memref<32x1024xf32, #tpu.memory_space<vmem>>, vector<1x16xf32>,
      %swap3A_115 = vector.shape_cast %swap3A_114 : vector<1x16xf32> to vector<16xf32>
      %swap3A_116 = vector.shape_cast %add3A_111 : vector<16xf32> to vector<1x16xf32>
      tpu.vector_store %arg10[%swap3A_112, %swap3A_113], %swap3A_116 {strides = array<i32>} : memref<32x1024xf32, #tpu.memory_space<vmem>>, vector<1x16xf32>,
      %get3A_117 = arith.index_cast %scan3A_46 : i32 to index
      %get3A_118 = arith.constant 64 : index
      %get3A_119 = tpu.vector_load %arg10[%get3A_117, %get3A_118] {strides = array<i32>} : memref<32x1024xf32, #tpu.memory_space<vmem>>, vector<1x16xf32>,
      %get3A_120 = vector.shape_cast %get3A_119 : vector<1x16xf32> to vector<16xf32>
      %mul3A_121 = arith.mulf %get3A_120, %get3A_49 : vector<16xf32>
      %get3A_122 = arith.index_cast %scan3A_46 : i32 to index
      %get3A_123 = arith.constant 64 : index
      %get3A_124 = tpu.vector_load %arg11[%get3A_122, %get3A_123] {strides = array<i32>} : memref<32x1024xf32, #tpu.memory_space<vmem>>, vector<1x16xf32>,
      %get3A_125 = vector.shape_cast %get3A_124 : vector<1x16xf32> to vector<16xf32>
      %mul3A_126 = arith.mulf %get3A_125, %get3A_53 : vector<16xf32>
      %add3A_127 = arith.addf %mul3A_121, %mul3A_126 : vector<16xf32>
      %swap3A_128 = arith.index_cast %scan3A_46 : i32 to index
      %swap3A_129 = arith.constant 64 : index
      %swap3A_130 = tpu.vector_load %arg10[%swap3A_128, %swap3A_129] {strides = array<i32>} : memref<32x1024xf32, #tpu.memory_space<vmem>>, vector<1x16xf32>,
      %swap3A_131 = vector.shape_cast %swap3A_130 : vector<1x16xf32> to vector<16xf32>
      %swap3A_132 = vector.shape_cast %add3A_127 : vector<16xf32> to vector<1x16xf32>
      tpu.vector_store %arg10[%swap3A_128, %swap3A_129], %swap3A_132 {strides = array<i32>} : memref<32x1024xf32, #tpu.memory_space<vmem>>, vector<1x16xf32>,
      %get3A_133 = arith.index_cast %scan3A_46 : i32 to index
      %get3A_134 = arith.constant 80 : index
      %get3A_135 = tpu.vector_load %arg10[%get3A_133, %get3A_134] {strides = array<i32>} : memref<32x1024xf32, #tpu.memory_space<vmem>>, vector<1x16xf32>,
      %get3A_136 = vector.shape_cast %get3A_135 : vector<1x16xf32> to vector<16xf32>
      %mul3A_137 = arith.mulf %get3A_136, %get3A_49 : vector<16xf32>
      %get3A_138 = arith.index_cast %scan3A_46 : i32 to index
      %get3A_139 = arith.constant 80 : index
      %get3A_140 = tpu.vector_load %arg11[%get3A_138, %get3A_139] {strides = array<i32>} : memref<32x1024xf32, #tpu.memory_space<vmem>>, vector<1x16xf32>,
      %get3A_141 = vector.shape_cast %get3A_140 : vector<1x16xf32> to vector<16xf32>
      %mul3A_142 = arith.mulf %get3A_141, %get3A_53 : vector<16xf32>
      %add3A_143 = arith.addf %mul3A_137, %mul3A_142 : vector<16xf32>
      %swap3A_144 = arith.index_cast %scan3A_46 : i32 to index
      %swap3A_145 = arith.constant 80 : index
      %swap3A_146 = tpu.vector_load %arg10[%swap3A_144, %swap3A_145] {strides = array<i32>} : memref<32x1024xf32, #tpu.memory_space<vmem>>, vector<1x16xf32>,
      %swap3A_147 = vector.shape_cast %swap3A_146 : vector<1x16xf32> to vector<16xf32>
      %swap3A_148 = vector.shape_cast %add3A_143 : vector<16xf32> to vector<1x16xf32>
      tpu.vector_store %arg10[%swap3A_144, %swap3A_145], %swap3A_148 {strides = array<i32>} : memref<32x1024xf32, #tpu.memory_space<vmem>>, vector<1x16xf32>,
      %get3A_149 = arith.index_cast %scan3A_46 : i32 to index
      %get3A_150 = arith.constant 96 : index
      %get3A_151 = tpu.vector_load %arg10[%get3A_149, %get3A_150] {strides = array<i32>} : memref<32x1024xf32, #tpu.memory_space<vmem>>, vector<1x16xf32>,
      %get3A_152 = vector.shape_cast %get3A_151 : vector<1x16xf32> to vector<16xf32>
      %mul3A_153 = arith.mulf %get3A_152, %get3A_49 : vector<16xf32>
      %get3A_154 = arith.index_cast %scan3A_46 : i32 to index
      %get3A_155 = arith.constant 96 : index
      %get3A_156 = tpu.vector_load %arg11[%get3A_154, %get3A_155] {strides = array<i32>} : memref<32x1024xf32, #tpu.memory_space<vmem>>, vector<1x16xf32>,
      %get3A_157 = vector.shape_cast %get3A_156 : vector<1x16xf32> to vector<16xf32>
      %mul3A_158 = arith.mulf %get3A_157, %get3A_53 : vector<16xf32>
      %add3A_159 = arith.addf %mul3A_153, %mul3A_158 : vector<16xf32>
      %swap3A_160 = arith.index_cast %scan3A_46 : i32 to index
      %swap3A_161 = arith.constant 96 : index
      %swap3A_162 = tpu.vector_load %arg10[%swap3A_160, %swap3A_161] {strides = array<i32>} : memref<32x1024xf32, #tpu.memory_space<vmem>>, vector<1x16xf32>,
      %swap3A_163 = vector.shape_cast %swap3A_162 : vector<1x16xf32> to vector<16xf32>
      %swap3A_164 = vector.shape_cast %add3A_159 : vector<16xf32> to vector<1x16xf32>
      tpu.vector_store %arg10[%swap3A_160, %swap3A_161], %swap3A_164 {strides = array<i32>} : memref<32x1024xf32, #tpu.memory_space<vmem>>, vector<1x16xf32>,
      %get3A_165 = arith.index_cast %scan3A_46 : i32 to index
      %get3A_166 = arith.constant 112 : index
      %get3A_167 = tpu.vector_load %arg10[%get3A_165, %get3A_166] {strides = array<i32>} : memref<32x1024xf32, #tpu.memory_space<vmem>>, vector<1x16xf32>,
      %get3A_168 = vector.shape_cast %get3A_167 : vector<1x16xf32> to vector<16xf32>
      %mul3A_169 = arith.mulf %get3A_168, %get3A_49 : vector<16xf32>
      %get3A_170 = arith.index_cast %scan3A_46 : i32 to index
      %get3A_171 = arith.constant 112 : index
      %get3A_172 = tpu.vector_load %arg11[%get3A_170, %get3A_171] {strides = array<i32>} : memref<32x1024xf32, #tpu.memory_space<vmem>>, vector<1x16xf32>,
      %get3A_173 = vector.shape_cast %get3A_172 : vector<1x16xf32> to vector<16xf32>
      %mul3A_174 = arith.mulf %get3A_173, %get3A_53 : vector<16xf32>
      %add3A_175 = arith.addf %mul3A_169, %mul3A_174 : vector<16xf32>
      %swap3A_176 = arith.index_cast %scan3A_46 : i32 to index
      %swap3A_177 = arith.constant 112 : index
      %swap3A_178 = tpu.vector_load %arg10[%swap3A_176, %swap3A_177] {strides = array<i32>} : memref<32x1024xf32, #tpu.memory_space<vmem>>, vector<1x16xf32>,
      %swap3A_179 = vector.shape_cast %swap3A_178 : vector<1x16xf32> to vector<16xf32>
      %swap3A_180 = vector.shape_cast %add3A_175 : vector<16xf32> to vector<1x16xf32>
      tpu.vector_store %arg10[%swap3A_176, %swap3A_177], %swap3A_180 {strides = array<i32>} : memref<32x1024xf32, #tpu.memory_space<vmem>>, vector<1x16xf32>,
      %get3A_181 = arith.index_cast %scan3A_46 : i32 to index
      %get3A_182 = arith.constant 128 : index
      %get3A_183 = tpu.vector_load %arg10[%get3A_181, %get3A_182] {strides = array<i32>} : memref<32x1024xf32, #tpu.memory_space<vmem>>, vector<1x16xf32>,
      %get3A_184 = vector.shape_cast %get3A_183 : vector<1x16xf32> to vector<16xf32>
      %mul3A_185 = arith.mulf %get3A_184, %get3A_49 : vector<16xf32>
      %get3A_186 = arith.index_cast %scan3A_46 : i32 to index
      %get3A_187 = arith.constant 128 : index
      %get3A_188 = tpu.vector_load %arg11[%get3A_186, %get3A_187] {strides = array<i32>} : memref<32x1024xf32, #tpu.memory_space<vmem>>, vector<1x16xf32>,
      %get3A_189 = vector.shape_cast %get3A_188 : vector<1x16xf32> to vector<16xf32>
      %mul3A_190 = arith.mulf %get3A_189, %get3A_53 : vector<16xf32>
      %add3A_191 = arith.addf %mul3A_185, %mul3A_190 : vector<16xf32>
      %swap3A_192 = arith.index_cast %scan3A_46 : i32 to index
      %swap3A_193 = arith.constant 128 : index
      %swap3A_194 = tpu.vector_load %arg10[%swap3A_192, %swap3A_193] {strides = array<i32>} : memref<32x1024xf32, #tpu.memory_space<vmem>>, vector<1x16xf32>,
      %swap3A_195 = vector.shape_cast %swap3A_194 : vector<1x16xf32> to vector<16xf32>
      %swap3A_196 = vector.shape_cast %add3A_191 : vector<16xf32> to vector<1x16xf32>
      tpu.vector_store %arg10[%swap3A_192, %swap3A_193], %swap3A_196 {strides = array<i32>} : memref<32x1024xf32, #tpu.memory_space<vmem>>, vector<1x16xf32>,
      %get3A_197 = arith.index_cast %scan3A_46 : i32 to index
      %get3A_198 = arith.constant 144 : index
      %get3A_199 = tpu.vector_load %arg10[%get3A_197, %get3A_198] {strides = array<i32>} : memref<32x1024xf32, #tpu.memory_space<vmem>>, vector<1x16xf32>,
      %get3A_200 = vector.shape_cast %get3A_199 : vector<1x16xf32> to vector<16xf32>
      %mul3A_201 = arith.mulf %get3A_200, %get3A_49 : vector<16xf32>
      %get3A_202 = arith.index_cast %scan3A_46 : i32 to index
      %get3A_203 = arith.constant 144 : index
      %get3A_204 = tpu.vector_load %arg11[%get3A_202, %get3A_203] {strides = array<i32>} : memref<32x1024xf32, #tpu.memory_space<vmem>>, vector<1x16xf32>,
      %get3A_205 = vector.shape_cast %get3A_204 : vector<1x16xf32> to vector<16xf32>
      %mul3A_206 = arith.mulf %get3A_205, %get3A_53 : vector<16xf32>
      %add3A_207 = arith.addf %mul3A_201, %mul3A_206 : vector<16xf32>
      %swap3A_208 = arith.index_cast %scan3A_46 : i32 to index
      %swap3A_209 = arith.constant 144 : index
      %swap3A_210 = tpu.vector_load %arg10[%swap3A_208, %swap3A_209] {strides = array<i32>} : memref<32x1024xf32, #tpu.memory_space<vmem>>, vector<1x16xf32>,
      %swap3A_211 = vector.shape_cast %swap3A_210 : vector<1x16xf32> to vector<16xf32>
      %swap3A_212 = vector.shape_cast %add3A_207 : vector<16xf32> to vector<1x16xf32>
      tpu.vector_store %arg10[%swap3A_208, %swap3A_209], %swap3A_212 {strides = array<i32>} : memref<32x1024xf32, #tpu.memory_space<vmem>>, vector<1x16xf32>,
      %get3A_213 = arith.index_cast %scan3A_46 : i32 to index
      %get3A_214 = arith.constant 160 : index
      %get3A_215 = tpu.vector_load %arg10[%get3A_213, %get3A_214] {strides = array<i32>} : memref<32x1024xf32, #tpu.memory_space<vmem>>, vector<1x16xf32>,
      %get3A_216 = vector.shape_cast %get3A_215 : vector<1x16xf32> to vector<16xf32>
      %mul3A_217 = arith.mulf %get3A_216, %get3A_49 : vector<16xf32>
      %get3A_218 = arith.index_cast %scan3A_46 : i32 to index
      %get3A_219 = arith.constant 160 : index
      %get3A_220 = tpu.vector_load %arg11[%get3A_218, %get3A_219] {strides = array<i32>} : memref<32x1024xf32, #tpu.memory_space<vmem>>, vector<1x16xf32>,
      %get3A_221 = vector.shape_cast %get3A_220 : vector<1x16xf32> to vector<16xf32>
      %mul3A_222 = arith.mulf %get3A_221, %get3A_53 : vector<16xf32>
      %add3A_223 = arith.addf %mul3A_217, %mul3A_222 : vector<16xf32>
      %swap3A_224 = arith.index_cast %scan3A_46 : i32 to index
      %swap3A_225 = arith.constant 160 : index
      %swap3A_226 = tpu.vector_load %arg10[%swap3A_224, %swap3A_225] {strides = array<i32>} : memref<32x1024xf32, #tpu.memory_space<vmem>>, vector<1x16xf32>,
      %swap3A_227 = vector.shape_cast %swap3A_226 : vector<1x16xf32> to vector<16xf32>
      %swap3A_228 = vector.shape_cast %add3A_223 : vector<16xf32> to vector<1x16xf32>
      tpu.vector_store %arg10[%swap3A_224, %swap3A_225], %swap3A_228 {strides = array<i32>} : memref<32x1024xf32, #tpu.memory_space<vmem>>, vector<1x16xf32>,
      %get3A_229 = arith.index_cast %scan3A_46 : i32 to index
      %get3A_230 = arith.constant 176 : index
      %get3A_231 = tpu.vector_load %arg10[%get3A_229, %get3A_230] {strides = array<i32>} : memref<32x1024xf32, #tpu.memory_space<vmem>>, vector<1x16xf32>,
      %get3A_232 = vector.shape_cast %get3A_231 : vector<1x16xf32> to vector<16xf32>
      %mul3A_233 = arith.mulf %get3A_232, %get3A_49 : vector<16xf32>
      %get3A_234 = arith.index_cast %scan3A_46 : i32 to index
      %get3A_235 = arith.constant 176 : index
      %get3A_236 = tpu.vector_load %arg11[%get3A_234, %get3A_235] {strides = array<i32>} : memref<32x1024xf32, #tpu.memory_space<vmem>>, vector<1x16xf32>,
      %get3A_237 = vector.shape_cast %get3A_236 : vector<1x16xf32> to vector<16xf32>
      %mul3A_238 = arith.mulf %get3A_237, %get3A_53 : vector<16xf32>
      %add3A_239 = arith.addf %mul3A_233, %mul3A_238 : vector<16xf32>
      %swap3A_240 = arith.index_cast %scan3A_46 : i32 to index
      %swap3A_241 = arith.constant 176 : index
      %swap3A_242 = tpu.vector_load %arg10[%swap3A_240, %swap3A_241] {strides = array<i32>} : memref<32x1024xf32, #tpu.memory_space<vmem>>, vector<1x16xf32>,
      %swap3A_243 = vector.shape_cast %swap3A_242 : vector<1x16xf32> to vector<16xf32>
      %swap3A_244 = vector.shape_cast %add3A_239 : vector<16xf32> to vector<1x16xf32>
      tpu.vector_store %arg10[%swap3A_240, %swap3A_241], %swap3A_244 {strides = array<i32>} : memref<32x1024xf32, #tpu.memory_space<vmem>>, vector<1x16xf32>,
      %get3A_245 = arith.index_cast %scan3A_46 : i32 to index
      %get3A_246 = arith.constant 192 : index
      %get3A_247 = tpu.vector_load %arg10[%get3A_245, %get3A_246] {strides = array<i32>} : memref<32x1024xf32, #tpu.memory_space<vmem>>, vector<1x16xf32>,
      %get3A_248 = vector.shape_cast %get3A_247 : vector<1x16xf32> to vector<16xf32>
      %mul3A_249 = arith.mulf %get3A_248, %get3A_49 : vector<16xf32>
      %get3A_250 = arith.index_cast %scan3A_46 : i32 to index
      %get3A_251 = arith.constant 192 : index
      %get3A_252 = tpu.vector_load %arg11[%get3A_250, %get3A_251] {strides = array<i32>} : memref<32x1024xf32, #tpu.memory_space<vmem>>, vector<1x16xf32>,
      %get3A_253 = vector.shape_cast %get3A_252 : vector<1x16xf32> to vector<16xf32>
      %mul3A_254 = arith.mulf %get3A_253, %get3A_53 : vector<16xf32>
      %add3A_255 = arith.addf %mul3A_249, %mul3A_254 : vector<16xf32>
      %swap3A_256 = arith.index_cast %scan3A_46 : i32 to index
      %swap3A_257 = arith.constant 192 : index
      %swap3A_258 = tpu.vector_load %arg10[%swap3A_256, %swap3A_257] {strides = array<i32>} : memref<32x1024xf32, #tpu.memory_space<vmem>>, vector<1x16xf32>,
      %swap3A_259 = vector.shape_cast %swap3A_258 : vector<1x16xf32> to vector<16xf32>
      %swap3A_260 = vector.shape_cast %add3A_255 : vector<16xf32> to vector<1x16xf32>
      tpu.vector_store %arg10[%swap3A_256, %swap3A_257], %swap3A_260 {strides = array<i32>} : memref<32x1024xf32, #tpu.memory_space<vmem>>, vector<1x16xf32>,
      %get3A_261 = arith.index_cast %scan3A_46 : i32 to index
      %get3A_262 = arith.constant 208 : index
      %get3A_263 = tpu.vector_load %arg10[%get3A_261, %get3A_262] {strides = array<i32>} : memref<32x1024xf32, #tpu.memory_space<vmem>>, vector<1x16xf32>,
      %get3A_264 = vector.shape_cast %get3A_263 : vector<1x16xf32> to vector<16xf32>
      %mul3A_265 = arith.mulf %get3A_264, %get3A_49 : vector<16xf32>
      %get3A_266 = arith.index_cast %scan3A_46 : i32 to index
      %get3A_267 = arith.constant 208 : index
      %get3A_268 = tpu.vector_load %arg11[%get3A_266, %get3A_267] {strides = array<i32>} : memref<32x1024xf32, #tpu.memory_space<vmem>>, vector<1x16xf32>,
      %get3A_269 = vector.shape_cast %get3A_268 : vector<1x16xf32> to vector<16xf32>
      %mul3A_270 = arith.mulf %get3A_269, %get3A_53 : vector<16xf32>
      %add3A_271 = arith.addf %mul3A_265, %mul3A_270 : vector<16xf32>
      %swap3A_272 = arith.index_cast %scan3A_46 : i32 to index
      %swap3A_273 = arith.constant 208 : index
      %swap3A_274 = tpu.vector_load %arg10[%swap3A_272, %swap3A_273] {strides = array<i32>} : memref<32x1024xf32, #tpu.memory_space<vmem>>, vector<1x16xf32>,
      %swap3A_275 = vector.shape_cast %swap3A_274 : vector<1x16xf32> to vector<16xf32>
      %swap3A_276 = vector.shape_cast %add3A_271 : vector<16xf32> to vector<1x16xf32>
      tpu.vector_store %arg10[%swap3A_272, %swap3A_273], %swap3A_276 {strides = array<i32>} : memref<32x1024xf32, #tpu.memory_space<vmem>>, vector<1x16xf32>,
      %get3A_277 = arith.index_cast %scan3A_46 : i32 to index
      %get3A_278 = arith.constant 224 : index
      %get3A_279 = tpu.vector_load %arg10[%get3A_277, %get3A_278] {strides = array<i32>} : memref<32x1024xf32, #tpu.memory_space<vmem>>, vector<1x16xf32>,
      %get3A_280 = vector.shape_cast %get3A_279 : vector<1x16xf32> to vector<16xf32>
      %mul3A_281 = arith.mulf %get3A_280, %get3A_49 : vector<16xf32>
      %get3A_282 = arith.index_cast %scan3A_46 : i32 to index
      %get3A_283 = arith.constant 224 : index
      %get3A_284 = tpu.vector_load %arg11[%get3A_282, %get3A_283] {strides = array<i32>} : memref<32x1024xf32, #tpu.memory_space<vmem>>, vector<1x16xf32>,
      %get3A_285 = vector.shape_cast %get3A_284 : vector<1x16xf32> to vector<16xf32>
      %mul3A_286 = arith.mulf %get3A_285, %get3A_53 : vector<16xf32>
      %add3A_287 = arith.addf %mul3A_281, %mul3A_286 : vector<16xf32>
      %swap3A_288 = arith.index_cast %scan3A_46 : i32 to index
      %swap3A_289 = arith.constant 224 : index
      %swap3A_290 = tpu.vector_load %arg10[%swap3A_288, %swap3A_289] {strides = array<i32>} : memref<32x1024xf32, #tpu.memory_space<vmem>>, vector<1x16xf32>,
      %swap3A_291 = vector.shape_cast %swap3A_290 : vector<1x16xf32> to vector<16xf32>
      %swap3A_292 = vector.shape_cast %add3A_287 : vector<16xf32> to vector<1x16xf32>
      tpu.vector_store %arg10[%swap3A_288, %swap3A_289], %swap3A_292 {strides = array<i32>} : memref<32x1024xf32, #tpu.memory_space<vmem>>, vector<1x16xf32>,
      %get3A_293 = arith.index_cast %scan3A_46 : i32 to index
      %get3A_294 = arith.constant 240 : index
      %get3A_295 = tpu.vector_load %arg10[%get3A_293, %get3A_294] {strides = array<i32>} : memref<32x1024xf32, #tpu.memory_space<vmem>>, vector<1x16xf32>,
      %get3A_296 = vector.shape_cast %get3A_295 : vector<1x16xf32> to vector<16xf32>
      %mul3A_297 = arith.mulf %get3A_296, %get3A_49 : vector<16xf32>
      %get3A_298 = arith.index_cast %scan3A_46 : i32 to index
      %get3A_299 = arith.constant 240 : index
      %get3A_300 = tpu.vector_load %arg11[%get3A_298, %get3A_299] {strides = array<i32>} : memref<32x1024xf32, #tpu.memory_space<vmem>>, vector<1x16xf32>,
      %get3A_301 = vector.shape_cast %get3A_300 : vector<1x16xf32> to vector<16xf32>
      %mul3A_302 = arith.mulf %get3A_301, %get3A_53 : vector<16xf32>
      %add3A_303 = arith.addf %mul3A_297, %mul3A_302 : vector<16xf32>
      %swap3A_304 = arith.index_cast %scan3A_46 : i32 to index
      %swap3A_305 = arith.constant 240 : index
      %swap3A_306 = tpu.vector_load %arg10[%swap3A_304, %swap3A_305] {strides = array<i32>} : memref<32x1024xf32, #tpu.memory_space<vmem>>, vector<1x16xf32>,
      %swap3A_307 = vector.shape_cast %swap3A_306 : vector<1x16xf32> to vector<16xf32>
      %swap3A_308 = vector.shape_cast %add3A_303 : vector<16xf32> to vector<1x16xf32>
      tpu.vector_store %arg10[%swap3A_304, %swap3A_305], %swap3A_308 {strides = array<i32>} : memref<32x1024xf32, #tpu.memory_space<vmem>>, vector<1x16xf32>,
      %get3A_309 = arith.index_cast %scan3A_46 : i32 to index
      %get3A_310 = arith.constant 256 : index
      %get3A_311 = tpu.vector_load %arg10[%get3A_309, %get3A_310] {strides = array<i32>} : memref<32x1024xf32, #tpu.memory_space<vmem>>, vector<1x16xf32>,
      %get3A_312 = vector.shape_cast %get3A_311 : vector<1x16xf32> to vector<16xf32>
      %mul3A_313 = arith.mulf %get3A_312, %get3A_49 : vector<16xf32>
      %get3A_314 = arith.index_cast %scan3A_46 : i32 to index
      %get3A_315 = arith.constant 256 : index
      %get3A_316 = tpu.vector_load %arg11[%get3A_314, %get3A_315] {strides = array<i32>} : memref<32x1024xf32, #tpu.memory_space<vmem>>, vector<1x16xf32>,
      %get3A_317 = vector.shape_cast %get3A_316 : vector<1x16xf32> to vector<16xf32>
      %mul3A_318 = arith.mulf %get3A_317, %get3A_53 : vector<16xf32>
      %add3A_319 = arith.addf %mul3A_313, %mul3A_318 : vector<16xf32>
      %swap3A_320 = arith.index_cast %scan3A_46 : i32 to index
      %swap3A_321 = arith.constant 256 : index
      %swap3A_322 = tpu.vector_load %arg10[%swap3A_320, %swap3A_321] {strides = array<i32>} : memref<32x1024xf32, #tpu.memory_space<vmem>>, vector<1x16xf32>,
      %swap3A_323 = vector.shape_cast %swap3A_322 : vector<1x16xf32> to vector<16xf32>
      %swap3A_324 = vector.shape_cast %add3A_319 : vector<16xf32> to vector<1x16xf32>
      tpu.vector_store %arg10[%swap3A_320, %swap3A_321], %swap3A_324 {strides = array<i32>} : memref<32x1024xf32, #tpu.memory_space<vmem>>, vector<1x16xf32>,
      %get3A_325 = arith.index_cast %scan3A_46 : i32 to index
      %get3A_326 = arith.constant 272 : index
      %get3A_327 = tpu.vector_load %arg10[%get3A_325, %get3A_326] {strides = array<i32>} : memref<32x1024xf32, #tpu.memory_space<vmem>>, vector<1x16xf32>,
      %get3A_328 = vector.shape_cast %get3A_327 : vector<1x16xf32> to vector<16xf32>
      %mul3A_329 = arith.mulf %get3A_328, %get3A_49 : vector<16xf32>
      %get3A_330 = arith.index_cast %scan3A_46 : i32 to index
      %get3A_331 = arith.constant 272 : index
      %get3A_332 = tpu.vector_load %arg11[%get3A_330, %get3A_331] {strides = array<i32>} : memref<32x1024xf32, #tpu.memory_space<vmem>>, vector<1x16xf32>,
      %get3A_333 = vector.shape_cast %get3A_332 : vector<1x16xf32> to vector<16xf32>
      %mul3A_334 = arith.mulf %get3A_333, %get3A_53 : vector<16xf32>
      %add3A_335 = arith.addf %mul3A_329, %mul3A_334 : vector<16xf32>
      %swap3A_336 = arith.index_cast %scan3A_46 : i32 to index
      %swap3A_337 = arith.constant 272 : index
      %swap3A_338 = tpu.vector_load %arg10[%swap3A_336, %swap3A_337] {strides = array<i32>} : memref<32x1024xf32, #tpu.memory_space<vmem>>, vector<1x16xf32>,
      %swap3A_339 = vector.shape_cast %swap3A_338 : vector<1x16xf32> to vector<16xf32>
      %swap3A_340 = vector.shape_cast %add3A_335 : vector<16xf32> to vector<1x16xf32>
      tpu.vector_store %arg10[%swap3A_336, %swap3A_337], %swap3A_340 {strides = array<i32>} : memref<32x1024xf32, #tpu.memory_space<vmem>>, vector<1x16xf32>,
      %get3A_341 = arith.index_cast %scan3A_46 : i32 to index
      %get3A_342 = arith.constant 288 : index
      %get3A_343 = tpu.vector_load %arg10[%get3A_341, %get3A_342] {strides = array<i32>} : memref<32x1024xf32, #tpu.memory_space<vmem>>, vector<1x16xf32>,
      %get3A_344 = vector.shape_cast %get3A_343 : vector<1x16xf32> to vector<16xf32>
      %mul3A_345 = arith.mulf %get3A_344, %get3A_49 : vector<16xf32>
      %get3A_346 = arith.index_cast %scan3A_46 : i32 to index
      %get3A_347 = arith.constant 288 : index
      %get3A_348 = tpu.vector_load %arg11[%get3A_346, %get3A_347] {strides = array<i32>} : memref<32x1024xf32, #tpu.memory_space<vmem>>, vector<1x16xf32>,
      %get3A_349 = vector.shape_cast %get3A_348 : vector<1x16xf32> to vector<16xf32>
      %mul3A_350 = arith.mulf %get3A_349, %get3A_53 : vector<16xf32>
      %add3A_351 = arith.addf %mul3A_345, %mul3A_350 : vector<16xf32>
      %swap3A_352 = arith.index_cast %scan3A_46 : i32 to index
      %swap3A_353 = arith.constant 288 : index
      %swap3A_354 = tpu.vector_load %arg10[%swap3A_352, %swap3A_353] {strides = array<i32>} : memref<32x1024xf32, #tpu.memory_space<vmem>>, vector<1x16xf32>,
      %swap3A_355 = vector.shape_cast %swap3A_354 : vector<1x16xf32> to vector<16xf32>
      %swap3A_356 = vector.shape_cast %add3A_351 : vector<16xf32> to vector<1x16xf32>
      tpu.vector_store %arg10[%swap3A_352, %swap3A_353], %swap3A_356 {strides = array<i32>} : memref<32x1024xf32, #tpu.memory_space<vmem>>, vector<1x16xf32>,
      %get3A_357 = arith.index_cast %scan3A_46 : i32 to index
      %get3A_358 = arith.constant 304 : index
      %get3A_359 = tpu.vector_load %arg10[%get3A_357, %get3A_358] {strides = array<i32>} : memref<32x1024xf32, #tpu.memory_space<vmem>>, vector<1x16xf32>,
      %get3A_360 = vector.shape_cast %get3A_359 : vector<1x16xf32> to vector<16xf32>
      %mul3A_361 = arith.mulf %get3A_360, %get3A_49 : vector<16xf32>
      %get3A_362 = arith.index_cast %scan3A_46 : i32 to index
      %get3A_363 = arith.constant 304 : index
      %get3A_364 = tpu.vector_load %arg11[%get3A_362, %get3A_363] {strides = array<i32>} : memref<32x1024xf32, #tpu.memory_space<vmem>>, vector<1x16xf32>,
      %get3A_365 = vector.shape_cast %get3A_364 : vector<1x16xf32> to vector<16xf32>
      %mul3A_366 = arith.mulf %get3A_365, %get3A_53 : vector<16xf32>
      %add3A_367 = arith.addf %mul3A_361, %mul3A_366 : vector<16xf32>
      %swap3A_368 = arith.index_cast %scan3A_46 : i32 to index
      %swap3A_369 = arith.constant 304 : index
      %swap3A_370 = tpu.vector_load %arg10[%swap3A_368, %swap3A_369] {strides = array<i32>} : memref<32x1024xf32, #tpu.memory_space<vmem>>, vector<1x16xf32>,
      %swap3A_371 = vector.shape_cast %swap3A_370 : vector<1x16xf32> to vector<16xf32>
      %swap3A_372 = vector.shape_cast %add3A_367 : vector<16xf32> to vector<1x16xf32>
      tpu.vector_store %arg10[%swap3A_368, %swap3A_369], %swap3A_372 {strides = array<i32>} : memref<32x1024xf32, #tpu.memory_space<vmem>>, vector<1x16xf32>,
      %get3A_373 = arith.index_cast %scan3A_46 : i32 to index
      %get3A_374 = arith.constant 320 : index
      %get3A_375 = tpu.vector_load %arg10[%get3A_373, %get3A_374] {strides = array<i32>} : memref<32x1024xf32, #tpu.memory_space<vmem>>, vector<1x16xf32>,
      %get3A_376 = vector.shape_cast %get3A_375 : vector<1x16xf32> to vector<16xf32>
      %mul3A_377 = arith.mulf %get3A_376, %get3A_49 : vector<16xf32>
      %get3A_378 = arith.index_cast %scan3A_46 : i32 to index
      %get3A_379 = arith.constant 320 : index
      %get3A_380 = tpu.vector_load %arg11[%get3A_378, %get3A_379] {strides = array<i32>} : memref<32x1024xf32, #tpu.memory_space<vmem>>, vector<1x16xf32>,
      %get3A_381 = vector.shape_cast %get3A_380 : vector<1x16xf32> to vector<16xf32>
      %mul3A_382 = arith.mulf %get3A_381, %get3A_53 : vector<16xf32>
      %add3A_383 = arith.addf %mul3A_377, %mul3A_382 : vector<16xf32>
      %swap3A_384 = arith.index_cast %scan3A_46 : i32 to index
      %swap3A_385 = arith.constant 320 : index
      %swap3A_386 = tpu.vector_load %arg10[%swap3A_384, %swap3A_385] {strides = array<i32>} : memref<32x1024xf32, #tpu.memory_space<vmem>>, vector<1x16xf32>,
      %swap3A_387 = vector.shape_cast %swap3A_386 : vector<1x16xf32> to vector<16xf32>
      %swap3A_388 = vector.shape_cast %add3A_383 : vector<16xf32> to vector<1x16xf32>
      tpu.vector_store %arg10[%swap3A_384, %swap3A_385], %swap3A_388 {strides = array<i32>} : memref<32x1024xf32, #tpu.memory_space<vmem>>, vector<1x16xf32>,
      %get3A_389 = arith.index_cast %scan3A_46 : i32 to index
      %get3A_390 = arith.constant 336 : index
      %get3A_391 = tpu.vector_load %arg10[%get3A_389, %get3A_390] {strides = array<i32>} : memref<32x1024xf32, #tpu.memory_space<vmem>>, vector<1x16xf32>,
      %get3A_392 = vector.shape_cast %get3A_391 : vector<1x16xf32> to vector<16xf32>
      %mul3A_393 = arith.mulf %get3A_392, %get3A_49 : vector<16xf32>
      %get3A_394 = arith.index_cast %scan3A_46 : i32 to index
      %get3A_395 = arith.constant 336 : index
      %get3A_396 = tpu.vector_load %arg11[%get3A_394, %get3A_395] {strides = array<i32>} : memref<32x1024xf32, #tpu.memory_space<vmem>>, vector<1x16xf32>,
      %get3A_397 = vector.shape_cast %get3A_396 : vector<1x16xf32> to vector<16xf32>
      %mul3A_398 = arith.mulf %get3A_397, %get3A_53 : vector<16xf32>
      %add3A_399 = arith.addf %mul3A_393, %mul3A_398 : vector<16xf32>
      %swap3A_400 = arith.index_cast %scan3A_46 : i32 to index
      %swap3A_401 = arith.constant 336 : index
      %swap3A_402 = tpu.vector_load %arg10[%swap3A_400, %swap3A_401] {strides = array<i32>} : memref<32x1024xf32, #tpu.memory_space<vmem>>, vector<1x16xf32>,
      %swap3A_403 = vector.shape_cast %swap3A_402 : vector<1x16xf32> to vector<16xf32>
      %swap3A_404 = vector.shape_cast %add3A_399 : vector<16xf32> to vector<1x16xf32>
      tpu.vector_store %arg10[%swap3A_400, %swap3A_401], %swap3A_404 {strides = array<i32>} : memref<32x1024xf32, #tpu.memory_space<vmem>>, vector<1x16xf32>,
      %get3A_405 = arith.index_cast %scan3A_46 : i32 to index
      %get3A_406 = arith.constant 352 : index
      %get3A_407 = tpu.vector_load %arg10[%get3A_405, %get3A_406] {strides = array<i32>} : memref<32x1024xf32, #tpu.memory_space<vmem>>, vector<1x16xf32>,
      %get3A_408 = vector.shape_cast %get3A_407 : vector<1x16xf32> to vector<16xf32>
      %mul3A_409 = arith.mulf %get3A_408, %get3A_49 : vector<16xf32>
      %get3A_410 = arith.index_cast %scan3A_46 : i32 to index
      %get3A_411 = arith.constant 352 : index
      %get3A_412 = tpu.vector_load %arg11[%get3A_410, %get3A_411] {strides = array<i32>} : memref<32x1024xf32, #tpu.memory_space<vmem>>, vector<1x16xf32>,
      %get3A_413 = vector.shape_cast %get3A_412 : vector<1x16xf32> to vector<16xf32>
      %mul3A_414 = arith.mulf %get3A_413, %get3A_53 : vector<16xf32>
      %add3A_415 = arith.addf %mul3A_409, %mul3A_414 : vector<16xf32>
      %swap3A_416 = arith.index_cast %scan3A_46 : i32 to index
      %swap3A_417 = arith.constant 352 : index
      %swap3A_418 = tpu.vector_load %arg10[%swap3A_416, %swap3A_417] {strides = array<i32>} : memref<32x1024xf32, #tpu.memory_space<vmem>>, vector<1x16xf32>,
      %swap3A_419 = vector.shape_cast %swap3A_418 : vector<1x16xf32> to vector<16xf32>
      %swap3A_420 = vector.shape_cast %add3A_415 : vector<16xf32> to vector<1x16xf32>
      tpu.vector_store %arg10[%swap3A_416, %swap3A_417], %swap3A_420 {strides = array<i32>} : memref<32x1024xf32, #tpu.memory_space<vmem>>, vector<1x16xf32>,
      %get3A_421 = arith.index_cast %scan3A_46 : i32 to index
      %get3A_422 = arith.constant 368 : index
      %get3A_423 = tpu.vector_load %arg10[%get3A_421, %get3A_422] {strides = array<i32>} : memref<32x1024xf32, #tpu.memory_space<vmem>>, vector<1x16xf32>,
      %get3A_424 = vector.shape_cast %get3A_423 : vector<1x16xf32> to vector<16xf32>
      %mul3A_425 = arith.mulf %get3A_424, %get3A_49 : vector<16xf32>
      %get3A_426 = arith.index_cast %scan3A_46 : i32 to index
      %get3A_427 = arith.constant 368 : index
      %get3A_428 = tpu.vector_load %arg11[%get3A_426, %get3A_427] {strides = array<i32>} : memref<32x1024xf32, #tpu.memory_space<vmem>>, vector<1x16xf32>,
      %get3A_429 = vector.shape_cast %get3A_428 : vector<1x16xf32> to vector<16xf32>
      %mul3A_430 = arith.mulf %get3A_429, %get3A_53 : vector<16xf32>
      %add3A_431 = arith.addf %mul3A_425, %mul3A_430 : vector<16xf32>
      %swap3A_432 = arith.index_cast %scan3A_46 : i32 to index
      %swap3A_433 = arith.constant 368 : index
      %swap3A_434 = tpu.vector_load %arg10[%swap3A_432, %swap3A_433] {strides = array<i32>} : memref<32x1024xf32, #tpu.memory_space<vmem>>, vector<1x16xf32>,
      %swap3A_435 = vector.shape_cast %swap3A_434 : vector<1x16xf32> to vector<16xf32>
      %swap3A_436 = vector.shape_cast %add3A_431 : vector<16xf32> to vector<1x16xf32>
      tpu.vector_store %arg10[%swap3A_432, %swap3A_433], %swap3A_436 {strides = array<i32>} : memref<32x1024xf32, #tpu.memory_space<vmem>>, vector<1x16xf32>,
      %get3A_437 = arith.index_cast %scan3A_46 : i32 to index
      %get3A_438 = arith.constant 384 : index
      %get3A_439 = tpu.vector_load %arg10[%get3A_437, %get3A_438] {strides = array<i32>} : memref<32x1024xf32, #tpu.memory_space<vmem>>, vector<1x16xf32>,
      %get3A_440 = vector.shape_cast %get3A_439 : vector<1x16xf32> to vector<16xf32>
      %mul3A_441 = arith.mulf %get3A_440, %get3A_49 : vector<16xf32>
      %get3A_442 = arith.index_cast %scan3A_46 : i32 to index
      %get3A_443 = arith.constant 384 : index
      %get3A_444 = tpu.vector_load %arg11[%get3A_442, %get3A_443] {strides = array<i32>} : memref<32x1024xf32, #tpu.memory_space<vmem>>, vector<1x16xf32>,
      %get3A_445 = vector.shape_cast %get3A_444 : vector<1x16xf32> to vector<16xf32>
      %mul3A_446 = arith.mulf %get3A_445, %get3A_53 : vector<16xf32>
      %add3A_447 = arith.addf %mul3A_441, %mul3A_446 : vector<16xf32>
      %swap3A_448 = arith.index_cast %scan3A_46 : i32 to index
      %swap3A_449 = arith.constant 384 : index
      %swap3A_450 = tpu.vector_load %arg10[%swap3A_448, %swap3A_449] {strides = array<i32>} : memref<32x1024xf32, #tpu.memory_space<vmem>>, vector<1x16xf32>,
      %swap3A_451 = vector.shape_cast %swap3A_450 : vector<1x16xf32> to vector<16xf32>
      %swap3A_452 = vector.shape_cast %add3A_447 : vector<16xf32> to vector<1x16xf32>
      tpu.vector_store %arg10[%swap3A_448, %swap3A_449], %swap3A_452 {strides = array<i32>} : memref<32x1024xf32, #tpu.memory_space<vmem>>, vector<1x16xf32>,
      %get3A_453 = arith.index_cast %scan3A_46 : i32 to index
      %get3A_454 = arith.constant 400 : index
      %get3A_455 = tpu.vector_load %arg10[%get3A_453, %get3A_454] {strides = array<i32>} : memref<32x1024xf32, #tpu.memory_space<vmem>>, vector<1x16xf32>,
      %get3A_456 = vector.shape_cast %get3A_455 : vector<1x16xf32> to vector<16xf32>
      %mul3A_457 = arith.mulf %get3A_456, %get3A_49 : vector<16xf32>
      %get3A_458 = arith.index_cast %scan3A_46 : i32 to index
      %get3A_459 = arith.constant 400 : index
      %get3A_460 = tpu.vector_load %arg11[%get3A_458, %get3A_459] {strides = array<i32>} : memref<32x1024xf32, #tpu.memory_space<vmem>>, vector<1x16xf32>,
      %get3A_461 = vector.shape_cast %get3A_460 : vector<1x16xf32> to vector<16xf32>
      %mul3A_462 = arith.mulf %get3A_461, %get3A_53 : vector<16xf32>
      %add3A_463 = arith.addf %mul3A_457, %mul3A_462 : vector<16xf32>
      %swap3A_464 = arith.index_cast %scan3A_46 : i32 to index
      %swap3A_465 = arith.constant 400 : index
      %swap3A_466 = tpu.vector_load %arg10[%swap3A_464, %swap3A_465] {strides = array<i32>} : memref<32x1024xf32, #tpu.memory_space<vmem>>, vector<1x16xf32>,
      %swap3A_467 = vector.shape_cast %swap3A_466 : vector<1x16xf32> to vector<16xf32>
      %swap3A_468 = vector.shape_cast %add3A_463 : vector<16xf32> to vector<1x16xf32>
      tpu.vector_store %arg10[%swap3A_464, %swap3A_465], %swap3A_468 {strides = array<i32>} : memref<32x1024xf32, #tpu.memory_space<vmem>>, vector<1x16xf32>,
      %get3A_469 = arith.index_cast %scan3A_46 : i32 to index
      %get3A_470 = arith.constant 416 : index
      %get3A_471 = tpu.vector_load %arg10[%get3A_469, %get3A_470] {strides = array<i32>} : memref<32x1024xf32, #tpu.memory_space<vmem>>, vector<1x16xf32>,
      %get3A_472 = vector.shape_cast %get3A_471 : vector<1x16xf32> to vector<16xf32>
      %mul3A_473 = arith.mulf %get3A_472, %get3A_49 : vector<16xf32>
      %get3A_474 = arith.index_cast %scan3A_46 : i32 to index
      %get3A_475 = arith.constant 416 : index
      %get3A_476 = tpu.vector_load %arg11[%get3A_474, %get3A_475] {strides = array<i32>} : memref<32x1024xf32, #tpu.memory_space<vmem>>, vector<1x16xf32>,
      %get3A_477 = vector.shape_cast %get3A_476 : vector<1x16xf32> to vector<16xf32>
      %mul3A_478 = arith.mulf %get3A_477, %get3A_53 : vector<16xf32>
      %add3A_479 = arith.addf %mul3A_473, %mul3A_478 : vector<16xf32>
      %swap3A_480 = arith.index_cast %scan3A_46 : i32 to index
      %swap3A_481 = arith.constant 416 : index
      %swap3A_482 = tpu.vector_load %arg10[%swap3A_480, %swap3A_481] {strides = array<i32>} : memref<32x1024xf32, #tpu.memory_space<vmem>>, vector<1x16xf32>,
      %swap3A_483 = vector.shape_cast %swap3A_482 : vector<1x16xf32> to vector<16xf32>
      %swap3A_484 = vector.shape_cast %add3A_479 : vector<16xf32> to vector<1x16xf32>
      tpu.vector_store %arg10[%swap3A_480, %swap3A_481], %swap3A_484 {strides = array<i32>} : memref<32x1024xf32, #tpu.memory_space<vmem>>, vector<1x16xf32>,
      %get3A_485 = arith.index_cast %scan3A_46 : i32 to index
      %get3A_486 = arith.constant 432 : index
      %get3A_487 = tpu.vector_load %arg10[%get3A_485, %get3A_486] {strides = array<i32>} : memref<32x1024xf32, #tpu.memory_space<vmem>>, vector<1x16xf32>,
      %get3A_488 = vector.shape_cast %get3A_487 : vector<1x16xf32> to vector<16xf32>
      %mul3A_489 = arith.mulf %get3A_488, %get3A_49 : vector<16xf32>
      %get3A_490 = arith.index_cast %scan3A_46 : i32 to index
      %get3A_491 = arith.constant 432 : index
      %get3A_492 = tpu.vector_load %arg11[%get3A_490, %get3A_491] {strides = array<i32>} : memref<32x1024xf32, #tpu.memory_space<vmem>>, vector<1x16xf32>,
      %get3A_493 = vector.shape_cast %get3A_492 : vector<1x16xf32> to vector<16xf32>
      %mul3A_494 = arith.mulf %get3A_493, %get3A_53 : vector<16xf32>
      %add3A_495 = arith.addf %mul3A_489, %mul3A_494 : vector<16xf32>
      %swap3A_496 = arith.index_cast %scan3A_46 : i32 to index
      %swap3A_497 = arith.constant 432 : index
      %swap3A_498 = tpu.vector_load %arg10[%swap3A_496, %swap3A_497] {strides = array<i32>} : memref<32x1024xf32, #tpu.memory_space<vmem>>, vector<1x16xf32>,
      %swap3A_499 = vector.shape_cast %swap3A_498 : vector<1x16xf32> to vector<16xf32>
      %swap3A_500 = vector.shape_cast %add3A_495 : vector<16xf32> to vector<1x16xf32>
      tpu.vector_store %arg10[%swap3A_496, %swap3A_497], %swap3A_500 {strides = array<i32>} : memref<32x1024xf32, #tpu.memory_space<vmem>>, vector<1x16xf32>,
      %get3A_501 = arith.index_cast %scan3A_46 : i32 to index
      %get3A_502 = arith.constant 448 : index
      %get3A_503 = tpu.vector_load %arg10[%get3A_501, %get3A_502] {strides = array<i32>} : memref<32x1024xf32, #tpu.memory_space<vmem>>, vector<1x16xf32>,
      %get3A_504 = vector.shape_cast %get3A_503 : vector<1x16xf32> to vector<16xf32>
      %mul3A_505 = arith.mulf %get3A_504, %get3A_49 : vector<16xf32>
      %get3A_506 = arith.index_cast %scan3A_46 : i32 to index
      %get3A_507 = arith.constant 448 : index
      %get3A_508 = tpu.vector_load %arg11[%get3A_506, %get3A_507] {strides = array<i32>} : memref<32x1024xf32, #tpu.memory_space<vmem>>, vector<1x16xf32>,
      %get3A_509 = vector.shape_cast %get3A_508 : vector<1x16xf32> to vector<16xf32>
      %mul3A_510 = arith.mulf %get3A_509, %get3A_53 : vector<16xf32>
      %add3A_511 = arith.addf %mul3A_505, %mul3A_510 : vector<16xf32>
      %swap3A_512 = arith.index_cast %scan3A_46 : i32 to index
      %swap3A_513 = arith.constant 448 : index
      %swap3A_514 = tpu.vector_load %arg10[%swap3A_512, %swap3A_513] {strides = array<i32>} : memref<32x1024xf32, #tpu.memory_space<vmem>>, vector<1x16xf32>,
      %swap3A_515 = vector.shape_cast %swap3A_514 : vector<1x16xf32> to vector<16xf32>
      %swap3A_516 = vector.shape_cast %add3A_511 : vector<16xf32> to vector<1x16xf32>
      tpu.vector_store %arg10[%swap3A_512, %swap3A_513], %swap3A_516 {strides = array<i32>} : memref<32x1024xf32, #tpu.memory_space<vmem>>, vector<1x16xf32>,
      %get3A_517 = arith.index_cast %scan3A_46 : i32 to index
      %get3A_518 = arith.constant 464 : index
      %get3A_519 = tpu.vector_load %arg10[%get3A_517, %get3A_518] {strides = array<i32>} : memref<32x1024xf32, #tpu.memory_space<vmem>>, vector<1x16xf32>,
      %get3A_520 = vector.shape_cast %get3A_519 : vector<1x16xf32> to vector<16xf32>
      %mul3A_521 = arith.mulf %get3A_520, %get3A_49 : vector<16xf32>
      %get3A_522 = arith.index_cast %scan3A_46 : i32 to index
      %get3A_523 = arith.constant 464 : index
      %get3A_524 = tpu.vector_load %arg11[%get3A_522, %get3A_523] {strides = array<i32>} : memref<32x1024xf32, #tpu.memory_space<vmem>>, vector<1x16xf32>,
      %get3A_525 = vector.shape_cast %get3A_524 : vector<1x16xf32> to vector<16xf32>
      %mul3A_526 = arith.mulf %get3A_525, %get3A_53 : vector<16xf32>
      %add3A_527 = arith.addf %mul3A_521, %mul3A_526 : vector<16xf32>
      %swap3A_528 = arith.index_cast %scan3A_46 : i32 to index
      %swap3A_529 = arith.constant 464 : index
      %swap3A_530 = tpu.vector_load %arg10[%swap3A_528, %swap3A_529] {strides = array<i32>} : memref<32x1024xf32, #tpu.memory_space<vmem>>, vector<1x16xf32>,
      %swap3A_531 = vector.shape_cast %swap3A_530 : vector<1x16xf32> to vector<16xf32>
      %swap3A_532 = vector.shape_cast %add3A_527 : vector<16xf32> to vector<1x16xf32>
      tpu.vector_store %arg10[%swap3A_528, %swap3A_529], %swap3A_532 {strides = array<i32>} : memref<32x1024xf32, #tpu.memory_space<vmem>>, vector<1x16xf32>,
      %get3A_533 = arith.index_cast %scan3A_46 : i32 to index
      %get3A_534 = arith.constant 480 : index
      %get3A_535 = tpu.vector_load %arg10[%get3A_533, %get3A_534] {strides = array<i32>} : memref<32x1024xf32, #tpu.memory_space<vmem>>, vector<1x16xf32>,
      %get3A_536 = vector.shape_cast %get3A_535 : vector<1x16xf32> to vector<16xf32>
      %mul3A_537 = arith.mulf %get3A_536, %get3A_49 : vector<16xf32>
      %get3A_538 = arith.index_cast %scan3A_46 : i32 to index
      %get3A_539 = arith.constant 480 : index
      %get3A_540 = tpu.vector_load %arg11[%get3A_538, %get3A_539] {strides = array<i32>} : memref<32x1024xf32, #tpu.memory_space<vmem>>, vector<1x16xf32>,
      %get3A_541 = vector.shape_cast %get3A_540 : vector<1x16xf32> to vector<16xf32>
      %mul3A_542 = arith.mulf %get3A_541, %get3A_53 : vector<16xf32>
      %add3A_543 = arith.addf %mul3A_537, %mul3A_542 : vector<16xf32>
      %swap3A_544 = arith.index_cast %scan3A_46 : i32 to index
      %swap3A_545 = arith.constant 480 : index
      %swap3A_546 = tpu.vector_load %arg10[%swap3A_544, %swap3A_545] {strides = array<i32>} : memref<32x1024xf32, #tpu.memory_space<vmem>>, vector<1x16xf32>,
      %swap3A_547 = vector.shape_cast %swap3A_546 : vector<1x16xf32> to vector<16xf32>
      %swap3A_548 = vector.shape_cast %add3A_543 : vector<16xf32> to vector<1x16xf32>
      tpu.vector_store %arg10[%swap3A_544, %swap3A_545], %swap3A_548 {strides = array<i32>} : memref<32x1024xf32, #tpu.memory_space<vmem>>, vector<1x16xf32>,
      %get3A_549 = arith.index_cast %scan3A_46 : i32 to index
      %get3A_550 = arith.constant 496 : index
      %get3A_551 = tpu.vector_load %arg10[%get3A_549, %get3A_550] {strides = array<i32>} : memref<32x1024xf32, #tpu.memory_space<vmem>>, vector<1x16xf32>,
      %get3A_552 = vector.shape_cast %get3A_551 : vector<1x16xf32> to vector<16xf32>
      %mul3A_553 = arith.mulf %get3A_552, %get3A_49 : vector<16xf32>
      %get3A_554 = arith.index_cast %scan3A_46 : i32 to index
      %get3A_555 = arith.constant 496 : index
      %get3A_556 = tpu.vector_load %arg11[%get3A_554, %get3A_555] {strides = array<i32>} : memref<32x1024xf32, #tpu.memory_space<vmem>>, vector<1x16xf32>,
      %get3A_557 = vector.shape_cast %get3A_556 : vector<1x16xf32> to vector<16xf32>
      %mul3A_558 = arith.mulf %get3A_557, %get3A_53 : vector<16xf32>
      %add3A_559 = arith.addf %mul3A_553, %mul3A_558 : vector<16xf32>
      %swap3A_560 = arith.index_cast %scan3A_46 : i32 to index
      %swap3A_561 = arith.constant 496 : index
      %swap3A_562 = tpu.vector_load %arg10[%swap3A_560, %swap3A_561] {strides = array<i32>} : memref<32x1024xf32, #tpu.memory_space<vmem>>, vector<1x16xf32>,
      %swap3A_563 = vector.shape_cast %swap3A_562 : vector<1x16xf32> to vector<16xf32>
      %swap3A_564 = vector.shape_cast %add3A_559 : vector<16xf32> to vector<1x16xf32>
      tpu.vector_store %arg10[%swap3A_560, %swap3A_561], %swap3A_564 {strides = array<i32>} : memref<32x1024xf32, #tpu.memory_space<vmem>>, vector<1x16xf32>,
      %get3A_565 = arith.index_cast %scan3A_46 : i32 to index
      %get3A_566 = arith.constant 512 : index
      %get3A_567 = tpu.vector_load %arg10[%get3A_565, %get3A_566] {strides = array<i32>} : memref<32x1024xf32, #tpu.memory_space<vmem>>, vector<1x16xf32>,
      %get3A_568 = vector.shape_cast %get3A_567 : vector<1x16xf32> to vector<16xf32>
      %mul3A_569 = arith.mulf %get3A_568, %get3A_49 : vector<16xf32>
      %get3A_570 = arith.index_cast %scan3A_46 : i32 to index
      %get3A_571 = arith.constant 512 : index
      %get3A_572 = tpu.vector_load %arg11[%get3A_570, %get3A_571] {strides = array<i32>} : memref<32x1024xf32, #tpu.memory_space<vmem>>, vector<1x16xf32>,
      %get3A_573 = vector.shape_cast %get3A_572 : vector<1x16xf32> to vector<16xf32>
      %mul3A_574 = arith.mulf %get3A_573, %get3A_53 : vector<16xf32>
      %add3A_575 = arith.addf %mul3A_569, %mul3A_574 : vector<16xf32>
      %swap3A_576 = arith.index_cast %scan3A_46 : i32 to index
      %swap3A_577 = arith.constant 512 : index
      %swap3A_578 = tpu.vector_load %arg10[%swap3A_576, %swap3A_577] {strides = array<i32>} : memref<32x1024xf32, #tpu.memory_space<vmem>>, vector<1x16xf32>,
      %swap3A_579 = vector.shape_cast %swap3A_578 : vector<1x16xf32> to vector<16xf32>
      %swap3A_580 = vector.shape_cast %add3A_575 : vector<16xf32> to vector<1x16xf32>
      tpu.vector_store %arg10[%swap3A_576, %swap3A_577], %swap3A_580 {strides = array<i32>} : memref<32x1024xf32, #tpu.memory_space<vmem>>, vector<1x16xf32>,
      %get3A_581 = arith.index_cast %scan3A_46 : i32 to index
      %get3A_582 = arith.constant 528 : index
      %get3A_583 = tpu.vector_load %arg10[%get3A_581, %get3A_582] {strides = array<i32>} : memref<32x1024xf32, #tpu.memory_space<vmem>>, vector<1x16xf32>,
      %get3A_584 = vector.shape_cast %get3A_583 : vector<1x16xf32> to vector<16xf32>
      %mul3A_585 = arith.mulf %get3A_584, %get3A_49 : vector<16xf32>
      %get3A_586 = arith.index_cast %scan3A_46 : i32 to index
      %get3A_587 = arith.constant 528 : index
      %get3A_588 = tpu.vector_load %arg11[%get3A_586, %get3A_587] {strides = array<i32>} : memref<32x1024xf32, #tpu.memory_space<vmem>>, vector<1x16xf32>,
      %get3A_589 = vector.shape_cast %get3A_588 : vector<1x16xf32> to vector<16xf32>
      %mul3A_590 = arith.mulf %get3A_589, %get3A_53 : vector<16xf32>
      %add3A_591 = arith.addf %mul3A_585, %mul3A_590 : vector<16xf32>
      %swap3A_592 = arith.index_cast %scan3A_46 : i32 to index
      %swap3A_593 = arith.constant 528 : index
      %swap3A_594 = tpu.vector_load %arg10[%swap3A_592, %swap3A_593] {strides = array<i32>} : memref<32x1024xf32, #tpu.memory_space<vmem>>, vector<1x16xf32>,
      %swap3A_595 = vector.shape_cast %swap3A_594 : vector<1x16xf32> to vector<16xf32>
      %swap3A_596 = vector.shape_cast %add3A_591 : vector<16xf32> to vector<1x16xf32>
      tpu.vector_store %arg10[%swap3A_592, %swap3A_593], %swap3A_596 {strides = array<i32>} : memref<32x1024xf32, #tpu.memory_space<vmem>>, vector<1x16xf32>,
      %get3A_597 = arith.index_cast %scan3A_46 : i32 to index
      %get3A_598 = arith.constant 544 : index
      %get3A_599 = tpu.vector_load %arg10[%get3A_597, %get3A_598] {strides = array<i32>} : memref<32x1024xf32, #tpu.memory_space<vmem>>, vector<1x16xf32>,
      %get3A_600 = vector.shape_cast %get3A_599 : vector<1x16xf32> to vector<16xf32>
      %mul3A_601 = arith.mulf %get3A_600, %get3A_49 : vector<16xf32>
      %get3A_602 = arith.index_cast %scan3A_46 : i32 to index
      %get3A_603 = arith.constant 544 : index
      %get3A_604 = tpu.vector_load %arg11[%get3A_602, %get3A_603] {strides = array<i32>} : memref<32x1024xf32, #tpu.memory_space<vmem>>, vector<1x16xf32>,
      %get3A_605 = vector.shape_cast %get3A_604 : vector<1x16xf32> to vector<16xf32>
      %mul3A_606 = arith.mulf %get3A_605, %get3A_53 : vector<16xf32>
      %add3A_607 = arith.addf %mul3A_601, %mul3A_606 : vector<16xf32>
      %swap3A_608 = arith.index_cast %scan3A_46 : i32 to index
      %swap3A_609 = arith.constant 544 : index
      %swap3A_610 = tpu.vector_load %arg10[%swap3A_608, %swap3A_609] {strides = array<i32>} : memref<32x1024xf32, #tpu.memory_space<vmem>>, vector<1x16xf32>,
      %swap3A_611 = vector.shape_cast %swap3A_610 : vector<1x16xf32> to vector<16xf32>
      %swap3A_612 = vector.shape_cast %add3A_607 : vector<16xf32> to vector<1x16xf32>
      tpu.vector_store %arg10[%swap3A_608, %swap3A_609], %swap3A_612 {strides = array<i32>} : memref<32x1024xf32, #tpu.memory_space<vmem>>, vector<1x16xf32>,
      %get3A_613 = arith.index_cast %scan3A_46 : i32 to index
      %get3A_614 = arith.constant 560 : index
      %get3A_615 = tpu.vector_load %arg10[%get3A_613, %get3A_614] {strides = array<i32>} : memref<32x1024xf32, #tpu.memory_space<vmem>>, vector<1x16xf32>,
      %get3A_616 = vector.shape_cast %get3A_615 : vector<1x16xf32> to vector<16xf32>
      %mul3A_617 = arith.mulf %get3A_616, %get3A_49 : vector<16xf32>
      %get3A_618 = arith.index_cast %scan3A_46 : i32 to index
      %get3A_619 = arith.constant 560 : index
      %get3A_620 = tpu.vector_load %arg11[%get3A_618, %get3A_619] {strides = array<i32>} : memref<32x1024xf32, #tpu.memory_space<vmem>>, vector<1x16xf32>,
      %get3A_621 = vector.shape_cast %get3A_620 : vector<1x16xf32> to vector<16xf32>
      %mul3A_622 = arith.mulf %get3A_621, %get3A_53 : vector<16xf32>
      %add3A_623 = arith.addf %mul3A_617, %mul3A_622 : vector<16xf32>
      %swap3A_624 = arith.index_cast %scan3A_46 : i32 to index
      %swap3A_625 = arith.constant 560 : index
      %swap3A_626 = tpu.vector_load %arg10[%swap3A_624, %swap3A_625] {strides = array<i32>} : memref<32x1024xf32, #tpu.memory_space<vmem>>, vector<1x16xf32>,
      %swap3A_627 = vector.shape_cast %swap3A_626 : vector<1x16xf32> to vector<16xf32>
      %swap3A_628 = vector.shape_cast %add3A_623 : vector<16xf32> to vector<1x16xf32>
      tpu.vector_store %arg10[%swap3A_624, %swap3A_625], %swap3A_628 {strides = array<i32>} : memref<32x1024xf32, #tpu.memory_space<vmem>>, vector<1x16xf32>,
      %get3A_629 = arith.index_cast %scan3A_46 : i32 to index
      %get3A_630 = arith.constant 576 : index
      %get3A_631 = tpu.vector_load %arg10[%get3A_629, %get3A_630] {strides = array<i32>} : memref<32x1024xf32, #tpu.memory_space<vmem>>, vector<1x16xf32>,
      %get3A_632 = vector.shape_cast %get3A_631 : vector<1x16xf32> to vector<16xf32>
      %mul3A_633 = arith.mulf %get3A_632, %get3A_49 : vector<16xf32>
      %get3A_634 = arith.index_cast %scan3A_46 : i32 to index
      %get3A_635 = arith.constant 576 : index
      %get3A_636 = tpu.vector_load %arg11[%get3A_634, %get3A_635] {strides = array<i32>} : memref<32x1024xf32, #tpu.memory_space<vmem>>, vector<1x16xf32>,
      %get3A_637 = vector.shape_cast %get3A_636 : vector<1x16xf32> to vector<16xf32>
      %mul3A_638 = arith.mulf %get3A_637, %get3A_53 : vector<16xf32>
      %add3A_639 = arith.addf %mul3A_633, %mul3A_638 : vector<16xf32>
      %swap3A_640 = arith.index_cast %scan3A_46 : i32 to index
      %swap3A_641 = arith.constant 576 : index
      %swap3A_642 = tpu.vector_load %arg10[%swap3A_640, %swap3A_641] {strides = array<i32>} : memref<32x1024xf32, #tpu.memory_space<vmem>>, vector<1x16xf32>,
      %swap3A_643 = vector.shape_cast %swap3A_642 : vector<1x16xf32> to vector<16xf32>
      %swap3A_644 = vector.shape_cast %add3A_639 : vector<16xf32> to vector<1x16xf32>
      tpu.vector_store %arg10[%swap3A_640, %swap3A_641], %swap3A_644 {strides = array<i32>} : memref<32x1024xf32, #tpu.memory_space<vmem>>, vector<1x16xf32>,
      %get3A_645 = arith.index_cast %scan3A_46 : i32 to index
      %get3A_646 = arith.constant 592 : index
      %get3A_647 = tpu.vector_load %arg10[%get3A_645, %get3A_646] {strides = array<i32>} : memref<32x1024xf32, #tpu.memory_space<vmem>>, vector<1x16xf32>,
      %get3A_648 = vector.shape_cast %get3A_647 : vector<1x16xf32> to vector<16xf32>
      %mul3A_649 = arith.mulf %get3A_648, %get3A_49 : vector<16xf32>
      %get3A_650 = arith.index_cast %scan3A_46 : i32 to index
      %get3A_651 = arith.constant 592 : index
      %get3A_652 = tpu.vector_load %arg11[%get3A_650, %get3A_651] {strides = array<i32>} : memref<32x1024xf32, #tpu.memory_space<vmem>>, vector<1x16xf32>,
      %get3A_653 = vector.shape_cast %get3A_652 : vector<1x16xf32> to vector<16xf32>
      %mul3A_654 = arith.mulf %get3A_653, %get3A_53 : vector<16xf32>
      %add3A_655 = arith.addf %mul3A_649, %mul3A_654 : vector<16xf32>
      %swap3A_656 = arith.index_cast %scan3A_46 : i32 to index
      %swap3A_657 = arith.constant 592 : index
      %swap3A_658 = tpu.vector_load %arg10[%swap3A_656, %swap3A_657] {strides = array<i32>} : memref<32x1024xf32, #tpu.memory_space<vmem>>, vector<1x16xf32>,
      %swap3A_659 = vector.shape_cast %swap3A_658 : vector<1x16xf32> to vector<16xf32>
      %swap3A_660 = vector.shape_cast %add3A_655 : vector<16xf32> to vector<1x16xf32>
      tpu.vector_store %arg10[%swap3A_656, %swap3A_657], %swap3A_660 {strides = array<i32>} : memref<32x1024xf32, #tpu.memory_space<vmem>>, vector<1x16xf32>,
      %get3A_661 = arith.index_cast %scan3A_46 : i32 to index
      %get3A_662 = arith.constant 608 : index
      %get3A_663 = tpu.vector_load %arg10[%get3A_661, %get3A_662] {strides = array<i32>} : memref<32x1024xf32, #tpu.memory_space<vmem>>, vector<1x16xf32>,
      %get3A_664 = vector.shape_cast %get3A_663 : vector<1x16xf32> to vector<16xf32>
      %mul3A_665 = arith.mulf %get3A_664, %get3A_49 : vector<16xf32>
      %get3A_666 = arith.index_cast %scan3A_46 : i32 to index
      %get3A_667 = arith.constant 608 : index
      %get3A_668 = tpu.vector_load %arg11[%get3A_666, %get3A_667] {strides = array<i32>} : memref<32x1024xf32, #tpu.memory_space<vmem>>, vector<1x16xf32>,
      %get3A_669 = vector.shape_cast %get3A_668 : vector<1x16xf32> to vector<16xf32>
      %mul3A_670 = arith.mulf %get3A_669, %get3A_53 : vector<16xf32>
      %add3A_671 = arith.addf %mul3A_665, %mul3A_670 : vector<16xf32>
      %swap3A_672 = arith.index_cast %scan3A_46 : i32 to index
      %swap3A_673 = arith.constant 608 : index
      %swap3A_674 = tpu.vector_load %arg10[%swap3A_672, %swap3A_673] {strides = array<i32>} : memref<32x1024xf32, #tpu.memory_space<vmem>>, vector<1x16xf32>,
      %swap3A_675 = vector.shape_cast %swap3A_674 : vector<1x16xf32> to vector<16xf32>
      %swap3A_676 = vector.shape_cast %add3A_671 : vector<16xf32> to vector<1x16xf32>
      tpu.vector_store %arg10[%swap3A_672, %swap3A_673], %swap3A_676 {strides = array<i32>} : memref<32x1024xf32, #tpu.memory_space<vmem>>, vector<1x16xf32>,
      %get3A_677 = arith.index_cast %scan3A_46 : i32 to index
      %get3A_678 = arith.constant 624 : index
      %get3A_679 = tpu.vector_load %arg10[%get3A_677, %get3A_678] {strides = array<i32>} : memref<32x1024xf32, #tpu.memory_space<vmem>>, vector<1x16xf32>,
      %get3A_680 = vector.shape_cast %get3A_679 : vector<1x16xf32> to vector<16xf32>
      %mul3A_681 = arith.mulf %get3A_680, %get3A_49 : vector<16xf32>
      %get3A_682 = arith.index_cast %scan3A_46 : i32 to index
      %get3A_683 = arith.constant 624 : index
      %get3A_684 = tpu.vector_load %arg11[%get3A_682, %get3A_683] {strides = array<i32>} : memref<32x1024xf32, #tpu.memory_space<vmem>>, vector<1x16xf32>,
      %get3A_685 = vector.shape_cast %get3A_684 : vector<1x16xf32> to vector<16xf32>
      %mul3A_686 = arith.mulf %get3A_685, %get3A_53 : vector<16xf32>
      %add3A_687 = arith.addf %mul3A_681, %mul3A_686 : vector<16xf32>
      %swap3A_688 = arith.index_cast %scan3A_46 : i32 to index
      %swap3A_689 = arith.constant 624 : index
      %swap3A_690 = tpu.vector_load %arg10[%swap3A_688, %swap3A_689] {strides = array<i32>} : memref<32x1024xf32, #tpu.memory_space<vmem>>, vector<1x16xf32>,
      %swap3A_691 = vector.shape_cast %swap3A_690 : vector<1x16xf32> to vector<16xf32>
      %swap3A_692 = vector.shape_cast %add3A_687 : vector<16xf32> to vector<1x16xf32>
      tpu.vector_store %arg10[%swap3A_688, %swap3A_689], %swap3A_692 {strides = array<i32>} : memref<32x1024xf32, #tpu.memory_space<vmem>>, vector<1x16xf32>,
      %get3A_693 = arith.index_cast %scan3A_46 : i32 to index
      %get3A_694 = arith.constant 640 : index
      %get3A_695 = tpu.vector_load %arg10[%get3A_693, %get3A_694] {strides = array<i32>} : memref<32x1024xf32, #tpu.memory_space<vmem>>, vector<1x16xf32>,
      %get3A_696 = vector.shape_cast %get3A_695 : vector<1x16xf32> to vector<16xf32>
      %mul3A_697 = arith.mulf %get3A_696, %get3A_49 : vector<16xf32>
      %get3A_698 = arith.index_cast %scan3A_46 : i32 to index
      %get3A_699 = arith.constant 640 : index
      %get3A_700 = tpu.vector_load %arg11[%get3A_698, %get3A_699] {strides = array<i32>} : memref<32x1024xf32, #tpu.memory_space<vmem>>, vector<1x16xf32>,
      %get3A_701 = vector.shape_cast %get3A_700 : vector<1x16xf32> to vector<16xf32>
      %mul3A_702 = arith.mulf %get3A_701, %get3A_53 : vector<16xf32>
      %add3A_703 = arith.addf %mul3A_697, %mul3A_702 : vector<16xf32>
      %swap3A_704 = arith.index_cast %scan3A_46 : i32 to index
      %swap3A_705 = arith.constant 640 : index
      %swap3A_706 = tpu.vector_load %arg10[%swap3A_704, %swap3A_705] {strides = array<i32>} : memref<32x1024xf32, #tpu.memory_space<vmem>>, vector<1x16xf32>,
      %swap3A_707 = vector.shape_cast %swap3A_706 : vector<1x16xf32> to vector<16xf32>
      %swap3A_708 = vector.shape_cast %add3A_703 : vector<16xf32> to vector<1x16xf32>
      tpu.vector_store %arg10[%swap3A_704, %swap3A_705], %swap3A_708 {strides = array<i32>} : memref<32x1024xf32, #tpu.memory_space<vmem>>, vector<1x16xf32>,
      %get3A_709 = arith.index_cast %scan3A_46 : i32 to index
      %get3A_710 = arith.constant 656 : index
      %get3A_711 = tpu.vector_load %arg10[%get3A_709, %get3A_710] {strides = array<i32>} : memref<32x1024xf32, #tpu.memory_space<vmem>>, vector<1x16xf32>,
      %get3A_712 = vector.shape_cast %get3A_711 : vector<1x16xf32> to vector<16xf32>
      %mul3A_713 = arith.mulf %get3A_712, %get3A_49 : vector<16xf32>
      %get3A_714 = arith.index_cast %scan3A_46 : i32 to index
      %get3A_715 = arith.constant 656 : index
      %get3A_716 = tpu.vector_load %arg11[%get3A_714, %get3A_715] {strides = array<i32>} : memref<32x1024xf32, #tpu.memory_space<vmem>>, vector<1x16xf32>,
      %get3A_717 = vector.shape_cast %get3A_716 : vector<1x16xf32> to vector<16xf32>
      %mul3A_718 = arith.mulf %get3A_717, %get3A_53 : vector<16xf32>
      %add3A_719 = arith.addf %mul3A_713, %mul3A_718 : vector<16xf32>
      %swap3A_720 = arith.index_cast %scan3A_46 : i32 to index
      %swap3A_721 = arith.constant 656 : index
      %swap3A_722 = tpu.vector_load %arg10[%swap3A_720, %swap3A_721] {strides = array<i32>} : memref<32x1024xf32, #tpu.memory_space<vmem>>, vector<1x16xf32>,
      %swap3A_723 = vector.shape_cast %swap3A_722 : vector<1x16xf32> to vector<16xf32>
      %swap3A_724 = vector.shape_cast %add3A_719 : vector<16xf32> to vector<1x16xf32>
      tpu.vector_store %arg10[%swap3A_720, %swap3A_721], %swap3A_724 {strides = array<i32>} : memref<32x1024xf32, #tpu.memory_space<vmem>>, vector<1x16xf32>,
      %get3A_725 = arith.index_cast %scan3A_46 : i32 to index
      %get3A_726 = arith.constant 672 : index
      %get3A_727 = tpu.vector_load %arg10[%get3A_725, %get3A_726] {strides = array<i32>} : memref<32x1024xf32, #tpu.memory_space<vmem>>, vector<1x16xf32>,
      %get3A_728 = vector.shape_cast %get3A_727 : vector<1x16xf32> to vector<16xf32>
      %mul3A_729 = arith.mulf %get3A_728, %get3A_49 : vector<16xf32>
      %get3A_730 = arith.index_cast %scan3A_46 : i32 to index
      %get3A_731 = arith.constant 672 : index
      %get3A_732 = tpu.vector_load %arg11[%get3A_730, %get3A_731] {strides = array<i32>} : memref<32x1024xf32, #tpu.memory_space<vmem>>, vector<1x16xf32>,
      %get3A_733 = vector.shape_cast %get3A_732 : vector<1x16xf32> to vector<16xf32>
      %mul3A_734 = arith.mulf %get3A_733, %get3A_53 : vector<16xf32>
      %add3A_735 = arith.addf %mul3A_729, %mul3A_734 : vector<16xf32>
      %swap3A_736 = arith.index_cast %scan3A_46 : i32 to index
      %swap3A_737 = arith.constant 672 : index
      %swap3A_738 = tpu.vector_load %arg10[%swap3A_736, %swap3A_737] {strides = array<i32>} : memref<32x1024xf32, #tpu.memory_space<vmem>>, vector<1x16xf32>,
      %swap3A_739 = vector.shape_cast %swap3A_738 : vector<1x16xf32> to vector<16xf32>
      %swap3A_740 = vector.shape_cast %add3A_735 : vector<16xf32> to vector<1x16xf32>
      tpu.vector_store %arg10[%swap3A_736, %swap3A_737], %swap3A_740 {strides = array<i32>} : memref<32x1024xf32, #tpu.memory_space<vmem>>, vector<1x16xf32>,
      %get3A_741 = arith.index_cast %scan3A_46 : i32 to index
      %get3A_742 = arith.constant 688 : index
      %get3A_743 = tpu.vector_load %arg10[%get3A_741, %get3A_742] {strides = array<i32>} : memref<32x1024xf32, #tpu.memory_space<vmem>>, vector<1x16xf32>,
      %get3A_744 = vector.shape_cast %get3A_743 : vector<1x16xf32> to vector<16xf32>
      %mul3A_745 = arith.mulf %get3A_744, %get3A_49 : vector<16xf32>
      %get3A_746 = arith.index_cast %scan3A_46 : i32 to index
      %get3A_747 = arith.constant 688 : index
      %get3A_748 = tpu.vector_load %arg11[%get3A_746, %get3A_747] {strides = array<i32>} : memref<32x1024xf32, #tpu.memory_space<vmem>>, vector<1x16xf32>,
      %get3A_749 = vector.shape_cast %get3A_748 : vector<1x16xf32> to vector<16xf32>
      %mul3A_750 = arith.mulf %get3A_749, %get3A_53 : vector<16xf32>
      %add3A_751 = arith.addf %mul3A_745, %mul3A_750 : vector<16xf32>
      %swap3A_752 = arith.index_cast %scan3A_46 : i32 to index
      %swap3A_753 = arith.constant 688 : index
      %swap3A_754 = tpu.vector_load %arg10[%swap3A_752, %swap3A_753] {strides = array<i32>} : memref<32x1024xf32, #tpu.memory_space<vmem>>, vector<1x16xf32>,
      %swap3A_755 = vector.shape_cast %swap3A_754 : vector<1x16xf32> to vector<16xf32>
      %swap3A_756 = vector.shape_cast %add3A_751 : vector<16xf32> to vector<1x16xf32>
      tpu.vector_store %arg10[%swap3A_752, %swap3A_753], %swap3A_756 {strides = array<i32>} : memref<32x1024xf32, #tpu.memory_space<vmem>>, vector<1x16xf32>,
      %get3A_757 = arith.index_cast %scan3A_46 : i32 to index
      %get3A_758 = arith.constant 704 : index
      %get3A_759 = tpu.vector_load %arg10[%get3A_757, %get3A_758] {strides = array<i32>} : memref<32x1024xf32, #tpu.memory_space<vmem>>, vector<1x16xf32>,
      %get3A_760 = vector.shape_cast %get3A_759 : vector<1x16xf32> to vector<16xf32>
      %mul3A_761 = arith.mulf %get3A_760, %get3A_49 : vector<16xf32>
      %get3A_762 = arith.index_cast %scan3A_46 : i32 to index
      %get3A_763 = arith.constant 704 : index
      %get3A_764 = tpu.vector_load %arg11[%get3A_762, %get3A_763] {strides = array<i32>} : memref<32x1024xf32, #tpu.memory_space<vmem>>, vector<1x16xf32>,
      %get3A_765 = vector.shape_cast %get3A_764 : vector<1x16xf32> to vector<16xf32>
      %mul3A_766 = arith.mulf %get3A_765, %get3A_53 : vector<16xf32>
      %add3A_767 = arith.addf %mul3A_761, %mul3A_766 : vector<16xf32>
      %swap3A_768 = arith.index_cast %scan3A_46 : i32 to index
      %swap3A_769 = arith.constant 704 : index
      %swap3A_770 = tpu.vector_load %arg10[%swap3A_768, %swap3A_769] {strides = array<i32>} : memref<32x1024xf32, #tpu.memory_space<vmem>>, vector<1x16xf32>,
      %swap3A_771 = vector.shape_cast %swap3A_770 : vector<1x16xf32> to vector<16xf32>
      %swap3A_772 = vector.shape_cast %add3A_767 : vector<16xf32> to vector<1x16xf32>
      tpu.vector_store %arg10[%swap3A_768, %swap3A_769], %swap3A_772 {strides = array<i32>} : memref<32x1024xf32, #tpu.memory_space<vmem>>, vector<1x16xf32>,
      %get3A_773 = arith.index_cast %scan3A_46 : i32 to index
      %get3A_774 = arith.constant 720 : index
      %get3A_775 = tpu.vector_load %arg10[%get3A_773, %get3A_774] {strides = array<i32>} : memref<32x1024xf32, #tpu.memory_space<vmem>>, vector<1x16xf32>,
      %get3A_776 = vector.shape_cast %get3A_775 : vector<1x16xf32> to vector<16xf32>
      %mul3A_777 = arith.mulf %get3A_776, %get3A_49 : vector<16xf32>
      %get3A_778 = arith.index_cast %scan3A_46 : i32 to index
      %get3A_779 = arith.constant 720 : index
      %get3A_780 = tpu.vector_load %arg11[%get3A_778, %get3A_779] {strides = array<i32>} : memref<32x1024xf32, #tpu.memory_space<vmem>>, vector<1x16xf32>,
      %get3A_781 = vector.shape_cast %get3A_780 : vector<1x16xf32> to vector<16xf32>
      %mul3A_782 = arith.mulf %get3A_781, %get3A_53 : vector<16xf32>
      %add3A_783 = arith.addf %mul3A_777, %mul3A_782 : vector<16xf32>
      %swap3A_784 = arith.index_cast %scan3A_46 : i32 to index
      %swap3A_785 = arith.constant 720 : index
      %swap3A_786 = tpu.vector_load %arg10[%swap3A_784, %swap3A_785] {strides = array<i32>} : memref<32x1024xf32, #tpu.memory_space<vmem>>, vector<1x16xf32>,
      %swap3A_787 = vector.shape_cast %swap3A_786 : vector<1x16xf32> to vector<16xf32>
      %swap3A_788 = vector.shape_cast %add3A_783 : vector<16xf32> to vector<1x16xf32>
      tpu.vector_store %arg10[%swap3A_784, %swap3A_785], %swap3A_788 {strides = array<i32>} : memref<32x1024xf32, #tpu.memory_space<vmem>>, vector<1x16xf32>,
      %get3A_789 = arith.index_cast %scan3A_46 : i32 to index
      %get3A_790 = arith.constant 736 : index
      %get3A_791 = tpu.vector_load %arg10[%get3A_789, %get3A_790] {strides = array<i32>} : memref<32x1024xf32, #tpu.memory_space<vmem>>, vector<1x16xf32>,
      %get3A_792 = vector.shape_cast %get3A_791 : vector<1x16xf32> to vector<16xf32>
      %mul3A_793 = arith.mulf %get3A_792, %get3A_49 : vector<16xf32>
      %get3A_794 = arith.index_cast %scan3A_46 : i32 to index
      %get3A_795 = arith.constant 736 : index
      %get3A_796 = tpu.vector_load %arg11[%get3A_794, %get3A_795] {strides = array<i32>} : memref<32x1024xf32, #tpu.memory_space<vmem>>, vector<1x16xf32>,
      %get3A_797 = vector.shape_cast %get3A_796 : vector<1x16xf32> to vector<16xf32>
      %mul3A_798 = arith.mulf %get3A_797, %get3A_53 : vector<16xf32>
      %add3A_799 = arith.addf %mul3A_793, %mul3A_798 : vector<16xf32>
      %swap3A_800 = arith.index_cast %scan3A_46 : i32 to index
      %swap3A_801 = arith.constant 736 : index
      %swap3A_802 = tpu.vector_load %arg10[%swap3A_800, %swap3A_801] {strides = array<i32>} : memref<32x1024xf32, #tpu.memory_space<vmem>>, vector<1x16xf32>,
      %swap3A_803 = vector.shape_cast %swap3A_802 : vector<1x16xf32> to vector<16xf32>
      %swap3A_804 = vector.shape_cast %add3A_799 : vector<16xf32> to vector<1x16xf32>
      tpu.vector_store %arg10[%swap3A_800, %swap3A_801], %swap3A_804 {strides = array<i32>} : memref<32x1024xf32, #tpu.memory_space<vmem>>, vector<1x16xf32>,
      %get3A_805 = arith.index_cast %scan3A_46 : i32 to index
      %get3A_806 = arith.constant 752 : index
      %get3A_807 = tpu.vector_load %arg10[%get3A_805, %get3A_806] {strides = array<i32>} : memref<32x1024xf32, #tpu.memory_space<vmem>>, vector<1x16xf32>,
      %get3A_808 = vector.shape_cast %get3A_807 : vector<1x16xf32> to vector<16xf32>
      %mul3A_809 = arith.mulf %get3A_808, %get3A_49 : vector<16xf32>
      %get3A_810 = arith.index_cast %scan3A_46 : i32 to index
      %get3A_811 = arith.constant 752 : index
      %get3A_812 = tpu.vector_load %arg11[%get3A_810, %get3A_811] {strides = array<i32>} : memref<32x1024xf32, #tpu.memory_space<vmem>>, vector<1x16xf32>,
      %get3A_813 = vector.shape_cast %get3A_812 : vector<1x16xf32> to vector<16xf32>
      %mul3A_814 = arith.mulf %get3A_813, %get3A_53 : vector<16xf32>
      %add3A_815 = arith.addf %mul3A_809, %mul3A_814 : vector<16xf32>
      %swap3A_816 = arith.index_cast %scan3A_46 : i32 to index
      %swap3A_817 = arith.constant 752 : index
      %swap3A_818 = tpu.vector_load %arg10[%swap3A_816, %swap3A_817] {strides = array<i32>} : memref<32x1024xf32, #tpu.memory_space<vmem>>, vector<1x16xf32>,
      %swap3A_819 = vector.shape_cast %swap3A_818 : vector<1x16xf32> to vector<16xf32>
      %swap3A_820 = vector.shape_cast %add3A_815 : vector<16xf32> to vector<1x16xf32>
      tpu.vector_store %arg10[%swap3A_816, %swap3A_817], %swap3A_820 {strides = array<i32>} : memref<32x1024xf32, #tpu.memory_space<vmem>>, vector<1x16xf32>,
      %get3A_821 = arith.index_cast %scan3A_46 : i32 to index
      %get3A_822 = arith.constant 768 : index
      %get3A_823 = tpu.vector_load %arg10[%get3A_821, %get3A_822] {strides = array<i32>} : memref<32x1024xf32, #tpu.memory_space<vmem>>, vector<1x16xf32>,
      %get3A_824 = vector.shape_cast %get3A_823 : vector<1x16xf32> to vector<16xf32>
      %mul3A_825 = arith.mulf %get3A_824, %get3A_49 : vector<16xf32>
      %get3A_826 = arith.index_cast %scan3A_46 : i32 to index
      %get3A_827 = arith.constant 768 : index
      %get3A_828 = tpu.vector_load %arg11[%get3A_826, %get3A_827] {strides = array<i32>} : memref<32x1024xf32, #tpu.memory_space<vmem>>, vector<1x16xf32>,
      %get3A_829 = vector.shape_cast %get3A_828 : vector<1x16xf32> to vector<16xf32>
      %mul3A_830 = arith.mulf %get3A_829, %get3A_53 : vector<16xf32>
      %add3A_831 = arith.addf %mul3A_825, %mul3A_830 : vector<16xf32>
      %swap3A_832 = arith.index_cast %scan3A_46 : i32 to index
      %swap3A_833 = arith.constant 768 : index
      %swap3A_834 = tpu.vector_load %arg10[%swap3A_832, %swap3A_833] {strides = array<i32>} : memref<32x1024xf32, #tpu.memory_space<vmem>>, vector<1x16xf32>,
      %swap3A_835 = vector.shape_cast %swap3A_834 : vector<1x16xf32> to vector<16xf32>
      %swap3A_836 = vector.shape_cast %add3A_831 : vector<16xf32> to vector<1x16xf32>
      tpu.vector_store %arg10[%swap3A_832, %swap3A_833], %swap3A_836 {strides = array<i32>} : memref<32x1024xf32, #tpu.memory_space<vmem>>, vector<1x16xf32>,
      %get3A_837 = arith.index_cast %scan3A_46 : i32 to index
      %get3A_838 = arith.constant 784 : index
      %get3A_839 = tpu.vector_load %arg10[%get3A_837, %get3A_838] {strides = array<i32>} : memref<32x1024xf32, #tpu.memory_space<vmem>>, vector<1x16xf32>,
      %get3A_840 = vector.shape_cast %get3A_839 : vector<1x16xf32> to vector<16xf32>
      %mul3A_841 = arith.mulf %get3A_840, %get3A_49 : vector<16xf32>
      %get3A_842 = arith.index_cast %scan3A_46 : i32 to index
      %get3A_843 = arith.constant 784 : index
      %get3A_844 = tpu.vector_load %arg11[%get3A_842, %get3A_843] {strides = array<i32>} : memref<32x1024xf32, #tpu.memory_space<vmem>>, vector<1x16xf32>,
      %get3A_845 = vector.shape_cast %get3A_844 : vector<1x16xf32> to vector<16xf32>
      %mul3A_846 = arith.mulf %get3A_845, %get3A_53 : vector<16xf32>
      %add3A_847 = arith.addf %mul3A_841, %mul3A_846 : vector<16xf32>
      %swap3A_848 = arith.index_cast %scan3A_46 : i32 to index
      %swap3A_849 = arith.constant 784 : index
      %swap3A_850 = tpu.vector_load %arg10[%swap3A_848, %swap3A_849] {strides = array<i32>} : memref<32x1024xf32, #tpu.memory_space<vmem>>, vector<1x16xf32>,
      %swap3A_851 = vector.shape_cast %swap3A_850 : vector<1x16xf32> to vector<16xf32>
      %swap3A_852 = vector.shape_cast %add3A_847 : vector<16xf32> to vector<1x16xf32>
      tpu.vector_store %arg10[%swap3A_848, %swap3A_849], %swap3A_852 {strides = array<i32>} : memref<32x1024xf32, #tpu.memory_space<vmem>>, vector<1x16xf32>,
      %get3A_853 = arith.index_cast %scan3A_46 : i32 to index
      %get3A_854 = arith.constant 800 : index
      %get3A_855 = tpu.vector_load %arg10[%get3A_853, %get3A_854] {strides = array<i32>} : memref<32x1024xf32, #tpu.memory_space<vmem>>, vector<1x16xf32>,
      %get3A_856 = vector.shape_cast %get3A_855 : vector<1x16xf32> to vector<16xf32>
      %mul3A_857 = arith.mulf %get3A_856, %get3A_49 : vector<16xf32>
      %get3A_858 = arith.index_cast %scan3A_46 : i32 to index
      %get3A_859 = arith.constant 800 : index
      %get3A_860 = tpu.vector_load %arg11[%get3A_858, %get3A_859] {strides = array<i32>} : memref<32x1024xf32, #tpu.memory_space<vmem>>, vector<1x16xf32>,
      %get3A_861 = vector.shape_cast %get3A_860 : vector<1x16xf32> to vector<16xf32>
      %mul3A_862 = arith.mulf %get3A_861, %get3A_53 : vector<16xf32>
      %add3A_863 = arith.addf %mul3A_857, %mul3A_862 : vector<16xf32>
      %swap3A_864 = arith.index_cast %scan3A_46 : i32 to index
      %swap3A_865 = arith.constant 800 : index
      %swap3A_866 = tpu.vector_load %arg10[%swap3A_864, %swap3A_865] {strides = array<i32>} : memref<32x1024xf32, #tpu.memory_space<vmem>>, vector<1x16xf32>,
      %swap3A_867 = vector.shape_cast %swap3A_866 : vector<1x16xf32> to vector<16xf32>
      %swap3A_868 = vector.shape_cast %add3A_863 : vector<16xf32> to vector<1x16xf32>
      tpu.vector_store %arg10[%swap3A_864, %swap3A_865], %swap3A_868 {strides = array<i32>} : memref<32x1024xf32, #tpu.memory_space<vmem>>, vector<1x16xf32>,
      %get3A_869 = arith.index_cast %scan3A_46 : i32 to index
      %get3A_870 = arith.constant 816 : index
      %get3A_871 = tpu.vector_load %arg10[%get3A_869, %get3A_870] {strides = array<i32>} : memref<32x1024xf32, #tpu.memory_space<vmem>>, vector<1x16xf32>,
      %get3A_872 = vector.shape_cast %get3A_871 : vector<1x16xf32> to vector<16xf32>
      %mul3A_873 = arith.mulf %get3A_872, %get3A_49 : vector<16xf32>
      %get3A_874 = arith.index_cast %scan3A_46 : i32 to index
      %get3A_875 = arith.constant 816 : index
      %get3A_876 = tpu.vector_load %arg11[%get3A_874, %get3A_875] {strides = array<i32>} : memref<32x1024xf32, #tpu.memory_space<vmem>>, vector<1x16xf32>,
      %get3A_877 = vector.shape_cast %get3A_876 : vector<1x16xf32> to vector<16xf32>
      %mul3A_878 = arith.mulf %get3A_877, %get3A_53 : vector<16xf32>
      %add3A_879 = arith.addf %mul3A_873, %mul3A_878 : vector<16xf32>
      %swap3A_880 = arith.index_cast %scan3A_46 : i32 to index
      %swap3A_881 = arith.constant 816 : index
      %swap3A_882 = tpu.vector_load %arg10[%swap3A_880, %swap3A_881] {strides = array<i32>} : memref<32x1024xf32, #tpu.memory_space<vmem>>, vector<1x16xf32>,
      %swap3A_883 = vector.shape_cast %swap3A_882 : vector<1x16xf32> to vector<16xf32>
      %swap3A_884 = vector.shape_cast %add3A_879 : vector<16xf32> to vector<1x16xf32>
      tpu.vector_store %arg10[%swap3A_880, %swap3A_881], %swap3A_884 {strides = array<i32>} : memref<32x1024xf32, #tpu.memory_space<vmem>>, vector<1x16xf32>,
      %get3A_885 = arith.index_cast %scan3A_46 : i32 to index
      %get3A_886 = arith.constant 832 : index
      %get3A_887 = tpu.vector_load %arg10[%get3A_885, %get3A_886] {strides = array<i32>} : memref<32x1024xf32, #tpu.memory_space<vmem>>, vector<1x16xf32>,
      %get3A_888 = vector.shape_cast %get3A_887 : vector<1x16xf32> to vector<16xf32>
      %mul3A_889 = arith.mulf %get3A_888, %get3A_49 : vector<16xf32>
      %get3A_890 = arith.index_cast %scan3A_46 : i32 to index
      %get3A_891 = arith.constant 832 : index
      %get3A_892 = tpu.vector_load %arg11[%get3A_890, %get3A_891] {strides = array<i32>} : memref<32x1024xf32, #tpu.memory_space<vmem>>, vector<1x16xf32>,
      %get3A_893 = vector.shape_cast %get3A_892 : vector<1x16xf32> to vector<16xf32>
      %mul3A_894 = arith.mulf %get3A_893, %get3A_53 : vector<16xf32>
      %add3A_895 = arith.addf %mul3A_889, %mul3A_894 : vector<16xf32>
      %swap3A_896 = arith.index_cast %scan3A_46 : i32 to index
      %swap3A_897 = arith.constant 832 : index
      %swap3A_898 = tpu.vector_load %arg10[%swap3A_896, %swap3A_897] {strides = array<i32>} : memref<32x1024xf32, #tpu.memory_space<vmem>>, vector<1x16xf32>,
      %swap3A_899 = vector.shape_cast %swap3A_898 : vector<1x16xf32> to vector<16xf32>
      %swap3A_900 = vector.shape_cast %add3A_895 : vector<16xf32> to vector<1x16xf32>
      tpu.vector_store %arg10[%swap3A_896, %swap3A_897], %swap3A_900 {strides = array<i32>} : memref<32x1024xf32, #tpu.memory_space<vmem>>, vector<1x16xf32>,
      %get3A_901 = arith.index_cast %scan3A_46 : i32 to index
      %get3A_902 = arith.constant 848 : index
      %get3A_903 = tpu.vector_load %arg10[%get3A_901, %get3A_902] {strides = array<i32>} : memref<32x1024xf32, #tpu.memory_space<vmem>>, vector<1x16xf32>,
      %get3A_904 = vector.shape_cast %get3A_903 : vector<1x16xf32> to vector<16xf32>
      %mul3A_905 = arith.mulf %get3A_904, %get3A_49 : vector<16xf32>
      %get3A_906 = arith.index_cast %scan3A_46 : i32 to index
      %get3A_907 = arith.constant 848 : index
      %get3A_908 = tpu.vector_load %arg11[%get3A_906, %get3A_907] {strides = array<i32>} : memref<32x1024xf32, #tpu.memory_space<vmem>>, vector<1x16xf32>,
      %get3A_909 = vector.shape_cast %get3A_908 : vector<1x16xf32> to vector<16xf32>
      %mul3A_910 = arith.mulf %get3A_909, %get3A_53 : vector<16xf32>
      %add3A_911 = arith.addf %mul3A_905, %mul3A_910 : vector<16xf32>
      %swap3A_912 = arith.index_cast %scan3A_46 : i32 to index
      %swap3A_913 = arith.constant 848 : index
      %swap3A_914 = tpu.vector_load %arg10[%swap3A_912, %swap3A_913] {strides = array<i32>} : memref<32x1024xf32, #tpu.memory_space<vmem>>, vector<1x16xf32>,
      %swap3A_915 = vector.shape_cast %swap3A_914 : vector<1x16xf32> to vector<16xf32>
      %swap3A_916 = vector.shape_cast %add3A_911 : vector<16xf32> to vector<1x16xf32>
      tpu.vector_store %arg10[%swap3A_912, %swap3A_913], %swap3A_916 {strides = array<i32>} : memref<32x1024xf32, #tpu.memory_space<vmem>>, vector<1x16xf32>,
      %get3A_917 = arith.index_cast %scan3A_46 : i32 to index
      %get3A_918 = arith.constant 864 : index
      %get3A_919 = tpu.vector_load %arg10[%get3A_917, %get3A_918] {strides = array<i32>} : memref<32x1024xf32, #tpu.memory_space<vmem>>, vector<1x16xf32>,
      %get3A_920 = vector.shape_cast %get3A_919 : vector<1x16xf32> to vector<16xf32>
      %mul3A_921 = arith.mulf %get3A_920, %get3A_49 : vector<16xf32>
      %get3A_922 = arith.index_cast %scan3A_46 : i32 to index
      %get3A_923 = arith.constant 864 : index
      %get3A_924 = tpu.vector_load %arg11[%get3A_922, %get3A_923] {strides = array<i32>} : memref<32x1024xf32, #tpu.memory_space<vmem>>, vector<1x16xf32>,
      %get3A_925 = vector.shape_cast %get3A_924 : vector<1x16xf32> to vector<16xf32>
      %mul3A_926 = arith.mulf %get3A_925, %get3A_53 : vector<16xf32>
      %add3A_927 = arith.addf %mul3A_921, %mul3A_926 : vector<16xf32>
      %swap3A_928 = arith.index_cast %scan3A_46 : i32 to index
      %swap3A_929 = arith.constant 864 : index
      %swap3A_930 = tpu.vector_load %arg10[%swap3A_928, %swap3A_929] {strides = array<i32>} : memref<32x1024xf32, #tpu.memory_space<vmem>>, vector<1x16xf32>,
      %swap3A_931 = vector.shape_cast %swap3A_930 : vector<1x16xf32> to vector<16xf32>
      %swap3A_932 = vector.shape_cast %add3A_927 : vector<16xf32> to vector<1x16xf32>
      tpu.vector_store %arg10[%swap3A_928, %swap3A_929], %swap3A_932 {strides = array<i32>} : memref<32x1024xf32, #tpu.memory_space<vmem>>, vector<1x16xf32>,
      %get3A_933 = arith.index_cast %scan3A_46 : i32 to index
      %get3A_934 = arith.constant 880 : index
      %get3A_935 = tpu.vector_load %arg10[%get3A_933, %get3A_934] {strides = array<i32>} : memref<32x1024xf32, #tpu.memory_space<vmem>>, vector<1x16xf32>,
      %get3A_936 = vector.shape_cast %get3A_935 : vector<1x16xf32> to vector<16xf32>
      %mul3A_937 = arith.mulf %get3A_936, %get3A_49 : vector<16xf32>
      %get3A_938 = arith.index_cast %scan3A_46 : i32 to index
      %get3A_939 = arith.constant 880 : index
      %get3A_940 = tpu.vector_load %arg11[%get3A_938, %get3A_939] {strides = array<i32>} : memref<32x1024xf32, #tpu.memory_space<vmem>>, vector<1x16xf32>,
      %get3A_941 = vector.shape_cast %get3A_940 : vector<1x16xf32> to vector<16xf32>
      %mul3A_942 = arith.mulf %get3A_941, %get3A_53 : vector<16xf32>
      %add3A_943 = arith.addf %mul3A_937, %mul3A_942 : vector<16xf32>
      %swap3A_944 = arith.index_cast %scan3A_46 : i32 to index
      %swap3A_945 = arith.constant 880 : index
      %swap3A_946 = tpu.vector_load %arg10[%swap3A_944, %swap3A_945] {strides = array<i32>} : memref<32x1024xf32, #tpu.memory_space<vmem>>, vector<1x16xf32>,
      %swap3A_947 = vector.shape_cast %swap3A_946 : vector<1x16xf32> to vector<16xf32>
      %swap3A_948 = vector.shape_cast %add3A_943 : vector<16xf32> to vector<1x16xf32>
      tpu.vector_store %arg10[%swap3A_944, %swap3A_945], %swap3A_948 {strides = array<i32>} : memref<32x1024xf32, #tpu.memory_space<vmem>>, vector<1x16xf32>,
      %get3A_949 = arith.index_cast %scan3A_46 : i32 to index
      %get3A_950 = arith.constant 896 : index
      %get3A_951 = tpu.vector_load %arg10[%get3A_949, %get3A_950] {strides = array<i32>} : memref<32x1024xf32, #tpu.memory_space<vmem>>, vector<1x16xf32>,
      %get3A_952 = vector.shape_cast %get3A_951 : vector<1x16xf32> to vector<16xf32>
      %mul3A_953 = arith.mulf %get3A_952, %get3A_49 : vector<16xf32>
      %get3A_954 = arith.index_cast %scan3A_46 : i32 to index
      %get3A_955 = arith.constant 896 : index
      %get3A_956 = tpu.vector_load %arg11[%get3A_954, %get3A_955] {strides = array<i32>} : memref<32x1024xf32, #tpu.memory_space<vmem>>, vector<1x16xf32>,
      %get3A_957 = vector.shape_cast %get3A_956 : vector<1x16xf32> to vector<16xf32>
      %mul3A_958 = arith.mulf %get3A_957, %get3A_53 : vector<16xf32>
      %add3A_959 = arith.addf %mul3A_953, %mul3A_958 : vector<16xf32>
      %swap3A_960 = arith.index_cast %scan3A_46 : i32 to index
      %swap3A_961 = arith.constant 896 : index
      %swap3A_962 = tpu.vector_load %arg10[%swap3A_960, %swap3A_961] {strides = array<i32>} : memref<32x1024xf32, #tpu.memory_space<vmem>>, vector<1x16xf32>,
      %swap3A_963 = vector.shape_cast %swap3A_962 : vector<1x16xf32> to vector<16xf32>
      %swap3A_964 = vector.shape_cast %add3A_959 : vector<16xf32> to vector<1x16xf32>
      tpu.vector_store %arg10[%swap3A_960, %swap3A_961], %swap3A_964 {strides = array<i32>} : memref<32x1024xf32, #tpu.memory_space<vmem>>, vector<1x16xf32>,
      %get3A_965 = arith.index_cast %scan3A_46 : i32 to index
      %get3A_966 = arith.constant 912 : index
      %get3A_967 = tpu.vector_load %arg10[%get3A_965, %get3A_966] {strides = array<i32>} : memref<32x1024xf32, #tpu.memory_space<vmem>>, vector<1x16xf32>,
      %get3A_968 = vector.shape_cast %get3A_967 : vector<1x16xf32> to vector<16xf32>
      %mul3A_969 = arith.mulf %get3A_968, %get3A_49 : vector<16xf32>
      %get3A_970 = arith.index_cast %scan3A_46 : i32 to index
      %get3A_971 = arith.constant 912 : index
      %get3A_972 = tpu.vector_load %arg11[%get3A_970, %get3A_971] {strides = array<i32>} : memref<32x1024xf32, #tpu.memory_space<vmem>>, vector<1x16xf32>,
      %get3A_973 = vector.shape_cast %get3A_972 : vector<1x16xf32> to vector<16xf32>
      %mul3A_974 = arith.mulf %get3A_973, %get3A_53 : vector<16xf32>
      %add3A_975 = arith.addf %mul3A_969, %mul3A_974 : vector<16xf32>
      %swap3A_976 = arith.index_cast %scan3A_46 : i32 to index
      %swap3A_977 = arith.constant 912 : index
      %swap3A_978 = tpu.vector_load %arg10[%swap3A_976, %swap3A_977] {strides = array<i32>} : memref<32x1024xf32, #tpu.memory_space<vmem>>, vector<1x16xf32>,
      %swap3A_979 = vector.shape_cast %swap3A_978 : vector<1x16xf32> to vector<16xf32>
      %swap3A_980 = vector.shape_cast %add3A_975 : vector<16xf32> to vector<1x16xf32>
      tpu.vector_store %arg10[%swap3A_976, %swap3A_977], %swap3A_980 {strides = array<i32>} : memref<32x1024xf32, #tpu.memory_space<vmem>>, vector<1x16xf32>,
      %get3A_981 = arith.index_cast %scan3A_46 : i32 to index
      %get3A_982 = arith.constant 928 : index
      %get3A_983 = tpu.vector_load %arg10[%get3A_981, %get3A_982] {strides = array<i32>} : memref<32x1024xf32, #tpu.memory_space<vmem>>, vector<1x16xf32>,
      %get3A_984 = vector.shape_cast %get3A_983 : vector<1x16xf32> to vector<16xf32>
      %mul3A_985 = arith.mulf %get3A_984, %get3A_49 : vector<16xf32>
      %get3A_986 = arith.index_cast %scan3A_46 : i32 to index
      %get3A_987 = arith.constant 928 : index
      %get3A_988 = tpu.vector_load %arg11[%get3A_986, %get3A_987] {strides = array<i32>} : memref<32x1024xf32, #tpu.memory_space<vmem>>, vector<1x16xf32>,
      %get3A_989 = vector.shape_cast %get3A_988 : vector<1x16xf32> to vector<16xf32>
      %mul3A_990 = arith.mulf %get3A_989, %get3A_53 : vector<16xf32>
      %add3A_991 = arith.addf %mul3A_985, %mul3A_990 : vector<16xf32>
      %swap3A_992 = arith.index_cast %scan3A_46 : i32 to index
      %swap3A_993 = arith.constant 928 : index
      %swap3A_994 = tpu.vector_load %arg10[%swap3A_992, %swap3A_993] {strides = array<i32>} : memref<32x1024xf32, #tpu.memory_space<vmem>>, vector<1x16xf32>,
      %swap3A_995 = vector.shape_cast %swap3A_994 : vector<1x16xf32> to vector<16xf32>
      %swap3A_996 = vector.shape_cast %add3A_991 : vector<16xf32> to vector<1x16xf32>
      tpu.vector_store %arg10[%swap3A_992, %swap3A_993], %swap3A_996 {strides = array<i32>} : memref<32x1024xf32, #tpu.memory_space<vmem>>, vector<1x16xf32>,
      %get3A_997 = arith.index_cast %scan3A_46 : i32 to index
      %get3A_998 = arith.constant 944 : index
      %get3A_999 = tpu.vector_load %arg10[%get3A_997, %get3A_998] {strides = array<i32>} : memref<32x1024xf32, #tpu.memory_space<vmem>>, vector<1x16xf32>,
      %get3A_1000 = vector.shape_cast %get3A_999 : vector<1x16xf32> to vector<16xf32>
      %mul3A_1001 = arith.mulf %get3A_1000, %get3A_49 : vector<16xf32>
      %get3A_1002 = arith.index_cast %scan3A_46 : i32 to index
      %get3A_1003 = arith.constant 944 : index
      %get3A_1004 = tpu.vector_load %arg11[%get3A_1002, %get3A_1003] {strides = array<i32>} : memref<32x1024xf32, #tpu.memory_space<vmem>>, vector<1x16xf32>,
      %get3A_1005 = vector.shape_cast %get3A_1004 : vector<1x16xf32> to vector<16xf32>
      %mul3A_1006 = arith.mulf %get3A_1005, %get3A_53 : vector<16xf32>
      %add3A_1007 = arith.addf %mul3A_1001, %mul3A_1006 : vector<16xf32>
      %swap3A_1008 = arith.index_cast %scan3A_46 : i32 to index
      %swap3A_1009 = arith.constant 944 : index
      %swap3A_1010 = tpu.vector_load %arg10[%swap3A_1008, %swap3A_1009] {strides = array<i32>} : memref<32x1024xf32, #tpu.memory_space<vmem>>, vector<1x16xf32>,
      %swap3A_1011 = vector.shape_cast %swap3A_1010 : vector<1x16xf32> to vector<16xf32>
      %swap3A_1012 = vector.shape_cast %add3A_1007 : vector<16xf32> to vector<1x16xf32>
      tpu.vector_store %arg10[%swap3A_1008, %swap3A_1009], %swap3A_1012 {strides = array<i32>} : memref<32x1024xf32, #tpu.memory_space<vmem>>, vector<1x16xf32>,
      %get3A_1013 = arith.index_cast %scan3A_46 : i32 to index
      %get3A_1014 = arith.constant 960 : index
      %get3A_1015 = tpu.vector_load %arg10[%get3A_1013, %get3A_1014] {strides = array<i32>} : memref<32x1024xf32, #tpu.memory_space<vmem>>, vector<1x16xf32>,
      %get3A_1016 = vector.shape_cast %get3A_1015 : vector<1x16xf32> to vector<16xf32>
      %mul3A_1017 = arith.mulf %get3A_1016, %get3A_49 : vector<16xf32>
      %get3A_1018 = arith.index_cast %scan3A_46 : i32 to index
      %get3A_1019 = arith.constant 960 : index
      %get3A_1020 = tpu.vector_load %arg11[%get3A_1018, %get3A_1019] {strides = array<i32>} : memref<32x1024xf32, #tpu.memory_space<vmem>>, vector<1x16xf32>,
      %get3A_1021 = vector.shape_cast %get3A_1020 : vector<1x16xf32> to vector<16xf32>
      %mul3A_1022 = arith.mulf %get3A_1021, %get3A_53 : vector<16xf32>
      %add3A_1023 = arith.addf %mul3A_1017, %mul3A_1022 : vector<16xf32>
      %swap3A_1024 = arith.index_cast %scan3A_46 : i32 to index
      %swap3A_1025 = arith.constant 960 : index
      %swap3A_1026 = tpu.vector_load %arg10[%swap3A_1024, %swap3A_1025] {strides = array<i32>} : memref<32x1024xf32, #tpu.memory_space<vmem>>, vector<1x16xf32>,
      %swap3A_1027 = vector.shape_cast %swap3A_1026 : vector<1x16xf32> to vector<16xf32>
      %swap3A_1028 = vector.shape_cast %add3A_1023 : vector<16xf32> to vector<1x16xf32>
      tpu.vector_store %arg10[%swap3A_1024, %swap3A_1025], %swap3A_1028 {strides = array<i32>} : memref<32x1024xf32, #tpu.memory_space<vmem>>, vector<1x16xf32>,
      %get3A_1029 = arith.index_cast %scan3A_46 : i32 to index
      %get3A_1030 = arith.constant 976 : index
      %get3A_1031 = tpu.vector_load %arg10[%get3A_1029, %get3A_1030] {strides = array<i32>} : memref<32x1024xf32, #tpu.memory_space<vmem>>, vector<1x16xf32>,
      %get3A_1032 = vector.shape_cast %get3A_1031 : vector<1x16xf32> to vector<16xf32>
      %mul3A_1033 = arith.mulf %get3A_1032, %get3A_49 : vector<16xf32>
      %get3A_1034 = arith.index_cast %scan3A_46 : i32 to index
      %get3A_1035 = arith.constant 976 : index
      %get3A_1036 = tpu.vector_load %arg11[%get3A_1034, %get3A_1035] {strides = array<i32>} : memref<32x1024xf32, #tpu.memory_space<vmem>>, vector<1x16xf32>,
      %get3A_1037 = vector.shape_cast %get3A_1036 : vector<1x16xf32> to vector<16xf32>
      %mul3A_1038 = arith.mulf %get3A_1037, %get3A_53 : vector<16xf32>
      %add3A_1039 = arith.addf %mul3A_1033, %mul3A_1038 : vector<16xf32>
      %swap3A_1040 = arith.index_cast %scan3A_46 : i32 to index
      %swap3A_1041 = arith.constant 976 : index
      %swap3A_1042 = tpu.vector_load %arg10[%swap3A_1040, %swap3A_1041] {strides = array<i32>} : memref<32x1024xf32, #tpu.memory_space<vmem>>, vector<1x16xf32>,
      %swap3A_1043 = vector.shape_cast %swap3A_1042 : vector<1x16xf32> to vector<16xf32>
      %swap3A_1044 = vector.shape_cast %add3A_1039 : vector<16xf32> to vector<1x16xf32>
      tpu.vector_store %arg10[%swap3A_1040, %swap3A_1041], %swap3A_1044 {strides = array<i32>} : memref<32x1024xf32, #tpu.memory_space<vmem>>, vector<1x16xf32>,
      %get3A_1045 = arith.index_cast %scan3A_46 : i32 to index
      %get3A_1046 = arith.constant 992 : index
      %get3A_1047 = tpu.vector_load %arg10[%get3A_1045, %get3A_1046] {strides = array<i32>} : memref<32x1024xf32, #tpu.memory_space<vmem>>, vector<1x16xf32>,
      %get3A_1048 = vector.shape_cast %get3A_1047 : vector<1x16xf32> to vector<16xf32>
      %mul3A_1049 = arith.mulf %get3A_1048, %get3A_49 : vector<16xf32>
      %get3A_1050 = arith.index_cast %scan3A_46 : i32 to index
      %get3A_1051 = arith.constant 992 : index
      %get3A_1052 = tpu.vector_load %arg11[%get3A_1050, %get3A_1051] {strides = array<i32>} : memref<32x1024xf32, #tpu.memory_space<vmem>>, vector<1x16xf32>,
      %get3A_1053 = vector.shape_cast %get3A_1052 : vector<1x16xf32> to vector<16xf32>
      %mul3A_1054 = arith.mulf %get3A_1053, %get3A_53 : vector<16xf32>
      %add3A_1055 = arith.addf %mul3A_1049, %mul3A_1054 : vector<16xf32>
      %swap3A_1056 = arith.index_cast %scan3A_46 : i32 to index
      %swap3A_1057 = arith.constant 992 : index
      %swap3A_1058 = tpu.vector_load %arg10[%swap3A_1056, %swap3A_1057] {strides = array<i32>} : memref<32x1024xf32, #tpu.memory_space<vmem>>, vector<1x16xf32>,
      %swap3A_1059 = vector.shape_cast %swap3A_1058 : vector<1x16xf32> to vector<16xf32>
      %swap3A_1060 = vector.shape_cast %add3A_1055 : vector<16xf32> to vector<1x16xf32>
      tpu.vector_store %arg10[%swap3A_1056, %swap3A_1057], %swap3A_1060 {strides = array<i32>} : memref<32x1024xf32, #tpu.memory_space<vmem>>, vector<1x16xf32>,
      %get3A_1061 = arith.index_cast %scan3A_46 : i32 to index
      %get3A_1062 = arith.constant 1008 : index
      %get3A_1063 = tpu.vector_load %arg10[%get3A_1061, %get3A_1062] {strides = array<i32>} : memref<32x1024xf32, #tpu.memory_space<vmem>>, vector<1x16xf32>,
      %get3A_1064 = vector.shape_cast %get3A_1063 : vector<1x16xf32> to vector<16xf32>
      %mul3A_1065 = arith.mulf %get3A_1064, %get3A_49 : vector<16xf32>
      %get3A_1066 = arith.index_cast %scan3A_46 : i32 to index
      %get3A_1067 = arith.constant 1008 : index
      %get3A_1068 = tpu.vector_load %arg11[%get3A_1066, %get3A_1067] {strides = array<i32>} : memref<32x1024xf32, #tpu.memory_space<vmem>>, vector<1x16xf32>,
      %get3A_1069 = vector.shape_cast %get3A_1068 : vector<1x16xf32> to vector<16xf32>
      %mul3A_1070 = arith.mulf %get3A_1069, %get3A_53 : vector<16xf32>
      %add3A_1071 = arith.addf %mul3A_1065, %mul3A_1070 : vector<16xf32>
      %swap3A_1072 = arith.index_cast %scan3A_46 : i32 to index
      %swap3A_1073 = arith.constant 1008 : index
      %swap3A_1074 = tpu.vector_load %arg10[%swap3A_1072, %swap3A_1073] {strides = array<i32>} : memref<32x1024xf32, #tpu.memory_space<vmem>>, vector<1x16xf32>,
      %swap3A_1075 = vector.shape_cast %swap3A_1074 : vector<1x16xf32> to vector<16xf32>
      %swap3A_1076 = vector.shape_cast %add3A_1071 : vector<16xf32> to vector<1x16xf32>
      tpu.vector_store %arg10[%swap3A_1072, %swap3A_1073], %swap3A_1076 {strides = array<i32>} : memref<32x1024xf32, #tpu.memory_space<vmem>>, vector<1x16xf32>,
    }
    %scan3A_45 = arith.constant 32 : i32
    "tpu.region"() ({
      %run_scoped3A = tpu.sem_alloc : memref<!tpu.dma_semaphore, #tpu.memory_space<semaphore_mem>>
      %dma_start3A_46 = arith.constant 0 : i32
      %dma_start3A_47 = tpu.memref_slice %arg6[%mul3A_27, %dma_start3A_46] : memref<2048x1024xf32, #tpu.memory_space<hbm>> -> memref<32x1024xf32, #tpu.memory_space<hbm>>
      %dma_start3A_48 = arith.constant 0 : i32
      %dma_start3A_49 = tpu.memref_slice %arg6[%mul3A_27, %dma_start3A_48] : memref<2048x1024xf32, #tpu.memory_space<hbm>> -> memref<32x1024xf32, #tpu.memory_space<hbm>>
      tpu.enqueue_dma source(%arg10 : memref<32x1024xf32, #tpu.memory_space<vmem>>) target(%dma_start3A_49 : memref<32x1024xf32, #tpu.memory_space<hbm>>) target_semaphore(%run_scoped3A : memref<!tpu.dma_semaphore, #tpu.memory_space<semaphore_mem>>)
      %dma_wait3A_50 = arith.constant 0 : i32
      %dma_wait3A_51 = tpu.memref_slice %arg6[%mul3A_27, %dma_wait3A_50] : memref<2048x1024xf32, #tpu.memory_space<hbm>> -> memref<32x1024xf32, #tpu.memory_space<hbm>>
      %dma_wait3A_52 = arith.constant 0 : i32
      %dma_wait3A_53 = tpu.memref_slice %arg6[%mul3A_27, %dma_wait3A_52] : memref<2048x1024xf32, #tpu.memory_space<hbm>> -> memref<32x1024xf32, #tpu.memory_space<hbm>>
      tpu.wait_dma2 semaphore(%run_scoped3A : memref<!tpu.dma_semaphore, #tpu.memory_space<semaphore_mem>>) src(%arg10 : memref<32x1024xf32, #tpu.memory_space<vmem>>) dst(%dma_wait3A_53 : memref<32x1024xf32, #tpu.memory_space<hbm>>)
      tpu.yield
    }) : () -> ()
    return
  }
}

#map = affine_map<(d0, d1) -> (0, 0)>
#map1 = affine_map<(d0, d1) -> (0)>
module attributes {stable_mosaic.version = 14 : i64} {
  func.func @k(%arg0: i32, %arg1: i32, %arg2: memref<2048x1024xf32, #tpu.memory_space<hbm>>, %arg3: memref<4096xi32, #tpu.memory_space<hbm>>, %arg4: memref<4096xi32, #tpu.memory_space<hbm>>, %arg5: memref<12288x1024xf32, #tpu.memory_space<hbm>>, %arg6: memref<64xi32, #tpu.memory_space<vmem>>, %arg7: memref<64xi32, #tpu.memory_space<vmem>>, %arg8: memref<64x1024xf32, #tpu.memory_space<vmem>>, %arg9: memref<!tpu.dma_semaphore, #tpu.memory_space<semaphore_mem>>) attributes {dimension_semantics = [#tpu.dimension_semantics<core_parallel>, #tpu.dimension_semantics<subcore_parallel>], iteration_bounds = array<i64: 2, 16>, scalar_prefetch = 0 : i64, scratch_operands = 4 : i64, tpu.core_type = #tpu.core_type<sc_vector_subcore>, window_params = [{transform_indices = #map}, {transform_indices = #map1}, {transform_indices = #map1}, {transform_indices = #map}]} {
    %mul3A = arith.constant 2 : i32
    %mul3A_0 = arith.muli %arg1, %mul3A : i32
    %add3A = arith.addi %mul3A_0, %arg0 : i32
    %mul3A_1 = arith.constant 2 : i32
    %mul3A_2 = arith.muli %add3A, %mul3A_1 : i32
    %add3A_3 = arith.constant 0 : i32
    %add3A_4 = arith.addi %mul3A_2, %add3A_3 : i32
    %mul3A_5 = arith.constant 64 : i32
    %mul3A_6 = arith.muli %add3A_4, %mul3A_5 : i32
    "tpu.region"() ({
      %run_scoped3A = tpu.sem_alloc : memref<!tpu.dma_semaphore, #tpu.memory_space<semaphore_mem>>
      %dma_start3A_35 = tpu.memref_slice %arg3[%mul3A_6] : memref<4096xi32, #tpu.memory_space<hbm>> -> memref<64xi32, #tpu.memory_space<hbm>>
      %dma_start3A_36 = tpu.memref_slice %arg3[%mul3A_6] : memref<4096xi32, #tpu.memory_space<hbm>> -> memref<64xi32, #tpu.memory_space<hbm>>
      tpu.enqueue_dma source(%dma_start3A_36 : memref<64xi32, #tpu.memory_space<hbm>>) target(%arg6 : memref<64xi32, #tpu.memory_space<vmem>>) target_semaphore(%run_scoped3A : memref<!tpu.dma_semaphore, #tpu.memory_space<semaphore_mem>>)
      %dma_wait3A_37 = tpu.memref_slice %arg3[%mul3A_6] : memref<4096xi32, #tpu.memory_space<hbm>> -> memref<64xi32, #tpu.memory_space<hbm>>
      %dma_wait3A_38 = tpu.memref_slice %arg3[%mul3A_6] : memref<4096xi32, #tpu.memory_space<hbm>> -> memref<64xi32, #tpu.memory_space<hbm>>
      tpu.wait_dma2 semaphore(%run_scoped3A : memref<!tpu.dma_semaphore, #tpu.memory_space<semaphore_mem>>) src(%dma_wait3A_38 : memref<64xi32, #tpu.memory_space<hbm>>) dst(%arg6 : memref<64xi32, #tpu.memory_space<vmem>>)
      tpu.yield
    }) : () -> ()
    "tpu.region"() ({
      %run_scoped3A = tpu.sem_alloc : memref<!tpu.dma_semaphore, #tpu.memory_space<semaphore_mem>>
      %dma_start3A_35 = tpu.memref_slice %arg4[%mul3A_6] : memref<4096xi32, #tpu.memory_space<hbm>> -> memref<64xi32, #tpu.memory_space<hbm>>
      %dma_start3A_36 = tpu.memref_slice %arg4[%mul3A_6] : memref<4096xi32, #tpu.memory_space<hbm>> -> memref<64xi32, #tpu.memory_space<hbm>>
      tpu.enqueue_dma source(%dma_start3A_36 : memref<64xi32, #tpu.memory_space<hbm>>) target(%arg7 : memref<64xi32, #tpu.memory_space<vmem>>) target_semaphore(%run_scoped3A : memref<!tpu.dma_semaphore, #tpu.memory_space<semaphore_mem>>)
      %dma_wait3A_37 = tpu.memref_slice %arg4[%mul3A_6] : memref<4096xi32, #tpu.memory_space<hbm>> -> memref<64xi32, #tpu.memory_space<hbm>>
      %dma_wait3A_38 = tpu.memref_slice %arg4[%mul3A_6] : memref<4096xi32, #tpu.memory_space<hbm>> -> memref<64xi32, #tpu.memory_space<hbm>>
      tpu.wait_dma2 semaphore(%run_scoped3A : memref<!tpu.dma_semaphore, #tpu.memory_space<semaphore_mem>>) src(%dma_wait3A_38 : memref<64xi32, #tpu.memory_space<hbm>>) dst(%arg7 : memref<64xi32, #tpu.memory_space<vmem>>)
      tpu.yield
    }) : () -> ()
    %dma_start3A = arith.constant 0 : i32
    %dma_start3A_7 = arith.constant 0 : i32
    %dma_start3A_8 = tpu.memref_slice %arg2[%dma_start3A, %dma_start3A_7] : memref<2048x1024xf32, #tpu.memory_space<hbm>> -> memref<2048x1024xf32, #tpu.memory_space<hbm>>
    tpu.enqueue_indirect_dma source(%dma_start3A_8 : memref<2048x1024xf32, #tpu.memory_space<hbm>>) target(%arg8 : memref<64x1024xf32, #tpu.memory_space<vmem>>) offsets(%arg6 : memref<64xi32, #tpu.memory_space<vmem>>) semaphore(%arg9 : memref<!tpu.dma_semaphore, #tpu.memory_space<semaphore_mem>>)
    %dma_wait3A = arith.constant 0 : i32
    %dma_wait3A_9 = arith.constant 0 : i32
    %dma_wait3A_10 = tpu.memref_slice %arg2[%dma_wait3A, %dma_wait3A_9] : memref<2048x1024xf32, #tpu.memory_space<hbm>> -> memref<2048x1024xf32, #tpu.memory_space<hbm>>
    tpu.wait_indirect_dma semaphore(%arg9 : memref<!tpu.dma_semaphore, #tpu.memory_space<semaphore_mem>>) src(%dma_wait3A_10 : memref<2048x1024xf32, #tpu.memory_space<hbm>>) dst(%arg8 : memref<64x1024xf32, #tpu.memory_space<vmem>>)
    %dma_start3A_11 = arith.constant 0 : i32
    %dma_start3A_12 = arith.constant 0 : i32
    %dma_start3A_13 = tpu.memref_slice %arg5[%dma_start3A_11, %dma_start3A_12] : memref<12288x1024xf32, #tpu.memory_space<hbm>> -> memref<12288x1024xf32, #tpu.memory_space<hbm>>
    tpu.enqueue_indirect_dma source(%arg8 : memref<64x1024xf32, #tpu.memory_space<vmem>>) target(%dma_start3A_13 : memref<12288x1024xf32, #tpu.memory_space<hbm>>) offsets(%arg7 : memref<64xi32, #tpu.memory_space<vmem>>) semaphore(%arg9 : memref<!tpu.dma_semaphore, #tpu.memory_space<semaphore_mem>>)
    %dma_wait3A_14 = arith.constant 0 : i32
    %dma_wait3A_15 = arith.constant 0 : i32
    %dma_wait3A_16 = tpu.memref_slice %arg5[%dma_wait3A_14, %dma_wait3A_15] : memref<12288x1024xf32, #tpu.memory_space<hbm>> -> memref<12288x1024xf32, #tpu.memory_space<hbm>>
    tpu.wait_indirect_dma semaphore(%arg9 : memref<!tpu.dma_semaphore, #tpu.memory_space<semaphore_mem>>) src(%arg8 : memref<64x1024xf32, #tpu.memory_space<vmem>>) dst(%dma_wait3A_16 : memref<12288x1024xf32, #tpu.memory_space<hbm>>)
    %mul3A_17 = arith.constant 2 : i32
    %mul3A_18 = arith.muli %add3A, %mul3A_17 : i32
    %add3A_19 = arith.constant 1 : i32
    %add3A_20 = arith.addi %mul3A_18, %add3A_19 : i32
    %mul3A_21 = arith.constant 64 : i32
    %mul3A_22 = arith.muli %add3A_20, %mul3A_21 : i32
    "tpu.region"() ({
      %run_scoped3A = tpu.sem_alloc : memref<!tpu.dma_semaphore, #tpu.memory_space<semaphore_mem>>
      %dma_start3A_35 = tpu.memref_slice %arg3[%mul3A_22] : memref<4096xi32, #tpu.memory_space<hbm>> -> memref<64xi32, #tpu.memory_space<hbm>>
      %dma_start3A_36 = tpu.memref_slice %arg3[%mul3A_22] : memref<4096xi32, #tpu.memory_space<hbm>> -> memref<64xi32, #tpu.memory_space<hbm>>
      tpu.enqueue_dma source(%dma_start3A_36 : memref<64xi32, #tpu.memory_space<hbm>>) target(%arg6 : memref<64xi32, #tpu.memory_space<vmem>>) target_semaphore(%run_scoped3A : memref<!tpu.dma_semaphore, #tpu.memory_space<semaphore_mem>>)
      %dma_wait3A_37 = tpu.memref_slice %arg3[%mul3A_22] : memref<4096xi32, #tpu.memory_space<hbm>> -> memref<64xi32, #tpu.memory_space<hbm>>
      %dma_wait3A_38 = tpu.memref_slice %arg3[%mul3A_22] : memref<4096xi32, #tpu.memory_space<hbm>> -> memref<64xi32, #tpu.memory_space<hbm>>
      tpu.wait_dma2 semaphore(%run_scoped3A : memref<!tpu.dma_semaphore, #tpu.memory_space<semaphore_mem>>) src(%dma_wait3A_38 : memref<64xi32, #tpu.memory_space<hbm>>) dst(%arg6 : memref<64xi32, #tpu.memory_space<vmem>>)
      tpu.yield
    }) : () -> ()
    "tpu.region"() ({
      %run_scoped3A = tpu.sem_alloc : memref<!tpu.dma_semaphore, #tpu.memory_space<semaphore_mem>>
      %dma_start3A_35 = tpu.memref_slice %arg4[%mul3A_22] : memref<4096xi32, #tpu.memory_space<hbm>> -> memref<64xi32, #tpu.memory_space<hbm>>
      %dma_start3A_36 = tpu.memref_slice %arg4[%mul3A_22] : memref<4096xi32, #tpu.memory_space<hbm>> -> memref<64xi32, #tpu.memory_space<hbm>>
      tpu.enqueue_dma source(%dma_start3A_36 : memref<64xi32, #tpu.memory_space<hbm>>) target(%arg7 : memref<64xi32, #tpu.memory_space<vmem>>) target_semaphore(%run_scoped3A : memref<!tpu.dma_semaphore, #tpu.memory_space<semaphore_mem>>)
      %dma_wait3A_37 = tpu.memref_slice %arg4[%mul3A_22] : memref<4096xi32, #tpu.memory_space<hbm>> -> memref<64xi32, #tpu.memory_space<hbm>>
      %dma_wait3A_38 = tpu.memref_slice %arg4[%mul3A_22] : memref<4096xi32, #tpu.memory_space<hbm>> -> memref<64xi32, #tpu.memory_space<hbm>>
      tpu.wait_dma2 semaphore(%run_scoped3A : memref<!tpu.dma_semaphore, #tpu.memory_space<semaphore_mem>>) src(%dma_wait3A_38 : memref<64xi32, #tpu.memory_space<hbm>>) dst(%arg7 : memref<64xi32, #tpu.memory_space<vmem>>)
      tpu.yield
    }) : () -> ()
    %dma_start3A_23 = arith.constant 0 : i32
    %dma_start3A_24 = arith.constant 0 : i32
    %dma_start3A_25 = tpu.memref_slice %arg2[%dma_start3A_23, %dma_start3A_24] : memref<2048x1024xf32, #tpu.memory_space<hbm>> -> memref<2048x1024xf32, #tpu.memory_space<hbm>>
    tpu.enqueue_indirect_dma source(%dma_start3A_25 : memref<2048x1024xf32, #tpu.memory_space<hbm>>) target(%arg8 : memref<64x1024xf32, #tpu.memory_space<vmem>>) offsets(%arg6 : memref<64xi32, #tpu.memory_space<vmem>>) semaphore(%arg9 : memref<!tpu.dma_semaphore, #tpu.memory_space<semaphore_mem>>)
    %dma_wait3A_26 = arith.constant 0 : i32
    %dma_wait3A_27 = arith.constant 0 : i32
    %dma_wait3A_28 = tpu.memref_slice %arg2[%dma_wait3A_26, %dma_wait3A_27] : memref<2048x1024xf32, #tpu.memory_space<hbm>> -> memref<2048x1024xf32, #tpu.memory_space<hbm>>
    tpu.wait_indirect_dma semaphore(%arg9 : memref<!tpu.dma_semaphore, #tpu.memory_space<semaphore_mem>>) src(%dma_wait3A_28 : memref<2048x1024xf32, #tpu.memory_space<hbm>>) dst(%arg8 : memref<64x1024xf32, #tpu.memory_space<vmem>>)
    %dma_start3A_29 = arith.constant 0 : i32
    %dma_start3A_30 = arith.constant 0 : i32
    %dma_start3A_31 = tpu.memref_slice %arg5[%dma_start3A_29, %dma_start3A_30] : memref<12288x1024xf32, #tpu.memory_space<hbm>> -> memref<12288x1024xf32, #tpu.memory_space<hbm>>
    tpu.enqueue_indirect_dma source(%arg8 : memref<64x1024xf32, #tpu.memory_space<vmem>>) target(%dma_start3A_31 : memref<12288x1024xf32, #tpu.memory_space<hbm>>) offsets(%arg7 : memref<64xi32, #tpu.memory_space<vmem>>) semaphore(%arg9 : memref<!tpu.dma_semaphore, #tpu.memory_space<semaphore_mem>>)
    %dma_wait3A_32 = arith.constant 0 : i32
    %dma_wait3A_33 = arith.constant 0 : i32
    %dma_wait3A_34 = tpu.memref_slice %arg5[%dma_wait3A_32, %dma_wait3A_33] : memref<12288x1024xf32, #tpu.memory_space<hbm>> -> memref<12288x1024xf32, #tpu.memory_space<hbm>>
    tpu.wait_indirect_dma semaphore(%arg9 : memref<!tpu.dma_semaphore, #tpu.memory_space<semaphore_mem>>) src(%arg8 : memref<64x1024xf32, #tpu.memory_space<vmem>>) dst(%dma_wait3A_34 : memref<12288x1024xf32, #tpu.memory_space<hbm>>)
    return
  }
}

module attributes {stable_mosaic.version = 14 : i64} {
  func.func @_meta_body(%arg0: memref<2048x2xi32, #tpu.memory_space<vmem>>, %arg1: memref<2048x2xf32, #tpu.memory_space<vmem>>, %arg2: memref<2048x2xi32, #tpu.memory_space<vmem>>, %arg3: memref<2048x1xi32, #tpu.memory_space<vmem>>, %arg4: memref<2048x1xi32, #tpu.memory_space<vmem>>, %arg5: memref<96x1xi32, #tpu.memory_space<vmem>>, %arg6: memref<1x1xi32, #tpu.memory_space<vmem>>, %arg7: memref<2048x32xf32, #tpu.memory_space<vmem>>) attributes {dimension_semantics = [], scalar_prefetch = 0 : i64, scratch_operands = 0 : i64, tpu.core_type = #tpu.core_type<tc>} {
    %get3A = arith.constant 0 : index
    %get3A_0 = arith.constant 0 : index
    %get3A_1 = vector.load %arg0[%get3A, %get3A_0] : memref<2048x2xi32, #tpu.memory_space<vmem>>, vector<2048x2xi32>
    %iota3A = tpu.iota {dimensions = array<i32: 1>} : vector<1x64xi32>
    %slice3A = vector.extract_strided_slice %get3A_1 {offsets = [0, 0], sizes = [2048, 1], strides = [1, 1]} : vector<2048x2xi32> to vector<2048x1xi32>
    %eq3A = vector.broadcast %slice3A : vector<2048x1xi32> to vector<2048x64xi32>
    %eq3A_2 = vector.broadcast %iota3A : vector<1x64xi32> to vector<2048x64xi32>
    %eq3A_3 = arith.cmpi eq, %eq3A, %eq3A_2 : vector<2048x64xi32>
    %convert_element_type3A = arith.extui %eq3A_3 : vector<2048x64xi1> to vector<2048x64xi32>
    %slice3A_4 = vector.extract_strided_slice %get3A_1 {offsets = [0, 1], sizes = [2048, 1], strides = [1, 1]} : vector<2048x2xi32> to vector<2048x1xi32>
    %eq3A_5 = vector.broadcast %slice3A_4 : vector<2048x1xi32> to vector<2048x64xi32>
    %eq3A_6 = vector.broadcast %iota3A : vector<1x64xi32> to vector<2048x64xi32>
    %eq3A_7 = arith.cmpi eq, %eq3A_5, %eq3A_6 : vector<2048x64xi32>
    %convert_element_type3A_8 = arith.extui %eq3A_7 : vector<2048x64xi1> to vector<2048x64xi32>
    %add3A = arith.addi %convert_element_type3A, %convert_element_type3A_8 : vector<2048x64xi32>
    %broadcast_in_dim3A = arith.constant 0 : i32
    %broadcast_in_dim3A_9 = vector.broadcast %broadcast_in_dim3A : i32 to vector<1x64xi32>
    %slice3A_10 = vector.extract_strided_slice %add3A {offsets = [0, 0], sizes = [2047, 64], strides = [1, 1]} : vector<2048x64xi32> to vector<2047x64xi32>
    %concatenate3A = tpu.concatenate %broadcast_in_dim3A_9, %slice3A_10 in 0 : vector<1x64xi32>, vector<2047x64xi32> -> vector<2048x64xi32>
    %add3A_11 = arith.addi %add3A, %concatenate3A : vector<2048x64xi32>
    %broadcast_in_dim3A_12 = arith.constant 0 : i32
    %broadcast_in_dim3A_13 = vector.broadcast %broadcast_in_dim3A_12 : i32 to vector<2x64xi32>
    %slice3A_14 = vector.extract_strided_slice %add3A_11 {offsets = [0, 0], sizes = [2046, 64], strides = [1, 1]} : vector<2048x64xi32> to vector<2046x64xi32>
    %concatenate3A_15 = tpu.concatenate %broadcast_in_dim3A_13, %slice3A_14 in 0 : vector<2x64xi32>, vector<2046x64xi32> -> vector<2048x64xi32>
    %add3A_16 = arith.addi %add3A_11, %concatenate3A_15 : vector<2048x64xi32>
    %broadcast_in_dim3A_17 = arith.constant 0 : i32
    %broadcast_in_dim3A_18 = vector.broadcast %broadcast_in_dim3A_17 : i32 to vector<4x64xi32>
    %slice3A_19 = vector.extract_strided_slice %add3A_16 {offsets = [0, 0], sizes = [2044, 64], strides = [1, 1]} : vector<2048x64xi32> to vector<2044x64xi32>
    %concatenate3A_20 = tpu.concatenate %broadcast_in_dim3A_18, %slice3A_19 in 0 : vector<4x64xi32>, vector<2044x64xi32> -> vector<2048x64xi32>
    %add3A_21 = arith.addi %add3A_16, %concatenate3A_20 : vector<2048x64xi32>
    %broadcast_in_dim3A_22 = arith.constant 0 : i32
    %broadcast_in_dim3A_23 = vector.broadcast %broadcast_in_dim3A_22 : i32 to vector<8x64xi32>
    %slice3A_24 = vector.extract_strided_slice %add3A_21 {offsets = [0, 0], sizes = [2040, 64], strides = [1, 1]} : vector<2048x64xi32> to vector<2040x64xi32>
    %concatenate3A_25 = tpu.concatenate %broadcast_in_dim3A_23, %slice3A_24 in 0 : vector<8x64xi32>, vector<2040x64xi32> -> vector<2048x64xi32>
    %add3A_26 = arith.addi %add3A_21, %concatenate3A_25 : vector<2048x64xi32>
    %broadcast_in_dim3A_27 = arith.constant 0 : i32
    %broadcast_in_dim3A_28 = vector.broadcast %broadcast_in_dim3A_27 : i32 to vector<16x64xi32>
    %slice3A_29 = vector.extract_strided_slice %add3A_26 {offsets = [0, 0], sizes = [2032, 64], strides = [1, 1]} : vector<2048x64xi32> to vector<2032x64xi32>
    %concatenate3A_30 = tpu.concatenate %broadcast_in_dim3A_28, %slice3A_29 in 0 : vector<16x64xi32>, vector<2032x64xi32> -> vector<2048x64xi32>
    %add3A_31 = arith.addi %add3A_26, %concatenate3A_30 : vector<2048x64xi32>
    %broadcast_in_dim3A_32 = arith.constant 0 : i32
    %broadcast_in_dim3A_33 = vector.broadcast %broadcast_in_dim3A_32 : i32 to vector<32x64xi32>
    %slice3A_34 = vector.extract_strided_slice %add3A_31 {offsets = [0, 0], sizes = [2016, 64], strides = [1, 1]} : vector<2048x64xi32> to vector<2016x64xi32>
    %concatenate3A_35 = tpu.concatenate %broadcast_in_dim3A_33, %slice3A_34 in 0 : vector<32x64xi32>, vector<2016x64xi32> -> vector<2048x64xi32>
    %add3A_36 = arith.addi %add3A_31, %concatenate3A_35 : vector<2048x64xi32>
    %broadcast_in_dim3A_37 = arith.constant 0 : i32
    %broadcast_in_dim3A_38 = vector.broadcast %broadcast_in_dim3A_37 : i32 to vector<64x64xi32>
    %slice3A_39 = vector.extract_strided_slice %add3A_36 {offsets = [0, 0], sizes = [1984, 64], strides = [1, 1]} : vector<2048x64xi32> to vector<1984x64xi32>
    %concatenate3A_40 = tpu.concatenate %broadcast_in_dim3A_38, %slice3A_39 in 0 : vector<64x64xi32>, vector<1984x64xi32> -> vector<2048x64xi32>
    %add3A_41 = arith.addi %add3A_36, %concatenate3A_40 : vector<2048x64xi32>
    %broadcast_in_dim3A_42 = arith.constant 0 : i32
    %broadcast_in_dim3A_43 = vector.broadcast %broadcast_in_dim3A_42 : i32 to vector<128x64xi32>
    %slice3A_44 = vector.extract_strided_slice %add3A_41 {offsets = [0, 0], sizes = [1920, 64], strides = [1, 1]} : vector<2048x64xi32> to vector<1920x64xi32>
    %concatenate3A_45 = tpu.concatenate %broadcast_in_dim3A_43, %slice3A_44 in 0 : vector<128x64xi32>, vector<1920x64xi32> -> vector<2048x64xi32>
    %add3A_46 = arith.addi %add3A_41, %concatenate3A_45 : vector<2048x64xi32>
    %broadcast_in_dim3A_47 = arith.constant 0 : i32
    %broadcast_in_dim3A_48 = vector.broadcast %broadcast_in_dim3A_47 : i32 to vector<256x64xi32>
    %slice3A_49 = vector.extract_strided_slice %add3A_46 {offsets = [0, 0], sizes = [1792, 64], strides = [1, 1]} : vector<2048x64xi32> to vector<1792x64xi32>
    %concatenate3A_50 = tpu.concatenate %broadcast_in_dim3A_48, %slice3A_49 in 0 : vector<256x64xi32>, vector<1792x64xi32> -> vector<2048x64xi32>
    %add3A_51 = arith.addi %add3A_46, %concatenate3A_50 : vector<2048x64xi32>
    %broadcast_in_dim3A_52 = arith.constant 0 : i32
    %broadcast_in_dim3A_53 = vector.broadcast %broadcast_in_dim3A_52 : i32 to vector<512x64xi32>
    %slice3A_54 = vector.extract_strided_slice %add3A_51 {offsets = [0, 0], sizes = [1536, 64], strides = [1, 1]} : vector<2048x64xi32> to vector<1536x64xi32>
    %concatenate3A_55 = tpu.concatenate %broadcast_in_dim3A_53, %slice3A_54 in 0 : vector<512x64xi32>, vector<1536x64xi32> -> vector<2048x64xi32>
    %add3A_56 = arith.addi %add3A_51, %concatenate3A_55 : vector<2048x64xi32>
    %broadcast_in_dim3A_57 = arith.constant 0 : i32
    %broadcast_in_dim3A_58 = vector.broadcast %broadcast_in_dim3A_57 : i32 to vector<1024x64xi32>
    %slice3A_59 = vector.extract_strided_slice %add3A_56 {offsets = [0, 0], sizes = [1024, 64], strides = [1, 1]} : vector<2048x64xi32> to vector<1024x64xi32>
    %concatenate3A_60 = tpu.concatenate %broadcast_in_dim3A_58, %slice3A_59 in 0 : vector<1024x64xi32>, vector<1024x64xi32> -> vector<2048x64xi32>
    %add3A_61 = arith.addi %add3A_56, %concatenate3A_60 : vector<2048x64xi32>
    %sub3A = arith.subi %add3A_61, %add3A : vector<2048x64xi32>
    %mul3A = arith.muli %sub3A, %convert_element_type3A : vector<2048x64xi32>
    %reduce_sum3A = arith.constant dense<0> : vector<2048xi32>
    %reduce_sum3A_62 = vector.multi_reduction <add>, %mul3A, %reduce_sum3A [1] : vector<2048x64xi32> to vector<2048xi32>
    %broadcast_in_dim3A_63 = vector.shape_cast %reduce_sum3A_62 : vector<2048xi32> to vector<2048x1xi32>
    %mul3A_64 = arith.muli %sub3A, %convert_element_type3A_8 : vector<2048x64xi32>
    %reduce_sum3A_65 = arith.constant dense<0> : vector<2048xi32>
    %reduce_sum3A_66 = vector.multi_reduction <add>, %mul3A_64, %reduce_sum3A_65 [1] : vector<2048x64xi32> to vector<2048xi32>
    %broadcast_in_dim3A_67 = vector.shape_cast %reduce_sum3A_66 : vector<2048xi32> to vector<2048x1xi32>
    %mul3A_68 = arith.muli %convert_element_type3A, %convert_element_type3A_8 : vector<2048x64xi32>
    %reduce_sum3A_69 = arith.constant dense<0> : vector<2048xi32>
    %reduce_sum3A_70 = vector.multi_reduction <add>, %mul3A_68, %reduce_sum3A_69 [1] : vector<2048x64xi32> to vector<2048xi32>
    %broadcast_in_dim3A_71 = vector.shape_cast %reduce_sum3A_70 : vector<2048xi32> to vector<2048x1xi32>
    %add3A_72 = arith.addi %broadcast_in_dim3A_67, %broadcast_in_dim3A_71 : vector<2048x1xi32>
    %slice3A_73 = vector.extract_strided_slice %add3A_61 {offsets = [2047, 0], sizes = [1, 64], strides = [1, 1]} : vector<2048x64xi32> to vector<1x64xi32>
    %add3A_74 = arith.constant 128 : i32
    %add3A_75 = vector.broadcast %add3A_74 : i32 to vector<1x64xi32>
    %add3A_76 = arith.addi %slice3A_73, %add3A_75 : vector<1x64xi32>
    %sub3A_77 = arith.constant 1 : i32
    %sub3A_78 = vector.broadcast %sub3A_77 : i32 to vector<1x64xi32>
    %sub3A_79 = arith.subi %add3A_76, %sub3A_78 : vector<1x64xi32>
    %jit3A = arith.constant 128 : i32
    %div3A = vector.broadcast %jit3A : i32 to vector<1x64xi32>
    %div3A_80 = arith.divsi %sub3A_79, %div3A : vector<1x64xi32>
    %sign3A = arith.constant 0 : i32
    %sign3A_81 = vector.broadcast %sign3A : i32 to vector<1x64xi32>
    %sign3A_82 = arith.cmpi sgt, %sub3A_79, %sign3A_81 : vector<1x64xi32>
    %sign3A_83 = arith.extui %sign3A_82 : vector<1x64xi1> to vector<1x64xi32>
    %sign3A_84 = arith.constant 0 : i32
    %sign3A_85 = vector.broadcast %sign3A_84 : i32 to vector<1x64xi32>
    %sign3A_86 = arith.cmpi slt, %sub3A_79, %sign3A_85 : vector<1x64xi32>
    %sign3A_87 = arith.extui %sign3A_86 : vector<1x64xi1> to vector<1x64xi32>
    %sign3A_88 = arith.subi %sign3A_83, %sign3A_87 : vector<1x64xi32>
    %sign3A_89 = arith.constant 0 : i32
    %sign3A_90 = arith.cmpi sgt, %jit3A, %sign3A_89 : i32
    %sign3A_91 = arith.extui %sign3A_90 : i1 to i32
    %sign3A_92 = arith.constant 0 : i32
    %sign3A_93 = arith.cmpi slt, %jit3A, %sign3A_92 : i32
    %sign3A_94 = arith.extui %sign3A_93 : i1 to i32
    %sign3A_95 = arith.subi %sign3A_91, %sign3A_94 : i32
    %ne3A = vector.broadcast %sign3A_95 : i32 to vector<1x64xi32>
    %ne3A_96 = arith.cmpi ne, %sign3A_88, %ne3A : vector<1x64xi32>
    %rem3A = vector.broadcast %jit3A : i32 to vector<1x64xi32>
    %rem3A_97 = arith.remsi %sub3A_79, %rem3A : vector<1x64xi32>
    %ne3A_98 = arith.constant 0 : i32
    %ne3A_99 = vector.broadcast %ne3A_98 : i32 to vector<1x64xi32>
    %ne3A_100 = arith.cmpi ne, %rem3A_97, %ne3A_99 : vector<1x64xi32>
    %and3A = arith.andi %ne3A_96, %ne3A_100 : vector<1x64xi1>
    %sub3A_101 = arith.constant 1 : i32
    %sub3A_102 = vector.broadcast %sub3A_101 : i32 to vector<1x64xi32>
    %sub3A_103 = arith.subi %div3A_80, %sub3A_102 : vector<1x64xi32>
    %select_n3A = arith.select %and3A, %sub3A_103, %div3A_80 : vector<1x64xi1>, vector<1x64xi32>
    %iota3A_104 = tpu.iota {dimensions = array<i32: 0>} : vector<64x64xi32>
    %iota3A_105 = tpu.iota {dimensions = array<i32: 1>} : vector<64x64xi32>
    %le3A = arith.cmpi sle, %iota3A_104, %iota3A_105 : vector<64x64xi32>
    %convert_element_type3A_106 = arith.extui %le3A : vector<64x64xi1> to vector<64x64xi32>
    %convert_element_type3A_107 = arith.sitofp %convert_element_type3A_106 : vector<64x64xi32> to vector<64x64xf32>
    %convert_element_type3A_108 = arith.sitofp %select_n3A : vector<1x64xi32> to vector<1x64xf32>
    %dot_general3A = arith.constant dense<0.000000e+00> : vector<1x64xf32>
    %dot_general3A_109 = tpu.matmul %convert_element_type3A_108, %convert_element_type3A_107, %dot_general3A {dimension_numbers = #tpu.dot_dimension_numbers<[1], [0], [0], [1], [0, 0, 1, 1], [], []>, transpose_lhs_hint = false} : vector<1x64xf32>, vector<64x64xf32>, vector<1x64xf32> -> vector<1x64xf32>
    %convert_element_type3A_110 = arith.fptosi %dot_general3A_109 : vector<1x64xf32> to vector<1x64xi32>
    %sub3A_111 = arith.subi %convert_element_type3A_110, %select_n3A : vector<1x64xi32>
    %mul3A_112 = vector.broadcast %sub3A_111 : vector<1x64xi32> to vector<2048x64xi32>
    %mul3A_113 = arith.muli %mul3A_112, %convert_element_type3A : vector<2048x64xi32>
    %reduce_sum3A_114 = arith.constant dense<0> : vector<2048xi32>
    %reduce_sum3A_115 = vector.multi_reduction <add>, %mul3A_113, %reduce_sum3A_114 [1] : vector<2048x64xi32> to vector<2048xi32>
    %broadcast_in_dim3A_116 = vector.shape_cast %reduce_sum3A_115 : vector<2048xi32> to vector<2048x1xi32>
    %mul3A_117 = vector.broadcast %sub3A_111 : vector<1x64xi32> to vector<2048x64xi32>
    %mul3A_118 = arith.muli %mul3A_117, %convert_element_type3A_8 : vector<2048x64xi32>
    %reduce_sum3A_119 = arith.constant dense<0> : vector<2048xi32>
    %reduce_sum3A_120 = vector.multi_reduction <add>, %mul3A_118, %reduce_sum3A_119 [1] : vector<2048x64xi32> to vector<2048xi32>
    %broadcast_in_dim3A_121 = vector.shape_cast %reduce_sum3A_120 : vector<2048xi32> to vector<2048x1xi32>
    %mul3A_122 = arith.constant 128 : i32
    %mul3A_123 = vector.broadcast %mul3A_122 : i32 to vector<2048x1xi32>
    %mul3A_124 = arith.muli %broadcast_in_dim3A_116, %mul3A_123 : vector<2048x1xi32>
    %add3A_125 = arith.addi %mul3A_124, %broadcast_in_dim3A_63 : vector<2048x1xi32>
    %mul3A_126 = arith.constant 128 : i32
    %mul3A_127 = vector.broadcast %mul3A_126 : i32 to vector<2048x1xi32>
    %mul3A_128 = arith.muli %broadcast_in_dim3A_121, %mul3A_127 : vector<2048x1xi32>
    %add3A_129 = arith.addi %mul3A_128, %add3A_72 : vector<2048x1xi32>
    %concatenate3A_130 = tpu.concatenate %add3A_125, %add3A_129 in 1 : vector<2048x1xi32>, vector<2048x1xi32> -> vector<2048x2xi32>
    %swap3A = arith.constant 0 : index
    %swap3A_131 = arith.constant 0 : index
    %swap3A_132 = vector.load %arg2[%swap3A, %swap3A_131] : memref<2048x2xi32, #tpu.memory_space<vmem>>, vector<2048x2xi32>
    tpu.vector_store %arg2[%swap3A, %swap3A_131], %concatenate3A_130 {strides = array<i32>} : memref<2048x2xi32, #tpu.memory_space<vmem>>, vector<2048x2xi32>,
    %swap3A_133 = arith.constant 0 : index
    %swap3A_134 = arith.constant 0 : index
    %swap3A_135 = vector.load %arg3[%swap3A_133, %swap3A_134] : memref<2048x1xi32, #tpu.memory_space<vmem>>, vector<2048x1xi32>
    tpu.vector_store %arg3[%swap3A_133, %swap3A_134], %add3A_125 {strides = array<i32>} : memref<2048x1xi32, #tpu.memory_space<vmem>>, vector<2048x1xi32>,
    %swap3A_136 = arith.constant 0 : index
    %swap3A_137 = arith.constant 0 : index
    %swap3A_138 = vector.load %arg4[%swap3A_136, %swap3A_137] : memref<2048x1xi32, #tpu.memory_space<vmem>>, vector<2048x1xi32>
    tpu.vector_store %arg4[%swap3A_136, %swap3A_137], %add3A_129 {strides = array<i32>} : memref<2048x1xi32, #tpu.memory_space<vmem>>, vector<2048x1xi32>,
    %iota3A_139 = tpu.iota {dimensions = array<i32: 0>} : vector<96x1xi32>
    %le3A_140 = vector.broadcast %convert_element_type3A_110 : vector<1x64xi32> to vector<96x64xi32>
    %le3A_141 = vector.broadcast %iota3A_139 : vector<96x1xi32> to vector<96x64xi32>
    %le3A_142 = arith.cmpi sle, %le3A_140, %le3A_141 : vector<96x64xi32>
    %convert_element_type3A_143 = arith.extui %le3A_142 : vector<96x64xi1> to vector<96x64xi32>
    %reduce_sum3A_144 = arith.constant dense<0> : vector<96xi32>
    %reduce_sum3A_145 = vector.multi_reduction <add>, %convert_element_type3A_143, %reduce_sum3A_144 [1] : vector<96x64xi32> to vector<96xi32>
    %broadcast_in_dim3A_146 = vector.shape_cast %reduce_sum3A_145 : vector<96xi32> to vector<96x1xi32>
    %min3A = arith.constant 63 : i32
    %min3A_147 = vector.broadcast %min3A : i32 to vector<96x1xi32>
    %min3A_148 = arith.minsi %broadcast_in_dim3A_146, %min3A_147 : vector<96x1xi32>
    %swap3A_149 = arith.constant 0 : index
    %swap3A_150 = arith.constant 0 : index
    %swap3A_151 = vector.load %arg5[%swap3A_149, %swap3A_150] : memref<96x1xi32, #tpu.memory_space<vmem>>, vector<96x1xi32>
    tpu.vector_store %arg5[%swap3A_149, %swap3A_150], %min3A_148 {strides = array<i32>} : memref<96x1xi32, #tpu.memory_space<vmem>>, vector<96x1xi32>,
    %slice3A_152 = vector.extract_strided_slice %convert_element_type3A_110 {offsets = [0, 63], sizes = [1, 1], strides = [1, 1]} : vector<1x64xi32> to vector<1x1xi32>
    %swap3A_153 = arith.constant 0 : index
    %swap3A_154 = arith.constant 0 : index
    %swap3A_155 = vector.load %arg6[%swap3A_153, %swap3A_154] : memref<1x1xi32, #tpu.memory_space<vmem>>, vector<1x1xi32>
    tpu.vector_store %arg6[%swap3A_153, %swap3A_154], %slice3A_152 {strides = array<i32>} : memref<1x1xi32, #tpu.memory_space<vmem>>, vector<1x1xi32>,
    %get3A_156 = arith.constant 0 : index
    %get3A_157 = arith.constant 0 : index
    %get3A_158 = vector.load %arg1[%get3A_156, %get3A_157] : memref<2048x2xf32, #tpu.memory_space<vmem>>, vector<2048x2xf32>
    %slice3A_159 = vector.extract_strided_slice %get3A_158 {offsets = [0, 0], sizes = [2048, 1], strides = [1, 1]} : vector<2048x2xf32> to vector<2048x1xf32>
    %broadcast_in_dim3A_160 = vector.shape_cast %slice3A_159 : vector<2048x1xf32> to vector<2048x1xf32>
    %broadcast_in_dim3A_161 = vector.broadcast %broadcast_in_dim3A_160 : vector<2048x1xf32> to vector<2048x16xf32>
    %slice3A_162 = vector.extract_strided_slice %get3A_158 {offsets = [0, 1], sizes = [2048, 1], strides = [1, 1]} : vector<2048x2xf32> to vector<2048x1xf32>
    %broadcast_in_dim3A_163 = vector.shape_cast %slice3A_162 : vector<2048x1xf32> to vector<2048x1xf32>
    %broadcast_in_dim3A_164 = vector.broadcast %broadcast_in_dim3A_163 : vector<2048x1xf32> to vector<2048x16xf32>
    %concatenate3A_165 = tpu.concatenate %broadcast_in_dim3A_161, %broadcast_in_dim3A_164 in 1 : vector<2048x16xf32>, vector<2048x16xf32> -> vector<2048x32xf32>
    %swap3A_166 = arith.constant 0 : index
    %swap3A_167 = arith.constant 0 : index
    %swap3A_168 = vector.load %arg7[%swap3A_166, %swap3A_167] : memref<2048x32xf32, #tpu.memory_space<vmem>>, vector<2048x32xf32>
    tpu.vector_store %arg7[%swap3A_166, %swap3A_167], %concatenate3A_165 {strides = array<i32>} : memref<2048x32xf32, #tpu.memory_space<vmem>>, vector<2048x32xf32>,
    return
  }
}

module attributes {stable_mosaic.version = 14 : i64} {
  func.func @_ffn_body(%arg0: i32, %arg1: memref<96x1xi32, #tpu.memory_space<smem>>, %arg2: memref<1x1xi32, #tpu.memory_space<smem>>, %arg3: memref<128x1024xf32, #tpu.memory_space<vmem>>, %arg4: memref<1x1024x1024xf32, #tpu.memory_space<vmem>>, %arg5: memref<1x1024x512xf32, #tpu.memory_space<vmem>>, %arg6: memref<128x1024xf32, #tpu.memory_space<vmem>>) attributes {dimension_semantics = [#tpu.dimension_semantics<arbitrary>], iteration_bounds = array<i64: 96>, scalar_prefetch = 2 : i64, scratch_operands = 0 : i64, tpu.core_type = #tpu.core_type<tc>, window_params = [{transform_indices = @transform_0, window_bounds = array<i64: 128, 1024>}, {transform_indices = @transform_1, window_bounds = array<i64: 1, 1024, 1024>}, {transform_indices = @transform_2, window_bounds = array<i64: 1, 1024, 512>}, {transform_indices = @transform_3, window_bounds = array<i64: 128, 1024>}]} {
    %get3A = arith.constant 0 : index
    %get3A_0 = arith.constant 0 : index
    %get3A_1 = memref.load %arg2[%get3A, %get3A_0] : memref<1x1xi32, #tpu.memory_space<smem>>
    %lt3A = arith.cmpi slt, %arg0, %get3A_1 : i32
    %convert_element_type3A = arith.extui %lt3A : i1 to i32
    %cond3A = arith.constant 0 : i32
    %cond3A_2 = arith.cmpi ne, %convert_element_type3A, %cond3A : i32
    scf.if %cond3A_2 {
      %get3A_3 = arith.constant 0 : index
      %get3A_4 = arith.constant 0 : index
      %get3A_5 = vector.load %arg3[%get3A_3, %get3A_4] : memref<128x1024xf32, #tpu.memory_space<vmem>>, vector<128x1024xf32>
      %get3A_6 = arith.constant 0 : index
      %get3A_7 = arith.constant 0 : index
      %get3A_8 = arith.constant 0 : index
      %get3A_9 = vector.load %arg4[%get3A_6, %get3A_7, %get3A_8] : memref<1x1024x1024xf32, #tpu.memory_space<vmem>>, vector<1x1024x1024xf32>
      %get3A_10 = vector.shape_cast %get3A_9 : vector<1x1024x1024xf32> to vector<1024x1024xf32>
      %dot_general3A = arith.constant dense<0.000000e+00> : vector<128x1024xf32>
      %dot_general3A_11 = tpu.matmul %get3A_5, %get3A_10, %dot_general3A {dimension_numbers = #tpu.dot_dimension_numbers<[1], [1], [0], [0], [0, 0, 1, 0], [], []>, transpose_lhs_hint = false} : vector<128x1024xf32>, vector<1024x1024xf32>, vector<128x1024xf32> -> vector<128x1024xf32>
      %slice3A = vector.extract_strided_slice %dot_general3A_11 {offsets = [0, 0], sizes = [128, 512], strides = [1, 1]} : vector<128x1024xf32> to vector<128x512xf32>
      %slice3A_12 = vector.extract_strided_slice %dot_general3A_11 {offsets = [0, 512], sizes = [128, 512], strides = [1, 1]} : vector<128x1024xf32> to vector<128x512xf32>
      %logistic3A = arith.negf %slice3A : vector<128x512xf32>
      %logistic3A_13 = math.exp %logistic3A : vector<128x512xf32>
      %logistic3A_14 = arith.constant 1.000000e+00 : f32
      %logistic3A_15 = vector.broadcast %logistic3A_14 : f32 to vector<128x512xf32>
      %logistic3A_16 = arith.addf %logistic3A_15, %logistic3A_13 : vector<128x512xf32>
      %logistic3A_17 = arith.divf %logistic3A_15, %logistic3A_16 : vector<128x512xf32>
      %mul3A = arith.mulf %slice3A, %logistic3A_17 : vector<128x512xf32>
      %mul3A_18 = arith.mulf %mul3A, %slice3A_12 : vector<128x512xf32>
      %get3A_19 = arith.constant 0 : index
      %get3A_20 = arith.constant 0 : index
      %get3A_21 = arith.constant 0 : index
      %get3A_22 = vector.load %arg5[%get3A_19, %get3A_20, %get3A_21] : memref<1x1024x512xf32, #tpu.memory_space<vmem>>, vector<1x1024x512xf32>
      %get3A_23 = vector.shape_cast %get3A_22 : vector<1x1024x512xf32> to vector<1024x512xf32>
      %dot_general3A_24 = arith.constant dense<0.000000e+00> : vector<128x1024xf32>
      %dot_general3A_25 = tpu.matmul %mul3A_18, %get3A_23, %dot_general3A_24 {dimension_numbers = #tpu.dot_dimension_numbers<[1], [1], [0], [0], [0, 0, 1, 0], [], []>, transpose_lhs_hint = false} : vector<128x512xf32>, vector<1024x512xf32>, vector<128x1024xf32> -> vector<128x1024xf32>
      %swap3A = arith.constant 0 : index
      %swap3A_26 = arith.constant 0 : index
      %swap3A_27 = vector.load %arg6[%swap3A, %swap3A_26] : memref<128x1024xf32, #tpu.memory_space<vmem>>, vector<128x1024xf32>
      tpu.vector_store %arg6[%swap3A, %swap3A_26], %dot_general3A_25 {strides = array<i32>} : memref<128x1024xf32, #tpu.memory_space<vmem>>, vector<128x1024xf32>,
    } else {
    }
    return
  }
  func.func @transform_0(%arg0: i32, %arg1: memref<96x1xi32, #tpu.memory_space<smem>>, %arg2: memref<1x1xi32, #tpu.memory_space<smem>>) -> (i32, i32) {
    %get3A = arith.constant 0 : index
    %get3A_0 = arith.constant 0 : index
    %get3A_1 = memref.load %arg2[%get3A, %get3A_0] : memref<1x1xi32, #tpu.memory_space<smem>>
    %lt3A = arith.cmpi slt, %arg0, %get3A_1 : i32
    %jit3A = arith.constant 0 : i32
    %select_n3A = arith.select %lt3A, %arg0, %jit3A : i32
    %c0_i32 = arith.constant 0 : i32
    %c0_i32_2 = arith.constant 0 : i32
    return %select_n3A, %c0_i32 : i32, i32
  }
  func.func @transform_1(%arg0: i32, %arg1: memref<96x1xi32, #tpu.memory_space<smem>>, %arg2: memref<1x1xi32, #tpu.memory_space<smem>>) -> (i32, i32, i32) {
    %get3A = arith.index_cast %arg0 : i32 to index
    %get3A_0 = arith.constant 0 : index
    %get3A_1 = memref.load %arg1[%get3A, %get3A_0] : memref<96x1xi32, #tpu.memory_space<smem>>
    %c0_i32 = arith.constant 0 : i32
    %c0_i32_2 = arith.constant 0 : i32
    %c0_i32_3 = arith.constant 0 : i32
    return %get3A_1, %c0_i32, %c0_i32_2 : i32, i32, i32
  }
  func.func @transform_2(%arg0: i32, %arg1: memref<96x1xi32, #tpu.memory_space<smem>>, %arg2: memref<1x1xi32, #tpu.memory_space<smem>>) -> (i32, i32, i32) {
    %get3A = arith.index_cast %arg0 : i32 to index
    %get3A_0 = arith.constant 0 : index
    %get3A_1 = memref.load %arg1[%get3A, %get3A_0] : memref<96x1xi32, #tpu.memory_space<smem>>
    %c0_i32 = arith.constant 0 : i32
    %c0_i32_2 = arith.constant 0 : i32
    %c0_i32_3 = arith.constant 0 : i32
    return %get3A_1, %c0_i32, %c0_i32_2 : i32, i32, i32
  }
  func.func @transform_3(%arg0: i32, %arg1: memref<96x1xi32, #tpu.memory_space<smem>>, %arg2: memref<1x1xi32, #tpu.memory_space<smem>>) -> (i32, i32) {
    %c0_i32 = arith.constant 0 : i32
    %c0_i32_0 = arith.constant 0 : i32
    return %arg0, %c0_i32 : i32, i32
  }
}

</mosaic_0001>

<sc_bundles>
// kernel: kernel.6.cloned.1.call-start
scs
__scs_entry_jumppad:
0x0: {  	(pc) =	sbr.rel $0x88, $3  }
0x1: {  	(tag) =	ssettag $0x0;
	lr =	simm.s32 $0x1  }
0x2: {  	[smem:$0x3F9C] =	sst lr;
	_ =	strace $0xD0000000  }
0x3: {  	_ = 	snop  }
0x4: {  	_ = 	snop  }
0x5: {  	_ = 	snop  }
0x6: {  	_ = 	snop  }
0x7: {  	_ = 	snop  }
__scs_overlays_trampoline_lowered:
0x8: {  	[smem:$0x3FAB] =	sst s0  }
0x9: {  	[smem:$0x3FAC] =	sst s1  }
0xa: {  	[smem:$0x3FAD] =	sst s2  }
0xb: {  	[smem:$0x3FAE] =	sst s3  }
0xc: {  	[smem:$0x3FAF] =	sst s4  }
0xd: {  	[smem:$0x3FB0] =	sst s5  }
0xe: {  	[smem:$0x3FB1] =	sst s6  }
0xf: {  	[smem:$0x3FB2] =	sst s7  }
0x10: {  	[smem:$0x3FB3] =	sst s8  }
0x11: {  	[smem:$0x3FB4] =	sst s9;
	s0 =	simm.s32 @!p0 $0x0  }
0x12: {  	s1 =	sld [smem:$0x3F9A];
	s0 =	simm.s32 @p0 $0x1  }
0x13: {  	[smem:$0x3FB5] =	sst s0;
	s0 =	simm.s32 @!p1 $0x0  }
0x14: {  	s2 =	sld [smem:$0x3F99];
	s0 =	simm.s32 @p1 $0x1  }
0x15: {  	[smem:$0x3FB6] =	sst s0;
	s0 =	simm.s32 @!p2 $0x0  }
0x16: {  	s3 =	sld [smem:$0x3FDB];
	s0 =	simm.s32 @p2 $0x1  }
0x17: {  	s4 =	simm.s32 $0x1BF5;
	[smem:$0x3FB8] =	sst s0  }
0x18: {  	s0 =	sld [smem:$0x3F9B];
	_ =	swait.ge [sflag:s4], $0x0  }
0x19: {  	s7 =	sld [smem:$0x3F9C]  }
0x1a: {  	s8 =	sadd.s32 $0xFFFFE003, lr  }
0x1b: {  	s9 =	sadd.s32 $0xFFFFFEF7, lr;
	s5 =	simm.s32 $0xFFFFFFFF;
	p2 =	slt.u32 s8, $0xFFFFF086  }
0x1c: {  	p1 =	slt.u32 s9, $0xF7A;
	s5 =	simm.s32 @!p2 $0x0  }
0x1d: {  	s5 =	simm.s32 @p1 $0x1;
	p0 =	seq.s32 s7, s2  }
0x1e: {  	s7 =	smul.u32 @!p0 $0xF7A, s2;
	p2 =	seq.s32 @!p0 s5, $0x0  }
0x1f: {  	s9 =	smul.u32 $0xF7A, s1;
	s8 =	simm.s32 @!p0 $0x1BF5;
	p2 =	por !p2, p0  }
0x20: {  	[sflag:s8] =	ssyncset.s32 @!p0 $0xFFFFF086;
	s6 =	sadd.s32 @!p0 s3, s7;
	s7 =	simm.s32 @!p0 $0x108  }
0x21: {  	s3 =	sadd.s32 s3, s9;
	s6 =	sadd.s32 @!p0 $0x88, s6;
	s7 =	simm.s32 @p2 $0x1082  }
0x22: {  	[simem:s7], [sflag:s8] =	dma.local @!p0 [hbm:s6], $0xF7A  }
0x23: {  	s9 =	sor.u32 $0xD0000000, s2;
	s6 =	simm.s32 $0x108;
	_ =	swait.ge @!p0 [sflag:s8], $0x0  }
0x24: {  	s3 =	sadd.s32 $0x88, s3;
	s6 =	simm.s32 @!p1 $0x1082;
	[sflag:s4] =	ssyncset.s32 $0xFFFFF086  }
0x25: {  	[simem:s6], [sflag:s4] =	dma.local [hbm:s3], $0xF7A  }
0x26: {  	[smem:$0x3F9C] =	sst s1;
	(tag) =	ssettag s2;
	_ =	strace s9  }
0x27: {  	s1 =	sld [smem:$0x3FAC]  }
0x28: {  	s2 =	sld [smem:$0x3FAD]  }
0x29: {  	s4 =	sld [smem:$0x3FAF]  }
0x2a: {  	p0 =	seq.s32 s5, $0x0;
	s5 =	sld [smem:$0x3FB0]  }
0x2b: {  	s6 =	sld [smem:$0x3FB1]  }
0x2c: {  	s7 =	sld [smem:$0x3FB2]  }
0x2d: {  	s3 =	simm.s32 $0x108;
	s8 =	sld [smem:$0x3FB3]  }
0x2e: {  	s3 =	simm.s32 @!p0 $0x1082;
	s9 =	sld [smem:$0x3FB4]  }
0x2f: {  	lr =	sadd.s32 s0, s3;
	s0 =	sld [smem:$0x3FAB]  }
0x30: {  	s3 =	sld [smem:$0x3FAE]  }
0x31: {  	[smem:$0x3FB7] =	sst s10  }
0x32: {  	s10 =	sld [smem:$0x3FB5];
	_ =	sdelay $0x3  }
0x33: {  	p0 =	seq.s32 s10, $0x1;
	s10 =	sld [smem:$0x3FB7];
	_ =	sdelay $0x3  }
0x34: {  	[smem:$0x3FB7] =	sst s10  }
0x35: {  	s10 =	sld [smem:$0x3FB6];
	_ =	sdelay $0x3  }
0x36: {  	p1 =	seq.s32 s10, $0x1;
	s10 =	sld [smem:$0x3FB7];
	_ =	sdelay $0x3  }
0x37: {  	[smem:$0x3FB7] =	sst s10  }
0x38: {  	s10 =	sld [smem:$0x3FB8]  }
0x39: {  	_ = 	snop;
	(pc) =	sbr.ind lr, $3  }
0x3a: {  	_ = 	snop  }
0x3b: {  	_ = 	snop  }
0x3c: {  	p2 =	seq.s32 s10, $0x1;
	s10 =	sld [smem:$0x3FB7]  }
0x3d: {  	_ =	shalt  }
0x3e: {  	_ =	shalt  }
0x3f: {  	_ =	shalt  }
0x40: {  	_ =	shalt  }
0x41: {  	_ =	shalt  }
0x42: {  	_ =	shalt  }
0x43: {  	_ =	shalt  }
0x44: {  	_ =	shalt  }
0x45: {  	_ =	shalt  }
0x46: {  	_ =	shalt  }
0x47: {  	_ =	shalt  }
0x48: {  	_ =	shalt  }
0x49: {  	_ =	shalt  }
0x4a: {  	_ =	shalt  }
0x4b: {  	_ =	shalt  }
0x4c: {  	_ =	shalt  }
0x4d: {  	_ =	shalt  }
0x4e: {  	_ =	shalt  }
0x4f: {  	_ =	shalt  }
0x50: {  	_ =	shalt  }
0x51: {  	_ =	shalt  }
0x52: {  	_ =	shalt  }
0x53: {  	_ =	shalt  }
0x54: {  	_ =	shalt  }
0x55: {  	_ =	shalt  }
0x56: {  	_ =	shalt  }
0x57: {  	_ =	shalt  }
0x58: {  	_ =	shalt  }
0x59: {  	_ =	shalt  }
0x5a: {  	_ =	shalt  }
0x5b: {  	_ =	shalt  }
0x5c: {  	_ =	shalt  }
0x5d: {  	_ =	shalt  }
0x5e: {  	_ =	shalt  }
0x5f: {  	_ =	shalt  }
0x60: {  	_ =	shalt  }
0x61: {  	_ =	shalt  }
0x62: {  	_ =	shalt  }
0x63: {  	_ =	shalt  }
0x64: {  	_ =	shalt  }
0x65: {  	_ =	shalt  }
0x66: {  	_ =	shalt  }
0x67: {  	_ =	shalt  }
0x68: {  	_ =	shalt  }
0x69: {  	_ =	shalt  }
0x6a: {  	_ =	shalt  }
0x6b: {  	_ =	shalt  }
0x6c: {  	_ =	shalt  }
0x6d: {  	_ =	shalt  }
0x6e: {  	_ =	shalt  }
0x6f: {  	_ =	shalt  }
0x70: {  	_ =	shalt  }
0x71: {  	_ =	shalt  }
0x72: {  	_ =	shalt  }
0x73: {  	_ =	shalt  }
0x74: {  	_ =	shalt  }
0x75: {  	_ =	shalt  }
0x76: {  	_ =	shalt  }
0x77: {  	_ =	shalt  }
0x78: {  	_ =	shalt  }
0x79: {  	_ =	shalt  }
0x7a: {  	_ =	shalt  }
0x7b: {  	_ =	shalt  }
0x7c: {  	_ =	shalt  }
0x7d: {  	_ =	shalt  }
0x7e: {  	_ =	shalt  }
0x7f: {  	_ =	shalt  }
0x80: {  	_ =	shalt  }
0x81: {  	_ =	shalt  }
0x82: {  	_ =	shalt  }
0x83: {  	_ =	shalt  }
0x84: {  	_ =	shalt  }
0x85: {  	_ =	shalt  }
0x86: {  	_ =	shalt  }
0x87: {  	_ =	shalt  }
.Lfunc_end0:
.L_simem_size_0:
called_computation_lowered:
.L_overlay_start_0:
0x88: {  	s2 =	sld [smem:$0x3FD9]  }
0x89: {  	s3 =	sld [smem:$0x3FFE];
	_ =	sdelay $0x1  }
0x8a: {  	s1 =	srdreg.scid  }
0x8b: {  	s0 =	sand.u32 $0x1, s1  }
0x8c: {  	s17 =	sshll.u32 s0, $0xA;
	s2 =	sadd.s32 s3, s2  }
0x8d: {  	s2 =	sadd.s32 s2, s17  }
0x8e: {  	[smem:$0x3FC3] =	sst s2  }
0x8f: {  	_ = 	snop  }
0x90: {  	s2 =	sld [smem:$0x3FC9]  }
0x91: {  	s18 =	sld [smem:$0x3FD0];
	(tm) =	ssettm $0x1  }
0x92: {  	s4 =	sld [smem:$0x3FFB];
	_ =	sdelay $0x3  }
0x93: {  	_ =	strace s4  }
0x94: {  	s4 =	sld [smem:$0x3FFC];
	_ =	sdelay $0x3  }
0x95: {  	_ =	strace s4  }
0x96: {  	s4 =	sld [smem:$0x3FFD];
	_ =	sdelay $0x3  }
0x97: {  	_ =	strace s4  }
0x98: {  	_ =	strace $0x8FFFFFFF  }
0x99: {  	s19 =	sld [smem:$0x3FDB];
	_ =	sdelay $0x1  }
0x9a: {  	s5 =	simm.s32 $_scs_section_size  }
0x9b: {  	s6 =	simm.s32 $_size__tile_overlayer_lowered;
	s7 =	simm.s32 $_tile_overlayer_lowered  }
0x9c: {  	s22 =	simm.s32 $0x1BFF;
	s21 =	sshll.u32 s7, $0x1;
	s4 =	sadd.s32 s5, s19  }
0x9d: {  	s8 =	simm.s32 $0x0;
	s20 =	sshll.u32 s6, $0x1;
	s6 =	sadd.s32 s21, s4  }
0x9e: {  	[timem:s8], [sflag:s22] =	dma.local [hbm:s6], s20  }
0x9f: {  	_ =	swait.ge [sflag:s22], s20  }
0xa0: {  	s5 =	ssub.s32 $0x0, s20;
	[sflag:s22] =	ssyncset.done $0x0  }
0xa1: {  	[sflag:s22] =	ssyncadd.s32 s5;
	_ =	sdelay $0x1  }
0xa2: {  	s23 =	simm.s32 $0x1B8B  }
0xa3: {  	_ =	swait.ge [sflag:s23], $0x1  }
0xa4: {  	[sflag:s23] =	ssyncset.done $0x0  }
0xa5: {  	s25 =	simm.s32 $0x1B8E;
	s24 =	sld [smem:$0x3FFE];
	[sflag:s23] =	ssyncadd.s32 $0xFFFFFFFF  }
0xa6: {  	s26 =	simm.s32 $execute0_lowered;
	[smem:$0x3FD2] =	sst s25  }
0xa7: {  	s6 =	sshll.u32 s26, $0x1;
	_ =	strace $0x80000046;
	[dreg:$0x1] =	wrdreg $0xFFFFFFFF  }
0xa8: {  	s28 =	simm.s32 $_size_execute0_lowered;
	s4 =	sadd.s32 s4, s6;
	[dreg:$0x0] =	wrdreg $0x0  }
0xa9: {  	s6 =	sshll.u32 s28, $0x1;
	[dreg:$0x2] =	wrdreg s4  }
0xaa: {  	[dreg:$0x3] =	wrdreg s6  }
0xab: {  	[dreg:$0x4] =	wrdreg $0xC0  }
0xac: {  	_ =	task [dreg:s8], $0x5FFFF  }
0xad: {  	[dreg:$0x1] =	wrdreg $0xFFFFFFFF  }
0xae: {  	[dreg:$0x0] =	wrdreg $0x60  }
0xaf: {  	[dreg:$0x2] =	wrdreg s2  }
0xb0: {  	[dreg:$0x3] =	wrdreg s18  }
0xb1: {  	[dreg:$0x4] =	wrdreg s24  }
0xb2: {  	[dreg:$0x5] =	wrdreg $0x9  }
0xb3: {  	_ =	task.clear_ibuf [dreg:s8], $0x6FFFF;
	_ =	strace $0x90000046  }
0xb4: {  	s29 =	simm.s32 $0x9;
	_ =	strace $0x80000048  }
0xb5: {  	_ =	swait.ge [sflag:s29], $0x1  }
0xb6: {  	[sflag:s29] =	ssyncadd.s32 $0xFFFFFFFF  }
0xb7: {  	_ =	strace $0x90000048  }
0xb8: {  	_ =	sfence  }
0xb9: {  	s30 =	sld [smem:$0x0];
	_ =	sdelay $0x2  }
0xba: {  	s31 =	sshll.u32 s1, $0xD;
	s1 =	sshrl.u32 s1, $0x2  }
0xbb: {  	s3 =	sand.u32 $0x4000, s31;
	s1 =	sadd.s32 s1, s30  }
0xbc: {  	s0 =	sor.u32 s3, s0;
	s1 =	sshll.u32 s1, $0x11  }
0xbd: {  	s0 =	sor.u32 s1, s0  }
0xbe: {  	s0 =	sadd.s32 $0x8F2B, s0  }
0xbf: {  	[sflag:s0] =	ssyncadd.remote.s32 $0x1  }
0xc0: {  	_ =	sfence.sel $0xFFFF  }
0xc1: {  	[dreg:$0x0] =	wrdreg $0xFFFFFFFF;
	(pc) =	sbr.abs _section_cstart, $3  }
0xc2: {  	[dreg:$0x1] =	wrdreg $0xFFFFFFFF  }
0xc3: {  	_ =	task.clear_ibuf [dreg:s8], $0x2FFFF;
	_ =	strace $0x9FFFFFFF  }
0xc4: {  	(tm) =	ssettm $0x7FFFFFFF  }
0xc5: {  	_ =	shalt  }
tec
execute0_lowered:
.L_overlay_start_1:
0x0: {  	(tag) =	ssettag $0x1  }
0x1: {  	s1 =	rddreg [dreg:$0x0]  }
0x2: {  	s0 =	rddreg [dreg:$0x1]  }
0x3: {  	s2 =	rddreg [dreg:$0x2];
	s3 =	simm.s32 $0x0;
	s4 =	srdreg.scid  }
0x4: {  	s5 =	stileid.u32;
	s12 =	simm.s32 $0x2;
	s26 =	simm.s32 $0x1  }
0x5: {  	[smem:$0x7FF] =	sst s3;
	s4 =	sand.u32 $0x1, s4;
	s5 =	sshll.u32 s5, $0x5  }
0x6: {  	s9 =	sadd.s32 $0x8400, s2;
	_ =	strace $0x80000047;
	s6 =	sshll.u32 s4, $0x4  }
0x7: {  	s7 =	ssub.s32 $0x2, s4;
	s4 =	sadd.s32 $0x8600, s2;
	s6 =	sor.u32 s6, s5  }
0x8: {  	s29 =	sshrl.u32 s7, $0x1;
	s5 =	sadd.s32 $0x100, s1;
	s8 =	sadd.s32 s0, s6  }
0x9: {  	s11 =	ssub.s32 s7, s29;
	s30 =	sadd.s32 s9, s6;
	s10 =	sor.u32 $0x8, s6  }
0xa: {  	s6 =	sadd.s32 $0x200, s1;
	s7 =	sadd.s32 $0x300, s1;
	[dreg:$0x4] =	wrdreg s8  }
0xb: {  	v2 =	vlaneseq.u32;
	[dreg:$0x5] =	wrdreg s30;
	s0 =	sadd.s32 s0, s10;
	s8 =	sadd.s32 $0x8700, s2  }
0xc: {  	vm0 =	vmmov $0xffff;
	v1 =	vshrl.u32 v2, $0x3;
	s31 =	sadd.s32 s9, s10;
	s9 =	sadd.s32 $0x8800, s2;
	[dreg:$0x6] =	wrdreg s0  }
0xd: {  	v0 =	vand.u32 $0x7, v2;
	v2 =	vor.u32 $0x8, v2;
	v1 =	vmul.u32 $0x8, v1;
	s10 =	sadd.s32 $0x8900, s2;
	s11 =	smax.u32 s11, $0x1;
	[dreg:$0x7] =	wrdreg s31  }
.LBB2_1:
0xe: {  	s28 =	rddreg [dreg:$0x4]  }
0xf: {  	[tilespmem:s3], [sflag:$0x2] =	stream.linear.gather [hbm4b:s28+s3], $0x40, $0x38;
	[tilespmem:$0x10100] =	vst v63  }
0x10: {  	_ =	swait.ge [sflag:s12], $0x40  }
0x11: {  	[sflag:s12] =	ssyncset.done $0x0  }
0x12: {  	s0 =	simm.s32 $0x80;
	s15 =	rddreg [dreg:$0x5];
	[sflag:s12] =	ssyncadd.s32 $0xFFFFFFC0  }
0x13: {  	[tilespmem:s0], [sflag:$0x2] =	stream.linear.gather [hbm4b:s15+s3], $0x40, $0x38;
	[tilespmem:$0x10100] =	vst v63  }
0x14: {  	_ =	swait.ge [sflag:s12], $0x40  }
0x15: {  	[sflag:s12] =	ssyncset.done $0x0  }
0x16: {  	[sflag:s12] =	ssyncadd.s32 $0xFFFFFFC0  }
0x17: {  	v3 =	vld [tilespmem:$0x0];
	_ =	sdelay $0x4  }
0x18: {  	v4 =	vshll.u32 v3, $0x3  }
0x19: {  	v3 =	vand.u32 $0x7, v3;
	v4 =	vand.u32 $0xFFFFFFC0, v4  }
0x1a: {  	v3 =	vor.u32 v3, v4  }
0x1b: {  	v4 =	vperm.xlane v3, v0;
	_ =	sdelay $0x1  }
0x1c: {  	v4 =	vadd.s32 v1, v4;
	_ =	sdelay $0x3  }
0x1d: {  	s16 =	simm.s32 $0x100  }
0x1e: {  	[tilespmem:s16], [sflag:$0x1] =	stream.indirect_vreg.gather [hbm4b:s1+s3], $0x80, v4, vm0, $0xb8;
	[tilespmem:$0x10100] =	vst v63  }
0x1f: {  	s17 =	simm.s32 $0x900;
	v3 =	vperm.xlane v3, v2  }
0x20: {  	[tilespmem:s17], [sflag:$0x1] =	stream.indirect_vreg.gather [hbm4b:s5+s3], $0x80, v4, vm0, $0xb8;
	[tilespmem:$0x10100] =	vst v63  }
0x21: {  	s18 =	simm.s32 $0x1100;
	v3 =	vadd.s32 v1, v3  }
0x22: {  	[tilespmem:s18], [sflag:$0x1] =	stream.indirect_vreg.gather [hbm4b:s6+s3], $0x80, v4, vm0, $0xb8;
	[tilespmem:$0x10100] =	vst v63  }
0x23: {  	s19 =	simm.s32 $0x1900  }
0x24: {  	[tilespmem:s19], [sflag:$0x1] =	stream.indirect_vreg.gather [hbm4b:s7+s3], $0x80, v4, vm0, $0xb8;
	[tilespmem:$0x10100] =	vst v63  }
0x25: {  	s20 =	simm.s32 $0x2100  }
0x26: {  	[tilespmem:s20], [sflag:$0x1] =	stream.indirect_vreg.gather [hbm4b:s1+s3], $0x80, v3, vm0, $0xb8;
	[tilespmem:$0x10100] =	vst v63  }
0x27: {  	s21 =	simm.s32 $0x2900  }
0x28: {  	[tilespmem:s21], [sflag:$0x1] =	stream.indirect_vreg.gather [hbm4b:s5+s3], $0x80, v3, vm0, $0xb8;
	[tilespmem:$0x10100] =	vst v63  }
0x29: {  	s22 =	simm.s32 $0x3100  }
0x2a: {  	[tilespmem:s22], [sflag:$0x1] =	stream.indirect_vreg.gather [hbm4b:s6+s3], $0x80, v3, vm0, $0xb8;
	[tilespmem:$0x10100] =	vst v63  }
0x2b: {  	s23 =	simm.s32 $0x3900  }
0x2c: {  	[tilespmem:s23], [sflag:$0x1] =	stream.indirect_vreg.gather [hbm4b:s7+s3], $0x80, v3, vm0, $0xb8;
	[tilespmem:$0x10100] =	vst v63  }
0x2d: {  	v3 =	vld [tilespmem:$0x10];
	_ =	sdelay $0x4  }
0x2e: {  	v49 =	vshll.u32 v3, $0x3  }
0x2f: {  	v3 =	vand.u32 $0x7, v3;
	v4 =	vand.u32 $0xFFFFFFC0, v49  }
0x30: {  	v3 =	vor.u32 v3, v4  }
0x31: {  	v4 =	vperm.xlane v3, v0;
	_ =	sdelay $0x1  }
0x32: {  	v4 =	vadd.s32 v1, v4;
	_ =	sdelay $0x3  }
0x33: {  	s24 =	simm.s32 $0x4100  }
0x34: {  	[tilespmem:s24], [sflag:$0x1] =	stream.indirect_vreg.gather [hbm4b:s1+s3], $0x80, v4, vm0, $0xb8;
	[tilespmem:$0x10100] =	vst v63  }
0x35: {  	s25 =	simm.s32 $0x4900;
	v3 =	vperm.xlane v3, v2  }
0x36: {  	[tilespmem:s25], [sflag:$0x1] =	stream.indirect_vreg.gather [hbm4b:s5+s3], $0x80, v4, vm0, $0xb8;
	[tilespmem:$0x10100] =	vst v63  }
0x37: {  	s28 =	simm.s32 $0x5100;
	v3 =	vadd.s32 v1, v3  }
0x38: {  	[tilespmem:s28], [sflag:$0x1] =	stream.indirect_vreg.gather [hbm4b:s6+s3], $0x80, v4, vm0, $0xb8;
	[tilespmem:$0x10100] =	vst v63  }
0x39: {  	s29 =	simm.s32 $0x5900  }
0x3a: {  	[tilespmem:s29], [sflag:$0x1] =	stream.indirect_vreg.gather [hbm4b:s7+s3], $0x80, v4, vm0, $0xb8;
	[tilespmem:$0x10100] =	vst v63  }
0x3b: {  	s30 =	simm.s32 $0x6100  }
0x3c: {  	[tilespmem:s30], [sflag:$0x1] =	stream.indirect_vreg.gather [hbm4b:s1+s3], $0x80, v3, vm0, $0xb8;
	[tilespmem:$0x10100] =	vst v63  }
0x3d: {  	s31 =	simm.s32 $0x6900  }
0x3e: {  	[tilespmem:s31], [sflag:$0x1] =	stream.indirect_vreg.gather [hbm4b:s5+s3], $0x80, v3, vm0, $0xb8;
	[tilespmem:$0x10100] =	vst v63  }
0x3f: {  	s14 =	simm.s32 $0x7100  }
0x40: {  	[tilespmem:s14], [sflag:$0x1] =	stream.indirect_vreg.gather [hbm4b:s6+s3], $0x80, v3, vm0, $0xb8;
	[tilespmem:$0x10100] =	vst v63  }
0x41: {  	s15 =	simm.s32 $0x7900  }
0x42: {  	[tilespmem:s15], [sflag:$0x1] =	stream.indirect_vreg.gather [hbm4b:s7+s3], $0x80, v3, vm0, $0xb8;
	[tilespmem:$0x10100] =	vst v63  }
0x43: {  	v3 =	vld [tilespmem:$0x20];
	_ =	sdelay $0x4  }
0x44: {  	v50 =	vshll.u32 v3, $0x3  }
0x45: {  	v3 =	vand.u32 $0x7, v3;
	v4 =	vand.u32 $0xFFFFFFC0, v50  }
0x46: {  	v3 =	vor.u32 v3, v4  }
0x47: {  	v4 =	vperm.xlane v3, v0;
	_ =	sdelay $0x1  }
0x48: {  	v4 =	vadd.s32 v1, v4;
	_ =	sdelay $0x3  }
0x49: {  	s19 =	simm.s32 $0x8100  }
0x4a: {  	[tilespmem:s19], [sflag:$0x1] =	stream.indirect_vreg.gather [hbm4b:s1+s3], $0x80, v4, vm0, $0xb8;
	[tilespmem:$0x10100] =	vst v63  }
0x4b: {  	s20 =	simm.s32 $0x8900;
	v3 =	vperm.xlane v3, v2  }
0x4c: {  	[tilespmem:s20], [sflag:$0x1] =	stream.indirect_vreg.gather [hbm4b:s5+s3], $0x80, v4, vm0, $0xb8;
	[tilespmem:$0x10100] =	vst v63  }
0x4d: {  	s21 =	simm.s32 $0x9100;
	v3 =	vadd.s32 v1, v3  }
0x4e: {  	[tilespmem:s21], [sflag:$0x1] =	stream.indirect_vreg.gather [hbm4b:s6+s3], $0x80, v4, vm0, $0xb8;
	[tilespmem:$0x10100] =	vst v63  }
0x4f: {  	s22 =	simm.s32 $0x9900  }
0x50: {  	[tilespmem:s22], [sflag:$0x1] =	stream.indirect_vreg.gather [hbm4b:s7+s3], $0x80, v4, vm0, $0xb8;
	[tilespmem:$0x10100] =	vst v63  }
0x51: {  	s23 =	simm.s32 $0xA100  }
0x52: {  	[tilespmem:s23], [sflag:$0x1] =	stream.indirect_vreg.gather [hbm4b:s1+s3], $0x80, v3, vm0, $0xb8;
	[tilespmem:$0x10100] =	vst v63  }
0x53: {  	s24 =	simm.s32 $0xA900  }
0x54: {  	[tilespmem:s24], [sflag:$0x1] =	stream.indirect_vreg.gather [hbm4b:s5+s3], $0x80, v3, vm0, $0xb8;
	[tilespmem:$0x10100] =	vst v63  }
0x55: {  	s25 =	simm.s32 $0xB100  }
0x56: {  	[tilespmem:s25], [sflag:$0x1] =	stream.indirect_vreg.gather [hbm4b:s6+s3], $0x80, v3, vm0, $0xb8;
	[tilespmem:$0x10100] =	vst v63  }
0x57: {  	s30 =	simm.s32 $0xB900  }
0x58: {  	[tilespmem:s30], [sflag:$0x1] =	stream.indirect_vreg.gather [hbm4b:s7+s3], $0x80, v3, vm0, $0xb8;
	[tilespmem:$0x10100] =	vst v63  }
0x59: {  	v3 =	vld [tilespmem:$0x30];
	_ =	sdelay $0x4  }
0x5a: {  	v51 =	vshll.u32 v3, $0x3  }
0x5b: {  	v3 =	vand.u32 $0x7, v3;
	v4 =	vand.u32 $0xFFFFFFC0, v51  }
0x5c: {  	v3 =	vor.u32 v3, v4  }
0x5d: {  	v4 =	vperm.xlane v3, v0;
	_ =	sdelay $0x1  }
0x5e: {  	v4 =	vadd.s32 v1, v4;
	_ =	sdelay $0x3  }
0x5f: {  	s31 =	simm.s32 $0xC100  }
0x60: {  	[tilespmem:s31], [sflag:$0x1] =	stream.indirect_vreg.gather [hbm4b:s1+s3], $0x80, v4, vm0, $0xb8;
	[tilespmem:$0x10100] =	vst v63  }
0x61: {  	s0 =	simm.s32 $0xC900;
	v3 =	vperm.xlane v3, v2  }
0x62: {  	[tilespmem:s0], [sflag:$0x1] =	stream.indirect_vreg.gather [hbm4b:s5+s3], $0x80, v4, vm0, $0xb8;
	[tilespmem:$0x10100] =	vst v63  }
0x63: {  	s14 =	simm.s32 $0xD100;
	v3 =	vadd.s32 v1, v3  }
0x64: {  	[tilespmem:s14], [sflag:$0x1] =	stream.indirect_vreg.gather [hbm4b:s6+s3], $0x80, v4, vm0, $0xb8;
	[tilespmem:$0x10100] =	vst v63  }
0x65: {  	s15 =	simm.s32 $0xD900  }
0x66: {  	[tilespmem:s15], [sflag:$0x1] =	stream.indirect_vreg.gather [hbm4b:s7+s3], $0x80, v4, vm0, $0xb8;
	[tilespmem:$0x10100] =	vst v63  }
0x67: {  	s19 =	simm.s32 $0xE100  }
0x68: {  	[tilespmem:s19], [sflag:$0x1] =	stream.indirect_vreg.gather [hbm4b:s1+s3], $0x80, v3, vm0, $0xb8;
	[tilespmem:$0x10100] =	vst v63  }
0x69: {  	s20 =	simm.s32 $0xE900  }
0x6a: {  	[tilespmem:s20], [sflag:$0x1] =	stream.indirect_vreg.gather [hbm4b:s5+s3], $0x80, v3, vm0, $0xb8;
	[tilespmem:$0x10100] =	vst v63  }
0x6b: {  	s21 =	simm.s32 $0xF100  }
0x6c: {  	[tilespmem:s21], [sflag:$0x1] =	stream.indirect_vreg.gather [hbm4b:s6+s3], $0x80, v3, vm0, $0xb8;
	[tilespmem:$0x10100] =	vst v63  }
0x6d: {  	s22 =	simm.s32 $0xF900  }
0x6e: {  	[tilespmem:s22], [sflag:$0x1] =	stream.indirect_vreg.gather [hbm4b:s7+s3], $0x80, v3, vm0, $0xb8;
	[tilespmem:$0x10100] =	vst v63  }
0x6f: {  	_ =	swait.ge [sflag:s26], $0x10000  }
0x70: {  	[sflag:s26] =	ssyncset.done $0x0  }
0x71: {  	[sflag:s26] =	ssyncadd.s32 $0xFFFF0000  }
0x72: {  	v3 =	vld [tilespmem:$0x80];
	_ =	sdelay $0x4  }
0x73: {  	v52 =	vshll.u32 v3, $0x3  }
0x74: {  	v3 =	vand.u32 $0x7, v3;
	v4 =	vand.u32 $0xFFFFFFC0, v52  }
0x75: {  	v3 =	vor.u32 v3, v4  }
0x76: {  	v4 =	vperm.xlane v3, v0;
	_ =	sdelay $0x1  }
0x77: {  	v4 =	vadd.s32 v1, v4;
	_ =	sdelay $0x3  }
0x78: {  	s2 =	simm.s32 $0x100  }
0x79: {  	[hbm4b:s4+s3] =	stream.indirect_vreg.scatter [tilespmem:s2], [sflag:$0x1], $0x80, v4, vm0, $0xb8;
	[tilespmem:$0x10100] =	vst v63  }
0x7a: {  	s13 =	simm.s32 $0x900;
	v3 =	vperm.xlane v3, v2  }
0x7b: {  	[hbm4b:s8+s3] =	stream.indirect_vreg.scatter [tilespmem:s13], [sflag:$0x1], $0x80, v4, vm0, $0xb8;
	[tilespmem:$0x10100] =	vst v63  }
0x7c: {  	s0 =	simm.s32 $0x1100;
	v3 =	vadd.s32 v1, v3  }
0x7d: {  	[hbm4b:s9+s3] =	stream.indirect_vreg.scatter [tilespmem:s0], [sflag:$0x1], $0x80, v4, vm0, $0xb8;
	[tilespmem:$0x10100] =	vst v63  }
0x7e: {  	s2 =	simm.s32 $0x1900  }
0x7f: {  	[hbm4b:s10+s3] =	stream.indirect_vreg.scatter [tilespmem:s2], [sflag:$0x1], $0x80, v4, vm0, $0xb8;
	[tilespmem:$0x10100] =	vst v63  }
0x80: {  	s13 =	simm.s32 $0x2100  }
0x81: {  	[hbm4b:s4+s3] =	stream.indirect_vreg.scatter [tilespmem:s13], [sflag:$0x1], $0x80, v3, vm0, $0xb8;
	[tilespmem:$0x10100] =	vst v63  }
0x82: {  	s14 =	simm.s32 $0x2900  }
0x83: {  	[hbm4b:s8+s3] =	stream.indirect_vreg.scatter [tilespmem:s14], [sflag:$0x1], $0x80, v3, vm0, $0xb8;
	[tilespmem:$0x10100] =	vst v63  }
0x84: {  	s15 =	simm.s32 $0x3100  }
0x85: {  	[hbm4b:s9+s3] =	stream.indirect_vreg.scatter [tilespmem:s15], [sflag:$0x1], $0x80, v3, vm0, $0xb8;
	[tilespmem:$0x10100] =	vst v63  }
0x86: {  	s16 =	simm.s32 $0x3900  }
0x87: {  	[hbm4b:s10+s3] =	stream.indirect_vreg.scatter [tilespmem:s16], [sflag:$0x1], $0x80, v3, vm0, $0xb8;
	[tilespmem:$0x10100] =	vst v63  }
0x88: {  	v3 =	vld [tilespmem:$0x90];
	_ =	sdelay $0x4  }
0x89: {  	v53 =	vshll.u32 v3, $0x3  }
0x8a: {  	v3 =	vand.u32 $0x7, v3;
	v4 =	vand.u32 $0xFFFFFFC0, v53  }
0x8b: {  	v3 =	vor.u32 v3, v4  }
0x8c: {  	v4 =	vperm.xlane v3, v0;
	_ =	sdelay $0x1  }
0x8d: {  	v4 =	vadd.s32 v1, v4;
	_ =	sdelay $0x3  }
0x8e: {  	s17 =	simm.s32 $0x4100  }
0x8f: {  	[hbm4b:s4+s3] =	stream.indirect_vreg.scatter [tilespmem:s17], [sflag:$0x1], $0x80, v4, vm0, $0xb8;
	[tilespmem:$0x10100] =	vst v63  }
0x90: {  	s18 =	simm.s32 $0x4900;
	v3 =	vperm.xlane v3, v2  }
0x91: {  	[hbm4b:s8+s3] =	stream.indirect_vreg.scatter [tilespmem:s18], [sflag:$0x1], $0x80, v4, vm0, $0xb8;
	[tilespmem:$0x10100] =	vst v63  }
0x92: {  	s16 =	simm.s32 $0x5100;
	v3 =	vadd.s32 v1, v3  }
0x93: {  	[hbm4b:s9+s3] =	stream.indirect_vreg.scatter [tilespmem:s16], [sflag:$0x1], $0x80, v4, vm0, $0xb8;
	[tilespmem:$0x10100] =	vst v63  }
0x94: {  	s17 =	simm.s32 $0x5900  }
0x95: {  	[hbm4b:s10+s3] =	stream.indirect_vreg.scatter [tilespmem:s17], [sflag:$0x1], $0x80, v4, vm0, $0xb8;
	[tilespmem:$0x10100] =	vst v63  }
0x96: {  	s18 =	simm.s32 $0x6100  }
0x97: {  	[hbm4b:s4+s3] =	stream.indirect_vreg.scatter [tilespmem:s18], [sflag:$0x1], $0x80, v3, vm0, $0xb8;
	[tilespmem:$0x10100] =	vst v63  }
0x98: {  	s19 =	simm.s32 $0x6900  }
0x99: {  	[hbm4b:s8+s3] =	stream.indirect_vreg.scatter [tilespmem:s19], [sflag:$0x1], $0x80, v3, vm0, $0xb8;
	[tilespmem:$0x10100] =	vst v63  }
0x9a: {  	s20 =	simm.s32 $0x7100  }
0x9b: {  	[hbm4b:s9+s3] =	stream.indirect_vreg.scatter [tilespmem:s20], [sflag:$0x1], $0x80, v3, vm0, $0xb8;
	[tilespmem:$0x10100] =	vst v63  }
0x9c: {  	s21 =	simm.s32 $0x7900  }
0x9d: {  	[hbm4b:s10+s3] =	stream.indirect_vreg.scatter [tilespmem:s21], [sflag:$0x1], $0x80, v3, vm0, $0xb8;
	[tilespmem:$0x10100] =	vst v63  }
0x9e: {  	v3 =	vld [tilespmem:$0xA0];
	_ =	sdelay $0x4  }
0x9f: {  	v54 =	vshll.u32 v3, $0x3  }
0xa0: {  	v3 =	vand.u32 $0x7, v3;
	v4 =	vand.u32 $0xFFFFFFC0, v54  }
0xa1: {  	v3 =	vor.u32 v3, v4  }
0xa2: {  	v4 =	vperm.xlane v3, v0;
	_ =	sdelay $0x1  }
0xa3: {  	v4 =	vadd.s32 v1, v4;
	_ =	sdelay $0x3  }
0xa4: {  	s22 =	simm.s32 $0x8100  }
0xa5: {  	[hbm4b:s4+s3] =	stream.indirect_vreg.scatter [tilespmem:s22], [sflag:$0x1], $0x80, v4, vm0, $0xb8;
	[tilespmem:$0x10100] =	vst v63  }
0xa6: {  	s29 =	simm.s32 $0x8900;
	v3 =	vperm.xlane v3, v2  }
0xa7: {  	[hbm4b:s8+s3] =	stream.indirect_vreg.scatter [tilespmem:s29], [sflag:$0x1], $0x80, v4, vm0, $0xb8;
	[tilespmem:$0x10100] =	vst v63  }
0xa8: {  	v3 =	vadd.s32 v1, v3;
	s29 =	simm.s32 $0x9100  }
0xa9: {  	[hbm4b:s9+s3] =	stream.indirect_vreg.scatter [tilespmem:s29], [sflag:$0x1], $0x80, v4, vm0, $0xb8;
	[tilespmem:$0x10100] =	vst v63  }
0xaa: {  	s29 =	simm.s32 $0x9900  }
0xab: {  	[hbm4b:s10+s3] =	stream.indirect_vreg.scatter [tilespmem:s29], [sflag:$0x1], $0x80, v4, vm0, $0xb8;
	[tilespmem:$0x10100] =	vst v63  }
0xac: {  	s29 =	simm.s32 $0xA100  }
0xad: {  	[hbm4b:s4+s3] =	stream.indirect_vreg.scatter [tilespmem:s29], [sflag:$0x1], $0x80, v3, vm0, $0xb8;
	[tilespmem:$0x10100] =	vst v63  }
0xae: {  	s29 =	simm.s32 $0xA900  }
0xaf: {  	[hbm4b:s8+s3] =	stream.indirect_vreg.scatter [tilespmem:s29], [sflag:$0x1], $0x80, v3, vm0, $0xb8;
	[tilespmem:$0x10100] =	vst v63  }
0xb0: {  	s29 =	simm.s32 $0xB100  }
0xb1: {  	[hbm4b:s9+s3] =	stream.indirect_vreg.scatter [tilespmem:s29], [sflag:$0x1], $0x80, v3, vm0, $0xb8;
	[tilespmem:$0x10100] =	vst v63  }
0xb2: {  	s24 =	simm.s32 $0xB900  }
0xb3: {  	[hbm4b:s10+s3] =	stream.indirect_vreg.scatter [tilespmem:s24], [sflag:$0x1], $0x80, v3, vm0, $0xb8;
	[tilespmem:$0x10100] =	vst v63  }
0xb4: {  	v3 =	vld [tilespmem:$0xB0];
	_ =	sdelay $0x4  }
0xb5: {  	v55 =	vshll.u32 v3, $0x3  }
0xb6: {  	v3 =	vand.u32 $0x7, v3;
	v4 =	vand.u32 $0xFFFFFFC0, v55  }
0xb7: {  	v3 =	vor.u32 v3, v4  }
0xb8: {  	v4 =	vperm.xlane v3, v0;
	_ =	sdelay $0x1  }
0xb9: {  	v4 =	vadd.s32 v1, v4;
	_ =	sdelay $0x3  }
0xba: {  	s25 =	simm.s32 $0xC100  }
0xbb: {  	[hbm4b:s4+s3] =	stream.indirect_vreg.scatter [tilespmem:s25], [sflag:$0x1], $0x80, v4, vm0, $0xb8;
	[tilespmem:$0x10100] =	vst v63  }
0xbc: {  	s23 =	simm.s32 $0xC900;
	v3 =	vperm.xlane v3, v2  }
0xbd: {  	[hbm4b:s8+s3] =	stream.indirect_vreg.scatter [tilespmem:s23], [sflag:$0x1], $0x80, v4, vm0, $0xb8;
	[tilespmem:$0x10100] =	vst v63  }
0xbe: {  	s29 =	simm.s32 $0xD100;
	v3 =	vadd.s32 v1, v3  }
0xbf: {  	[hbm4b:s9+s3] =	stream.indirect_vreg.scatter [tilespmem:s29], [sflag:$0x1], $0x80, v4, vm0, $0xb8;
	[tilespmem:$0x10100] =	vst v63  }
0xc0: {  	s30 =	simm.s32 $0xD900  }
0xc1: {  	[hbm4b:s10+s3] =	stream.indirect_vreg.scatter [tilespmem:s30], [sflag:$0x1], $0x80, v4, vm0, $0xb8;
	[tilespmem:$0x10100] =	vst v63  }
0xc2: {  	s31 =	simm.s32 $0xE100  }
0xc3: {  	[hbm4b:s4+s3] =	stream.indirect_vreg.scatter [tilespmem:s31], [sflag:$0x1], $0x80, v3, vm0, $0xb8;
	[tilespmem:$0x10100] =	vst v63  }
0xc4: {  	s30 =	simm.s32 $0xE900  }
0xc5: {  	[hbm4b:s8+s3] =	stream.indirect_vreg.scatter [tilespmem:s30], [sflag:$0x1], $0x80, v3, vm0, $0xb8;
	[tilespmem:$0x10100] =	vst v63  }
0xc6: {  	s31 =	simm.s32 $0xF100  }
0xc7: {  	[hbm4b:s9+s3] =	stream.indirect_vreg.scatter [tilespmem:s31], [sflag:$0x1], $0x80, v3, vm0, $0xb8;
	[tilespmem:$0x10100] =	vst v63  }
0xc8: {  	s28 =	simm.s32 $0xF900  }
0xc9: {  	[hbm4b:s10+s3] =	stream.indirect_vreg.scatter [tilespmem:s28], [sflag:$0x1], $0x80, v3, vm0, $0xb8;
	[tilespmem:$0x10100] =	vst v63  }
0xca: {  	_ =	swait.ge [sflag:s26], $0x10000  }
0xcb: {  	[sflag:s26] =	ssyncset.done $0x0  }
0xcc: {  	s24 =	rddreg [dreg:$0x6];
	[sflag:s26] =	ssyncadd.s32 $0xFFFF0000  }
0xcd: {  	[tilespmem:s3], [sflag:$0x2] =	stream.linear.gather [hbm4b:s24+s3], $0x40, $0x38;
	[tilespmem:$0x10100] =	vst v63  }
0xce: {  	_ =	swait.ge [sflag:s12], $0x40  }
0xcf: {  	[sflag:s12] =	ssyncset.done $0x0  }
0xd0: {  	s29 =	simm.s32 $0x80;
	s25 =	rddreg [dreg:$0x7];
	[sflag:s12] =	ssyncadd.s32 $0xFFFFFFC0  }
0xd1: {  	[tilespmem:s29], [sflag:$0x2] =	stream.linear.gather [hbm4b:s25+s3], $0x40, $0x38;
	[tilespmem:$0x10100] =	vst v63  }
0xd2: {  	_ =	swait.ge [sflag:s12], $0x40  }
0xd3: {  	[sflag:s12] =	ssyncset.done $0x0  }
0xd4: {  	[sflag:s12] =	ssyncadd.s32 $0xFFFFFFC0  }
0xd5: {  	v3 =	vld [tilespmem:$0x0];
	_ =	sdelay $0x4  }
0xd6: {  	v56 =	vshll.u32 v3, $0x3  }
0xd7: {  	v3 =	vand.u32 $0x7, v3;
	v4 =	vand.u32 $0xFFFFFFC0, v56  }
0xd8: {  	v3 =	vor.u32 v3, v4  }
0xd9: {  	v4 =	vperm.xlane v3, v0;
	_ =	sdelay $0x1  }
0xda: {  	v4 =	vadd.s32 v1, v4;
	_ =	sdelay $0x3  }
0xdb: {  	s30 =	simm.s32 $0x100  }
0xdc: {  	[tilespmem:s30], [sflag:$0x1] =	stream.indirect_vreg.gather [hbm4b:s1+s3], $0x80, v4, vm0, $0xb8;
	[tilespmem:$0x10100] =	vst v63  }
0xdd: {  	s31 =	simm.s32 $0x900;
	v3 =	vperm.xlane v3, v2  }
0xde: {  	[tilespmem:s31], [sflag:$0x1] =	stream.indirect_vreg.gather [hbm4b:s5+s3], $0x80, v4, vm0, $0xb8;
	[tilespmem:$0x10100] =	vst v63  }
0xdf: {  	v3 =	vadd.s32 v1, v3  }
0xe0: {  	[tilespmem:s0], [sflag:$0x1] =	stream.indirect_vreg.gather [hbm4b:s6+s3], $0x80, v4, vm0, $0xb8;
	[tilespmem:$0x10100] =	vst v63  }
0xe1: {  	_ = 	snop  }
0xe2: {  	[tilespmem:s2], [sflag:$0x1] =	stream.indirect_vreg.gather [hbm4b:s7+s3], $0x80, v4, vm0, $0xb8;
	[tilespmem:$0x10100] =	vst v63  }
0xe3: {  	_ = 	snop  }
0xe4: {  	[tilespmem:s13], [sflag:$0x1] =	stream.indirect_vreg.gather [hbm4b:s1+s3], $0x80, v3, vm0, $0xb8;
	[tilespmem:$0x10100] =	vst v63  }
0xe5: {  	_ = 	snop  }
0xe6: {  	[tilespmem:s14], [sflag:$0x1] =	stream.indirect_vreg.gather [hbm4b:s5+s3], $0x80, v3, vm0, $0xb8;
	[tilespmem:$0x10100] =	vst v63  }
0xe7: {  	_ = 	snop  }
0xe8: {  	[tilespmem:s15], [sflag:$0x1] =	stream.indirect_vreg.gather [hbm4b:s6+s3], $0x80, v3, vm0, $0xb8;
	[tilespmem:$0x10100] =	vst v63  }
0xe9: {  	s13 =	simm.s32 $0x3900  }
0xea: {  	[tilespmem:s13], [sflag:$0x1] =	stream.indirect_vreg.gather [hbm4b:s7+s3], $0x80, v3, vm0, $0xb8;
	[tilespmem:$0x10100] =	vst v63  }
0xeb: {  	v3 =	vld [tilespmem:$0x10];
	_ =	sdelay $0x4  }
0xec: {  	v57 =	vshll.u32 v3, $0x3  }
0xed: {  	v3 =	vand.u32 $0x7, v3;
	v4 =	vand.u32 $0xFFFFFFC0, v57  }
0xee: {  	v3 =	vor.u32 v3, v4  }
0xef: {  	v4 =	vperm.xlane v3, v0;
	_ =	sdelay $0x1  }
0xf0: {  	v4 =	vadd.s32 v1, v4;
	_ =	sdelay $0x3  }
0xf1: {  	s14 =	simm.s32 $0x4100  }
0xf2: {  	[tilespmem:s14], [sflag:$0x1] =	stream.indirect_vreg.gather [hbm4b:s1+s3], $0x80, v4, vm0, $0xb8;
	[tilespmem:$0x10100] =	vst v63  }
0xf3: {  	s15 =	simm.s32 $0x4900;
	v3 =	vperm.xlane v3, v2  }
0xf4: {  	[tilespmem:s15], [sflag:$0x1] =	stream.indirect_vreg.gather [hbm4b:s5+s3], $0x80, v4, vm0, $0xb8;
	[tilespmem:$0x10100] =	vst v63  }
0xf5: {  	v3 =	vadd.s32 v1, v3  }
0xf6: {  	[tilespmem:s16], [sflag:$0x1] =	stream.indirect_vreg.gather [hbm4b:s6+s3], $0x80, v4, vm0, $0xb8;
	[tilespmem:$0x10100] =	vst v63  }
0xf7: {  	_ = 	snop  }
0xf8: {  	[tilespmem:s17], [sflag:$0x1] =	stream.indirect_vreg.gather [hbm4b:s7+s3], $0x80, v4, vm0, $0xb8;
	[tilespmem:$0x10100] =	vst v63  }
0xf9: {  	_ = 	snop  }
0xfa: {  	[tilespmem:s18], [sflag:$0x1] =	stream.indirect_vreg.gather [hbm4b:s1+s3], $0x80, v3, vm0, $0xb8;
	[tilespmem:$0x10100] =	vst v63  }
0xfb: {  	_ = 	snop  }
0xfc: {  	[tilespmem:s19], [sflag:$0x1] =	stream.indirect_vreg.gather [hbm4b:s5+s3], $0x80, v3, vm0, $0xb8;
	[tilespmem:$0x10100] =	vst v63  }
0xfd: {  	_ = 	snop  }
0xfe: {  	[tilespmem:s20], [sflag:$0x1] =	stream.indirect_vreg.gather [hbm4b:s6+s3], $0x80, v3, vm0, $0xb8;
	[tilespmem:$0x10100] =	vst v63  }
0xff: {  	_ = 	snop  }
0x100: {  	[tilespmem:s21], [sflag:$0x1] =	stream.indirect_vreg.gather [hbm4b:s7+s3], $0x80, v3, vm0, $0xb8;
	[tilespmem:$0x10100] =	vst v63  }
0x101: {  	v3 =	vld [tilespmem:$0x20];
	_ =	sdelay $0x4  }
0x102: {  	v58 =	vshll.u32 v3, $0x3  }
0x103: {  	v3 =	vand.u32 $0x7, v3;
	v4 =	vand.u32 $0xFFFFFFC0, v58  }
0x104: {  	v3 =	vor.u32 v3, v4  }
0x105: {  	v4 =	vperm.xlane v3, v0;
	_ =	sdelay $0x1  }
0x106: {  	v4 =	vadd.s32 v1, v4;
	_ =	sdelay $0x4  }
0x107: {  	[tilespmem:s22], [sflag:$0x1] =	stream.indirect_vreg.gather [hbm4b:s1+s3], $0x80, v4, vm0, $0xb8;
	[tilespmem:$0x10100] =	vst v63  }
0x108: {  	s19 =	simm.s32 $0x8900;
	v3 =	vperm.xlane v3, v2  }
0x109: {  	[tilespmem:s19], [sflag:$0x1] =	stream.indirect_vreg.gather [hbm4b:s5+s3], $0x80, v4, vm0, $0xb8;
	[tilespmem:$0x10100] =	vst v63  }
0x10a: {  	s28 =	simm.s32 $0x9100;
	v3 =	vadd.s32 v1, v3  }
0x10b: {  	[tilespmem:s28], [sflag:$0x1] =	stream.indirect_vreg.gather [hbm4b:s6+s3], $0x80, v4, vm0, $0xb8;
	[tilespmem:$0x10100] =	vst v63  }
0x10c: {  	s20 =	simm.s32 $0x9900  }
0x10d: {  	[tilespmem:s20], [sflag:$0x1] =	stream.indirect_vreg.gather [hbm4b:s7+s3], $0x80, v4, vm0, $0xb8;
	[tilespmem:$0x10100] =	vst v63  }
0x10e: {  	s21 =	simm.s32 $0xA100  }
0x10f: {  	[tilespmem:s21], [sflag:$0x1] =	stream.indirect_vreg.gather [hbm4b:s1+s3], $0x80, v3, vm0, $0xb8;
	[tilespmem:$0x10100] =	vst v63  }
0x110: {  	s0 =	simm.s32 $0xA900  }
0x111: {  	[tilespmem:s0], [sflag:$0x1] =	stream.indirect_vreg.gather [hbm4b:s5+s3], $0x80, v3, vm0, $0xb8;
	[tilespmem:$0x10100] =	vst v63  }
0x112: {  	s2 =	simm.s32 $0xB100  }
0x113: {  	[tilespmem:s2], [sflag:$0x1] =	stream.indirect_vreg.gather [hbm4b:s6+s3], $0x80, v3, vm0, $0xb8;
	[tilespmem:$0x10100] =	vst v63  }
0x114: {  	s18 =	simm.s32 $0xB900  }
0x115: {  	[tilespmem:s18], [sflag:$0x1] =	stream.indirect_vreg.gather [hbm4b:s7+s3], $0x80, v3, vm0, $0xb8;
	[tilespmem:$0x10100] =	vst v63  }
0x116: {  	v3 =	vld [tilespmem:$0x30];
	_ =	sdelay $0x4  }
0x117: {  	v59 =	vshll.u32 v3, $0x3  }
0x118: {  	v3 =	vand.u32 $0x7, v3;
	v4 =	vand.u32 $0xFFFFFFC0, v59  }
0x119: {  	v3 =	vor.u32 v3, v4  }
0x11a: {  	v4 =	vperm.xlane v3, v0;
	_ =	sdelay $0x1  }
0x11b: {  	v4 =	vadd.s32 v1, v4;
	_ =	sdelay $0x3  }
0x11c: {  	s19 =	simm.s32 $0xC100  }
0x11d: {  	[tilespmem:s19], [sflag:$0x1] =	stream.indirect_vreg.gather [hbm4b:s1+s3], $0x80, v4, vm0, $0xb8;
	[tilespmem:$0x10100] =	vst v63  }
0x11e: {  	s20 =	simm.s32 $0xC900;
	v3 =	vperm.xlane v3, v2  }
0x11f: {  	[tilespmem:s20], [sflag:$0x1] =	stream.indirect_vreg.gather [hbm4b:s5+s3], $0x80, v4, vm0, $0xb8;
	[tilespmem:$0x10100] =	vst v63  }
0x120: {  	s13 =	simm.s32 $0xD100;
	v3 =	vadd.s32 v1, v3  }
0x121: {  	[tilespmem:s13], [sflag:$0x1] =	stream.indirect_vreg.gather [hbm4b:s6+s3], $0x80, v4, vm0, $0xb8;
	[tilespmem:$0x10100] =	vst v63  }
0x122: {  	s14 =	simm.s32 $0xD900  }
0x123: {  	[tilespmem:s14], [sflag:$0x1] =	stream.indirect_vreg.gather [hbm4b:s7+s3], $0x80, v4, vm0, $0xb8;
	[tilespmem:$0x10100] =	vst v63  }
0x124: {  	s15 =	simm.s32 $0xE100  }
0x125: {  	[tilespmem:s15], [sflag:$0x1] =	stream.indirect_vreg.gather [hbm4b:s1+s3], $0x80, v3, vm0, $0xb8;
	[tilespmem:$0x10100] =	vst v63  }
0x126: {  	s16 =	simm.s32 $0xE900  }
0x127: {  	[tilespmem:s16], [sflag:$0x1] =	stream.indirect_vreg.gather [hbm4b:s5+s3], $0x80, v3, vm0, $0xb8;
	[tilespmem:$0x10100] =	vst v63  }
0x128: {  	s17 =	simm.s32 $0xF100  }
0x129: {  	[tilespmem:s17], [sflag:$0x1] =	stream.indirect_vreg.gather [hbm4b:s6+s3], $0x80, v3, vm0, $0xb8;
	[tilespmem:$0x10100] =	vst v63  }
0x12a: {  	s21 =	simm.s32 $0xF900  }
0x12b: {  	[tilespmem:s21], [sflag:$0x1] =	stream.indirect_vreg.gather [hbm4b:s7+s3], $0x80, v3, vm0, $0xb8;
	[tilespmem:$0x10100] =	vst v63  }
0x12c: {  	_ =	swait.ge [sflag:s26], $0x10000  }
0x12d: {  	[sflag:s26] =	ssyncset.done $0x0  }
0x12e: {  	[sflag:s26] =	ssyncadd.s32 $0xFFFF0000  }
0x12f: {  	v3 =	vld [tilespmem:$0x80];
	_ =	sdelay $0x4  }
0x130: {  	v60 =	vshll.u32 v3, $0x3  }
0x131: {  	v3 =	vand.u32 $0x7, v3;
	v4 =	vand.u32 $0xFFFFFFC0, v60  }
0x132: {  	v3 =	vor.u32 v3, v4  }
0x133: {  	v4 =	vperm.xlane v3, v0;
	_ =	sdelay $0x1  }
0x134: {  	v4 =	vadd.s32 v1, v4;
	_ =	sdelay $0x3  }
0x135: {  	s22 =	simm.s32 $0x100  }
0x136: {  	[hbm4b:s4+s3] =	stream.indirect_vreg.scatter [tilespmem:s22], [sflag:$0x1], $0x80, v4, vm0, $0xb8;
	[tilespmem:$0x10100] =	vst v63  }
0x137: {  	v3 =	vperm.xlane v3, v2;
	s22 =	simm.s32 $0x900  }
0x138: {  	[hbm4b:s8+s3] =	stream.indirect_vreg.scatter [tilespmem:s22], [sflag:$0x1], $0x80, v4, vm0, $0xb8;
	[tilespmem:$0x10100] =	vst v63  }
0x139: {  	s24 =	simm.s32 $0x1100;
	v3 =	vadd.s32 v1, v3  }
0x13a: {  	[hbm4b:s9+s3] =	stream.indirect_vreg.scatter [tilespmem:s24], [sflag:$0x1], $0x80, v4, vm0, $0xb8;
	[tilespmem:$0x10100] =	vst v63  }
0x13b: {  	s25 =	simm.s32 $0x1900  }
0x13c: {  	[hbm4b:s10+s3] =	stream.indirect_vreg.scatter [tilespmem:s25], [sflag:$0x1], $0x80, v4, vm0, $0xb8;
	[tilespmem:$0x10100] =	vst v63  }
0x13d: {  	s30 =	simm.s32 $0x2100  }
0x13e: {  	[hbm4b:s4+s3] =	stream.indirect_vreg.scatter [tilespmem:s30], [sflag:$0x1], $0x80, v3, vm0, $0xb8;
	[tilespmem:$0x10100] =	vst v63  }
0x13f: {  	s31 =	simm.s32 $0x2900  }
0x140: {  	[hbm4b:s8+s3] =	stream.indirect_vreg.scatter [tilespmem:s31], [sflag:$0x1], $0x80, v3, vm0, $0xb8;
	[tilespmem:$0x10100] =	vst v63  }
0x141: {  	s22 =	simm.s32 $0x3100  }
0x142: {  	[hbm4b:s9+s3] =	stream.indirect_vreg.scatter [tilespmem:s22], [sflag:$0x1], $0x80, v3, vm0, $0xb8;
	[tilespmem:$0x10100] =	vst v63  }
0x143: {  	s25 =	simm.s32 $0x3900  }
0x144: {  	[hbm4b:s10+s3] =	stream.indirect_vreg.scatter [tilespmem:s25], [sflag:$0x1], $0x80, v3, vm0, $0xb8;
	[tilespmem:$0x10100] =	vst v63  }
0x145: {  	v3 =	vld [tilespmem:$0x90];
	_ =	sdelay $0x4  }
0x146: {  	v61 =	vshll.u32 v3, $0x3  }
0x147: {  	v3 =	vand.u32 $0x7, v3;
	v4 =	vand.u32 $0xFFFFFFC0, v61  }
0x148: {  	v3 =	vor.u32 v3, v4  }
0x149: {  	v4 =	vperm.xlane v3, v0;
	_ =	sdelay $0x1  }
0x14a: {  	v4 =	vadd.s32 v1, v4;
	_ =	sdelay $0x3  }
0x14b: {  	s30 =	simm.s32 $0x4100  }
0x14c: {  	[hbm4b:s4+s3] =	stream.indirect_vreg.scatter [tilespmem:s30], [sflag:$0x1], $0x80, v4, vm0, $0xb8;
	[tilespmem:$0x10100] =	vst v63  }
0x14d: {  	s31 =	simm.s32 $0x4900;
	v3 =	vperm.xlane v3, v2  }
0x14e: {  	[hbm4b:s8+s3] =	stream.indirect_vreg.scatter [tilespmem:s31], [sflag:$0x1], $0x80, v4, vm0, $0xb8;
	[tilespmem:$0x10100] =	vst v63  }
0x14f: {  	s22 =	simm.s32 $0x5100;
	v3 =	vadd.s32 v1, v3  }
0x150: {  	[hbm4b:s9+s3] =	stream.indirect_vreg.scatter [tilespmem:s22], [sflag:$0x1], $0x80, v4, vm0, $0xb8;
	[tilespmem:$0x10100] =	vst v63  }
0x151: {  	s25 =	simm.s32 $0x5900  }
0x152: {  	[hbm4b:s10+s3] =	stream.indirect_vreg.scatter [tilespmem:s25], [sflag:$0x1], $0x80, v4, vm0, $0xb8;
	[tilespmem:$0x10100] =	vst v63  }
0x153: {  	s30 =	simm.s32 $0x6100  }
0x154: {  	[hbm4b:s4+s3] =	stream.indirect_vreg.scatter [tilespmem:s30], [sflag:$0x1], $0x80, v3, vm0, $0xb8;
	[tilespmem:$0x10100] =	vst v63  }
0x155: {  	s31 =	simm.s32 $0x6900  }
0x156: {  	[hbm4b:s8+s3] =	stream.indirect_vreg.scatter [tilespmem:s31], [sflag:$0x1], $0x80, v3, vm0, $0xb8;
	[tilespmem:$0x10100] =	vst v63  }
0x157: {  	s22 =	simm.s32 $0x7100  }
0x158: {  	[hbm4b:s9+s3] =	stream.indirect_vreg.scatter [tilespmem:s22], [sflag:$0x1], $0x80, v3, vm0, $0xb8;
	[tilespmem:$0x10100] =	vst v63  }
0x159: {  	s25 =	simm.s32 $0x7900  }
0x15a: {  	[hbm4b:s10+s3] =	stream.indirect_vreg.scatter [tilespmem:s25], [sflag:$0x1], $0x80, v3, vm0, $0xb8;
	[tilespmem:$0x10100] =	vst v63  }
0x15b: {  	v3 =	vld [tilespmem:$0xA0];
	_ =	sdelay $0x4  }
0x15c: {  	v62 =	vshll.u32 v3, $0x3  }
0x15d: {  	v3 =	vand.u32 $0x7, v3;
	v4 =	vand.u32 $0xFFFFFFC0, v62  }
0x15e: {  	v3 =	vor.u32 v3, v4  }
0x15f: {  	v4 =	vperm.xlane v3, v0;
	_ =	sdelay $0x1  }
0x160: {  	v4 =	vadd.s32 v1, v4;
	_ =	sdelay $0x3  }
0x161: {  	s30 =	simm.s32 $0x8100  }
0x162: {  	[hbm4b:s4+s3] =	stream.indirect_vreg.scatter [tilespmem:s30], [sflag:$0x1], $0x80, v4, vm0, $0xb8;
	[tilespmem:$0x10100] =	vst v63  }
0x163: {  	s31 =	simm.s32 $0x8900;
	v3 =	vperm.xlane v3, v2  }
0x164: {  	[hbm4b:s8+s3] =	stream.indirect_vreg.scatter [tilespmem:s31], [sflag:$0x1], $0x80, v4, vm0, $0xb8;
	[tilespmem:$0x10100] =	vst v63  }
0x165: {  	v3 =	vadd.s32 v1, v3  }
0x166: {  	[hbm4b:s9+s3] =	stream.indirect_vreg.scatter [tilespmem:s28], [sflag:$0x1], $0x80, v4, vm0, $0xb8;
	[tilespmem:$0x10100] =	vst v63  }
0x167: {  	s29 =	simm.s32 $0x9900  }
0x168: {  	[hbm4b:s10+s3] =	stream.indirect_vreg.scatter [tilespmem:s29], [sflag:$0x1], $0x80, v4, vm0, $0xb8;
	[tilespmem:$0x10100] =	vst v63  }
0x169: {  	s23 =	simm.s32 $0xA100  }
0x16a: {  	[hbm4b:s4+s3] =	stream.indirect_vreg.scatter [tilespmem:s23], [sflag:$0x1], $0x80, v3, vm0, $0xb8;
	[tilespmem:$0x10100] =	vst v63  }
0x16b: {  	_ = 	snop  }
0x16c: {  	[hbm4b:s8+s3] =	stream.indirect_vreg.scatter [tilespmem:s0], [sflag:$0x1], $0x80, v3, vm0, $0xb8;
	[tilespmem:$0x10100] =	vst v63  }
0x16d: {  	_ = 	snop  }
0x16e: {  	[hbm4b:s9+s3] =	stream.indirect_vreg.scatter [tilespmem:s2], [sflag:$0x1], $0x80, v3, vm0, $0xb8;
	[tilespmem:$0x10100] =	vst v63  }
0x16f: {  	_ = 	snop  }
0x170: {  	[hbm4b:s10+s3] =	stream.indirect_vreg.scatter [tilespmem:s18], [sflag:$0x1], $0x80, v3, vm0, $0xb8;
	[tilespmem:$0x10100] =	vst v63  }
0x171: {  	v3 =	vld [tilespmem:$0xB0];
	_ =	sdelay $0x4  }
0x172: {  	v63 =	vshll.u32 v3, $0x3  }
0x173: {  	v3 =	vand.u32 $0x7, v3;
	v4 =	vand.u32 $0xFFFFFFC0, v63  }
0x174: {  	v3 =	vor.u32 v3, v4  }
0x175: {  	v4 =	vperm.xlane v3, v0;
	_ =	sdelay $0x1  }
0x176: {  	v4 =	vadd.s32 v1, v4;
	_ =	sdelay $0x4  }
0x177: {  	[hbm4b:s4+s3] =	stream.indirect_vreg.scatter [tilespmem:s19], [sflag:$0x1], $0x80, v4, vm0, $0xb8;
	[tilespmem:$0x10100] =	vst v63  }
0x178: {  	v3 =	vperm.xlane v3, v2  }
0x179: {  	[hbm4b:s8+s3] =	stream.indirect_vreg.scatter [tilespmem:s20], [sflag:$0x1], $0x80, v4, vm0, $0xb8;
	[tilespmem:$0x10100] =	vst v63  }
0x17a: {  	v3 =	vadd.s32 v1, v3  }
0x17b: {  	[hbm4b:s9+s3] =	stream.indirect_vreg.scatter [tilespmem:s13], [sflag:$0x1], $0x80, v4, vm0, $0xb8;
	[tilespmem:$0x10100] =	vst v63  }
0x17c: {  	_ = 	snop  }
0x17d: {  	[hbm4b:s10+s3] =	stream.indirect_vreg.scatter [tilespmem:s14], [sflag:$0x1], $0x80, v4, vm0, $0xb8;
	[tilespmem:$0x10100] =	vst v63  }
0x17e: {  	_ = 	snop  }
0x17f: {  	[hbm4b:s4+s3] =	stream.indirect_vreg.scatter [tilespmem:s15], [sflag:$0x1], $0x80, v3, vm0, $0xb8;
	[tilespmem:$0x10100] =	vst v63  }
0x180: {  	_ = 	snop  }
0x181: {  	[hbm4b:s8+s3] =	stream.indirect_vreg.scatter [tilespmem:s16], [sflag:$0x1], $0x80, v3, vm0, $0xb8;
	[tilespmem:$0x10100] =	vst v63  }
0x182: {  	p0 =	sne.s32 s11, $0x1  }
0x183: {  	[hbm4b:s9+s3] =	stream.indirect_vreg.scatter [tilespmem:s17], [sflag:$0x1], $0x80, v3, vm0, $0xb8;
	[tilespmem:$0x10100] =	vst v63  }
.Ltmp0:
0x184: {  	_ = 	snop;
	(pc) =	sbr.rel @p0 .LBB2_1-.Ltmp0, $4  }
0x185: {  	[hbm4b:s10+s3] =	stream.indirect_vreg.scatter [tilespmem:s21], [sflag:$0x1], $0x80, v3, vm0, $0xb8;
	[tilespmem:$0x10100] =	vst v63  }
0x186: {  	_ =	swait.ge [sflag:s26], $0x10000  }
0x187: {  	[sflag:s26] =	ssyncset.done $0x0  }
0x188: {  	s11 =	sadd.s32 $0xFFFFFFFF, s11;
	[sflag:s26] =	ssyncadd.s32 $0xFFFF0000  }
0x189: {  	_ =	sfence.sel $0x180000  }
0x18a: {  	[bflag:$0x0] =	sbarrier.arrive $0xFFFF  }
0x18b: {  	_ =	strace $0x90000047  }
0x18c: {  	s0 =	stileid.u32;
	[bflag:$0x2] =	sbarrier.arrive $0xFFFF  }
0x18d: {  	p0 =	sne.s32 s0, $0x0;
	s0 =	rddreg [dreg:$0x3]  }
0x18e: {  	s0 =	sadd.s32 @!p0 $0x100000, s0  }
0x18f: {  	[sflag:s0] =	ssyncadd.tile.s32 @!p0 $0x1;
	_ =	shalt  }
.Lfunc_end2:
_tile_overlayer_lowered:
.L_overlay_start_2:
0x190: {  	(tag) =	ssettag $0x2  }
0x191: {  	s0 =	rddreg [dreg:$0x0];
	s2 =	stileid.u32  }
0x192: {  	s1 =	rddreg [dreg:$0x1];
	p0 =	sne.s32 s2, $0x0  }
0x193: {  	s3 =	rddreg [dreg:$0x2];
	[bflag:$0x3] =	sbarrier.arrive $0xFFFF;
	s2 =	simm.s32 @!p0 $0x1C02  }
0x194: {  	[timem:s3], [sflag:s2] =	dma.local @!p0 [hbm:s0], s1  }
0x195: {  	s0 =	simm.s32 @!p0 $0x2  }
0x196: {  	_ =	swait.ge @!p0 [sflag:s0], s1  }
0x197: {  	s1 =	ssub.s32 @!p0 $0x0, s1;
	[sflag:s0] =	ssyncset.done @!p0 $0x0  }
0x198: {  	[sflag:s0] =	ssyncadd.s32 @!p0 s1  }
0x199: {  	[bflag:$0x3] =	sbarrier.arrive $0xFFFF  }
0x19a: {  	_ =	shalt  }

// kernel: kernel.9.cloned.1.call-start
scs
__scs_entry_jumppad:
0x0: {  	(pc) =	sbr.rel $0x88, $3  }
0x1: {  	(tag) =	ssettag $0x0;
	lr =	simm.s32 $0x1  }
0x2: {  	[smem:$0x3F9C] =	sst lr;
	_ =	strace $0xD0000000  }
0x3: {  	_ = 	snop  }
0x4: {  	_ = 	snop  }
0x5: {  	_ = 	snop  }
0x6: {  	_ = 	snop  }
0x7: {  	_ = 	snop  }
__scs_overlays_trampoline_lowered:
0x8: {  	[smem:$0x3FAB] =	sst s0  }
0x9: {  	[smem:$0x3FAC] =	sst s1  }
0xa: {  	[smem:$0x3FAD] =	sst s2  }
0xb: {  	[smem:$0x3FAE] =	sst s3  }
0xc: {  	[smem:$0x3FAF] =	sst s4  }
0xd: {  	[smem:$0x3FB0] =	sst s5  }
0xe: {  	[smem:$0x3FB1] =	sst s6  }
0xf: {  	[smem:$0x3FB2] =	sst s7  }
0x10: {  	[smem:$0x3FB3] =	sst s8  }
0x11: {  	[smem:$0x3FB4] =	sst s9;
	s0 =	simm.s32 @!p0 $0x0  }
0x12: {  	s1 =	sld [smem:$0x3F9A];
	s0 =	simm.s32 @p0 $0x1  }
0x13: {  	[smem:$0x3FB5] =	sst s0;
	s0 =	simm.s32 @!p1 $0x0  }
0x14: {  	s2 =	sld [smem:$0x3F99];
	s0 =	simm.s32 @p1 $0x1  }
0x15: {  	[smem:$0x3FB6] =	sst s0;
	s0 =	simm.s32 @!p2 $0x0  }
0x16: {  	s3 =	sld [smem:$0x3FDB];
	s0 =	simm.s32 @p2 $0x1  }
0x17: {  	s4 =	simm.s32 $0x1BF5;
	[smem:$0x3FB8] =	sst s0  }
0x18: {  	s0 =	sld [smem:$0x3F9B];
	_ =	swait.ge [sflag:s4], $0x0  }
0x19: {  	s7 =	sld [smem:$0x3F9C]  }
0x1a: {  	s8 =	sadd.s32 $0xFFFFE003, lr  }
0x1b: {  	s9 =	sadd.s32 $0xFFFFFEF7, lr;
	s5 =	simm.s32 $0xFFFFFFFF;
	p2 =	slt.u32 s8, $0xFFFFF086  }
0x1c: {  	p1 =	slt.u32 s9, $0xF7A;
	s5 =	simm.s32 @!p2 $0x0  }
0x1d: {  	s5 =	simm.s32 @p1 $0x1;
	p0 =	seq.s32 s7, s2  }
0x1e: {  	s7 =	smul.u32 @!p0 $0xF7A, s2;
	p2 =	seq.s32 @!p0 s5, $0x0  }
0x1f: {  	s9 =	smul.u32 $0xF7A, s1;
	s8 =	simm.s32 @!p0 $0x1BF5;
	p2 =	por !p2, p0  }
0x20: {  	[sflag:s8] =	ssyncset.s32 @!p0 $0xFFFFF086;
	s6 =	sadd.s32 @!p0 s3, s7;
	s7 =	simm.s32 @!p0 $0x108  }
0x21: {  	s3 =	sadd.s32 s3, s9;
	s6 =	sadd.s32 @!p0 $0x88, s6;
	s7 =	simm.s32 @p2 $0x1082  }
0x22: {  	[simem:s7], [sflag:s8] =	dma.local @!p0 [hbm:s6], $0xF7A  }
0x23: {  	s9 =	sor.u32 $0xD0000000, s2;
	s6 =	simm.s32 $0x108;
	_ =	swait.ge @!p0 [sflag:s8], $0x0  }
0x24: {  	s3 =	sadd.s32 $0x88, s3;
	s6 =	simm.s32 @!p1 $0x1082;
	[sflag:s4] =	ssyncset.s32 $0xFFFFF086  }
0x25: {  	[simem:s6], [sflag:s4] =	dma.local [hbm:s3], $0xF7A  }
0x26: {  	[smem:$0x3F9C] =	sst s1;
	(tag) =	ssettag s2;
	_ =	strace s9  }
0x27: {  	s1 =	sld [smem:$0x3FAC]  }
0x28: {  	s2 =	sld [smem:$0x3FAD]  }
0x29: {  	s4 =	sld [smem:$0x3FAF]  }
0x2a: {  	p0 =	seq.s32 s5, $0x0;
	s5 =	sld [smem:$0x3FB0]  }
0x2b: {  	s6 =	sld [smem:$0x3FB1]  }
0x2c: {  	s7 =	sld [smem:$0x3FB2]  }
0x2d: {  	s3 =	simm.s32 $0x108;
	s8 =	sld [smem:$0x3FB3]  }
0x2e: {  	s3 =	simm.s32 @!p0 $0x1082;
	s9 =	sld [smem:$0x3FB4]  }
0x2f: {  	lr =	sadd.s32 s0, s3;
	s0 =	sld [smem:$0x3FAB]  }
0x30: {  	s3 =	sld [smem:$0x3FAE]  }
0x31: {  	[smem:$0x3FB7] =	sst s10  }
0x32: {  	s10 =	sld [smem:$0x3FB5];
	_ =	sdelay $0x3  }
0x33: {  	p0 =	seq.s32 s10, $0x1;
	s10 =	sld [smem:$0x3FB7];
	_ =	sdelay $0x3  }
0x34: {  	[smem:$0x3FB7] =	sst s10  }
0x35: {  	s10 =	sld [smem:$0x3FB6];
	_ =	sdelay $0x3  }
0x36: {  	p1 =	seq.s32 s10, $0x1;
	s10 =	sld [smem:$0x3FB7];
	_ =	sdelay $0x3  }
0x37: {  	[smem:$0x3FB7] =	sst s10  }
0x38: {  	s10 =	sld [smem:$0x3FB8]  }
0x39: {  	_ = 	snop;
	(pc) =	sbr.ind lr, $3  }
0x3a: {  	_ = 	snop  }
0x3b: {  	_ = 	snop  }
0x3c: {  	p2 =	seq.s32 s10, $0x1;
	s10 =	sld [smem:$0x3FB7]  }
0x3d: {  	_ =	shalt  }
0x3e: {  	_ =	shalt  }
0x3f: {  	_ =	shalt  }
0x40: {  	_ =	shalt  }
0x41: {  	_ =	shalt  }
0x42: {  	_ =	shalt  }
0x43: {  	_ =	shalt  }
0x44: {  	_ =	shalt  }
0x45: {  	_ =	shalt  }
0x46: {  	_ =	shalt  }
0x47: {  	_ =	shalt  }
0x48: {  	_ =	shalt  }
0x49: {  	_ =	shalt  }
0x4a: {  	_ =	shalt  }
0x4b: {  	_ =	shalt  }
0x4c: {  	_ =	shalt  }
0x4d: {  	_ =	shalt  }
0x4e: {  	_ =	shalt  }
0x4f: {  	_ =	shalt  }
0x50: {  	_ =	shalt  }
0x51: {  	_ =	shalt  }
0x52: {  	_ =	shalt  }
0x53: {  	_ =	shalt  }
0x54: {  	_ =	shalt  }
0x55: {  	_ =	shalt  }
0x56: {  	_ =	shalt  }
0x57: {  	_ =	shalt  }
0x58: {  	_ =	shalt  }
0x59: {  	_ =	shalt  }
0x5a: {  	_ =	shalt  }
0x5b: {  	_ =	shalt  }
0x5c: {  	_ =	shalt  }
0x5d: {  	_ =	shalt  }
0x5e: {  	_ =	shalt  }
0x5f: {  	_ =	shalt  }
0x60: {  	_ =	shalt  }
0x61: {  	_ =	shalt  }
0x62: {  	_ =	shalt  }
0x63: {  	_ =	shalt  }
0x64: {  	_ =	shalt  }
0x65: {  	_ =	shalt  }
0x66: {  	_ =	shalt  }
0x67: {  	_ =	shalt  }
0x68: {  	_ =	shalt  }
0x69: {  	_ =	shalt  }
0x6a: {  	_ =	shalt  }
0x6b: {  	_ =	shalt  }
0x6c: {  	_ =	shalt  }
0x6d: {  	_ =	shalt  }
0x6e: {  	_ =	shalt  }
0x6f: {  	_ =	shalt  }
0x70: {  	_ =	shalt  }
0x71: {  	_ =	shalt  }
0x72: {  	_ =	shalt  }
0x73: {  	_ =	shalt  }
0x74: {  	_ =	shalt  }
0x75: {  	_ =	shalt  }
0x76: {  	_ =	shalt  }
0x77: {  	_ =	shalt  }
0x78: {  	_ =	shalt  }
0x79: {  	_ =	shalt  }
0x7a: {  	_ =	shalt  }
0x7b: {  	_ =	shalt  }
0x7c: {  	_ =	shalt  }
0x7d: {  	_ =	shalt  }
0x7e: {  	_ =	shalt  }
0x7f: {  	_ =	shalt  }
0x80: {  	_ =	shalt  }
0x81: {  	_ =	shalt  }
0x82: {  	_ =	shalt  }
0x83: {  	_ =	shalt  }
0x84: {  	_ =	shalt  }
0x85: {  	_ =	shalt  }
0x86: {  	_ =	shalt  }
0x87: {  	_ =	shalt  }
.Lfunc_end0:
.L_simem_size_0:
called_computation.1_lowered:
.L_overlay_start_0:
0x88: {  	s2 =	sld [smem:$0x3FD9]  }
0x89: {  	s3 =	sld [smem:$0x3FFE];
	_ =	sdelay $0x1  }
0x8a: {  	s1 =	srdreg.scid  }
0x8b: {  	s0 =	sand.u32 $0x1, s1  }
0x8c: {  	s17 =	sshll.u32 s0, $0xA;
	s2 =	sadd.s32 s3, s2  }
0x8d: {  	s2 =	sadd.s32 s2, s17  }
0x8e: {  	[smem:$0x3FC3] =	sst s2  }
0x8f: {  	_ = 	snop  }
0x90: {  	s2 =	sld [smem:$0x3FD0];
	(tm) =	ssettm $0x1  }
0x91: {  	s18 =	sld [smem:$0x3FFB];
	_ =	sdelay $0x3  }
0x92: {  	_ =	strace s18  }
0x93: {  	s3 =	sld [smem:$0x3FFC];
	_ =	sdelay $0x3  }
0x94: {  	_ =	strace s3  }
0x95: {  	s3 =	sld [smem:$0x3FFD];
	_ =	sdelay $0x3  }
0x96: {  	_ =	strace s3  }
0x97: {  	_ =	strace $0x8FFFFFFF  }
0x98: {  	s19 =	sld [smem:$0x3FDB];
	_ =	sdelay $0x1  }
0x99: {  	s4 =	simm.s32 $_scs_section_size  }
0x9a: {  	s5 =	simm.s32 $_size__tile_overlayer_lowered;
	s6 =	simm.s32 $_tile_overlayer_lowered  }
0x9b: {  	s22 =	simm.s32 $0x1BFF;
	s21 =	sshll.u32 s6, $0x1;
	s3 =	sadd.s32 s4, s19  }
0x9c: {  	s7 =	simm.s32 $0x0;
	s20 =	sshll.u32 s5, $0x1;
	s5 =	sadd.s32 s21, s3  }
0x9d: {  	[timem:s7], [sflag:s22] =	dma.local [hbm:s5], s20  }
0x9e: {  	_ =	swait.ge [sflag:s22], s20  }
0x9f: {  	s4 =	ssub.s32 $0x0, s20;
	[sflag:s22] =	ssyncset.done $0x0  }
0xa0: {  	[sflag:s22] =	ssyncadd.s32 s4;
	_ =	sdelay $0x1  }
0xa1: {  	s23 =	simm.s32 $0x1B8B  }
0xa2: {  	_ =	swait.ge [sflag:s23], $0x1  }
0xa3: {  	[sflag:s23] =	ssyncset.done $0x0  }
0xa4: {  	s25 =	simm.s32 $0x1B8E;
	s24 =	sld [smem:$0x3FFE];
	[sflag:s23] =	ssyncadd.s32 $0xFFFFFFFF  }
0xa5: {  	s26 =	simm.s32 $execute0_lowered;
	[smem:$0x3FD2] =	sst s25  }
0xa6: {  	s5 =	sshll.u32 s26, $0x1;
	_ =	strace $0x80000049;
	[dreg:$0x1] =	wrdreg $0xFFFFFFFF  }
0xa7: {  	s28 =	simm.s32 $_size_execute0_lowered;
	s3 =	sadd.s32 s3, s5;
	[dreg:$0x0] =	wrdreg $0x0  }
0xa8: {  	s5 =	sshll.u32 s28, $0x1;
	[dreg:$0x2] =	wrdreg s3  }
0xa9: {  	[dreg:$0x3] =	wrdreg s5  }
0xaa: {  	[dreg:$0x4] =	wrdreg $0xC0  }
0xab: {  	_ =	task [dreg:s7], $0x5FFFF  }
0xac: {  	[dreg:$0x1] =	wrdreg $0xFFFFFFFF  }
0xad: {  	[dreg:$0x0] =	wrdreg $0x60  }
0xae: {  	[dreg:$0x2] =	wrdreg s24  }
0xaf: {  	[dreg:$0x3] =	wrdreg s2  }
0xb0: {  	[dreg:$0x4] =	wrdreg $0x9  }
0xb1: {  	_ =	task.clear_ibuf [dreg:s7], $0x5FFFF;
	_ =	strace $0x90000049  }
0xb2: {  	s29 =	simm.s32 $0x9;
	_ =	strace $0x8000004B  }
0xb3: {  	_ =	swait.ge [sflag:s29], $0x1  }
0xb4: {  	[sflag:s29] =	ssyncadd.s32 $0xFFFFFFFF  }
0xb5: {  	_ =	strace $0x9000004B  }
0xb6: {  	_ =	sfence  }
0xb7: {  	s30 =	sld [smem:$0x0];
	_ =	sdelay $0x2  }
0xb8: {  	s31 =	sshll.u32 s1, $0xD;
	s1 =	sshrl.u32 s1, $0x2  }
0xb9: {  	s3 =	sand.u32 $0x4000, s31;
	s1 =	sadd.s32 s1, s30  }
0xba: {  	s0 =	sor.u32 s3, s0;
	s1 =	sshll.u32 s1, $0x11  }
0xbb: {  	s0 =	sor.u32 s1, s0  }
0xbc: {  	s0 =	sadd.s32 $0x8F2B, s0  }
0xbd: {  	[sflag:s0] =	ssyncadd.remote.s32 $0x1  }
0xbe: {  	_ =	sfence.sel $0xFFFF  }
0xbf: {  	[dreg:$0x0] =	wrdreg $0xFFFFFFFF;
	(pc) =	sbr.abs _section_cstart, $3  }
0xc0: {  	[dreg:$0x1] =	wrdreg $0xFFFFFFFF  }
0xc1: {  	_ =	task.clear_ibuf [dreg:s7], $0x2FFFF;
	_ =	strace $0x9FFFFFFF  }
0xc2: {  	(tm) =	ssettm $0x7FFFFFFF  }
0xc3: {  	_ =	shalt  }
tec
execute0_lowered:
.L_overlay_start_1:
0x0: {  	(tag) =	ssettag $0x1  }
0x1: {  	s0 =	rddreg [dreg:$0x0]  }
0x2: {  	s2 =	rddreg [dreg:$0x1]  }
0x3: {  	s1 =	simm.s32 $0x0;
	s4 =	srdreg.scid;
	s6 =	stileid.u32  }
0x4: {  	s28 =	simm.s32 $0xE900;
	s29 =	simm.s32 $0xF900;
	s13 =	simm.s32 $0x10100  }
0x5: {  	s30 =	simm.s32 $0x10900;
	s31 =	simm.s32 $0x0;
	[smem:$0x7FF] =	sst s1  }
0x6: {  	s3 =	sadd.s32 $0x188A00, s0;
	s5 =	sadd.s32 $0x188600, s0;
	s4 =	sand.u32 $0x1, s4  }
0x7: {  	s6 =	sshll.u32 s6, $0x1;
	s10 =	sadd.s32 $0x188800, s0;
	s16 =	sadd.s32 $0x400, s0  }
0x8: {  	_ =	strace $0x8000004A;
	s7 =	ssub.s32 $0x2, s4;
	s4 =	sor.u32 s4, s6  }
0x9: {  	s6 =	simm.s32 $0x1;
	s8 =	sshrl.u32 s7, $0x1;
	s9 =	sshll.u32 s4, $0x3  }
0xa: {  	s18 =	sshll.u32 s4, $0xA;
	s20 =	sshll.u32 s4, $0x6;
	s21 =	sshll.u32 s4, $0xD  }
0xb: {  	s11 =	ssub.s32 s7, s8;
	s17 =	sadd.s32 s5, s9;
	s19 =	sadd.s32 s10, s9  }
0xc: {  	s7 =	sadd.s32 s16, s18;
	s8 =	sadd.s32 $0x188C00, s0;
	[dreg:$0x3] =	wrdreg s17  }
0xd: {  	s12 =	sor.u32 $0x20, s20;
	s9 =	sadd.s32 $0x188D00, s0;
	[dreg:$0x4] =	wrdreg s19  }
0xe: {  	s18 =	simm.s32 $0x9900;
	s20 =	simm.s32 $0xA100;
	[dreg:$0x5] =	wrdreg s7  }
0xf: {  	s7 =	sadd.s32 $0x188B00, s0;
	s22 =	sshrl.u32 s12, $0x3;
	s0 =	sadd.s32 s2, s21  }
0x10: {  	s24 =	sshll.u32 s12, $0x4;
	s25 =	sshll.u32 s12, $0x7;
	s26 =	smax.u32 s11, $0x1  }
0x11: {  	s19 =	simm.s32 $0x1100;
	s21 =	simm.s32 $0xA900;
	s11 =	simm.s32 $0xD900  }
0x12: {  	s12 =	simm.s32 $0xF100;
	[dreg:$0x6] =	wrdreg s0;
	s23 =	sadd.s32 s5, s22  }
0x13: {  	v2 =	vlaneseq.u32;
	s4 =	sadd.s32 s10, s22;
	s0 =	sadd.s32 s16, s24;
	[dreg:$0xb] =	wrdreg s26  }
0x14: {  	v0 =	vand.u32 $0x7, v2;
	v1 =	vshrl.u32 v2, $0x3;
	s16 =	simm.s32 $0x2;
	s22 =	simm.s32 $0xB100;
	[dreg:$0x7] =	wrdreg s23  }
0x15: {  	v63 =	vor.u32 $0x8, v2;
	[tilespmem:$0x1FFD0] =	vst v0;
	v62 =	vmul.u32 $0x8, v1;
	s24 =	simm.s32 $0xC100;
	s10 =	simm.s32 $0xC900;
	[dreg:$0x8] =	wrdreg s4  }
0x16: {  	[tilespmem:$0x1FFF0] =	vst v63;
	s26 =	simm.s32 $0xE100;
	[dreg:$0x9] =	wrdreg s0;
	s0 =	sadd.s32 s2, s25  }
0x17: {  	vm0 =	vmmov $0xffff;
	[tilespmem:$0x1FFE0] =	vst v62;
	s23 =	simm.s32 $0xB900;
	s25 =	simm.s32 $0xD100;
	[dreg:$0xa] =	wrdreg s0  }
.LBB2_1:
0x18: {  	s0 =	rddreg [dreg:$0x3]  }
0x19: {  	[tilespmem:s1], [sflag:$0x2] =	stream.linear.gather [hbm4b:s0+s1], $0x20, $0x38;
	[tilespmem:$0x11100] =	vst v63  }
0x1a: {  	_ =	swait.ge [sflag:s16], $0x20  }
0x1b: {  	[sflag:s16] =	ssyncset.done $0x0  }
0x1c: {  	s2 =	simm.s32 $0x80;
	s17 =	rddreg [dreg:$0x4];
	[sflag:s16] =	ssyncadd.s32 $0xFFFFFFE0  }
0x1d: {  	[tilespmem:s2], [sflag:$0x2] =	stream.linear.gather [hbm4b:s17+s1], $0x20, $0x38;
	[tilespmem:$0x11100] =	vst v63  }
0x1e: {  	_ =	swait.ge [sflag:s16], $0x20  }
0x1f: {  	[sflag:s16] =	ssyncset.done $0x0  }
0x20: {  	s4 =	simm.s32 $0x100;
	s2 =	rddreg [dreg:$0x5];
	[sflag:s16] =	ssyncadd.s32 $0xFFFFFFE0  }
0x21: {  	[tilespmem:s4], [sflag:$0x2] =	stream.linear.gather [hbm4b:s2+s1], $0x1000, $0x38;
	[tilespmem:$0x11100] =	vst v63  }
0x22: {  	_ =	swait.ge [sflag:s16], $0x1000  }
0x23: {  	[sflag:s16] =	ssyncset.done $0x0  }
0x24: {  	[sflag:s16] =	ssyncadd.s32 $0xFFFFF000  }
0x25: {  	v3 =	vld [tilespmem:$0x0];
	_ =	sdelay $0x2  }
0x26: {  	v0 =	vld [tilespmem:$0x1FFD0];
	_ =	sdelay $0x1  }
0x27: {  	v1 =	vld [tilespmem:$0x1FFE0];
	v4 =	vshll.u32 v3, $0x3  }
0x28: {  	v3 =	vand.u32 $0x7, v3;
	v4 =	vand.u32 $0xFFFFFFC0, v4  }
0x29: {  	v3 =	vor.u32 v3, v4  }
0x2a: {  	v4 =	vperm.xlane v3, v0;
	_ =	sdelay $0x1  }
0x2b: {  	v4 =	vadd.s32 v1, v4  }
0x2c: {  	v2 =	vld [tilespmem:$0x1FFF0];
	_ =	sdelay $0x3  }
0x2d: {  	[tilespmem:s19], [sflag:$0x1] =	stream.indirect_vreg.gather [hbm4b:s3+s1], $0x80, v4, vm0, $0xb8;
	[tilespmem:$0x11100] =	vst v63  }
0x2e: {  	s5 =	simm.s32 $0x1900;
	v3 =	vperm.xlane v3, v2  }
0x2f: {  	[tilespmem:s5], [sflag:$0x1] =	stream.indirect_vreg.gather [hbm4b:s7+s1], $0x80, v4, vm0, $0xb8;
	[tilespmem:$0x11100] =	vst v63  }
0x30: {  	s14 =	simm.s32 $0x2100;
	v3 =	vadd.s32 v1, v3  }
0x31: {  	[tilespmem:s14], [sflag:$0x1] =	stream.indirect_vreg.gather [hbm4b:s8+s1], $0x80, v4, vm0, $0xb8;
	[tilespmem:$0x11100] =	vst v63  }
0x32: {  	s15 =	simm.s32 $0x2900  }
0x33: {  	[tilespmem:s15], [sflag:$0x1] =	stream.indirect_vreg.gather [hbm4b:s9+s1], $0x80, v4, vm0, $0xb8;
	[tilespmem:$0x11100] =	vst v63  }
0x34: {  	s17 =	simm.s32 $0x3100  }
0x35: {  	[tilespmem:s17], [sflag:$0x1] =	stream.indirect_vreg.gather [hbm4b:s3+s1], $0x80, v3, vm0, $0xb8;
	[tilespmem:$0x11100] =	vst v63  }
0x36: {  	s2 =	simm.s32 $0x3900  }
0x37: {  	[tilespmem:s2], [sflag:$0x1] =	stream.indirect_vreg.gather [hbm4b:s7+s1], $0x80, v3, vm0, $0xb8;
	[tilespmem:$0x11100] =	vst v63  }
0x38: {  	s4 =	simm.s32 $0x4100  }
0x39: {  	[tilespmem:s4], [sflag:$0x1] =	stream.indirect_vreg.gather [hbm4b:s8+s1], $0x80, v3, vm0, $0xb8;
	[tilespmem:$0x11100] =	vst v63  }
0x3a: {  	s5 =	simm.s32 $0x4900  }
0x3b: {  	[tilespmem:s5], [sflag:$0x1] =	stream.indirect_vreg.gather [hbm4b:s9+s1], $0x80, v3, vm0, $0xb8;
	[tilespmem:$0x11100] =	vst v63  }
0x3c: {  	v3 =	vld [tilespmem:$0x10];
	_ =	sdelay $0x4  }
0x3d: {  	v60 =	vshll.u32 v3, $0x3  }
0x3e: {  	v3 =	vand.u32 $0x7, v3;
	v4 =	vand.u32 $0xFFFFFFC0, v60  }
0x3f: {  	v3 =	vor.u32 v3, v4  }
0x40: {  	v4 =	vperm.xlane v3, v0;
	_ =	sdelay $0x1  }
0x41: {  	v4 =	vadd.s32 v1, v4;
	_ =	sdelay $0x3  }
0x42: {  	s14 =	simm.s32 $0x5100  }
0x43: {  	[tilespmem:s14], [sflag:$0x1] =	stream.indirect_vreg.gather [hbm4b:s3+s1], $0x80, v4, vm0, $0xb8;
	[tilespmem:$0x11100] =	vst v63  }
0x44: {  	s15 =	simm.s32 $0x5900;
	v3 =	vperm.xlane v3, v2  }
0x45: {  	[tilespmem:s15], [sflag:$0x1] =	stream.indirect_vreg.gather [hbm4b:s7+s1], $0x80, v4, vm0, $0xb8;
	[tilespmem:$0x11100] =	vst v63  }
0x46: {  	s17 =	simm.s32 $0x6100;
	v3 =	vadd.s32 v1, v3  }
0x47: {  	[tilespmem:s17], [sflag:$0x1] =	stream.indirect_vreg.gather [hbm4b:s8+s1], $0x80, v4, vm0, $0xb8;
	[tilespmem:$0x11100] =	vst v63  }
0x48: {  	s2 =	simm.s32 $0x6900  }
0x49: {  	[tilespmem:s2], [sflag:$0x1] =	stream.indirect_vreg.gather [hbm4b:s9+s1], $0x80, v4, vm0, $0xb8;
	[tilespmem:$0x11100] =	vst v63  }
0x4a: {  	s4 =	simm.s32 $0x7100  }
0x4b: {  	[tilespmem:s4], [sflag:$0x1] =	stream.indirect_vreg.gather [hbm4b:s3+s1], $0x80, v3, vm0, $0xb8;
	[tilespmem:$0x11100] =	vst v63  }
0x4c: {  	s5 =	simm.s32 $0x7900  }
0x4d: {  	[tilespmem:s5], [sflag:$0x1] =	stream.indirect_vreg.gather [hbm4b:s7+s1], $0x80, v3, vm0, $0xb8;
	[tilespmem:$0x11100] =	vst v63  }
0x4e: {  	s14 =	simm.s32 $0x8100  }
0x4f: {  	[tilespmem:s14], [sflag:$0x1] =	stream.indirect_vreg.gather [hbm4b:s8+s1], $0x80, v3, vm0, $0xb8;
	[tilespmem:$0x11100] =	vst v63  }
0x50: {  	s15 =	simm.s32 $0x8900  }
0x51: {  	[tilespmem:s15], [sflag:$0x1] =	stream.indirect_vreg.gather [hbm4b:s9+s1], $0x80, v3, vm0, $0xb8;
	[tilespmem:$0x11100] =	vst v63  }
0x52: {  	_ =	swait.ge [sflag:s6], $0x8000  }
0x53: {  	[sflag:s6] =	ssyncset.done $0x0  }
0x54: {  	[sflag:s6] =	ssyncadd.s32 $0xFFFF8000  }
0x55: {  	v61 =	vld [tilespmem:$0x80];
	_ =	sdelay $0x4  }
0x56: {  	v62 =	vshll.u32 v61, $0x3  }
0x57: {  	v3 =	vand.u32 $0x7, v61;
	v4 =	vand.u32 $0xFFFFFFC0, v62  }
0x58: {  	v3 =	vor.u32 v3, v4  }
0x59: {  	v4 =	vperm.xlane v3, v0;
	_ =	sdelay $0x1  }
0x5a: {  	v4 =	vadd.s32 v1, v4;
	_ =	sdelay $0x3  }
0x5b: {  	s17 =	simm.s32 $0x9100  }
0x5c: {  	[tilespmem:s17], [sflag:$0x1] =	stream.indirect_vreg.gather [hbm4b:s3+s1], $0x80, v4, vm0, $0xb8;
	[tilespmem:$0x11100] =	vst v63  }
0x5d: {  	v3 =	vperm.xlane v3, v2  }
0x5e: {  	[tilespmem:s18], [sflag:$0x1] =	stream.indirect_vreg.gather [hbm4b:s7+s1], $0x80, v4, vm0, $0xb8;
	[tilespmem:$0x11100] =	vst v63  }
0x5f: {  	v3 =	vadd.s32 v1, v3  }
0x60: {  	[tilespmem:s20], [sflag:$0x1] =	stream.indirect_vreg.gather [hbm4b:s8+s1], $0x80, v4, vm0, $0xb8;
	[tilespmem:$0x11100] =	vst v63  }
0x61: {  	_ = 	snop  }
0x62: {  	[tilespmem:s21], [sflag:$0x1] =	stream.indirect_vreg.gather [hbm4b:s9+s1], $0x80, v4, vm0, $0xb8;
	[tilespmem:$0x11100] =	vst v63  }
0x63: {  	_ = 	snop  }
0x64: {  	[tilespmem:s22], [sflag:$0x1] =	stream.indirect_vreg.gather [hbm4b:s3+s1], $0x80, v3, vm0, $0xb8;
	[tilespmem:$0x11100] =	vst v63  }
0x65: {  	_ = 	snop  }
0x66: {  	[tilespmem:s23], [sflag:$0x1] =	stream.indirect_vreg.gather [hbm4b:s7+s1], $0x80, v3, vm0, $0xb8;
	[tilespmem:$0x11100] =	vst v63  }
0x67: {  	_ = 	snop  }
0x68: {  	[tilespmem:s24], [sflag:$0x1] =	stream.indirect_vreg.gather [hbm4b:s8+s1], $0x80, v3, vm0, $0xb8;
	[tilespmem:$0x11100] =	vst v63  }
0x69: {  	_ = 	snop  }
0x6a: {  	[tilespmem:s10], [sflag:$0x1] =	stream.indirect_vreg.gather [hbm4b:s9+s1], $0x80, v3, vm0, $0xb8;
	[tilespmem:$0x11100] =	vst v63  }
0x6b: {  	v3 =	vld [tilespmem:$0x90];
	_ =	sdelay $0x4  }
0x6c: {  	v63 =	vshll.u32 v3, $0x3  }
0x6d: {  	v3 =	vand.u32 $0x7, v3;
	v4 =	vand.u32 $0xFFFFFFC0, v63  }
0x6e: {  	v3 =	vor.u32 v3, v4  }
0x6f: {  	v4 =	vperm.xlane v3, v0;
	_ =	sdelay $0x1  }
0x70: {  	v4 =	vadd.s32 v1, v4;
	_ =	sdelay $0x4  }
0x71: {  	[tilespmem:s25], [sflag:$0x1] =	stream.indirect_vreg.gather [hbm4b:s3+s1], $0x80, v4, vm0, $0xb8;
	[tilespmem:$0x11100] =	vst v63  }
0x72: {  	v3 =	vperm.xlane v3, v2  }
0x73: {  	[tilespmem:s11], [sflag:$0x1] =	stream.indirect_vreg.gather [hbm4b:s7+s1], $0x80, v4, vm0, $0xb8;
	[tilespmem:$0x11100] =	vst v63  }
0x74: {  	v3 =	vadd.s32 v1, v3  }
0x75: {  	[tilespmem:s26], [sflag:$0x1] =	stream.indirect_vreg.gather [hbm4b:s8+s1], $0x80, v4, vm0, $0xb8;
	[tilespmem:$0x11100] =	vst v63  }
0x76: {  	_ = 	snop  }
0x77: {  	[tilespmem:s28], [sflag:$0x1] =	stream.indirect_vreg.gather [hbm4b:s9+s1], $0x80, v4, vm0, $0xb8;
	[tilespmem:$0x11100] =	vst v63  }
0x78: {  	_ = 	snop  }
0x79: {  	[tilespmem:s12], [sflag:$0x1] =	stream.indirect_vreg.gather [hbm4b:s3+s1], $0x80, v3, vm0, $0xb8;
	[tilespmem:$0x11100] =	vst v63  }
0x7a: {  	_ = 	snop  }
0x7b: {  	[tilespmem:s29], [sflag:$0x1] =	stream.indirect_vreg.gather [hbm4b:s7+s1], $0x80, v3, vm0, $0xb8;
	[tilespmem:$0x11100] =	vst v63  }
0x7c: {  	_ = 	snop  }
0x7d: {  	[tilespmem:s13], [sflag:$0x1] =	stream.indirect_vreg.gather [hbm4b:s8+s1], $0x80, v3, vm0, $0xb8;
	[tilespmem:$0x11100] =	vst v63  }
0x7e: {  	_ = 	snop  }
0x7f: {  	[tilespmem:s30], [sflag:$0x1] =	stream.indirect_vreg.gather [hbm4b:s9+s1], $0x80, v3, vm0, $0xb8;
	[tilespmem:$0x11100] =	vst v63  }
0x80: {  	_ =	swait.ge [sflag:s6], $0x8000  }
0x81: {  	s0 =	simm.s32 $0x0;
	s2 =	simm.s32 $0x0;
	[sflag:s6] =	ssyncset.done $0x0  }
0x82: {  	s14 =	simm.s32 $0x110;
	s15 =	simm.s32 $0x0;
	[sflag:s6] =	ssyncadd.s32 $0xFFFF8000  }
.LBB2_2:
0x83: {  	v3 =	vld [tilespmem:s14+$0xFFFFFFF0];
	s4 =	sand.u32 $0x6000, s15;
	s5 =	sand.u32 $0x380, s2  }
0x84: {  	v4 =	vld [tilespmem:s14+$0x0];
	s4 =	sor.u32 s5, s4  }
0x85: {  	v6 =	vld [tilespmem:s4+$0x1100]  }
0x86: {  	v7 =	vld [tilespmem:s4+$0x9100]  }
0x87: {  	v10 =	vld [tilespmem:s4+$0x1110]  }
0x88: {  	v11 =	vld [tilespmem:s4+$0x9110]  }
0x89: {  	v14 =	vld [tilespmem:s4+$0x1120]  }
0x8a: {  	v17 =	vld [tilespmem:s4+$0x9120]  }
0x8b: {  	v20 =	vld [tilespmem:s4+$0x1130]  }
0x8c: {  	v21 =	vld [tilespmem:s4+$0x9130]  }
0x8d: {  	v26 =	vld [tilespmem:s4+$0x1140]  }
0x8e: {  	v27 =	vld [tilespmem:s4+$0x9140]  }
0x8f: {  	v28 =	vld [tilespmem:s4+$0x1150]  }
0x90: {  	v29 =	vld [tilespmem:s4+$0x9150]  }
0x91: {  	v30 =	vld [tilespmem:s4+$0x1160]  }
0x92: {  	v31 =	vld [tilespmem:s4+$0x9160]  }
0x93: {  	v32 =	vld [tilespmem:s4+$0x1170]  }
0x94: {  	v33 =	vld [tilespmem:s4+$0x9170]  }
0x95: {  	v34 =	vld [tilespmem:s4+$0x1500]  }
0x96: {  	v35 =	vld [tilespmem:s4+$0x9500]  }
0x97: {  	v36 =	vld [tilespmem:s4+$0x1510]  }
0x98: {  	v37 =	vld [tilespmem:s4+$0x9510]  }
0x99: {  	v38 =	vld [tilespmem:s4+$0x1520]  }
0x9a: {  	v39 =	vld [tilespmem:s4+$0x9520]  }
0x9b: {  	v40 =	vld [tilespmem:s4+$0x1530]  }
0x9c: {  	v41 =	vld [tilespmem:s4+$0x9530]  }
0x9d: {  	v42 =	vld [tilespmem:s4+$0x1540]  }
0x9e: {  	v43 =	vld [tilespmem:s4+$0x9540]  }
0x9f: {  	v44 =	vld [tilespmem:s4+$0x1550]  }
0xa0: {  	v45 =	vld [tilespmem:s4+$0x9550]  }
0xa1: {  	v46 =	vld [tilespmem:s4+$0x1560]  }
0xa2: {  	v47 =	vld [tilespmem:s4+$0x9560]  }
0xa3: {  	v48 =	vld [tilespmem:s4+$0x1570]  }
0xa4: {  	v49 =	vld [tilespmem:s4+$0x9570]  }
0xa5: {  	v50 =	vld [tilespmem:s4+$0x1900]  }
0xa6: {  	v51 =	vld [tilespmem:s4+$0x9900]  }
0xa7: {  	v52 =	vld [tilespmem:s4+$0x1910]  }
0xa8: {  	v53 =	vld [tilespmem:s4+$0x9910]  }
0xa9: {  	v54 =	vld [tilespmem:s4+$0x1920]  }
0xaa: {  	v55 =	vld [tilespmem:s4+$0x9920]  }
0xab: {  	v56 =	vld [tilespmem:s4+$0x1930]  }
0xac: {  	v57 =	vld [tilespmem:s4+$0x9930]  }
0xad: {  	v58 =	vld [tilespmem:s4+$0x1940]  }
0xae: {  	v59 =	vld [tilespmem:s4+$0x9940]  }
0xaf: {  	v60 =	vld [tilespmem:s4+$0x1950]  }
0xb0: {  	v61 =	vld [tilespmem:s4+$0x9950]  }
0xb1: {  	v62 =	vld [tilespmem:s4+$0x1960]  }
0xb2: {  	v63 =	vld [tilespmem:s4+$0x9960]  }
0xb3: {  	v5 =	vld [tilespmem:s4+$0x1970]  }
0xb4: {  	v2 =	vld [tilespmem:s4+$0x9970]  }
0xb5: {  	v24 =	vld [tilespmem:s4+$0x1D00]  }
0xb6: {  	v25 =	vld [tilespmem:s4+$0x9D00]  }
0xb7: {  	v22 =	vld [tilespmem:s4+$0x1D10]  }
0xb8: {  	v23 =	vld [tilespmem:s4+$0x9D10]  }
0xb9: {  	v18 =	vld [tilespmem:s4+$0x1D20]  }
0xba: {  	v0 =	vld [tilespmem:s4+$0x1D60]  }
0xbb: {  	v19 =	vld [tilespmem:s4+$0x9D20]  }
0xbc: {  	v15 =	vld [tilespmem:s4+$0x1D30]  }
0xbd: {  	v16 =	vld [tilespmem:s4+$0x9D30]  }
0xbe: {  	v12 =	vld [tilespmem:s4+$0x1D40];
	v1 =	vmul.f32 v6, v3  }
0xbf: {  	v13 =	vld [tilespmem:s4+$0x9D40];
	[tilespmem:$0x1FFC0] =	vst v0;
	v0 =	vmul.f32 v7, v4;
	v10 =	vmul.f32 v10, v3  }
0xc0: {  	v8 =	vld [tilespmem:s4+$0x1D50];
	v11 =	vmul.f32 v11, v4;
	v14 =	vmul.f32 v14, v3  }
0xc1: {  	v9 =	vld [tilespmem:s4+$0x9D50];
	v17 =	vmul.f32 v17, v4;
	v20 =	vmul.f32 v20, v3  }
0xc2: {  	v7 =	vld [tilespmem:s4+$0x9D60];
	v21 =	vmul.f32 v21, v4;
	v26 =	vmul.f32 v26, v3  }
0xc3: {  	v6 =	vld [tilespmem:s4+$0x1D70];
	v27 =	vmul.f32 v27, v4;
	v34 =	vmul.f32 v34, v3  }
0xc4: {  	v35 =	vmul.f32 v35, v4;
	v38 =	vmul.f32 v38, v3;
	v1 =	vadd.f32 v0, v1;
	v0 =	vld [tilespmem:s4+$0x9D70]  }
0xc5: {  	v39 =	vmul.f32 v39, v4;
	v40 =	vmul.f32 v40, v3;
	v10 =	vadd.f32 v11, v10;
	v11 =	vld [tilespmem:s4+$0x2100]  }
0xc6: {  	v5 =	vmul.f32 v5, v3;
	v2 =	vmul.f32 v2, v4;
	[tilespmem:s4+$0x1100] =	vst v1;
	v1 =	vadd.f32 v17, v14;
	v14 =	vld [tilespmem:s4+$0xA100]  }
0xc7: {  	[tilespmem:s4+$0x1110] =	vst v10;
	v10 =	vadd.f32 v21, v20;
	v21 =	vmul.f32 v28, v3;
	v28 =	vmul.f32 v29, v4;
	v17 =	vld [tilespmem:s4+$0x2110]  }
0xc8: {  	v52 =	vmul.f32 v52, v3;
	v2 =	vadd.f32 v2, v5;
	v20 =	vld [tilespmem:s4+$0xA110];
	v29 =	vmul.f32 v33, v4;
	[tilespmem:s4+$0x1120] =	vst v1  }
0xc9: {  	v1 =	vadd.f32 v27, v26;
	v26 =	vmul.f32 v30, v3;
	[tilespmem:s4+$0x1130] =	vst v10;
	v10 =	vadd.f32 v28, v21;
	v21 =	vld [tilespmem:s4+$0x2120]  }
0xca: {  	v27 =	vmul.f32 v31, v4;
	v28 =	vmul.f32 v32, v3;
	v31 =	vld [tilespmem:s4+$0x2130]  }
0xcb: {  	v24 =	vmul.f32 v24, v3;
	v25 =	vmul.f32 v25, v4;
	[tilespmem:s4+$0x1970] =	vst v2;
	v32 =	vld [tilespmem:s4+$0xA130]  }
0xcc: {  	v18 =	vmul.f32 v18, v3;
	v33 =	vadd.f32 v27, v26;
	v26 =	vld [tilespmem:s4+$0xA120];
	[tilespmem:s4+$0x1150] =	vst v10;
	v10 =	vadd.f32 v29, v28  }
0xcd: {  	[tilespmem:s4+$0x1140] =	vst v1;
	v28 =	vmul.f32 v36, v3;
	v36 =	vmul.f32 v37, v4;
	v37 =	vadd.f32 v35, v34;
	v34 =	vld [tilespmem:s4+$0xA140]  }
0xce: {  	v19 =	vmul.f32 v19, v4;
	v12 =	vmul.f32 v12, v3;
	v35 =	vld [tilespmem:s4+$0x2150];
	[tilespmem:s4+$0x1160] =	vst v33  }
0xcf: {  	v13 =	vmul.f32 v13, v4;
	v27 =	vld [tilespmem:s4+$0xA520];
	v29 =	vadd.f32 v25, v24;
	[tilespmem:s4+$0x1170] =	vst v10;
	v10 =	vadd.f32 v36, v28  }
0xd0: {  	v36 =	vmul.f32 v41, v4;
	v33 =	vld [tilespmem:s4+$0x2140];
	[tilespmem:s4+$0x1500] =	vst v37;
	v37 =	vadd.f32 v39, v38;
	v38 =	vmul.f32 v42, v3  }
0xd1: {  	v39 =	vmul.f32 v43, v4;
	v41 =	vmul.f32 v45, v4;
	v28 =	vld [tilespmem:s4+$0x2520];
	[tilespmem:s4+$0x1D00] =	vst v29  }
0xd2: {  	v43 =	vmul.f32 v46, v3;
	[tilespmem:s4+$0x1510] =	vst v10;
	v10 =	vadd.f32 v36, v40;
	v40 =	vmul.f32 v44, v3;
	v36 =	vld [tilespmem:s4+$0xA150]  }
0xd3: {  	v46 =	vmul.f32 v48, v3;
	[tilespmem:s4+$0x1520] =	vst v37;
	v42 =	vadd.f32 v39, v38;
	v44 =	vmul.f32 v47, v4;
	v37 =	vld [tilespmem:s4+$0x2160]  }
0xd4: {  	v47 =	vmul.f32 v49, v4;
	v49 =	vmul.f32 v50, v3;
	v38 =	vld [tilespmem:s4+$0xA160];
	[tilespmem:s4+$0x1530] =	vst v10;
	v45 =	vadd.f32 v41, v40  }
0xd5: {  	v50 =	vmul.f32 v51, v4;
	v39 =	vld [tilespmem:s4+$0x2170];
	[tilespmem:s4+$0x1540] =	vst v42;
	v48 =	vadd.f32 v44, v43;
	v44 =	vmul.f32 v53, v4  }
0xd6: {  	v51 =	vadd.f32 v47, v46;
	v46 =	vmul.f32 v54, v3;
	v47 =	vmul.f32 v55, v4;
	v40 =	vld [tilespmem:s4+$0xA170];
	[tilespmem:s4+$0x1550] =	vst v45  }
0xd7: {  	v41 =	vld [tilespmem:s4+$0x2500];
	v53 =	vmul.f32 v59, v4;
	v55 =	vmul.f32 v60, v3;
	[tilespmem:s4+$0x1560] =	vst v48;
	v45 =	vadd.f32 v50, v49  }
0xd8: {  	v42 =	vld [tilespmem:s4+$0xA500];
	v59 =	vmul.f32 v63, v4;
	v63 =	vmul.f32 v23, v4;
	[tilespmem:s4+$0x1570] =	vst v51;
	v48 =	vadd.f32 v44, v52  }
0xd9: {  	v43 =	vld [tilespmem:s4+$0x2510];
	v49 =	vmul.f32 v56, v3;
	v50 =	vmul.f32 v57, v4;
	v51 =	vadd.f32 v47, v46;
	[tilespmem:s4+$0x1900] =	vst v45  }
0xda: {  	v23 =	vld [tilespmem:s4+$0xA530];
	v25 =	vmul.f32 v33, v3;
	v52 =	vmul.f32 v58, v3;
	v47 =	vadd.f32 v19, v18;
	[tilespmem:s4+$0x1910] =	vst v48  }
0xdb: {  	v56 =	vmul.f32 v61, v4;
	v58 =	vmul.f32 v62, v3;
	v44 =	vld [tilespmem:s4+$0xA510];
	v54 =	vadd.f32 v50, v49;
	[tilespmem:s4+$0x1920] =	vst v51  }
0xdc: {  	v62 =	vmul.f32 v22, v3;
	v22 =	vld [tilespmem:s4+$0x2530];
	v46 =	vmul.f32 v16, v4;
	v57 =	vadd.f32 v53, v52;
	[tilespmem:s4+$0x1D20] =	vst v47  }
0xdd: {  	v16 =	vld [tilespmem:s4+$0xA540];
	v33 =	vmul.f32 v37, v3;
	v60 =	vadd.f32 v56, v55;
	v45 =	vmul.f32 v15, v3;
	[tilespmem:s4+$0x1930] =	vst v54  }
0xde: {  	v18 =	vld [tilespmem:s4+$0x2910];
	v61 =	vadd.f32 v59, v58;
	v49 =	vmul.f32 v8, v3;
	v50 =	vmul.f32 v9, v4;
	[tilespmem:s4+$0x1940] =	vst v57  }
0xdf: {  	v19 =	vld [tilespmem:s4+$0xA910];
	v30 =	vadd.f32 v63, v62;
	v56 =	vmul.f32 v11, v3;
	v58 =	vmul.f32 v17, v3;
	[tilespmem:s4+$0x1950] =	vst v60  }
0xe0: {  	v15 =	vld [tilespmem:s4+$0x2540];
	v51 =	vadd.f32 v13, v12;
	v59 =	vmul.f32 v20, v4;
	v62 =	vmul.f32 v26, v4;
	[tilespmem:s4+$0x1960] =	vst v61  }
0xe1: {  	v9 =	vld [tilespmem:s4+$0x2550];
	v20 =	vmul.f32 v31, v3;
	v26 =	vmul.f32 v34, v4;
	[tilespmem:s4+$0x1D10] =	vst v30;
	v48 =	vadd.f32 v46, v45  }
0xe2: {  	v52 =	vld [tilespmem:$0x1FFC0];
	v31 =	vmul.f32 v36, v4;
	v34 =	vmul.f32 v38, v4;
	v53 =	vadd.f32 v50, v49;
	[tilespmem:s4+$0x1D40] =	vst v51  }
0xe3: {  	v12 =	vld [tilespmem:s4+$0xA550];
	v36 =	vmul.f32 v39, v3;
	v37 =	vmul.f32 v40, v4;
	v63 =	vadd.f32 v59, v58;
	[tilespmem:s4+$0x1D30] =	vst v48  }
0xe4: {  	v11 =	vld [tilespmem:s4+$0x2570];
	v61 =	vmul.f32 v21, v3;
	v21 =	vmul.f32 v32, v4;
	v32 =	vadd.f32 v26, v25;
	[tilespmem:s4+$0x1D50] =	vst v53  }
0xe5: {  	v13 =	vld [tilespmem:s4+$0xA570];
	v39 =	vmul.f32 v41, v3;
	v40 =	vmul.f32 v42, v4;
	v38 =	vadd.f32 v34, v33;
	[tilespmem:s4+$0x2110] =	vst v63  }
0xe6: {  	v0 =	vmul.f32 v0, v4;
	v17 =	vld [tilespmem:s4+$0xA900];
	v54 =	vmul.f32 v6, v3;
	v42 =	vadd.f32 v37, v36;
	[tilespmem:s4+$0x2140] =	vst v32  }
0xe7: {  	v41 =	vld [tilespmem:s4+$0xA920];
	v57 =	vmul.f32 v14, v4;
	v47 =	vadd.f32 v40, v39;
	[tilespmem:s4+$0x2160] =	vst v38  }
0xe8: {  	v6 =	vld [tilespmem:s4+$0x2560];
	v0 =	vadd.f32 v0, v54;
	[tilespmem:s4+$0x2170] =	vst v42  }
0xe9: {  	v14 =	vld [tilespmem:s4+$0x2900];
	v60 =	vadd.f32 v57, v56;
	[tilespmem:s4+$0x2500] =	vst v47  }
0xea: {  	v7 =	vmul.f32 v7, v4;
	v30 =	vmul.f32 v35, v3;
	v46 =	vld [tilespmem:s4+$0x2930];
	v24 =	vadd.f32 v62, v61;
	[tilespmem:s4+$0x1D70] =	vst v0  }
0xeb: {  	v43 =	vmul.f32 v43, v3;
	v50 =	vld [tilespmem:s4+$0xA930];
	v45 =	vmul.f32 v44, v4;
	v29 =	vadd.f32 v21, v20;
	[tilespmem:s4+$0x2100] =	vst v60  }
0xec: {  	v49 =	vmul.f32 v27, v4;
	v58 =	vld [tilespmem:s4+$0x2950];
	v35 =	vadd.f32 v31, v30;
	v10 =	vmul.f32 v52, v3;
	[tilespmem:s4+$0x2120] =	vst v24  }
0xed: {  	v36 =	vld [tilespmem:s4+$0xA970];
	v53 =	vmul.f32 v23, v4;
	v51 =	vadd.f32 v45, v43;
	v52 =	vmul.f32 v22, v3;
	[tilespmem:s4+$0x2130] =	vst v29  }
0xee: {  	v40 =	vld [tilespmem:s4+$0xA940];
	v57 =	vmul.f32 v16, v4;
	v56 =	vmul.f32 v15, v3;
	[tilespmem:s4+$0x2150] =	vst v35;
	v55 =	vadd.f32 v7, v10  }
0xef: {  	v20 =	vld [tilespmem:s4+$0x2920];
	v26 =	vmul.f32 v11, v3;
	v27 =	vmul.f32 v13, v4;
	[tilespmem:s4+$0x2510] =	vst v51;
	v59 =	vadd.f32 v53, v52  }
0xf0: {  	v62 =	vld [tilespmem:s4+$0xA950];
	v61 =	vmul.f32 v12, v4;
	v60 =	vmul.f32 v9, v3;
	v63 =	vadd.f32 v57, v56;
	[tilespmem:s4+$0x1D60] =	vst v55  }
0xf1: {  	v34 =	vmul.f32 v18, v3;
	v16 =	vld [tilespmem:s4+$0x2960];
	v35 =	vmul.f32 v19, v4;
	v33 =	vadd.f32 v27, v26;
	[tilespmem:s4+$0x2530] =	vst v59  }
0xf2: {  	v48 =	vmul.f32 v28, v3;
	v28 =	vld [tilespmem:s4+$0xA960];
	v31 =	vmul.f32 v17, v4;
	v23 =	vadd.f32 v61, v60;
	[tilespmem:s4+$0x2540] =	vst v63  }
0xf3: {  	v32 =	vld [tilespmem:s4+$0x2970];
	v39 =	vmul.f32 v41, v4;
	v30 =	vmul.f32 v14, v3;
	v41 =	vadd.f32 v35, v34;
	[tilespmem:s4+$0x2570] =	vst v33  }
0xf4: {  	v10 =	vld [tilespmem:s4+$0xA560];
	v42 =	vmul.f32 v46, v3;
	v43 =	vmul.f32 v50, v4;
	v55 =	vadd.f32 v49, v48;
	[tilespmem:s4+$0x2550] =	vst v23  }
0xf5: {  	v54 =	vld [tilespmem:s4+$0x2940];
	v37 =	vadd.f32 v31, v30;
	v38 =	vmul.f32 v20, v3;
	[tilespmem:s4+$0x2910] =	vst v41  }
0xf6: {  	v45 =	vmul.f32 v58, v3;
	v46 =	vmul.f32 v62, v4;
	v47 =	vadd.f32 v43, v42;
	[tilespmem:s4+$0x2520] =	vst v55  }
0xf7: {  	v48 =	vmul.f32 v16, v3;
	v49 =	vmul.f32 v28, v4;
	[tilespmem:s4+$0x2900] =	vst v37;
	v44 =	vadd.f32 v39, v38  }
0xf8: {  	v52 =	vmul.f32 v36, v4;
	v51 =	vmul.f32 v32, v3;
	v50 =	vadd.f32 v46, v45;
	[tilespmem:s4+$0x2930] =	vst v47  }
0xf9: {  	v6 =	vmul.f32 v6, v3;
	v53 =	vadd.f32 v49, v48;
	v12 =	vmul.f32 v10, v4;
	[tilespmem:s4+$0x2920] =	vst v44  }
0xfa: {  	s17 =	sand.u32 $0x7, s0;
	v54 =	vmul.f32 v54, v3;
	v55 =	vmul.f32 v40, v4;
	v56 =	vadd.f32 v52, v51;
	[tilespmem:s4+$0x2950] =	vst v50  }
0xfb: {  	s5 =	sshll.u32 s17, $0x7;
	[tilespmem:s4+$0x2960] =	vst v53;
	v29 =	vadd.f32 v12, v6  }
0xfc: {  	s5 =	sadd.s32 s5, s15;
	v2 =	vadd.f32 v55, v54;
	[tilespmem:s4+$0x2970] =	vst v56  }
0xfd: {  	s17 =	sor.u32 $0x1C00, s5;
	[tilespmem:s4+$0x2560] =	vst v29  }
0xfe: {  	[tilespmem:s4+$0x2940] =	vst v2;
	v0 =	vld [tilespmem:s17+$0x1100]  }
0xff: {  	v1 =	vld [tilespmem:s17+$0x9100];
	_ =	sdelay $0x4  }
0x100: {  	v0 =	vmul.f32 v0, v3;
	v1 =	vmul.f32 v1, v4;
	_ =	sdelay $0x1  }
0x101: {  	v0 =	vadd.f32 v1, v0;
	_ =	sdelay $0x1  }
0x102: {  	[tilespmem:s17+$0x1100] =	vst v0;
	s17 =	sor.u32 $0x1C10, s5  }
0x103: {  	v0 =	vld [tilespmem:s17+$0x1100]  }
0x104: {  	v57 =	vld [tilespmem:s17+$0x9100];
	_ =	sdelay $0x4  }
0x105: {  	v0 =	vmul.f32 v0, v3;
	v1 =	vmul.f32 v57, v4;
	_ =	sdelay $0x1  }
0x106: {  	v0 =	vadd.f32 v1, v0;
	_ =	sdelay $0x1  }
0x107: {  	[tilespmem:s17+$0x1100] =	vst v0;
	s17 =	sor.u32 $0x1C20, s5  }
0x108: {  	v0 =	vld [tilespmem:s17+$0x1100]  }
0x109: {  	v58 =	vld [tilespmem:s17+$0x9100];
	_ =	sdelay $0x4  }
0x10a: {  	v0 =	vmul.f32 v0, v3;
	v1 =	vmul.f32 v58, v4;
	_ =	sdelay $0x1  }
0x10b: {  	v0 =	vadd.f32 v1, v0;
	_ =	sdelay $0x1  }
0x10c: {  	[tilespmem:s17+$0x1100] =	vst v0;
	s17 =	sor.u32 $0x1C30, s5  }
0x10d: {  	v0 =	vld [tilespmem:s17+$0x1100]  }
0x10e: {  	v59 =	vld [tilespmem:s17+$0x9100];
	_ =	sdelay $0x4  }
0x10f: {  	v0 =	vmul.f32 v0, v3;
	v1 =	vmul.f32 v59, v4;
	_ =	sdelay $0x1  }
0x110: {  	v0 =	vadd.f32 v1, v0;
	_ =	sdelay $0x1  }
0x111: {  	[tilespmem:s17+$0x1100] =	vst v0;
	s17 =	sor.u32 $0x1C40, s5  }
0x112: {  	v0 =	vld [tilespmem:s17+$0x1100]  }
0x113: {  	v60 =	vld [tilespmem:s17+$0x9100];
	_ =	sdelay $0x4  }
0x114: {  	v0 =	vmul.f32 v0, v3;
	v1 =	vmul.f32 v60, v4;
	_ =	sdelay $0x1  }
0x115: {  	v0 =	vadd.f32 v1, v0;
	_ =	sdelay $0x1  }
0x116: {  	[tilespmem:s17+$0x1100] =	vst v0;
	s17 =	sor.u32 $0x1C50, s5  }
0x117: {  	v0 =	vld [tilespmem:s17+$0x1100]  }
0x118: {  	v61 =	vld [tilespmem:s17+$0x9100];
	_ =	sdelay $0x4  }
0x119: {  	v0 =	vmul.f32 v0, v3;
	v1 =	vmul.f32 v61, v4;
	_ =	sdelay $0x1  }
0x11a: {  	v0 =	vadd.f32 v1, v0;
	_ =	sdelay $0x1  }
0x11b: {  	[tilespmem:s17+$0x1100] =	vst v0;
	s17 =	sor.u32 $0x1C60, s5  }
0x11c: {  	v0 =	vld [tilespmem:s17+$0x1100]  }
0x11d: {  	v62 =	vld [tilespmem:s17+$0x9100];
	_ =	sdelay $0x4  }
0x11e: {  	v0 =	vmul.f32 v0, v3;
	v1 =	vmul.f32 v62, v4;
	_ =	sdelay $0x1  }
0x11f: {  	v0 =	vadd.f32 v1, v0;
	_ =	sdelay $0x1  }
0x120: {  	[tilespmem:s17+$0x1100] =	vst v0;
	s17 =	sor.u32 $0x1C70, s5  }
0x121: {  	v0 =	vld [tilespmem:s17+$0x1100]  }
0x122: {  	v63 =	vld [tilespmem:s17+$0x9100];
	_ =	sdelay $0x3  }
0x123: {  	p0 =	sne.s32 s2, $0xF80  }
.Ltmp0:
0x124: {  	v0 =	vmul.f32 v0, v3;
	v1 =	vmul.f32 v63, v4;
	(pc) =	sbr.rel @p0 .LBB2_2-.Ltmp0, $4  }
0x125: {  	_ = 	snop  }
0x126: {  	v0 =	vadd.f32 v1, v0  }
0x127: {  	s0 =	sadd.s32 $0x1, s0  }
0x128: {  	s14 =	sadd.s32 $0x80, s14;
	s2 =	sadd.s32 $0x80, s2;
	s15 =	sadd.s32 $0x400, s15;
	[tilespmem:s17+$0x1100] =	vst v0  }
0x129: {  	s14 =	simm.s32 $0x0;
	s0 =	rddreg [dreg:$0x6]  }
0x12a: {  	[hbm4b:s0+s14] =	stream.linear.scatter [tilespmem:s19], [sflag:$0x2], $0x8000, $0x38;
	[tilespmem:$0x11100] =	vst v63  }
0x12b: {  	_ =	swait.ge [sflag:s16], $0x8000  }
0x12c: {  	[sflag:s16] =	ssyncset.done $0x0  }
0x12d: {  	s2 =	rddreg [dreg:$0x7];
	[sflag:s16] =	ssyncadd.s32 $0xFFFF8000  }
0x12e: {  	[tilespmem:s14], [sflag:$0x2] =	stream.linear.gather [hbm4b:s2+s14], $0x20, $0x38;
	[tilespmem:$0x11100] =	vst v63  }
0x12f: {  	_ =	swait.ge [sflag:s16], $0x20  }
0x130: {  	[sflag:s16] =	ssyncset.done $0x0  }
0x131: {  	s2 =	simm.s32 $0x80;
	s4 =	rddreg [dreg:$0x8];
	[sflag:s16] =	ssyncadd.s32 $0xFFFFFFE0  }
0x132: {  	[tilespmem:s2], [sflag:$0x2] =	stream.linear.gather [hbm4b:s4+s14], $0x20, $0x38;
	[tilespmem:$0x11100] =	vst v63  }
0x133: {  	_ =	swait.ge [sflag:s16], $0x20  }
0x134: {  	[sflag:s16] =	ssyncset.done $0x0  }
0x135: {  	s15 =	simm.s32 $0x100;
	s5 =	rddreg [dreg:$0x9];
	[sflag:s16] =	ssyncadd.s32 $0xFFFFFFE0  }
0x136: {  	[tilespmem:s15], [sflag:$0x2] =	stream.linear.gather [hbm4b:s5+s14], $0x1000, $0x38;
	[tilespmem:$0x11100] =	vst v63  }
0x137: {  	_ =	swait.ge [sflag:s16], $0x1000  }
0x138: {  	[sflag:s16] =	ssyncset.done $0x0  }
0x139: {  	[sflag:s16] =	ssyncadd.s32 $0xFFFFF000  }
0x13a: {  	v0 =	vld [tilespmem:$0x0];
	_ =	sdelay $0x2  }
0x13b: {  	v2 =	vld [tilespmem:$0x1FFD0];
	_ =	sdelay $0x1  }
0x13c: {  	v3 =	vld [tilespmem:$0x1FFE0];
	v1 =	vshll.u32 v0, $0x3  }
0x13d: {  	v0 =	vand.u32 $0x7, v0;
	v1 =	vand.u32 $0xFFFFFFC0, v1  }
0x13e: {  	v0 =	vor.u32 v0, v1  }
0x13f: {  	v1 =	vperm.xlane v0, v2;
	_ =	sdelay $0x1  }
0x140: {  	v1 =	vadd.s32 v3, v1  }
0x141: {  	v4 =	vld [tilespmem:$0x1FFF0];
	_ =	sdelay $0x3  }
0x142: {  	[tilespmem:s19], [sflag:$0x1] =	stream.indirect_vreg.gather [hbm4b:s3+s14], $0x80, v1, vm0, $0xb8;
	[tilespmem:$0x11100] =	vst v63  }
0x143: {  	s17 =	simm.s32 $0x1900;
	v0 =	vperm.xlane v0, v4  }
0x144: {  	[tilespmem:s17], [sflag:$0x1] =	stream.indirect_vreg.gather [hbm4b:s7+s14], $0x80, v1, vm0, $0xb8;
	[tilespmem:$0x11100] =	vst v63  }
0x145: {  	s2 =	simm.s32 $0x2100;
	v0 =	vadd.s32 v3, v0  }
0x146: {  	[tilespmem:s2], [sflag:$0x1] =	stream.indirect_vreg.gather [hbm4b:s8+s14], $0x80, v1, vm0, $0xb8;
	[tilespmem:$0x11100] =	vst v63  }
0x147: {  	s4 =	simm.s32 $0x2900  }
0x148: {  	[tilespmem:s4], [sflag:$0x1] =	stream.indirect_vreg.gather [hbm4b:s9+s14], $0x80, v1, vm0, $0xb8;
	[tilespmem:$0x11100] =	vst v63  }
0x149: {  	s5 =	simm.s32 $0x3100  }
0x14a: {  	[tilespmem:s5], [sflag:$0x1] =	stream.indirect_vreg.gather [hbm4b:s3+s14], $0x80, v0, vm0, $0xb8;
	[tilespmem:$0x11100] =	vst v63  }
0x14b: {  	s15 =	simm.s32 $0x3900  }
0x14c: {  	[tilespmem:s15], [sflag:$0x1] =	stream.indirect_vreg.gather [hbm4b:s7+s14], $0x80, v0, vm0, $0xb8;
	[tilespmem:$0x11100] =	vst v63  }
0x14d: {  	s17 =	simm.s32 $0x4100  }
0x14e: {  	[tilespmem:s17], [sflag:$0x1] =	stream.indirect_vreg.gather [hbm4b:s8+s14], $0x80, v0, vm0, $0xb8;
	[tilespmem:$0x11100] =	vst v63  }
0x14f: {  	s2 =	simm.s32 $0x4900  }
0x150: {  	[tilespmem:s2], [sflag:$0x1] =	stream.indirect_vreg.gather [hbm4b:s9+s14], $0x80, v0, vm0, $0xb8;
	[tilespmem:$0x11100] =	vst v63  }
0x151: {  	v0 =	vld [tilespmem:$0x10];
	_ =	sdelay $0x4  }
0x152: {  	v60 =	vshll.u32 v0, $0x3  }
0x153: {  	v0 =	vand.u32 $0x7, v0;
	v1 =	vand.u32 $0xFFFFFFC0, v60  }
0x154: {  	v0 =	vor.u32 v0, v1  }
0x155: {  	v1 =	vperm.xlane v0, v2;
	_ =	sdelay $0x1  }
0x156: {  	v1 =	vadd.s32 v3, v1;
	_ =	sdelay $0x3  }
0x157: {  	s4 =	simm.s32 $0x5100  }
0x158: {  	[tilespmem:s4], [sflag:$0x1] =	stream.indirect_vreg.gather [hbm4b:s3+s14], $0x80, v1, vm0, $0xb8;
	[tilespmem:$0x11100] =	vst v63  }
0x159: {  	s5 =	simm.s32 $0x5900;
	v0 =	vperm.xlane v0, v4  }
0x15a: {  	[tilespmem:s5], [sflag:$0x1] =	stream.indirect_vreg.gather [hbm4b:s7+s14], $0x80, v1, vm0, $0xb8;
	[tilespmem:$0x11100] =	vst v63  }
0x15b: {  	s15 =	simm.s32 $0x6100;
	v0 =	vadd.s32 v3, v0  }
0x15c: {  	[tilespmem:s15], [sflag:$0x1] =	stream.indirect_vreg.gather [hbm4b:s8+s14], $0x80, v1, vm0, $0xb8;
	[tilespmem:$0x11100] =	vst v63  }
0x15d: {  	s17 =	simm.s32 $0x6900  }
0x15e: {  	[tilespmem:s17], [sflag:$0x1] =	stream.indirect_vreg.gather [hbm4b:s9+s14], $0x80, v1, vm0, $0xb8;
	[tilespmem:$0x11100] =	vst v63  }
0x15f: {  	s2 =	simm.s32 $0x7100  }
0x160: {  	[tilespmem:s2], [sflag:$0x1] =	stream.indirect_vreg.gather [hbm4b:s3+s14], $0x80, v0, vm0, $0xb8;
	[tilespmem:$0x11100] =	vst v63  }
0x161: {  	s4 =	simm.s32 $0x7900  }
0x162: {  	[tilespmem:s4], [sflag:$0x1] =	stream.indirect_vreg.gather [hbm4b:s7+s14], $0x80, v0, vm0, $0xb8;
	[tilespmem:$0x11100] =	vst v63  }
0x163: {  	s5 =	simm.s32 $0x8100  }
0x164: {  	[tilespmem:s5], [sflag:$0x1] =	stream.indirect_vreg.gather [hbm4b:s8+s14], $0x80, v0, vm0, $0xb8;
	[tilespmem:$0x11100] =	vst v63  }
0x165: {  	s15 =	simm.s32 $0x8900  }
0x166: {  	[tilespmem:s15], [sflag:$0x1] =	stream.indirect_vreg.gather [hbm4b:s9+s14], $0x80, v0, vm0, $0xb8;
	[tilespmem:$0x11100] =	vst v63  }
0x167: {  	_ =	swait.ge [sflag:s6], $0x8000  }
0x168: {  	[sflag:s6] =	ssyncset.done $0x0  }
0x169: {  	[sflag:s6] =	ssyncadd.s32 $0xFFFF8000  }
0x16a: {  	v61 =	vld [tilespmem:$0x80];
	_ =	sdelay $0x4  }
0x16b: {  	v62 =	vshll.u32 v61, $0x3  }
0x16c: {  	v0 =	vand.u32 $0x7, v61;
	v1 =	vand.u32 $0xFFFFFFC0, v62  }
0x16d: {  	v0 =	vor.u32 v0, v1  }
0x16e: {  	v1 =	vperm.xlane v0, v2;
	_ =	sdelay $0x1  }
0x16f: {  	v1 =	vadd.s32 v3, v1;
	_ =	sdelay $0x3  }
0x170: {  	s17 =	simm.s32 $0x9100  }
0x171: {  	[tilespmem:s17], [sflag:$0x1] =	stream.indirect_vreg.gather [hbm4b:s3+s14], $0x80, v1, vm0, $0xb8;
	[tilespmem:$0x11100] =	vst v63  }
0x172: {  	v0 =	vperm.xlane v0, v4  }
0x173: {  	[tilespmem:s18], [sflag:$0x1] =	stream.indirect_vreg.gather [hbm4b:s7+s14], $0x80, v1, vm0, $0xb8;
	[tilespmem:$0x11100] =	vst v63  }
0x174: {  	v0 =	vadd.s32 v3, v0  }
0x175: {  	[tilespmem:s20], [sflag:$0x1] =	stream.indirect_vreg.gather [hbm4b:s8+s14], $0x80, v1, vm0, $0xb8;
	[tilespmem:$0x11100] =	vst v63  }
0x176: {  	_ = 	snop  }
0x177: {  	[tilespmem:s21], [sflag:$0x1] =	stream.indirect_vreg.gather [hbm4b:s9+s14], $0x80, v1, vm0, $0xb8;
	[tilespmem:$0x11100] =	vst v63  }
0x178: {  	_ = 	snop  }
0x179: {  	[tilespmem:s22], [sflag:$0x1] =	stream.indirect_vreg.gather [hbm4b:s3+s14], $0x80, v0, vm0, $0xb8;
	[tilespmem:$0x11100] =	vst v63  }
0x17a: {  	_ = 	snop  }
0x17b: {  	[tilespmem:s23], [sflag:$0x1] =	stream.indirect_vreg.gather [hbm4b:s7+s14], $0x80, v0, vm0, $0xb8;
	[tilespmem:$0x11100] =	vst v63  }
0x17c: {  	_ = 	snop  }
0x17d: {  	[tilespmem:s24], [sflag:$0x1] =	stream.indirect_vreg.gather [hbm4b:s8+s14], $0x80, v0, vm0, $0xb8;
	[tilespmem:$0x11100] =	vst v63  }
0x17e: {  	_ = 	snop  }
0x17f: {  	[tilespmem:s10], [sflag:$0x1] =	stream.indirect_vreg.gather [hbm4b:s9+s14], $0x80, v0, vm0, $0xb8;
	[tilespmem:$0x11100] =	vst v63  }
0x180: {  	v0 =	vld [tilespmem:$0x90];
	_ =	sdelay $0x4  }
0x181: {  	v63 =	vshll.u32 v0, $0x3  }
0x182: {  	v0 =	vand.u32 $0x7, v0;
	v1 =	vand.u32 $0xFFFFFFC0, v63  }
0x183: {  	v0 =	vor.u32 v0, v1  }
0x184: {  	v1 =	vperm.xlane v0, v2;
	_ =	sdelay $0x1  }
0x185: {  	v1 =	vadd.s32 v3, v1;
	_ =	sdelay $0x4  }
0x186: {  	[tilespmem:s25], [sflag:$0x1] =	stream.indirect_vreg.gather [hbm4b:s3+s14], $0x80, v1, vm0, $0xb8;
	[tilespmem:$0x11100] =	vst v63  }
0x187: {  	v0 =	vperm.xlane v0, v4  }
0x188: {  	[tilespmem:s11], [sflag:$0x1] =	stream.indirect_vreg.gather [hbm4b:s7+s14], $0x80, v1, vm0, $0xb8;
	[tilespmem:$0x11100] =	vst v63  }
0x189: {  	v0 =	vadd.s32 v3, v0  }
0x18a: {  	[tilespmem:s26], [sflag:$0x1] =	stream.indirect_vreg.gather [hbm4b:s8+s14], $0x80, v1, vm0, $0xb8;
	[tilespmem:$0x11100] =	vst v63  }
0x18b: {  	_ = 	snop  }
0x18c: {  	[tilespmem:s28], [sflag:$0x1] =	stream.indirect_vreg.gather [hbm4b:s9+s14], $0x80, v1, vm0, $0xb8;
	[tilespmem:$0x11100] =	vst v63  }
0x18d: {  	_ = 	snop  }
0x18e: {  	[tilespmem:s12], [sflag:$0x1] =	stream.indirect_vreg.gather [hbm4b:s3+s14], $0x80, v0, vm0, $0xb8;
	[tilespmem:$0x11100] =	vst v63  }
0x18f: {  	_ = 	snop  }
0x190: {  	[tilespmem:s29], [sflag:$0x1] =	stream.indirect_vreg.gather [hbm4b:s7+s14], $0x80, v0, vm0, $0xb8;
	[tilespmem:$0x11100] =	vst v63  }
0x191: {  	_ = 	snop  }
0x192: {  	[tilespmem:s13], [sflag:$0x1] =	stream.indirect_vreg.gather [hbm4b:s8+s14], $0x80, v0, vm0, $0xb8;
	[tilespmem:$0x11100] =	vst v63  }
0x193: {  	_ = 	snop  }
0x194: {  	[tilespmem:s30], [sflag:$0x1] =	stream.indirect_vreg.gather [hbm4b:s9+s14], $0x80, v0, vm0, $0xb8;
	[tilespmem:$0x11100] =	vst v63  }
0x195: {  	_ =	swait.ge [sflag:s6], $0x8000  }
0x196: {  	s0 =	simm.s32 $0x110;
	[sflag:s6] =	ssyncset.done $0x0  }
0x197: {  	s2 =	simm.s32 $0x0;
	s15 =	simm.s32 $0x0;
	[sflag:s6] =	ssyncadd.s32 $0xFFFF8000  }
.LBB2_4:
0x198: {  	v3 =	vld [tilespmem:s0+$0xFFFFFFF0];
	s4 =	sand.u32 $0x6000, s15;
	s5 =	sand.u32 $0x380, s2  }
0x199: {  	v4 =	vld [tilespmem:s0+$0x0];
	s4 =	sor.u32 s5, s4  }
0x19a: {  	v0 =	vld [tilespmem:s4+$0x1100]  }
0x19b: {  	v1 =	vld [tilespmem:s4+$0x9100]  }
0x19c: {  	v2 =	vld [tilespmem:s4+$0x1110]  }
0x19d: {  	v6 =	vld [tilespmem:s4+$0x9110]  }
0x19e: {  	v10 =	vld [tilespmem:s4+$0x1120]  }
0x19f: {  	v11 =	vld [tilespmem:s4+$0x9120]  }
0x1a0: {  	v14 =	vld [tilespmem:s4+$0x1130]  }
0x1a1: {  	v17 =	vld [tilespmem:s4+$0x9130]  }
0x1a2: {  	v20 =	vld [tilespmem:s4+$0x1140]  }
0x1a3: {  	v21 =	vld [tilespmem:s4+$0x9140]  }
0x1a4: {  	v26 =	vld [tilespmem:s4+$0x1150]  }
0x1a5: {  	v27 =	vld [tilespmem:s4+$0x9150]  }
0x1a6: {  	v28 =	vld [tilespmem:s4+$0x1160]  }
0x1a7: {  	v29 =	vld [tilespmem:s4+$0x9160]  }
0x1a8: {  	v30 =	vld [tilespmem:s4+$0x1170]  }
0x1a9: {  	v31 =	vld [tilespmem:s4+$0x9170]  }
0x1aa: {  	v32 =	vld [tilespmem:s4+$0x1500]  }
0x1ab: {  	v33 =	vld [tilespmem:s4+$0x9500]  }
0x1ac: {  	v34 =	vld [tilespmem:s4+$0x1510]  }
0x1ad: {  	v35 =	vld [tilespmem:s4+$0x9510]  }
0x1ae: {  	v36 =	vld [tilespmem:s4+$0x1520]  }
0x1af: {  	v37 =	vld [tilespmem:s4+$0x9520]  }
0x1b0: {  	v38 =	vld [tilespmem:s4+$0x1530]  }
0x1b1: {  	v39 =	vld [tilespmem:s4+$0x9530]  }
0x1b2: {  	v40 =	vld [tilespmem:s4+$0x1540]  }
0x1b3: {  	v41 =	vld [tilespmem:s4+$0x9540]  }
0x1b4: {  	v42 =	vld [tilespmem:s4+$0x1550]  }
0x1b5: {  	v43 =	vld [tilespmem:s4+$0x9550]  }
0x1b6: {  	v44 =	vld [tilespmem:s4+$0x1560]  }
0x1b7: {  	v45 =	vld [tilespmem:s4+$0x9560]  }
0x1b8: {  	v46 =	vld [tilespmem:s4+$0x1570]  }
0x1b9: {  	v47 =	vld [tilespmem:s4+$0x9570]  }
0x1ba: {  	v48 =	vld [tilespmem:s4+$0x1900]  }
0x1bb: {  	v49 =	vld [tilespmem:s4+$0x9900]  }
0x1bc: {  	v50 =	vld [tilespmem:s4+$0x1910]  }
0x1bd: {  	v51 =	vld [tilespmem:s4+$0x9910]  }
0x1be: {  	v52 =	vld [tilespmem:s4+$0x1920]  }
0x1bf: {  	v53 =	vld [tilespmem:s4+$0x9920]  }
0x1c0: {  	v54 =	vld [tilespmem:s4+$0x1930]  }
0x1c1: {  	v55 =	vld [tilespmem:s4+$0x9930]  }
0x1c2: {  	v56 =	vld [tilespmem:s4+$0x1940]  }
0x1c3: {  	v57 =	vld [tilespmem:s4+$0x9940]  }
0x1c4: {  	v58 =	vld [tilespmem:s4+$0x1950]  }
0x1c5: {  	v59 =	vld [tilespmem:s4+$0x9950]  }
0x1c6: {  	v60 =	vld [tilespmem:s4+$0x1960]  }
0x1c7: {  	v61 =	vld [tilespmem:s4+$0x9960]  }
0x1c8: {  	v62 =	vld [tilespmem:s4+$0x1970]  }
0x1c9: {  	v63 =	vld [tilespmem:s4+$0x9970]  }
0x1ca: {  	v24 =	vld [tilespmem:s4+$0x1D00]  }
0x1cb: {  	v25 =	vld [tilespmem:s4+$0x9D00]  }
0x1cc: {  	v22 =	vld [tilespmem:s4+$0x1D10]  }
0x1cd: {  	v23 =	vld [tilespmem:s4+$0x9D10]  }
0x1ce: {  	v18 =	vld [tilespmem:s4+$0x1D20]  }
0x1cf: {  	v19 =	vld [tilespmem:s4+$0x9D20]  }
0x1d0: {  	v15 =	vld [tilespmem:s4+$0x1D30]  }
0x1d1: {  	v16 =	vld [tilespmem:s4+$0x9D30]  }
0x1d2: {  	v5 =	vld [tilespmem:s4+$0x1D60]  }
0x1d3: {  	v12 =	vld [tilespmem:s4+$0x1D40]  }
0x1d4: {  	v13 =	vld [tilespmem:s4+$0x9D40]  }
0x1d5: {  	v8 =	vld [tilespmem:s4+$0x1D50]  }
0x1d6: {  	v9 =	vld [tilespmem:s4+$0x9D50];
	v0 =	vmul.f32 v0, v3;
	v1 =	vmul.f32 v1, v4  }
0x1d7: {  	v7 =	vld [tilespmem:s4+$0x9D60];
	[tilespmem:$0x1FFA0] =	vst v5;
	v5 =	vmul.f32 v2, v3;
	v2 =	vmul.f32 v6, v4  }
0x1d8: {  	v6 =	vld [tilespmem:s4+$0x1D70];
	v17 =	vmul.f32 v17, v4;
	v0 =	vadd.f32 v1, v0  }
0x1d9: {  	v1 =	vmul.f32 v10, v3;
	v10 =	vld [tilespmem:s4+$0x9D70];
	v5 =	vadd.f32 v2, v5;
	v2 =	vmul.f32 v14, v3  }
0x1da: {  	v11 =	vmul.f32 v11, v4;
	v14 =	vld [tilespmem:s4+$0xA100]  }
0x1db: {  	v26 =	vmul.f32 v26, v3;
	v2 =	vadd.f32 v17, v2;
	v17 =	vld [tilespmem:s4+$0x2110]  }
0x1dc: {  	[tilespmem:s4+$0x1100] =	vst v0;
	v0 =	vadd.f32 v11, v1;
	v1 =	vmul.f32 v20, v3;
	v11 =	vmul.f32 v21, v4;
	v20 =	vld [tilespmem:s4+$0xA110]  }
0x1dd: {  	v27 =	vmul.f32 v27, v4;
	v30 =	vmul.f32 v30, v3;
	v21 =	vld [tilespmem:s4+$0x2120];
	[tilespmem:$0x1FFB0] =	vst v6  }
0x1de: {  	v31 =	vmul.f32 v31, v4;
	v33 =	vmul.f32 v33, v4;
	v6 =	vld [tilespmem:s4+$0x2100];
	[tilespmem:s4+$0x1120] =	vst v0;
	v0 =	vadd.f32 v11, v1  }
0x1df: {  	v1 =	vmul.f32 v28, v3;
	v11 =	vmul.f32 v29, v4;
	[tilespmem:s4+$0x1130] =	vst v2;
	v2 =	vadd.f32 v27, v26;
	v26 =	vld [tilespmem:s4+$0xA120]  }
0x1e0: {  	v42 =	vmul.f32 v42, v3;
	[tilespmem:s4+$0x1110] =	vst v5;
	v5 =	vmul.f32 v34, v3;
	v28 =	vld [tilespmem:s4+$0x2130]  }
0x1e1: {  	v34 =	vmul.f32 v37, v4;
	v29 =	vld [tilespmem:s4+$0xA130];
	[tilespmem:s4+$0x1140] =	vst v0;
	v0 =	vadd.f32 v11, v1;
	v1 =	vmul.f32 v32, v3  }
0x1e2: {  	v37 =	vmul.f32 v39, v4;
	[tilespmem:s4+$0x1150] =	vst v2;
	v2 =	vadd.f32 v31, v30;
	v32 =	vmul.f32 v35, v4;
	v30 =	vld [tilespmem:s4+$0x2140]  }
0x1e3: {  	v31 =	vld [tilespmem:s4+$0xA140];
	[tilespmem:s4+$0x1160] =	vst v0;
	v0 =	vadd.f32 v33, v1;
	v33 =	vmul.f32 v36, v3;
	v36 =	vmul.f32 v38, v3  }
0x1e4: {  	v39 =	vmul.f32 v40, v3;
	v40 =	vmul.f32 v41, v4;
	v11 =	vld [tilespmem:s4+$0xA550];
	[tilespmem:s4+$0x1170] =	vst v2;
	v35 =	vadd.f32 v32, v5  }
0x1e5: {  	v56 =	vmul.f32 v56, v3;
	v32 =	vld [tilespmem:s4+$0x2150];
	[tilespmem:s4+$0x1500] =	vst v0;
	v38 =	vadd.f32 v34, v33;
	v41 =	vadd.f32 v37, v36  }
0x1e6: {  	[tilespmem:s4+$0x1510] =	vst v35;
	v36 =	vmul.f32 v43, v4;
	v37 =	vadd.f32 v40, v39;
	v39 =	vmul.f32 v45, v4;
	v33 =	vld [tilespmem:s4+$0xA150]  }
0x1e7: {  	v34 =	vld [tilespmem:s4+$0x2160];
	v45 =	vmul.f32 v49, v4;
	[tilespmem:s4+$0x1520] =	vst v38;
	v38 =	vmul.f32 v44, v3  }
0x1e8: {  	v35 =	vld [tilespmem:s4+$0xA160];
	[tilespmem:s4+$0x1530] =	vst v41;
	v40 =	vadd.f32 v36, v42;
	v41 =	vmul.f32 v46, v3;
	v42 =	vmul.f32 v47, v4  }
0x1e9: {  	[tilespmem:s4+$0x1540] =	vst v37;
	v44 =	vmul.f32 v48, v3;
	v47 =	vmul.f32 v50, v3;
	v36 =	vld [tilespmem:s4+$0x2170];
	v43 =	vadd.f32 v39, v38  }
0x1ea: {  	v48 =	vmul.f32 v51, v4;
	v50 =	vmul.f32 v52, v3;
	v37 =	vld [tilespmem:s4+$0xA170];
	[tilespmem:s4+$0x1550] =	vst v40;
	v46 =	vadd.f32 v42, v41  }
0x1eb: {  	v51 =	vmul.f32 v53, v4;
	v53 =	vmul.f32 v54, v3;
	v49 =	vadd.f32 v45, v44;
	v38 =	vld [tilespmem:s4+$0x2500];
	[tilespmem:s4+$0x1560] =	vst v43  }
0x1ec: {  	v54 =	vmul.f32 v55, v4;
	v52 =	vadd.f32 v48, v47;
	v44 =	vmul.f32 v57, v4;
	v39 =	vld [tilespmem:s4+$0xA500];
	[tilespmem:s4+$0x1570] =	vst v46  }
0x1ed: {  	v55 =	vadd.f32 v51, v50;
	v47 =	vmul.f32 v59, v4;
	v40 =	vld [tilespmem:s4+$0x2510];
	v50 =	vmul.f32 v61, v4;
	[tilespmem:s4+$0x1900] =	vst v49  }
0x1ee: {  	v45 =	vadd.f32 v54, v53;
	v41 =	vld [tilespmem:s4+$0xA510];
	v53 =	vmul.f32 v63, v4;
	[tilespmem:s4+$0x1910] =	vst v52;
	v46 =	vmul.f32 v58, v3  }
0x1ef: {  	v42 =	vld [tilespmem:s4+$0x2520];
	v59 =	vmul.f32 v23, v4;
	[tilespmem:s4+$0x1920] =	vst v55;
	v48 =	vadd.f32 v44, v56;
	v49 =	vmul.f32 v60, v3  }
0x1f0: {  	v23 =	vld [tilespmem:s4+$0x2530];
	v61 =	vmul.f32 v18, v3;
	[tilespmem:s4+$0x1930] =	vst v45;
	v52 =	vmul.f32 v62, v3;
	v51 =	vadd.f32 v47, v46  }
0x1f1: {  	v18 =	vld [tilespmem:s4+$0xA530];
	v55 =	vmul.f32 v24, v3;
	v56 =	vmul.f32 v25, v4;
	[tilespmem:s4+$0x1940] =	vst v48;
	v54 =	vadd.f32 v50, v49  }
0x1f2: {  	v24 =	vld [tilespmem:s4+$0xA520];
	v58 =	vmul.f32 v22, v3;
	v62 =	vmul.f32 v19, v4;
	v57 =	vadd.f32 v53, v52;
	[tilespmem:s4+$0x1950] =	vst v51  }
0x1f3: {  	v22 =	vmul.f32 v15, v3;
	v25 =	vmul.f32 v16, v4;
	v16 =	vld [tilespmem:s4+$0x2540];
	v60 =	vadd.f32 v56, v55;
	[tilespmem:s4+$0x1960] =	vst v54  }
0x1f4: {  	v43 =	vmul.f32 v12, v3;
	v44 =	vmul.f32 v13, v4;
	v12 =	vld [tilespmem:s4+$0xA540];
	v63 =	vadd.f32 v59, v58;
	[tilespmem:s4+$0x1970] =	vst v57  }
0x1f5: {  	v13 =	vld [tilespmem:s4+$0x2570];
	v27 =	vadd.f32 v62, v61;
	v46 =	vmul.f32 v8, v3;
	v47 =	vmul.f32 v9, v4;
	[tilespmem:s4+$0x1D00] =	vst v60  }
0x1f6: {  	v15 =	vld [tilespmem:s4+$0x2900];
	v45 =	vadd.f32 v25, v22;
	v55 =	vmul.f32 v14, v4;
	v58 =	vmul.f32 v20, v4;
	[tilespmem:s4+$0x1D10] =	vst v63  }
0x1f7: {  	v19 =	vld [tilespmem:s4+$0x2910];
	v48 =	vadd.f32 v44, v43;
	v22 =	vmul.f32 v30, v3;
	v25 =	vmul.f32 v31, v4;
	[tilespmem:s4+$0x1D20] =	vst v27  }
0x1f8: {  	v9 =	vld [tilespmem:s4+$0x2550];
	v30 =	vmul.f32 v34, v3;
	v31 =	vmul.f32 v35, v4;
	[tilespmem:s4+$0x1D30] =	vst v45;
	v50 =	vadd.f32 v47, v46  }
0x1f9: {  	v49 =	vld [tilespmem:$0x1FFA0];
	v20 =	vmul.f32 v29, v4;
	[tilespmem:s4+$0x1D40] =	vst v48;
	v54 =	vmul.f32 v6, v3;
	v29 =	vadd.f32 v25, v22  }
0x1fa: {  	v52 =	vmul.f32 v10, v4;
	v10 =	vld [tilespmem:s4+$0x2560];
	v57 =	vmul.f32 v17, v3;
	v35 =	vadd.f32 v31, v30;
	[tilespmem:s4+$0x1D50] =	vst v50  }
0x1fb: {  	v61 =	vmul.f32 v26, v4;
	v14 =	vld [tilespmem:s4+$0xA570];
	v60 =	vmul.f32 v21, v3;
	v59 =	vadd.f32 v55, v54;
	[tilespmem:s4+$0x2140] =	vst v29  }
0x1fc: {  	v7 =	vmul.f32 v7, v4;
	v44 =	vld [tilespmem:s4+$0x2930];
	v63 =	vmul.f32 v28, v3;
	v62 =	vadd.f32 v58, v57;
	[tilespmem:s4+$0x2160] =	vst v35  }
0x1fd: {  	v51 =	vld [tilespmem:$0x1FFB0];
	v27 =	vmul.f32 v32, v3;
	v28 =	vmul.f32 v33, v4;
	v21 =	vadd.f32 v61, v60;
	[tilespmem:s4+$0x2100] =	vst v59  }
0x1fe: {  	v34 =	vmul.f32 v37, v4;
	v17 =	vld [tilespmem:s4+$0xA900];
	v33 =	vmul.f32 v36, v3;
	v26 =	vadd.f32 v20, v63;
	[tilespmem:s4+$0x2110] =	vst v62  }
0x1ff: {  	v37 =	vmul.f32 v39, v4;
	v36 =	vmul.f32 v38, v3;
	v38 =	vld [tilespmem:s4+$0xA920];
	v32 =	vadd.f32 v28, v27;
	[tilespmem:s4+$0x2120] =	vst v21  }
0x200: {  	v40 =	vmul.f32 v40, v3;
	v43 =	vmul.f32 v41, v4;
	v48 =	vld [tilespmem:s4+$0xA930];
	v39 =	vadd.f32 v34, v33;
	[tilespmem:s4+$0x2130] =	vst v26  }
0x201: {  	v31 =	vld [tilespmem:s4+$0x2970];
	v45 =	vadd.f32 v37, v36;
	v50 =	vmul.f32 v23, v3;
	v1 =	vmul.f32 v49, v3;
	[tilespmem:s4+$0x2150] =	vst v32  }
0x202: {  	v20 =	vld [tilespmem:s4+$0xA910];
	v23 =	vmul.f32 v13, v3;
	v49 =	vadd.f32 v43, v40;
	[tilespmem:s4+$0x2170] =	vst v39;
	v26 =	vmul.f32 v14, v4  }
0x203: {  	v46 =	vmul.f32 v42, v3;
	v55 =	vld [tilespmem:s4+$0x2950];
	[tilespmem:s4+$0x2500] =	vst v45;
	v5 =	vmul.f32 v51, v3;
	v53 =	vadd.f32 v7, v1  }
0x204: {  	v47 =	vmul.f32 v24, v4;
	v58 =	vmul.f32 v11, v4;
	v63 =	vld [tilespmem:s4+$0x2960];
	[tilespmem:s4+$0x2510] =	vst v49;
	v32 =	vadd.f32 v26, v23  }
0x205: {  	v27 =	vld [tilespmem:s4+$0xA960];
	v29 =	vmul.f32 v15, v3;
	v57 =	vmul.f32 v9, v3;
	v56 =	vadd.f32 v52, v5;
	[tilespmem:s4+$0x1D60] =	vst v53  }
0x206: {  	v35 =	vld [tilespmem:s4+$0xA970];
	v41 =	vmul.f32 v44, v3;
	v30 =	vmul.f32 v17, v4;
	v52 =	vadd.f32 v47, v46;
	[tilespmem:s4+$0x2570] =	vst v32  }
0x207: {  	v21 =	vld [tilespmem:s4+$0x2920];
	v42 =	vmul.f32 v48, v4;
	v53 =	vmul.f32 v16, v3;
	v16 =	vadd.f32 v58, v57;
	[tilespmem:s4+$0x1D70] =	vst v56  }
0x208: {  	v59 =	vld [tilespmem:s4+$0xA950];
	v51 =	vmul.f32 v18, v4;
	v36 =	vadd.f32 v30, v29;
	[tilespmem:s4+$0x2520] =	vst v52  }
0x209: {  	v54 =	vmul.f32 v12, v4;
	v39 =	vld [tilespmem:s4+$0xA940];
	v46 =	vadd.f32 v42, v41;
	[tilespmem:s4+$0x2550] =	vst v16  }
0x20a: {  	v33 =	vmul.f32 v19, v3;
	v7 =	vld [tilespmem:s4+$0xA560];
	v34 =	vmul.f32 v20, v4;
	v56 =	vadd.f32 v51, v50;
	[tilespmem:s4+$0x2900] =	vst v36  }
0x20b: {  	v18 =	vld [tilespmem:s4+$0x2940];
	v47 =	vmul.f32 v63, v3;
	v48 =	vmul.f32 v27, v4;
	v60 =	vadd.f32 v54, v53;
	[tilespmem:s4+$0x2930] =	vst v46  }
0x20c: {  	v38 =	vmul.f32 v38, v4;
	v37 =	vmul.f32 v21, v3;
	v40 =	vadd.f32 v34, v33;
	[tilespmem:s4+$0x2530] =	vst v56  }
0x20d: {  	v44 =	vmul.f32 v55, v3;
	v45 =	vmul.f32 v59, v4;
	v52 =	vadd.f32 v48, v47;
	[tilespmem:s4+$0x2540] =	vst v60  }
0x20e: {  	v50 =	vmul.f32 v31, v3;
	v51 =	vmul.f32 v35, v4;
	v43 =	vadd.f32 v38, v37;
	[tilespmem:s4+$0x2910] =	vst v40  }
0x20f: {  	v61 =	vmul.f32 v10, v3;
	v62 =	vmul.f32 v7, v4;
	v49 =	vadd.f32 v45, v44;
	[tilespmem:s4+$0x2960] =	vst v52  }
0x210: {  	s17 =	sand.u32 $0x7, s14;
	v54 =	vmul.f32 v39, v4;
	v53 =	vmul.f32 v18, v3;
	v55 =	vadd.f32 v51, v50;
	[tilespmem:s4+$0x2920] =	vst v43  }
0x211: {  	s5 =	sshll.u32 s17, $0x7;
	v28 =	vadd.f32 v62, v61;
	[tilespmem:s4+$0x2950] =	vst v49  }
0x212: {  	s5 =	sadd.s32 s5, s15;
	v56 =	vadd.f32 v54, v53;
	[tilespmem:s4+$0x2970] =	vst v55  }
0x213: {  	s17 =	sor.u32 $0x1C00, s5;
	[tilespmem:s4+$0x2560] =	vst v28  }
0x214: {  	[tilespmem:s4+$0x2940] =	vst v56;
	v0 =	vld [tilespmem:s17+$0x1100]  }
0x215: {  	v1 =	vld [tilespmem:s17+$0x9100];
	_ =	sdelay $0x4  }
0x216: {  	v0 =	vmul.f32 v0, v3;
	v1 =	vmul.f32 v1, v4;
	_ =	sdelay $0x1  }
0x217: {  	v0 =	vadd.f32 v1, v0;
	_ =	sdelay $0x1  }
0x218: {  	[tilespmem:s17+$0x1100] =	vst v0;
	s17 =	sor.u32 $0x1C10, s5  }
0x219: {  	v0 =	vld [tilespmem:s17+$0x1100]  }
0x21a: {  	v57 =	vld [tilespmem:s17+$0x9100];
	_ =	sdelay $0x4  }
0x21b: {  	v0 =	vmul.f32 v0, v3;
	v1 =	vmul.f32 v57, v4;
	_ =	sdelay $0x1  }
0x21c: {  	v0 =	vadd.f32 v1, v0;
	_ =	sdelay $0x1  }
0x21d: {  	[tilespmem:s17+$0x1100] =	vst v0;
	s17 =	sor.u32 $0x1C20, s5  }
0x21e: {  	v0 =	vld [tilespmem:s17+$0x1100]  }
0x21f: {  	v58 =	vld [tilespmem:s17+$0x9100];
	_ =	sdelay $0x4  }
0x220: {  	v0 =	vmul.f32 v0, v3;
	v1 =	vmul.f32 v58, v4;
	_ =	sdelay $0x1  }
0x221: {  	v0 =	vadd.f32 v1, v0;
	_ =	sdelay $0x1  }
0x222: {  	[tilespmem:s17+$0x1100] =	vst v0;
	s17 =	sor.u32 $0x1C30, s5  }
0x223: {  	v0 =	vld [tilespmem:s17+$0x1100]  }
0x224: {  	v59 =	vld [tilespmem:s17+$0x9100];
	_ =	sdelay $0x4  }
0x225: {  	v0 =	vmul.f32 v0, v3;
	v1 =	vmul.f32 v59, v4;
	_ =	sdelay $0x1  }
0x226: {  	v0 =	vadd.f32 v1, v0;
	_ =	sdelay $0x1  }
0x227: {  	[tilespmem:s17+$0x1100] =	vst v0;
	s17 =	sor.u32 $0x1C40, s5  }
0x228: {  	v0 =	vld [tilespmem:s17+$0x1100]  }
0x229: {  	v60 =	vld [tilespmem:s17+$0x9100];
	_ =	sdelay $0x4  }
0x22a: {  	v0 =	vmul.f32 v0, v3;
	v1 =	vmul.f32 v60, v4;
	_ =	sdelay $0x1  }
0x22b: {  	v0 =	vadd.f32 v1, v0;
	_ =	sdelay $0x1  }
0x22c: {  	[tilespmem:s17+$0x1100] =	vst v0;
	s17 =	sor.u32 $0x1C50, s5  }
0x22d: {  	v0 =	vld [tilespmem:s17+$0x1100]  }
0x22e: {  	v61 =	vld [tilespmem:s17+$0x9100];
	_ =	sdelay $0x4  }
0x22f: {  	v0 =	vmul.f32 v0, v3;
	v1 =	vmul.f32 v61, v4;
	_ =	sdelay $0x1  }
0x230: {  	v0 =	vadd.f32 v1, v0;
	_ =	sdelay $0x1  }
0x231: {  	[tilespmem:s17+$0x1100] =	vst v0;
	s17 =	sor.u32 $0x1C60, s5  }
0x232: {  	v0 =	vld [tilespmem:s17+$0x1100]  }
0x233: {  	v62 =	vld [tilespmem:s17+$0x9100];
	_ =	sdelay $0x4  }
0x234: {  	v0 =	vmul.f32 v0, v3;
	v1 =	vmul.f32 v62, v4;
	_ =	sdelay $0x1  }
0x235: {  	v0 =	vadd.f32 v1, v0;
	_ =	sdelay $0x1  }
0x236: {  	[tilespmem:s17+$0x1100] =	vst v0;
	s17 =	sor.u32 $0x1C70, s5  }
0x237: {  	v0 =	vld [tilespmem:s17+$0x1100]  }
0x238: {  	v63 =	vld [tilespmem:s17+$0x9100];
	_ =	sdelay $0x3  }
0x239: {  	p0 =	sne.s32 s2, $0xF80  }
.Ltmp1:
0x23a: {  	v0 =	vmul.f32 v0, v3;
	v1 =	vmul.f32 v63, v4;
	(pc) =	sbr.rel @p0 .LBB2_4-.Ltmp1, $4  }
0x23b: {  	_ = 	snop  }
0x23c: {  	v0 =	vadd.f32 v1, v0  }
0x23d: {  	s14 =	sadd.s32 $0x1, s14  }
0x23e: {  	s0 =	sadd.s32 $0x80, s0;
	s2 =	sadd.s32 $0x80, s2;
	s15 =	sadd.s32 $0x400, s15;
	[tilespmem:s17+$0x1100] =	vst v0  }
0x23f: {  	s0 =	rddreg [dreg:$0xa]  }
0x240: {  	[hbm4b:s0+s1] =	stream.linear.scatter [tilespmem:s19], [sflag:$0x2], $0x8000, $0x38;
	[tilespmem:$0x11100] =	vst v63  }
0x241: {  	_ =	swait.ge [sflag:s16], $0x8000  }
0x242: {  	s31 =	sadd.s32 $0x1, s31;
	s17 =	rddreg [dreg:$0xb]  }
0x243: {  	p0 =	sne.s32 s31, s17  }
.Ltmp2:
0x244: {  	_ = 	snop;
	(pc) =	sbr.rel @p0 .LBB2_1-.Ltmp2, $3  }
0x245: {  	_ =	sdelay $0x1  }
0x246: {  	[sflag:s16] =	ssyncset.done $0x0  }
0x247: {  	[sflag:s16] =	ssyncadd.s32 $0xFFFF8000  }
0x248: {  	_ =	sfence.sel $0x180000  }
0x249: {  	[bflag:$0x0] =	sbarrier.arrive $0xFFFF  }
0x24a: {  	_ =	strace $0x9000004A  }
0x24b: {  	s0 =	stileid.u32;
	[bflag:$0x2] =	sbarrier.arrive $0xFFFF  }
0x24c: {  	p0 =	sne.s32 s0, $0x0;
	s0 =	rddreg [dreg:$0x2]  }
0x24d: {  	s0 =	sadd.s32 @!p0 $0x100000, s0  }
0x24e: {  	[sflag:s0] =	ssyncadd.tile.s32 @!p0 $0x1;
	_ =	shalt  }
.Lfunc_end2:
_tile_overlayer_lowered:
.L_overlay_start_2:
0x24f: {  	(tag) =	ssettag $0x2  }
0x250: {  	s0 =	rddreg [dreg:$0x0];
	s2 =	stileid.u32  }
0x251: {  	s1 =	rddreg [dreg:$0x1];
	p0 =	sne.s32 s2, $0x0  }
0x252: {  	s3 =	rddreg [dreg:$0x2];
	[bflag:$0x3] =	sbarrier.arrive $0xFFFF;
	s2 =	simm.s32 @!p0 $0x1C02  }
0x253: {  	[timem:s3], [sflag:s2] =	dma.local @!p0 [hbm:s0], s1  }
0x254: {  	s0 =	simm.s32 @!p0 $0x2  }
0x255: {  	_ =	swait.ge @!p0 [sflag:s0], s1  }
0x256: {  	s1 =	ssub.s32 @!p0 $0x0, s1;
	[sflag:s0] =	ssyncset.done @!p0 $0x0  }
0x257: {  	[sflag:s0] =	ssyncadd.s32 @!p0 s1  }
0x258: {  	[bflag:$0x3] =	sbarrier.arrive $0xFFFF  }
0x259: {  	_ =	shalt  }

</sc_bundles>
